<compile_context>
chip_gen: v7x
topology: tpu7x:2x2x1
jax: 0.10.2.dev20260603
libtpu: 0.0.44.dev20260713+nightly
codegen_flags: <defaults>
</compile_context>

<pallas_src>
import functools

import jax
import jax.numpy as jnp
from jax import lax
from jax.experimental import pallas as pl
from jax.experimental.pallas import tpu as pltpu
from jax.experimental.pallas import tpu_sc as plsc

B, S = 1024, 200
T = B * S
INTD, HD = 32, 96
IN_DIM = INTD * 4 + 2
WIDE = 4 * INTD

NC, NS = 2, 16
NW = NC * NS
NSLAB = 2
T2 = T // NSLAB
T_PER_W = T2 // NW
CHUNK = 640
GSUB = 128
N_CHUNKS = T_PER_W // CHUNK

BB = 16
BT = BB * S
NBLK = B // BB
HBLK = NBLK // NSLAB


def _sc_gather(tab_item, tab_test, tab_tag, idx_all, val_all, h):
    mesh = plsc.VectorSubcoreMesh(core_axis_name="c", subcore_axis_name="s")

    @functools.partial(
        pl.kernel,
        mesh=mesh,
        out_type=jax.ShapeDtypeStruct((T2, WIDE), jnp.float32),
        scratch_types=[
            pltpu.VMEM((T_PER_W,), jnp.int32),
            pltpu.VMEM((T_PER_W,), jnp.int32),
            pltpu.VMEM((T_PER_W,), jnp.int32),
            pltpu.VMEM((T_PER_W,), jnp.int32),
            pltpu.VMEM((T_PER_W,), jnp.float32),
            pltpu.VMEM((T_PER_W,), jnp.float32),
            pltpu.VMEM((CHUNK, INTD), jnp.float32),
            pltpu.VMEM((CHUNK, INTD), jnp.float32),
            pltpu.VMEM((CHUNK, INTD), jnp.float32),
            pltpu.VMEM((CHUNK, 4), jnp.float32),
            pltpu.SemaphoreType.DMA,
        ],
        compiler_params=pltpu.CompilerParams(use_tc_tiling_on_sc=False,
                                             needs_layout_passes=False),
    )
    def k(tab1, tab2, tab3, idxs, vals, o,
          i1b, i2b, i3b, itb, evb, dvb, rv1, rv2, rv3, s4, sem):
        wid = lax.axis_index("s") * NC + lax.axis_index("c")
        w_base = wid * T_PER_W
        g_base = h * T2 + w_base

        pltpu.sync_copy(idxs.at[pl.ds(g_base, T_PER_W)], i1b)
        pltpu.sync_copy(idxs.at[pl.ds(T + g_base, T_PER_W)], i2b)
        pltpu.sync_copy(idxs.at[pl.ds(2 * T + g_base, T_PER_W)], i3b)
        pltpu.sync_copy(idxs.at[pl.ds(3 * T + g_base, T_PER_W)], itb)
        pltpu.sync_copy(vals.at[pl.ds(g_base, T_PER_W)], evb)
        pltpu.sync_copy(vals.at[pl.ds(T + g_base, T_PER_W)], dvb)

        def body(c, carry):
            off = c * CHUNK
            base = w_base + off
            cps = []
            for g in range(CHUNK // GSUB):
                gs = pl.ds(off + g * GSUB, GSUB)
                rs = pl.ds(g * GSUB, GSUB)
                cps.append(pltpu.async_copy(
                    tab1.at[i1b.at[gs]], rv1.at[rs], sem))
                cps.append(pltpu.async_copy(
                    tab2.at[i2b.at[gs]], rv2.at[rs], sem))
                cps.append(pltpu.async_copy(
                    tab3.at[i3b.at[gs]], rv3.at[rs], sem))
            for g in range(CHUNK // 16):
                row = g * 16 + lax.iota(jnp.int32, 16)
                sl = pl.ds(off + g * 16, 16)
                plsc.store_scatter(s4, [row, jnp.zeros((16,), jnp.int32)],
                                   evb[sl])
                plsc.store_scatter(s4, [row, jnp.ones((16,), jnp.int32)],
                                   dvb[sl])
                plsc.store_scatter(s4, [row, jnp.full((16,), 2, jnp.int32)],
                                   itb[sl].astype(jnp.float32))
            for cp in cps:
                cp.wait()
            pltpu.sync_copy(rv1, o.at[pl.ds(base, CHUNK), pl.ds(0, INTD)])
            pltpu.sync_copy(rv2, o.at[pl.ds(base, CHUNK), pl.ds(INTD, INTD)])
            pltpu.sync_copy(rv3, o.at[pl.ds(base, CHUNK),
                                      pl.ds(2 * INTD, INTD)])
            pltpu.sync_copy(s4, o.at[pl.ds(base, CHUNK),
                                     pl.ds(3 * INTD, 4)])
            return carry

        lax.fori_loop(0, N_CHUNKS, body, 0)

    return k(tab_item, tab_test, tab_tag, idx_all, val_all)


def _tc_project(emb, E_int, W, b2, h, x_prev=None):
    def mm(*refs):
        emb_ref, eint_ref, w_ref, b_ref = refs[:4]
        o_ref = refs[-1]
        buf = emb_ref[...]
        onehot = (buf[:, 3 * INTD + 2:3 * INTD + 3] ==
                  lax.broadcasted_iota(jnp.int32, (BT, 3), 1)
                  .astype(jnp.float32)).astype(jnp.float32)
        x_int = jnp.dot(onehot, eint_ref[...],
                        preferred_element_type=jnp.float32)
        acc = jnp.dot(x_int, w_ref[0:INTD, :],
                      preferred_element_type=jnp.float32)
        acc = acc + jnp.dot(buf[:, 0:3 * INTD + 2], w_ref[INTD:IN_DIM, :],
                            preferred_element_type=jnp.float32)
        o_ref[...] = (acc + b_ref[...]).reshape(BB, S, HD)

    tok = lambda i: (i, 0)
    rep = lambda i: (0, 0)
    in_specs = [
        pl.BlockSpec((BT, WIDE), tok),
        pl.BlockSpec((3, INTD), rep),
        pl.BlockSpec((IN_DIM, HD), rep),
        pl.BlockSpec((1, HD), rep),
    ]
    args = [emb, E_int, W, b2]
    aliases = {}
    if x_prev is not None:
        in_specs.append(pl.BlockSpec(memory_space=pl.ANY))
        args.append(x_prev)
        aliases = {4: 0}
    return pl.pallas_call(
        mm,
        grid=(HBLK,),
        in_specs=in_specs,
        out_specs=pl.BlockSpec((BB, S, HD), lambda i: (i + h * HBLK, 0, 0)),
        out_shape=jax.ShapeDtypeStruct((B, S, HD), jnp.float32),
        input_output_aliases=aliases,
    )(*args)


def kernel(interaction, assessmentItemID, testId, KnowledgeTag, elapsed,
           difficulty, E_interaction, E_item, E_test, E_tag, W, b):
    idx_all = jnp.concatenate([
        assessmentItemID.reshape(T).astype(jnp.int32),
        testId.reshape(T).astype(jnp.int32),
        KnowledgeTag.reshape(T).astype(jnp.int32),
        interaction.reshape(T).astype(jnp.int32),
    ])
    val_all = jnp.concatenate([elapsed.reshape(T), difficulty.reshape(T)])

    b2 = b.reshape(1, HD)
    emb0 = _sc_gather(E_item, E_test, E_tag, idx_all, val_all, 0)
    emb1 = _sc_gather(E_item, E_test, E_tag, idx_all, val_all, 1)
    x = _tc_project(emb0, E_interaction, W, b2, 0)
    return _tc_project(emb1, E_interaction, W, b2, 1, x_prev=x)

# --- scband reference (transcript-rebuilt; emitter-appended) ---
"""Pipeline reference for scband-model-base-5257039970904 (READ-ONLY COPY).

The authoritative reference and input builder live on the scoring server;
editing this copy changes nothing except your own understanding.
"""

import jax, jax.numpy as jnp
import numpy as np

B, S = 1024, 200
INTD, HD = 32, 96
N_ITEM, N_TEST, N_TAG = 100000, 100000, 1000


def setup_inputs(seed: int = 0) -> dict:
    key = jax.random.key(seed)
    ks = jax.random.split(key, 12)
    interaction = jax.random.randint(ks[0], (B, S), 0, 3, dtype=jnp.int64)
    assessmentItemID = jax.random.randint(ks[1], (B, S), 0, N_ITEM, dtype=jnp.int64)
    testId = jax.random.randint(ks[2], (B, S), 0, N_TEST, dtype=jnp.int64)
    KnowledgeTag = jax.random.randint(ks[3], (B, S), 0, N_TAG, dtype=jnp.int64)
    elapsed = jax.random.uniform(ks[4], (B, S), dtype=jnp.float32)
    difficulty = jax.random.uniform(ks[5], (B, S), dtype=jnp.float32)
    E_interaction = jax.random.normal(ks[6], (3, INTD), dtype=jnp.float32) * 0.02
    E_item = jax.random.normal(ks[7], (N_ITEM + 1, INTD), dtype=jnp.float32) * 0.02
    E_test = jax.random.normal(ks[8], (N_TEST + 1, INTD), dtype=jnp.float32) * 0.02
    E_tag = jax.random.normal(ks[9], (N_TAG + 1, INTD), dtype=jnp.float32) * 0.02
    in_dim = INTD * 4 + 2
    W = jax.random.normal(ks[10], (in_dim, HD), dtype=jnp.float32) * 0.02
    b = jnp.zeros((HD,), dtype=jnp.float32)
    return {
        'interaction': interaction,
        'assessmentItemID': assessmentItemID,
        'testId': testId,
        'KnowledgeTag': KnowledgeTag,
        'elapsed': elapsed,
        'difficulty': difficulty,
        'E_interaction': E_interaction,
        'E_item': E_item,
        'E_test': E_test,
        'E_tag': E_tag,
        'W': W,
        'b': b,
    }


def reference(interaction, assessmentItemID, testId, KnowledgeTag, elapsed, difficulty,
              E_interaction, E_item, E_test, E_tag, W, b):
    # embedding lookups (gathers) — faithful to nn.Embedding(idx.int())
    embed_interaction = jnp.take(E_interaction, interaction, axis=0)
    embed_item = jnp.take(E_item, assessmentItemID, axis=0)
    embed_test = jnp.take(E_test, testId, axis=0)
    embed_tag = jnp.take(E_tag, KnowledgeTag, axis=0)
    embed = jnp.concatenate([embed_interaction, embed_item, embed_test, embed_tag], axis=2)
    con = jnp.concatenate([elapsed[:, :, None], difficulty[:, :, None]], axis=2)
    embed = jnp.concatenate([embed, con], axis=2).astype(jnp.float32)
    X = embed @ W + b
    return X

if __name__ == "__main__":
    import jax
    _d = setup_inputs()
    print(jax.jit(kernel)(*tuple(_d.values())))

</pallas_src>

<mosaic_0001>
#map = affine_map<(d0, d1) -> (0, 0)>
#map1 = affine_map<(d0, d1) -> (0)>
module attributes {stable_mosaic.version = 14 : i64} {
  func.func @k(%arg0: i32, %arg1: i32, %arg2: memref<100001x32xf32, #tpu.memory_space<hbm>>, %arg3: memref<100001x32xf32, #tpu.memory_space<hbm>>, %arg4: memref<1001x32xf32, #tpu.memory_space<hbm>>, %arg5: memref<819200xi32, #tpu.memory_space<hbm>>, %arg6: memref<409600xf32, #tpu.memory_space<hbm>>, %arg7: memref<102400x128xf32, #tpu.memory_space<hbm>>, %arg8: memref<3200xi32, #tpu.memory_space<vmem>>, %arg9: memref<3200xi32, #tpu.memory_space<vmem>>, %arg10: memref<3200xi32, #tpu.memory_space<vmem>>, %arg11: memref<3200xi32, #tpu.memory_space<vmem>>, %arg12: memref<3200xf32, #tpu.memory_space<vmem>>, %arg13: memref<3200xf32, #tpu.memory_space<vmem>>, %arg14: memref<640x32xf32, #tpu.memory_space<vmem>>, %arg15: memref<640x32xf32, #tpu.memory_space<vmem>>, %arg16: memref<640x32xf32, #tpu.memory_space<vmem>>, %arg17: memref<640x4xf32, #tpu.memory_space<vmem>>, %arg18: memref<!tpu.dma_semaphore, #tpu.memory_space<semaphore_mem>>) attributes {dimension_semantics = [#tpu.dimension_semantics<core_parallel>, #tpu.dimension_semantics<subcore_parallel>], iteration_bounds = array<i64: 2, 16>, scalar_prefetch = 0 : i64, scratch_operands = 11 : i64, tpu.core_type = #tpu.core_type<sc_vector_subcore>, window_params = [{transform_indices = #map}, {transform_indices = #map}, {transform_indices = #map}, {transform_indices = #map1}, {transform_indices = #map1}, {transform_indices = #map}]} {
    %mul3A = arith.constant 2 : i32
    %mul3A_0 = arith.muli %arg1, %mul3A : i32
    %add3A = arith.addi %mul3A_0, %arg0 : i32
    %mul3A_1 = arith.constant 3200 : i32
    %mul3A_2 = arith.muli %add3A, %mul3A_1 : i32
    %add3A_3 = arith.constant 0 : i32
    %add3A_4 = arith.addi %add3A_3, %mul3A_2 : i32
    "tpu.region"() ({
      %run_scoped3A = tpu.sem_alloc : memref<!tpu.dma_semaphore, #tpu.memory_space<semaphore_mem>>
      %dma_start3A = tpu.memref_slice %arg5[%add3A_4] : memref<819200xi32, #tpu.memory_space<hbm>> -> memref<3200xi32, #tpu.memory_space<hbm>>
      %dma_start3A_18 = tpu.memref_slice %arg5[%add3A_4] : memref<819200xi32, #tpu.memory_space<hbm>> -> memref<3200xi32, #tpu.memory_space<hbm>>
      tpu.enqueue_dma source(%dma_start3A_18 : memref<3200xi32, #tpu.memory_space<hbm>>) target(%arg8 : memref<3200xi32, #tpu.memory_space<vmem>>) target_semaphore(%run_scoped3A : memref<!tpu.dma_semaphore, #tpu.memory_space<semaphore_mem>>)
      %dma_wait3A = tpu.memref_slice %arg5[%add3A_4] : memref<819200xi32, #tpu.memory_space<hbm>> -> memref<3200xi32, #tpu.memory_space<hbm>>
      %dma_wait3A_19 = tpu.memref_slice %arg5[%add3A_4] : memref<819200xi32, #tpu.memory_space<hbm>> -> memref<3200xi32, #tpu.memory_space<hbm>>
      tpu.wait_dma2 semaphore(%run_scoped3A : memref<!tpu.dma_semaphore, #tpu.memory_space<semaphore_mem>>) src(%dma_wait3A_19 : memref<3200xi32, #tpu.memory_space<hbm>>) dst(%arg8 : memref<3200xi32, #tpu.memory_space<vmem>>)
      tpu.yield
    }) : () -> ()
    %add3A_5 = arith.constant 204800 : i32
    %add3A_6 = arith.addi %add3A_5, %add3A_4 : i32
    "tpu.region"() ({
      %run_scoped3A = tpu.sem_alloc : memref<!tpu.dma_semaphore, #tpu.memory_space<semaphore_mem>>
      %dma_start3A = tpu.memref_slice %arg5[%add3A_6] : memref<819200xi32, #tpu.memory_space<hbm>> -> memref<3200xi32, #tpu.memory_space<hbm>>
      %dma_start3A_18 = tpu.memref_slice %arg5[%add3A_6] : memref<819200xi32, #tpu.memory_space<hbm>> -> memref<3200xi32, #tpu.memory_space<hbm>>
      tpu.enqueue_dma source(%dma_start3A_18 : memref<3200xi32, #tpu.memory_space<hbm>>) target(%arg9 : memref<3200xi32, #tpu.memory_space<vmem>>) target_semaphore(%run_scoped3A : memref<!tpu.dma_semaphore, #tpu.memory_space<semaphore_mem>>)
      %dma_wait3A = tpu.memref_slice %arg5[%add3A_6] : memref<819200xi32, #tpu.memory_space<hbm>> -> memref<3200xi32, #tpu.memory_space<hbm>>
      %dma_wait3A_19 = tpu.memref_slice %arg5[%add3A_6] : memref<819200xi32, #tpu.memory_space<hbm>> -> memref<3200xi32, #tpu.memory_space<hbm>>
      tpu.wait_dma2 semaphore(%run_scoped3A : memref<!tpu.dma_semaphore, #tpu.memory_space<semaphore_mem>>) src(%dma_wait3A_19 : memref<3200xi32, #tpu.memory_space<hbm>>) dst(%arg9 : memref<3200xi32, #tpu.memory_space<vmem>>)
      tpu.yield
    }) : () -> ()
    %add3A_7 = arith.constant 409600 : i32
    %add3A_8 = arith.addi %add3A_7, %add3A_4 : i32
    "tpu.region"() ({
      %run_scoped3A = tpu.sem_alloc : memref<!tpu.dma_semaphore, #tpu.memory_space<semaphore_mem>>
      %dma_start3A = tpu.memref_slice %arg5[%add3A_8] : memref<819200xi32, #tpu.memory_space<hbm>> -> memref<3200xi32, #tpu.memory_space<hbm>>
      %dma_start3A_18 = tpu.memref_slice %arg5[%add3A_8] : memref<819200xi32, #tpu.memory_space<hbm>> -> memref<3200xi32, #tpu.memory_space<hbm>>
      tpu.enqueue_dma source(%dma_start3A_18 : memref<3200xi32, #tpu.memory_space<hbm>>) target(%arg10 : memref<3200xi32, #tpu.memory_space<vmem>>) target_semaphore(%run_scoped3A : memref<!tpu.dma_semaphore, #tpu.memory_space<semaphore_mem>>)
      %dma_wait3A = tpu.memref_slice %arg5[%add3A_8] : memref<819200xi32, #tpu.memory_space<hbm>> -> memref<3200xi32, #tpu.memory_space<hbm>>
      %dma_wait3A_19 = tpu.memref_slice %arg5[%add3A_8] : memref<819200xi32, #tpu.memory_space<hbm>> -> memref<3200xi32, #tpu.memory_space<hbm>>
      tpu.wait_dma2 semaphore(%run_scoped3A : memref<!tpu.dma_semaphore, #tpu.memory_space<semaphore_mem>>) src(%dma_wait3A_19 : memref<3200xi32, #tpu.memory_space<hbm>>) dst(%arg10 : memref<3200xi32, #tpu.memory_space<vmem>>)
      tpu.yield
    }) : () -> ()
    %add3A_9 = arith.constant 614400 : i32
    %add3A_10 = arith.addi %add3A_9, %add3A_4 : i32
    "tpu.region"() ({
      %run_scoped3A = tpu.sem_alloc : memref<!tpu.dma_semaphore, #tpu.memory_space<semaphore_mem>>
      %dma_start3A = tpu.memref_slice %arg5[%add3A_10] : memref<819200xi32, #tpu.memory_space<hbm>> -> memref<3200xi32, #tpu.memory_space<hbm>>
      %dma_start3A_18 = tpu.memref_slice %arg5[%add3A_10] : memref<819200xi32, #tpu.memory_space<hbm>> -> memref<3200xi32, #tpu.memory_space<hbm>>
      tpu.enqueue_dma source(%dma_start3A_18 : memref<3200xi32, #tpu.memory_space<hbm>>) target(%arg11 : memref<3200xi32, #tpu.memory_space<vmem>>) target_semaphore(%run_scoped3A : memref<!tpu.dma_semaphore, #tpu.memory_space<semaphore_mem>>)
      %dma_wait3A = tpu.memref_slice %arg5[%add3A_10] : memref<819200xi32, #tpu.memory_space<hbm>> -> memref<3200xi32, #tpu.memory_space<hbm>>
      %dma_wait3A_19 = tpu.memref_slice %arg5[%add3A_10] : memref<819200xi32, #tpu.memory_space<hbm>> -> memref<3200xi32, #tpu.memory_space<hbm>>
      tpu.wait_dma2 semaphore(%run_scoped3A : memref<!tpu.dma_semaphore, #tpu.memory_space<semaphore_mem>>) src(%dma_wait3A_19 : memref<3200xi32, #tpu.memory_space<hbm>>) dst(%arg11 : memref<3200xi32, #tpu.memory_space<vmem>>)
      tpu.yield
    }) : () -> ()
    "tpu.region"() ({
      %run_scoped3A = tpu.sem_alloc : memref<!tpu.dma_semaphore, #tpu.memory_space<semaphore_mem>>
      %dma_start3A = tpu.memref_slice %arg6[%add3A_4] : memref<409600xf32, #tpu.memory_space<hbm>> -> memref<3200xf32, #tpu.memory_space<hbm>>
      %dma_start3A_18 = tpu.memref_slice %arg6[%add3A_4] : memref<409600xf32, #tpu.memory_space<hbm>> -> memref<3200xf32, #tpu.memory_space<hbm>>
      tpu.enqueue_dma source(%dma_start3A_18 : memref<3200xf32, #tpu.memory_space<hbm>>) target(%arg12 : memref<3200xf32, #tpu.memory_space<vmem>>) target_semaphore(%run_scoped3A : memref<!tpu.dma_semaphore, #tpu.memory_space<semaphore_mem>>)
      %dma_wait3A = tpu.memref_slice %arg6[%add3A_4] : memref<409600xf32, #tpu.memory_space<hbm>> -> memref<3200xf32, #tpu.memory_space<hbm>>
      %dma_wait3A_19 = tpu.memref_slice %arg6[%add3A_4] : memref<409600xf32, #tpu.memory_space<hbm>> -> memref<3200xf32, #tpu.memory_space<hbm>>
      tpu.wait_dma2 semaphore(%run_scoped3A : memref<!tpu.dma_semaphore, #tpu.memory_space<semaphore_mem>>) src(%dma_wait3A_19 : memref<3200xf32, #tpu.memory_space<hbm>>) dst(%arg12 : memref<3200xf32, #tpu.memory_space<vmem>>)
      tpu.yield
    }) : () -> ()
    %add3A_11 = arith.constant 204800 : i32
    %add3A_12 = arith.addi %add3A_11, %add3A_4 : i32
    "tpu.region"() ({
      %run_scoped3A = tpu.sem_alloc : memref<!tpu.dma_semaphore, #tpu.memory_space<semaphore_mem>>
      %dma_start3A = tpu.memref_slice %arg6[%add3A_12] : memref<409600xf32, #tpu.memory_space<hbm>> -> memref<3200xf32, #tpu.memory_space<hbm>>
      %dma_start3A_18 = tpu.memref_slice %arg6[%add3A_12] : memref<409600xf32, #tpu.memory_space<hbm>> -> memref<3200xf32, #tpu.memory_space<hbm>>
      tpu.enqueue_dma source(%dma_start3A_18 : memref<3200xf32, #tpu.memory_space<hbm>>) target(%arg13 : memref<3200xf32, #tpu.memory_space<vmem>>) target_semaphore(%run_scoped3A : memref<!tpu.dma_semaphore, #tpu.memory_space<semaphore_mem>>)
      %dma_wait3A = tpu.memref_slice %arg6[%add3A_12] : memref<409600xf32, #tpu.memory_space<hbm>> -> memref<3200xf32, #tpu.memory_space<hbm>>
      %dma_wait3A_19 = tpu.memref_slice %arg6[%add3A_12] : memref<409600xf32, #tpu.memory_space<hbm>> -> memref<3200xf32, #tpu.memory_space<hbm>>
      tpu.wait_dma2 semaphore(%run_scoped3A : memref<!tpu.dma_semaphore, #tpu.memory_space<semaphore_mem>>) src(%dma_wait3A_19 : memref<3200xf32, #tpu.memory_space<hbm>>) dst(%arg13 : memref<3200xf32, #tpu.memory_space<vmem>>)
      tpu.yield
    }) : () -> ()
    %scan3A = arith.constant 0 : i32
    %scan3A_13 = arith.constant 0 : i32
    %scan3A_14 = arith.constant 5 : i32
    %scan3A_15 = arith.addi %scan3A_13, %scan3A_14 : i32
    %scan3A_16 = arith.constant 1 : i32
    scf.for %scan3A_18 = %scan3A_13 to %scan3A_15 step %scan3A_16  : i32 {
      %mul3A_19 = arith.constant 640 : i32
      %mul3A_20 = arith.muli %scan3A_18, %mul3A_19 : i32
      %add3A_21 = arith.addi %mul3A_2, %mul3A_20 : i32
      %add3A_22 = arith.constant 0 : i32
      %add3A_23 = arith.addi %mul3A_20, %add3A_22 : i32
      %dma_start3A = arith.constant 0 : i32
      %dma_start3A_24 = arith.constant 0 : i32
      %dma_start3A_25 = tpu.memref_slice %arg14[%dma_start3A, %dma_start3A_24] : memref<640x32xf32, #tpu.memory_space<vmem>> -> memref<128x32xf32, #tpu.memory_space<vmem>>
      %dma_start3A_26 = tpu.memref_slice %arg8[%add3A_23] : memref<3200xi32, #tpu.memory_space<vmem>> -> memref<128xi32, #tpu.memory_space<vmem>>
      %dma_start3A_27 = arith.constant 0 : i32
      %dma_start3A_28 = arith.constant 0 : i32
      %dma_start3A_29 = tpu.memref_slice %arg2[%dma_start3A_27, %dma_start3A_28] : memref<100001x32xf32, #tpu.memory_space<hbm>> -> memref<100001x32xf32, #tpu.memory_space<hbm>>
      tpu.enqueue_indirect_dma source(%dma_start3A_29 : memref<100001x32xf32, #tpu.memory_space<hbm>>) target(%dma_start3A_25 : memref<128x32xf32, #tpu.memory_space<vmem>>) offsets(%dma_start3A_26 : memref<128xi32, #tpu.memory_space<vmem>>) semaphore(%arg18 : memref<!tpu.dma_semaphore, #tpu.memory_space<semaphore_mem>>)
      %dma_start3A_30 = arith.constant 0 : i32
      %dma_start3A_31 = arith.constant 0 : i32
      %dma_start3A_32 = tpu.memref_slice %arg15[%dma_start3A_30, %dma_start3A_31] : memref<640x32xf32, #tpu.memory_space<vmem>> -> memref<128x32xf32, #tpu.memory_space<vmem>>
      %dma_start3A_33 = tpu.memref_slice %arg9[%add3A_23] : memref<3200xi32, #tpu.memory_space<vmem>> -> memref<128xi32, #tpu.memory_space<vmem>>
      %dma_start3A_34 = arith.constant 0 : i32
      %dma_start3A_35 = arith.constant 0 : i32
      %dma_start3A_36 = tpu.memref_slice %arg3[%dma_start3A_34, %dma_start3A_35] : memref<100001x32xf32, #tpu.memory_space<hbm>> -> memref<100001x32xf32, #tpu.memory_space<hbm>>
      tpu.enqueue_indirect_dma source(%dma_start3A_36 : memref<100001x32xf32, #tpu.memory_space<hbm>>) target(%dma_start3A_32 : memref<128x32xf32, #tpu.memory_space<vmem>>) offsets(%dma_start3A_33 : memref<128xi32, #tpu.memory_space<vmem>>) semaphore(%arg18 : memref<!tpu.dma_semaphore, #tpu.memory_space<semaphore_mem>>)
      %dma_start3A_37 = arith.constant 0 : i32
      %dma_start3A_38 = arith.constant 0 : i32
      %dma_start3A_39 = tpu.memref_slice %arg16[%dma_start3A_37, %dma_start3A_38] : memref<640x32xf32, #tpu.memory_space<vmem>> -> memref<128x32xf32, #tpu.memory_space<vmem>>
      %dma_start3A_40 = tpu.memref_slice %arg10[%add3A_23] : memref<3200xi32, #tpu.memory_space<vmem>> -> memref<128xi32, #tpu.memory_space<vmem>>
      %dma_start3A_41 = arith.constant 0 : i32
      %dma_start3A_42 = arith.constant 0 : i32
      %dma_start3A_43 = tpu.memref_slice %arg4[%dma_start3A_41, %dma_start3A_42] : memref<1001x32xf32, #tpu.memory_space<hbm>> -> memref<1001x32xf32, #tpu.memory_space<hbm>>
      tpu.enqueue_indirect_dma source(%dma_start3A_43 : memref<1001x32xf32, #tpu.memory_space<hbm>>) target(%dma_start3A_39 : memref<128x32xf32, #tpu.memory_space<vmem>>) offsets(%dma_start3A_40 : memref<128xi32, #tpu.memory_space<vmem>>) semaphore(%arg18 : memref<!tpu.dma_semaphore, #tpu.memory_space<semaphore_mem>>)
      %add3A_44 = arith.constant 128 : i32
      %add3A_45 = arith.addi %mul3A_20, %add3A_44 : i32
      %dma_start3A_46 = arith.constant 128 : i32
      %dma_start3A_47 = arith.constant 0 : i32
      %dma_start3A_48 = tpu.memref_slice %arg14[%dma_start3A_46, %dma_start3A_47] : memref<640x32xf32, #tpu.memory_space<vmem>> -> memref<128x32xf32, #tpu.memory_space<vmem>>
      %dma_start3A_49 = tpu.memref_slice %arg8[%add3A_45] : memref<3200xi32, #tpu.memory_space<vmem>> -> memref<128xi32, #tpu.memory_space<vmem>>
      %dma_start3A_50 = arith.constant 0 : i32
      %dma_start3A_51 = arith.constant 0 : i32
      %dma_start3A_52 = tpu.memref_slice %arg2[%dma_start3A_50, %dma_start3A_51] : memref<100001x32xf32, #tpu.memory_space<hbm>> -> memref<100001x32xf32, #tpu.memory_space<hbm>>
      tpu.enqueue_indirect_dma source(%dma_start3A_52 : memref<100001x32xf32, #tpu.memory_space<hbm>>) target(%dma_start3A_48 : memref<128x32xf32, #tpu.memory_space<vmem>>) offsets(%dma_start3A_49 : memref<128xi32, #tpu.memory_space<vmem>>) semaphore(%arg18 : memref<!tpu.dma_semaphore, #tpu.memory_space<semaphore_mem>>)
      %dma_start3A_53 = arith.constant 128 : i32
      %dma_start3A_54 = arith.constant 0 : i32
      %dma_start3A_55 = tpu.memref_slice %arg15[%dma_start3A_53, %dma_start3A_54] : memref<640x32xf32, #tpu.memory_space<vmem>> -> memref<128x32xf32, #tpu.memory_space<vmem>>
      %dma_start3A_56 = tpu.memref_slice %arg9[%add3A_45] : memref<3200xi32, #tpu.memory_space<vmem>> -> memref<128xi32, #tpu.memory_space<vmem>>
      %dma_start3A_57 = arith.constant 0 : i32
      %dma_start3A_58 = arith.constant 0 : i32
      %dma_start3A_59 = tpu.memref_slice %arg3[%dma_start3A_57, %dma_start3A_58] : memref<100001x32xf32, #tpu.memory_space<hbm>> -> memref<100001x32xf32, #tpu.memory_space<hbm>>
      tpu.enqueue_indirect_dma source(%dma_start3A_59 : memref<100001x32xf32, #tpu.memory_space<hbm>>) target(%dma_start3A_55 : memref<128x32xf32, #tpu.memory_space<vmem>>) offsets(%dma_start3A_56 : memref<128xi32, #tpu.memory_space<vmem>>) semaphore(%arg18 : memref<!tpu.dma_semaphore, #tpu.memory_space<semaphore_mem>>)
      %dma_start3A_60 = arith.constant 128 : i32
      %dma_start3A_61 = arith.constant 0 : i32
      %dma_start3A_62 = tpu.memref_slice %arg16[%dma_start3A_60, %dma_start3A_61] : memref<640x32xf32, #tpu.memory_space<vmem>> -> memref<128x32xf32, #tpu.memory_space<vmem>>
      %dma_start3A_63 = tpu.memref_slice %arg10[%add3A_45] : memref<3200xi32, #tpu.memory_space<vmem>> -> memref<128xi32, #tpu.memory_space<vmem>>
      %dma_start3A_64 = arith.constant 0 : i32
      %dma_start3A_65 = arith.constant 0 : i32
      %dma_start3A_66 = tpu.memref_slice %arg4[%dma_start3A_64, %dma_start3A_65] : memref<1001x32xf32, #tpu.memory_space<hbm>> -> memref<1001x32xf32, #tpu.memory_space<hbm>>
      tpu.enqueue_indirect_dma source(%dma_start3A_66 : memref<1001x32xf32, #tpu.memory_space<hbm>>) target(%dma_start3A_62 : memref<128x32xf32, #tpu.memory_space<vmem>>) offsets(%dma_start3A_63 : memref<128xi32, #tpu.memory_space<vmem>>) semaphore(%arg18 : memref<!tpu.dma_semaphore, #tpu.memory_space<semaphore_mem>>)
      %add3A_67 = arith.constant 256 : i32
      %add3A_68 = arith.addi %mul3A_20, %add3A_67 : i32
      %dma_start3A_69 = arith.constant 256 : i32
      %dma_start3A_70 = arith.constant 0 : i32
      %dma_start3A_71 = tpu.memref_slice %arg14[%dma_start3A_69, %dma_start3A_70] : memref<640x32xf32, #tpu.memory_space<vmem>> -> memref<128x32xf32, #tpu.memory_space<vmem>>
      %dma_start3A_72 = tpu.memref_slice %arg8[%add3A_68] : memref<3200xi32, #tpu.memory_space<vmem>> -> memref<128xi32, #tpu.memory_space<vmem>>
      %dma_start3A_73 = arith.constant 0 : i32
      %dma_start3A_74 = arith.constant 0 : i32
      %dma_start3A_75 = tpu.memref_slice %arg2[%dma_start3A_73, %dma_start3A_74] : memref<100001x32xf32, #tpu.memory_space<hbm>> -> memref<100001x32xf32, #tpu.memory_space<hbm>>
      tpu.enqueue_indirect_dma source(%dma_start3A_75 : memref<100001x32xf32, #tpu.memory_space<hbm>>) target(%dma_start3A_71 : memref<128x32xf32, #tpu.memory_space<vmem>>) offsets(%dma_start3A_72 : memref<128xi32, #tpu.memory_space<vmem>>) semaphore(%arg18 : memref<!tpu.dma_semaphore, #tpu.memory_space<semaphore_mem>>)
      %dma_start3A_76 = arith.constant 256 : i32
      %dma_start3A_77 = arith.constant 0 : i32
      %dma_start3A_78 = tpu.memref_slice %arg15[%dma_start3A_76, %dma_start3A_77] : memref<640x32xf32, #tpu.memory_space<vmem>> -> memref<128x32xf32, #tpu.memory_space<vmem>>
      %dma_start3A_79 = tpu.memref_slice %arg9[%add3A_68] : memref<3200xi32, #tpu.memory_space<vmem>> -> memref<128xi32, #tpu.memory_space<vmem>>
      %dma_start3A_80 = arith.constant 0 : i32
      %dma_start3A_81 = arith.constant 0 : i32
      %dma_start3A_82 = tpu.memref_slice %arg3[%dma_start3A_80, %dma_start3A_81] : memref<100001x32xf32, #tpu.memory_space<hbm>> -> memref<100001x32xf32, #tpu.memory_space<hbm>>
      tpu.enqueue_indirect_dma source(%dma_start3A_82 : memref<100001x32xf32, #tpu.memory_space<hbm>>) target(%dma_start3A_78 : memref<128x32xf32, #tpu.memory_space<vmem>>) offsets(%dma_start3A_79 : memref<128xi32, #tpu.memory_space<vmem>>) semaphore(%arg18 : memref<!tpu.dma_semaphore, #tpu.memory_space<semaphore_mem>>)
      %dma_start3A_83 = arith.constant 256 : i32
      %dma_start3A_84 = arith.constant 0 : i32
      %dma_start3A_85 = tpu.memref_slice %arg16[%dma_start3A_83, %dma_start3A_84] : memref<640x32xf32, #tpu.memory_space<vmem>> -> memref<128x32xf32, #tpu.memory_space<vmem>>
      %dma_start3A_86 = tpu.memref_slice %arg10[%add3A_68] : memref<3200xi32, #tpu.memory_space<vmem>> -> memref<128xi32, #tpu.memory_space<vmem>>
      %dma_start3A_87 = arith.constant 0 : i32
      %dma_start3A_88 = arith.constant 0 : i32
      %dma_start3A_89 = tpu.memref_slice %arg4[%dma_start3A_87, %dma_start3A_88] : memref<1001x32xf32, #tpu.memory_space<hbm>> -> memref<1001x32xf32, #tpu.memory_space<hbm>>
      tpu.enqueue_indirect_dma source(%dma_start3A_89 : memref<1001x32xf32, #tpu.memory_space<hbm>>) target(%dma_start3A_85 : memref<128x32xf32, #tpu.memory_space<vmem>>) offsets(%dma_start3A_86 : memref<128xi32, #tpu.memory_space<vmem>>) semaphore(%arg18 : memref<!tpu.dma_semaphore, #tpu.memory_space<semaphore_mem>>)
      %add3A_90 = arith.constant 384 : i32
      %add3A_91 = arith.addi %mul3A_20, %add3A_90 : i32
      %dma_start3A_92 = arith.constant 384 : i32
      %dma_start3A_93 = arith.constant 0 : i32
      %dma_start3A_94 = tpu.memref_slice %arg14[%dma_start3A_92, %dma_start3A_93] : memref<640x32xf32, #tpu.memory_space<vmem>> -> memref<128x32xf32, #tpu.memory_space<vmem>>
      %dma_start3A_95 = tpu.memref_slice %arg8[%add3A_91] : memref<3200xi32, #tpu.memory_space<vmem>> -> memref<128xi32, #tpu.memory_space<vmem>>
      %dma_start3A_96 = arith.constant 0 : i32
      %dma_start3A_97 = arith.constant 0 : i32
      %dma_start3A_98 = tpu.memref_slice %arg2[%dma_start3A_96, %dma_start3A_97] : memref<100001x32xf32, #tpu.memory_space<hbm>> -> memref<100001x32xf32, #tpu.memory_space<hbm>>
      tpu.enqueue_indirect_dma source(%dma_start3A_98 : memref<100001x32xf32, #tpu.memory_space<hbm>>) target(%dma_start3A_94 : memref<128x32xf32, #tpu.memory_space<vmem>>) offsets(%dma_start3A_95 : memref<128xi32, #tpu.memory_space<vmem>>) semaphore(%arg18 : memref<!tpu.dma_semaphore, #tpu.memory_space<semaphore_mem>>)
      %dma_start3A_99 = arith.constant 384 : i32
      %dma_start3A_100 = arith.constant 0 : i32
      %dma_start3A_101 = tpu.memref_slice %arg15[%dma_start3A_99, %dma_start3A_100] : memref<640x32xf32, #tpu.memory_space<vmem>> -> memref<128x32xf32, #tpu.memory_space<vmem>>
      %dma_start3A_102 = tpu.memref_slice %arg9[%add3A_91] : memref<3200xi32, #tpu.memory_space<vmem>> -> memref<128xi32, #tpu.memory_space<vmem>>
      %dma_start3A_103 = arith.constant 0 : i32
      %dma_start3A_104 = arith.constant 0 : i32
      %dma_start3A_105 = tpu.memref_slice %arg3[%dma_start3A_103, %dma_start3A_104] : memref<100001x32xf32, #tpu.memory_space<hbm>> -> memref<100001x32xf32, #tpu.memory_space<hbm>>
      tpu.enqueue_indirect_dma source(%dma_start3A_105 : memref<100001x32xf32, #tpu.memory_space<hbm>>) target(%dma_start3A_101 : memref<128x32xf32, #tpu.memory_space<vmem>>) offsets(%dma_start3A_102 : memref<128xi32, #tpu.memory_space<vmem>>) semaphore(%arg18 : memref<!tpu.dma_semaphore, #tpu.memory_space<semaphore_mem>>)
      %dma_start3A_106 = arith.constant 384 : i32
      %dma_start3A_107 = arith.constant 0 : i32
      %dma_start3A_108 = tpu.memref_slice %arg16[%dma_start3A_106, %dma_start3A_107] : memref<640x32xf32, #tpu.memory_space<vmem>> -> memref<128x32xf32, #tpu.memory_space<vmem>>
      %dma_start3A_109 = tpu.memref_slice %arg10[%add3A_91] : memref<3200xi32, #tpu.memory_space<vmem>> -> memref<128xi32, #tpu.memory_space<vmem>>
      %dma_start3A_110 = arith.constant 0 : i32
      %dma_start3A_111 = arith.constant 0 : i32
      %dma_start3A_112 = tpu.memref_slice %arg4[%dma_start3A_110, %dma_start3A_111] : memref<1001x32xf32, #tpu.memory_space<hbm>> -> memref<1001x32xf32, #tpu.memory_space<hbm>>
      tpu.enqueue_indirect_dma source(%dma_start3A_112 : memref<1001x32xf32, #tpu.memory_space<hbm>>) target(%dma_start3A_108 : memref<128x32xf32, #tpu.memory_space<vmem>>) offsets(%dma_start3A_109 : memref<128xi32, #tpu.memory_space<vmem>>) semaphore(%arg18 : memref<!tpu.dma_semaphore, #tpu.memory_space<semaphore_mem>>)
      %add3A_113 = arith.constant 512 : i32
      %add3A_114 = arith.addi %mul3A_20, %add3A_113 : i32
      %dma_start3A_115 = arith.constant 512 : i32
      %dma_start3A_116 = arith.constant 0 : i32
      %dma_start3A_117 = tpu.memref_slice %arg14[%dma_start3A_115, %dma_start3A_116] : memref<640x32xf32, #tpu.memory_space<vmem>> -> memref<128x32xf32, #tpu.memory_space<vmem>>
      %dma_start3A_118 = tpu.memref_slice %arg8[%add3A_114] : memref<3200xi32, #tpu.memory_space<vmem>> -> memref<128xi32, #tpu.memory_space<vmem>>
      %dma_start3A_119 = arith.constant 0 : i32
      %dma_start3A_120 = arith.constant 0 : i32
      %dma_start3A_121 = tpu.memref_slice %arg2[%dma_start3A_119, %dma_start3A_120] : memref<100001x32xf32, #tpu.memory_space<hbm>> -> memref<100001x32xf32, #tpu.memory_space<hbm>>
      tpu.enqueue_indirect_dma source(%dma_start3A_121 : memref<100001x32xf32, #tpu.memory_space<hbm>>) target(%dma_start3A_117 : memref<128x32xf32, #tpu.memory_space<vmem>>) offsets(%dma_start3A_118 : memref<128xi32, #tpu.memory_space<vmem>>) semaphore(%arg18 : memref<!tpu.dma_semaphore, #tpu.memory_space<semaphore_mem>>)
      %dma_start3A_122 = arith.constant 512 : i32
      %dma_start3A_123 = arith.constant 0 : i32
      %dma_start3A_124 = tpu.memref_slice %arg15[%dma_start3A_122, %dma_start3A_123] : memref<640x32xf32, #tpu.memory_space<vmem>> -> memref<128x32xf32, #tpu.memory_space<vmem>>
      %dma_start3A_125 = tpu.memref_slice %arg9[%add3A_114] : memref<3200xi32, #tpu.memory_space<vmem>> -> memref<128xi32, #tpu.memory_space<vmem>>
      %dma_start3A_126 = arith.constant 0 : i32
      %dma_start3A_127 = arith.constant 0 : i32
      %dma_start3A_128 = tpu.memref_slice %arg3[%dma_start3A_126, %dma_start3A_127] : memref<100001x32xf32, #tpu.memory_space<hbm>> -> memref<100001x32xf32, #tpu.memory_space<hbm>>
      tpu.enqueue_indirect_dma source(%dma_start3A_128 : memref<100001x32xf32, #tpu.memory_space<hbm>>) target(%dma_start3A_124 : memref<128x32xf32, #tpu.memory_space<vmem>>) offsets(%dma_start3A_125 : memref<128xi32, #tpu.memory_space<vmem>>) semaphore(%arg18 : memref<!tpu.dma_semaphore, #tpu.memory_space<semaphore_mem>>)
      %dma_start3A_129 = arith.constant 512 : i32
      %dma_start3A_130 = arith.constant 0 : i32
      %dma_start3A_131 = tpu.memref_slice %arg16[%dma_start3A_129, %dma_start3A_130] : memref<640x32xf32, #tpu.memory_space<vmem>> -> memref<128x32xf32, #tpu.memory_space<vmem>>
      %dma_start3A_132 = tpu.memref_slice %arg10[%add3A_114] : memref<3200xi32, #tpu.memory_space<vmem>> -> memref<128xi32, #tpu.memory_space<vmem>>
      %dma_start3A_133 = arith.constant 0 : i32
      %dma_start3A_134 = arith.constant 0 : i32
      %dma_start3A_135 = tpu.memref_slice %arg4[%dma_start3A_133, %dma_start3A_134] : memref<1001x32xf32, #tpu.memory_space<hbm>> -> memref<1001x32xf32, #tpu.memory_space<hbm>>
      tpu.enqueue_indirect_dma source(%dma_start3A_135 : memref<1001x32xf32, #tpu.memory_space<hbm>>) target(%dma_start3A_131 : memref<128x32xf32, #tpu.memory_space<vmem>>) offsets(%dma_start3A_132 : memref<128xi32, #tpu.memory_space<vmem>>) semaphore(%arg18 : memref<!tpu.dma_semaphore, #tpu.memory_space<semaphore_mem>>)
      %iota3A = tpu.iota {dimensions = array<i32: 0>} : vector<16xi32>
      %add3A_136 = arith.constant 0 : i32
      %add3A_137 = vector.broadcast %add3A_136 : i32 to vector<16xi32>
      %add3A_138 = arith.addi %add3A_137, %iota3A : vector<16xi32>
      %add3A_139 = arith.constant 0 : i32
      %add3A_140 = arith.addi %mul3A_20, %add3A_139 : i32
      %broadcast_in_dim3A = arith.constant 0 : i32
      %broadcast_in_dim3A_141 = vector.broadcast %broadcast_in_dim3A : i32 to vector<16xi32>
      %get3A = arith.index_cast %add3A_140 : i32 to index
      %get3A_142 = tpu.vector_load %arg12[%get3A] {strides = array<i32>} : memref<3200xf32, #tpu.memory_space<vmem>>, vector<16xf32>,
      tpu.vector_store_idx %arg17[%add3A_138, %broadcast_in_dim3A_141], %get3A_142 : memref<640x4xf32, #tpu.memory_space<vmem>>[vector<16xi32>, vector<16xi32>], vector<16xf32>,
      %broadcast_in_dim3A_143 = arith.constant 1 : i32
      %broadcast_in_dim3A_144 = vector.broadcast %broadcast_in_dim3A_143 : i32 to vector<16xi32>
      %get3A_145 = arith.index_cast %add3A_140 : i32 to index
      %get3A_146 = tpu.vector_load %arg13[%get3A_145] {strides = array<i32>} : memref<3200xf32, #tpu.memory_space<vmem>>, vector<16xf32>,
      tpu.vector_store_idx %arg17[%add3A_138, %broadcast_in_dim3A_144], %get3A_146 : memref<640x4xf32, #tpu.memory_space<vmem>>[vector<16xi32>, vector<16xi32>], vector<16xf32>,
      %broadcast_in_dim3A_147 = arith.constant 2 : i32
      %broadcast_in_dim3A_148 = vector.broadcast %broadcast_in_dim3A_147 : i32 to vector<16xi32>
      %get3A_149 = arith.index_cast %add3A_140 : i32 to index
      %get3A_150 = tpu.vector_load %arg11[%get3A_149] {strides = array<i32>} : memref<3200xi32, #tpu.memory_space<vmem>>, vector<16xi32>,
      %convert_element_type3A = arith.sitofp %get3A_150 : vector<16xi32> to vector<16xf32>
      tpu.vector_store_idx %arg17[%add3A_138, %broadcast_in_dim3A_148], %convert_element_type3A : memref<640x4xf32, #tpu.memory_space<vmem>>[vector<16xi32>, vector<16xi32>], vector<16xf32>,
      %iota3A_151 = tpu.iota {dimensions = array<i32: 0>} : vector<16xi32>
      %add3A_152 = arith.constant 16 : i32
      %add3A_153 = vector.broadcast %add3A_152 : i32 to vector<16xi32>
      %add3A_154 = arith.addi %add3A_153, %iota3A_151 : vector<16xi32>
      %add3A_155 = arith.constant 16 : i32
      %add3A_156 = arith.addi %mul3A_20, %add3A_155 : i32
      %broadcast_in_dim3A_157 = arith.constant 0 : i32
      %broadcast_in_dim3A_158 = vector.broadcast %broadcast_in_dim3A_157 : i32 to vector<16xi32>
      %get3A_159 = arith.index_cast %add3A_156 : i32 to index
      %get3A_160 = tpu.vector_load %arg12[%get3A_159] {strides = array<i32>} : memref<3200xf32, #tpu.memory_space<vmem>>, vector<16xf32>,
      tpu.vector_store_idx %arg17[%add3A_154, %broadcast_in_dim3A_158], %get3A_160 : memref<640x4xf32, #tpu.memory_space<vmem>>[vector<16xi32>, vector<16xi32>], vector<16xf32>,
      %broadcast_in_dim3A_161 = arith.constant 1 : i32
      %broadcast_in_dim3A_162 = vector.broadcast %broadcast_in_dim3A_161 : i32 to vector<16xi32>
      %get3A_163 = arith.index_cast %add3A_156 : i32 to index
      %get3A_164 = tpu.vector_load %arg13[%get3A_163] {strides = array<i32>} : memref<3200xf32, #tpu.memory_space<vmem>>, vector<16xf32>,
      tpu.vector_store_idx %arg17[%add3A_154, %broadcast_in_dim3A_162], %get3A_164 : memref<640x4xf32, #tpu.memory_space<vmem>>[vector<16xi32>, vector<16xi32>], vector<16xf32>,
      %broadcast_in_dim3A_165 = arith.constant 2 : i32
      %broadcast_in_dim3A_166 = vector.broadcast %broadcast_in_dim3A_165 : i32 to vector<16xi32>
      %get3A_167 = arith.index_cast %add3A_156 : i32 to index
      %get3A_168 = tpu.vector_load %arg11[%get3A_167] {strides = array<i32>} : memref<3200xi32, #tpu.memory_space<vmem>>, vector<16xi32>,
      %convert_element_type3A_169 = arith.sitofp %get3A_168 : vector<16xi32> to vector<16xf32>
      tpu.vector_store_idx %arg17[%add3A_154, %broadcast_in_dim3A_166], %convert_element_type3A_169 : memref<640x4xf32, #tpu.memory_space<vmem>>[vector<16xi32>, vector<16xi32>], vector<16xf32>,
      %iota3A_170 = tpu.iota {dimensions = array<i32: 0>} : vector<16xi32>
      %add3A_171 = arith.constant 32 : i32
      %add3A_172 = vector.broadcast %add3A_171 : i32 to vector<16xi32>
      %add3A_173 = arith.addi %add3A_172, %iota3A_170 : vector<16xi32>
      %add3A_174 = arith.constant 32 : i32
      %add3A_175 = arith.addi %mul3A_20, %add3A_174 : i32
      %broadcast_in_dim3A_176 = arith.constant 0 : i32
      %broadcast_in_dim3A_177 = vector.broadcast %broadcast_in_dim3A_176 : i32 to vector<16xi32>
      %get3A_178 = arith.index_cast %add3A_175 : i32 to index
      %get3A_179 = tpu.vector_load %arg12[%get3A_178] {strides = array<i32>} : memref<3200xf32, #tpu.memory_space<vmem>>, vector<16xf32>,
      tpu.vector_store_idx %arg17[%add3A_173, %broadcast_in_dim3A_177], %get3A_179 : memref<640x4xf32, #tpu.memory_space<vmem>>[vector<16xi32>, vector<16xi32>], vector<16xf32>,
      %broadcast_in_dim3A_180 = arith.constant 1 : i32
      %broadcast_in_dim3A_181 = vector.broadcast %broadcast_in_dim3A_180 : i32 to vector<16xi32>
      %get3A_182 = arith.index_cast %add3A_175 : i32 to index
      %get3A_183 = tpu.vector_load %arg13[%get3A_182] {strides = array<i32>} : memref<3200xf32, #tpu.memory_space<vmem>>, vector<16xf32>,
      tpu.vector_store_idx %arg17[%add3A_173, %broadcast_in_dim3A_181], %get3A_183 : memref<640x4xf32, #tpu.memory_space<vmem>>[vector<16xi32>, vector<16xi32>], vector<16xf32>,
      %broadcast_in_dim3A_184 = arith.constant 2 : i32
      %broadcast_in_dim3A_185 = vector.broadcast %broadcast_in_dim3A_184 : i32 to vector<16xi32>
      %get3A_186 = arith.index_cast %add3A_175 : i32 to index
      %get3A_187 = tpu.vector_load %arg11[%get3A_186] {strides = array<i32>} : memref<3200xi32, #tpu.memory_space<vmem>>, vector<16xi32>,
      %convert_element_type3A_188 = arith.sitofp %get3A_187 : vector<16xi32> to vector<16xf32>
      tpu.vector_store_idx %arg17[%add3A_173, %broadcast_in_dim3A_185], %convert_element_type3A_188 : memref<640x4xf32, #tpu.memory_space<vmem>>[vector<16xi32>, vector<16xi32>], vector<16xf32>,
      %iota3A_189 = tpu.iota {dimensions = array<i32: 0>} : vector<16xi32>
      %add3A_190 = arith.constant 48 : i32
      %add3A_191 = vector.broadcast %add3A_190 : i32 to vector<16xi32>
      %add3A_192 = arith.addi %add3A_191, %iota3A_189 : vector<16xi32>
      %add3A_193 = arith.constant 48 : i32
      %add3A_194 = arith.addi %mul3A_20, %add3A_193 : i32
      %broadcast_in_dim3A_195 = arith.constant 0 : i32
      %broadcast_in_dim3A_196 = vector.broadcast %broadcast_in_dim3A_195 : i32 to vector<16xi32>
      %get3A_197 = arith.index_cast %add3A_194 : i32 to index
      %get3A_198 = tpu.vector_load %arg12[%get3A_197] {strides = array<i32>} : memref<3200xf32, #tpu.memory_space<vmem>>, vector<16xf32>,
      tpu.vector_store_idx %arg17[%add3A_192, %broadcast_in_dim3A_196], %get3A_198 : memref<640x4xf32, #tpu.memory_space<vmem>>[vector<16xi32>, vector<16xi32>], vector<16xf32>,
      %broadcast_in_dim3A_199 = arith.constant 1 : i32
      %broadcast_in_dim3A_200 = vector.broadcast %broadcast_in_dim3A_199 : i32 to vector<16xi32>
      %get3A_201 = arith.index_cast %add3A_194 : i32 to index
      %get3A_202 = tpu.vector_load %arg13[%get3A_201] {strides = array<i32>} : memref<3200xf32, #tpu.memory_space<vmem>>, vector<16xf32>,
      tpu.vector_store_idx %arg17[%add3A_192, %broadcast_in_dim3A_200], %get3A_202 : memref<640x4xf32, #tpu.memory_space<vmem>>[vector<16xi32>, vector<16xi32>], vector<16xf32>,
      %broadcast_in_dim3A_203 = arith.constant 2 : i32
      %broadcast_in_dim3A_204 = vector.broadcast %broadcast_in_dim3A_203 : i32 to vector<16xi32>
      %get3A_205 = arith.index_cast %add3A_194 : i32 to index
      %get3A_206 = tpu.vector_load %arg11[%get3A_205] {strides = array<i32>} : memref<3200xi32, #tpu.memory_space<vmem>>, vector<16xi32>,
      %convert_element_type3A_207 = arith.sitofp %get3A_206 : vector<16xi32> to vector<16xf32>
      tpu.vector_store_idx %arg17[%add3A_192, %broadcast_in_dim3A_204], %convert_element_type3A_207 : memref<640x4xf32, #tpu.memory_space<vmem>>[vector<16xi32>, vector<16xi32>], vector<16xf32>,
      %iota3A_208 = tpu.iota {dimensions = array<i32: 0>} : vector<16xi32>
      %add3A_209 = arith.constant 64 : i32
      %add3A_210 = vector.broadcast %add3A_209 : i32 to vector<16xi32>
      %add3A_211 = arith.addi %add3A_210, %iota3A_208 : vector<16xi32>
      %add3A_212 = arith.constant 64 : i32
      %add3A_213 = arith.addi %mul3A_20, %add3A_212 : i32
      %broadcast_in_dim3A_214 = arith.constant 0 : i32
      %broadcast_in_dim3A_215 = vector.broadcast %broadcast_in_dim3A_214 : i32 to vector<16xi32>
      %get3A_216 = arith.index_cast %add3A_213 : i32 to index
      %get3A_217 = tpu.vector_load %arg12[%get3A_216] {strides = array<i32>} : memref<3200xf32, #tpu.memory_space<vmem>>, vector<16xf32>,
      tpu.vector_store_idx %arg17[%add3A_211, %broadcast_in_dim3A_215], %get3A_217 : memref<640x4xf32, #tpu.memory_space<vmem>>[vector<16xi32>, vector<16xi32>], vector<16xf32>,
      %broadcast_in_dim3A_218 = arith.constant 1 : i32
      %broadcast_in_dim3A_219 = vector.broadcast %broadcast_in_dim3A_218 : i32 to vector<16xi32>
      %get3A_220 = arith.index_cast %add3A_213 : i32 to index
      %get3A_221 = tpu.vector_load %arg13[%get3A_220] {strides = array<i32>} : memref<3200xf32, #tpu.memory_space<vmem>>, vector<16xf32>,
      tpu.vector_store_idx %arg17[%add3A_211, %broadcast_in_dim3A_219], %get3A_221 : memref<640x4xf32, #tpu.memory_space<vmem>>[vector<16xi32>, vector<16xi32>], vector<16xf32>,
      %broadcast_in_dim3A_222 = arith.constant 2 : i32
      %broadcast_in_dim3A_223 = vector.broadcast %broadcast_in_dim3A_222 : i32 to vector<16xi32>
      %get3A_224 = arith.index_cast %add3A_213 : i32 to index
      %get3A_225 = tpu.vector_load %arg11[%get3A_224] {strides = array<i32>} : memref<3200xi32, #tpu.memory_space<vmem>>, vector<16xi32>,
      %convert_element_type3A_226 = arith.sitofp %get3A_225 : vector<16xi32> to vector<16xf32>
      tpu.vector_store_idx %arg17[%add3A_211, %broadcast_in_dim3A_223], %convert_element_type3A_226 : memref<640x4xf32, #tpu.memory_space<vmem>>[vector<16xi32>, vector<16xi32>], vector<16xf32>,
      %iota3A_227 = tpu.iota {dimensions = array<i32: 0>} : vector<16xi32>
      %add3A_228 = arith.constant 80 : i32
      %add3A_229 = vector.broadcast %add3A_228 : i32 to vector<16xi32>
      %add3A_230 = arith.addi %add3A_229, %iota3A_227 : vector<16xi32>
      %add3A_231 = arith.constant 80 : i32
      %add3A_232 = arith.addi %mul3A_20, %add3A_231 : i32
      %broadcast_in_dim3A_233 = arith.constant 0 : i32
      %broadcast_in_dim3A_234 = vector.broadcast %broadcast_in_dim3A_233 : i32 to vector<16xi32>
      %get3A_235 = arith.index_cast %add3A_232 : i32 to index
      %get3A_236 = tpu.vector_load %arg12[%get3A_235] {strides = array<i32>} : memref<3200xf32, #tpu.memory_space<vmem>>, vector<16xf32>,
      tpu.vector_store_idx %arg17[%add3A_230, %broadcast_in_dim3A_234], %get3A_236 : memref<640x4xf32, #tpu.memory_space<vmem>>[vector<16xi32>, vector<16xi32>], vector<16xf32>,
      %broadcast_in_dim3A_237 = arith.constant 1 : i32
      %broadcast_in_dim3A_238 = vector.broadcast %broadcast_in_dim3A_237 : i32 to vector<16xi32>
      %get3A_239 = arith.index_cast %add3A_232 : i32 to index
      %get3A_240 = tpu.vector_load %arg13[%get3A_239] {strides = array<i32>} : memref<3200xf32, #tpu.memory_space<vmem>>, vector<16xf32>,
      tpu.vector_store_idx %arg17[%add3A_230, %broadcast_in_dim3A_238], %get3A_240 : memref<640x4xf32, #tpu.memory_space<vmem>>[vector<16xi32>, vector<16xi32>], vector<16xf32>,
      %broadcast_in_dim3A_241 = arith.constant 2 : i32
      %broadcast_in_dim3A_242 = vector.broadcast %broadcast_in_dim3A_241 : i32 to vector<16xi32>
      %get3A_243 = arith.index_cast %add3A_232 : i32 to index
      %get3A_244 = tpu.vector_load %arg11[%get3A_243] {strides = array<i32>} : memref<3200xi32, #tpu.memory_space<vmem>>, vector<16xi32>,
      %convert_element_type3A_245 = arith.sitofp %get3A_244 : vector<16xi32> to vector<16xf32>
      tpu.vector_store_idx %arg17[%add3A_230, %broadcast_in_dim3A_242], %convert_element_type3A_245 : memref<640x4xf32, #tpu.memory_space<vmem>>[vector<16xi32>, vector<16xi32>], vector<16xf32>,
      %iota3A_246 = tpu.iota {dimensions = array<i32: 0>} : vector<16xi32>
      %add3A_247 = arith.constant 96 : i32
      %add3A_248 = vector.broadcast %add3A_247 : i32 to vector<16xi32>
      %add3A_249 = arith.addi %add3A_248, %iota3A_246 : vector<16xi32>
      %add3A_250 = arith.constant 96 : i32
      %add3A_251 = arith.addi %mul3A_20, %add3A_250 : i32
      %broadcast_in_dim3A_252 = arith.constant 0 : i32
      %broadcast_in_dim3A_253 = vector.broadcast %broadcast_in_dim3A_252 : i32 to vector<16xi32>
      %get3A_254 = arith.index_cast %add3A_251 : i32 to index
      %get3A_255 = tpu.vector_load %arg12[%get3A_254] {strides = array<i32>} : memref<3200xf32, #tpu.memory_space<vmem>>, vector<16xf32>,
      tpu.vector_store_idx %arg17[%add3A_249, %broadcast_in_dim3A_253], %get3A_255 : memref<640x4xf32, #tpu.memory_space<vmem>>[vector<16xi32>, vector<16xi32>], vector<16xf32>,
      %broadcast_in_dim3A_256 = arith.constant 1 : i32
      %broadcast_in_dim3A_257 = vector.broadcast %broadcast_in_dim3A_256 : i32 to vector<16xi32>
      %get3A_258 = arith.index_cast %add3A_251 : i32 to index
      %get3A_259 = tpu.vector_load %arg13[%get3A_258] {strides = array<i32>} : memref<3200xf32, #tpu.memory_space<vmem>>, vector<16xf32>,
      tpu.vector_store_idx %arg17[%add3A_249, %broadcast_in_dim3A_257], %get3A_259 : memref<640x4xf32, #tpu.memory_space<vmem>>[vector<16xi32>, vector<16xi32>], vector<16xf32>,
      %broadcast_in_dim3A_260 = arith.constant 2 : i32
      %broadcast_in_dim3A_261 = vector.broadcast %broadcast_in_dim3A_260 : i32 to vector<16xi32>
      %get3A_262 = arith.index_cast %add3A_251 : i32 to index
      %get3A_263 = tpu.vector_load %arg11[%get3A_262] {strides = array<i32>} : memref<3200xi32, #tpu.memory_space<vmem>>, vector<16xi32>,
      %convert_element_type3A_264 = arith.sitofp %get3A_263 : vector<16xi32> to vector<16xf32>
      tpu.vector_store_idx %arg17[%add3A_249, %broadcast_in_dim3A_261], %convert_element_type3A_264 : memref<640x4xf32, #tpu.memory_space<vmem>>[vector<16xi32>, vector<16xi32>], vector<16xf32>,
      %iota3A_265 = tpu.iota {dimensions = array<i32: 0>} : vector<16xi32>
      %add3A_266 = arith.constant 112 : i32
      %add3A_267 = vector.broadcast %add3A_266 : i32 to vector<16xi32>
      %add3A_268 = arith.addi %add3A_267, %iota3A_265 : vector<16xi32>
      %add3A_269 = arith.constant 112 : i32
      %add3A_270 = arith.addi %mul3A_20, %add3A_269 : i32
      %broadcast_in_dim3A_271 = arith.constant 0 : i32
      %broadcast_in_dim3A_272 = vector.broadcast %broadcast_in_dim3A_271 : i32 to vector<16xi32>
      %get3A_273 = arith.index_cast %add3A_270 : i32 to index
      %get3A_274 = tpu.vector_load %arg12[%get3A_273] {strides = array<i32>} : memref<3200xf32, #tpu.memory_space<vmem>>, vector<16xf32>,
      tpu.vector_store_idx %arg17[%add3A_268, %broadcast_in_dim3A_272], %get3A_274 : memref<640x4xf32, #tpu.memory_space<vmem>>[vector<16xi32>, vector<16xi32>], vector<16xf32>,
      %broadcast_in_dim3A_275 = arith.constant 1 : i32
      %broadcast_in_dim3A_276 = vector.broadcast %broadcast_in_dim3A_275 : i32 to vector<16xi32>
      %get3A_277 = arith.index_cast %add3A_270 : i32 to index
      %get3A_278 = tpu.vector_load %arg13[%get3A_277] {strides = array<i32>} : memref<3200xf32, #tpu.memory_space<vmem>>, vector<16xf32>,
      tpu.vector_store_idx %arg17[%add3A_268, %broadcast_in_dim3A_276], %get3A_278 : memref<640x4xf32, #tpu.memory_space<vmem>>[vector<16xi32>, vector<16xi32>], vector<16xf32>,
      %broadcast_in_dim3A_279 = arith.constant 2 : i32
      %broadcast_in_dim3A_280 = vector.broadcast %broadcast_in_dim3A_279 : i32 to vector<16xi32>
      %get3A_281 = arith.index_cast %add3A_270 : i32 to index
      %get3A_282 = tpu.vector_load %arg11[%get3A_281] {strides = array<i32>} : memref<3200xi32, #tpu.memory_space<vmem>>, vector<16xi32>,
      %convert_element_type3A_283 = arith.sitofp %get3A_282 : vector<16xi32> to vector<16xf32>
      tpu.vector_store_idx %arg17[%add3A_268, %broadcast_in_dim3A_280], %convert_element_type3A_283 : memref<640x4xf32, #tpu.memory_space<vmem>>[vector<16xi32>, vector<16xi32>], vector<16xf32>,
      %iota3A_284 = tpu.iota {dimensions = array<i32: 0>} : vector<16xi32>
      %add3A_285 = arith.constant 128 : i32
      %add3A_286 = vector.broadcast %add3A_285 : i32 to vector<16xi32>
      %add3A_287 = arith.addi %add3A_286, %iota3A_284 : vector<16xi32>
      %add3A_288 = arith.constant 128 : i32
      %add3A_289 = arith.addi %mul3A_20, %add3A_288 : i32
      %broadcast_in_dim3A_290 = arith.constant 0 : i32
      %broadcast_in_dim3A_291 = vector.broadcast %broadcast_in_dim3A_290 : i32 to vector<16xi32>
      %get3A_292 = arith.index_cast %add3A_289 : i32 to index
      %get3A_293 = tpu.vector_load %arg12[%get3A_292] {strides = array<i32>} : memref<3200xf32, #tpu.memory_space<vmem>>, vector<16xf32>,
      tpu.vector_store_idx %arg17[%add3A_287, %broadcast_in_dim3A_291], %get3A_293 : memref<640x4xf32, #tpu.memory_space<vmem>>[vector<16xi32>, vector<16xi32>], vector<16xf32>,
      %broadcast_in_dim3A_294 = arith.constant 1 : i32
      %broadcast_in_dim3A_295 = vector.broadcast %broadcast_in_dim3A_294 : i32 to vector<16xi32>
      %get3A_296 = arith.index_cast %add3A_289 : i32 to index
      %get3A_297 = tpu.vector_load %arg13[%get3A_296] {strides = array<i32>} : memref<3200xf32, #tpu.memory_space<vmem>>, vector<16xf32>,
      tpu.vector_store_idx %arg17[%add3A_287, %broadcast_in_dim3A_295], %get3A_297 : memref<640x4xf32, #tpu.memory_space<vmem>>[vector<16xi32>, vector<16xi32>], vector<16xf32>,
      %broadcast_in_dim3A_298 = arith.constant 2 : i32
      %broadcast_in_dim3A_299 = vector.broadcast %broadcast_in_dim3A_298 : i32 to vector<16xi32>
      %get3A_300 = arith.index_cast %add3A_289 : i32 to index
      %get3A_301 = tpu.vector_load %arg11[%get3A_300] {strides = array<i32>} : memref<3200xi32, #tpu.memory_space<vmem>>, vector<16xi32>,
      %convert_element_type3A_302 = arith.sitofp %get3A_301 : vector<16xi32> to vector<16xf32>
      tpu.vector_store_idx %arg17[%add3A_287, %broadcast_in_dim3A_299], %convert_element_type3A_302 : memref<640x4xf32, #tpu.memory_space<vmem>>[vector<16xi32>, vector<16xi32>], vector<16xf32>,
      %iota3A_303 = tpu.iota {dimensions = array<i32: 0>} : vector<16xi32>
      %add3A_304 = arith.constant 144 : i32
      %add3A_305 = vector.broadcast %add3A_304 : i32 to vector<16xi32>
      %add3A_306 = arith.addi %add3A_305, %iota3A_303 : vector<16xi32>
      %add3A_307 = arith.constant 144 : i32
      %add3A_308 = arith.addi %mul3A_20, %add3A_307 : i32
      %broadcast_in_dim3A_309 = arith.constant 0 : i32
      %broadcast_in_dim3A_310 = vector.broadcast %broadcast_in_dim3A_309 : i32 to vector<16xi32>
      %get3A_311 = arith.index_cast %add3A_308 : i32 to index
      %get3A_312 = tpu.vector_load %arg12[%get3A_311] {strides = array<i32>} : memref<3200xf32, #tpu.memory_space<vmem>>, vector<16xf32>,
      tpu.vector_store_idx %arg17[%add3A_306, %broadcast_in_dim3A_310], %get3A_312 : memref<640x4xf32, #tpu.memory_space<vmem>>[vector<16xi32>, vector<16xi32>], vector<16xf32>,
      %broadcast_in_dim3A_313 = arith.constant 1 : i32
      %broadcast_in_dim3A_314 = vector.broadcast %broadcast_in_dim3A_313 : i32 to vector<16xi32>
      %get3A_315 = arith.index_cast %add3A_308 : i32 to index
      %get3A_316 = tpu.vector_load %arg13[%get3A_315] {strides = array<i32>} : memref<3200xf32, #tpu.memory_space<vmem>>, vector<16xf32>,
      tpu.vector_store_idx %arg17[%add3A_306, %broadcast_in_dim3A_314], %get3A_316 : memref<640x4xf32, #tpu.memory_space<vmem>>[vector<16xi32>, vector<16xi32>], vector<16xf32>,
      %broadcast_in_dim3A_317 = arith.constant 2 : i32
      %broadcast_in_dim3A_318 = vector.broadcast %broadcast_in_dim3A_317 : i32 to vector<16xi32>
      %get3A_319 = arith.index_cast %add3A_308 : i32 to index
      %get3A_320 = tpu.vector_load %arg11[%get3A_319] {strides = array<i32>} : memref<3200xi32, #tpu.memory_space<vmem>>, vector<16xi32>,
      %convert_element_type3A_321 = arith.sitofp %get3A_320 : vector<16xi32> to vector<16xf32>
      tpu.vector_store_idx %arg17[%add3A_306, %broadcast_in_dim3A_318], %convert_element_type3A_321 : memref<640x4xf32, #tpu.memory_space<vmem>>[vector<16xi32>, vector<16xi32>], vector<16xf32>,
      %iota3A_322 = tpu.iota {dimensions = array<i32: 0>} : vector<16xi32>
      %add3A_323 = arith.constant 160 : i32
      %add3A_324 = vector.broadcast %add3A_323 : i32 to vector<16xi32>
      %add3A_325 = arith.addi %add3A_324, %iota3A_322 : vector<16xi32>
      %add3A_326 = arith.constant 160 : i32
      %add3A_327 = arith.addi %mul3A_20, %add3A_326 : i32
      %broadcast_in_dim3A_328 = arith.constant 0 : i32
      %broadcast_in_dim3A_329 = vector.broadcast %broadcast_in_dim3A_328 : i32 to vector<16xi32>
      %get3A_330 = arith.index_cast %add3A_327 : i32 to index
      %get3A_331 = tpu.vector_load %arg12[%get3A_330] {strides = array<i32>} : memref<3200xf32, #tpu.memory_space<vmem>>, vector<16xf32>,
      tpu.vector_store_idx %arg17[%add3A_325, %broadcast_in_dim3A_329], %get3A_331 : memref<640x4xf32, #tpu.memory_space<vmem>>[vector<16xi32>, vector<16xi32>], vector<16xf32>,
      %broadcast_in_dim3A_332 = arith.constant 1 : i32
      %broadcast_in_dim3A_333 = vector.broadcast %broadcast_in_dim3A_332 : i32 to vector<16xi32>
      %get3A_334 = arith.index_cast %add3A_327 : i32 to index
      %get3A_335 = tpu.vector_load %arg13[%get3A_334] {strides = array<i32>} : memref<3200xf32, #tpu.memory_space<vmem>>, vector<16xf32>,
      tpu.vector_store_idx %arg17[%add3A_325, %broadcast_in_dim3A_333], %get3A_335 : memref<640x4xf32, #tpu.memory_space<vmem>>[vector<16xi32>, vector<16xi32>], vector<16xf32>,
      %broadcast_in_dim3A_336 = arith.constant 2 : i32
      %broadcast_in_dim3A_337 = vector.broadcast %broadcast_in_dim3A_336 : i32 to vector<16xi32>
      %get3A_338 = arith.index_cast %add3A_327 : i32 to index
      %get3A_339 = tpu.vector_load %arg11[%get3A_338] {strides = array<i32>} : memref<3200xi32, #tpu.memory_space<vmem>>, vector<16xi32>,
      %convert_element_type3A_340 = arith.sitofp %get3A_339 : vector<16xi32> to vector<16xf32>
      tpu.vector_store_idx %arg17[%add3A_325, %broadcast_in_dim3A_337], %convert_element_type3A_340 : memref<640x4xf32, #tpu.memory_space<vmem>>[vector<16xi32>, vector<16xi32>], vector<16xf32>,
      %iota3A_341 = tpu.iota {dimensions = array<i32: 0>} : vector<16xi32>
      %add3A_342 = arith.constant 176 : i32
      %add3A_343 = vector.broadcast %add3A_342 : i32 to vector<16xi32>
      %add3A_344 = arith.addi %add3A_343, %iota3A_341 : vector<16xi32>
      %add3A_345 = arith.constant 176 : i32
      %add3A_346 = arith.addi %mul3A_20, %add3A_345 : i32
      %broadcast_in_dim3A_347 = arith.constant 0 : i32
      %broadcast_in_dim3A_348 = vector.broadcast %broadcast_in_dim3A_347 : i32 to vector<16xi32>
      %get3A_349 = arith.index_cast %add3A_346 : i32 to index
      %get3A_350 = tpu.vector_load %arg12[%get3A_349] {strides = array<i32>} : memref<3200xf32, #tpu.memory_space<vmem>>, vector<16xf32>,
      tpu.vector_store_idx %arg17[%add3A_344, %broadcast_in_dim3A_348], %get3A_350 : memref<640x4xf32, #tpu.memory_space<vmem>>[vector<16xi32>, vector<16xi32>], vector<16xf32>,
      %broadcast_in_dim3A_351 = arith.constant 1 : i32
      %broadcast_in_dim3A_352 = vector.broadcast %broadcast_in_dim3A_351 : i32 to vector<16xi32>
      %get3A_353 = arith.index_cast %add3A_346 : i32 to index
      %get3A_354 = tpu.vector_load %arg13[%get3A_353] {strides = array<i32>} : memref<3200xf32, #tpu.memory_space<vmem>>, vector<16xf32>,
      tpu.vector_store_idx %arg17[%add3A_344, %broadcast_in_dim3A_352], %get3A_354 : memref<640x4xf32, #tpu.memory_space<vmem>>[vector<16xi32>, vector<16xi32>], vector<16xf32>,
      %broadcast_in_dim3A_355 = arith.constant 2 : i32
      %broadcast_in_dim3A_356 = vector.broadcast %broadcast_in_dim3A_355 : i32 to vector<16xi32>
      %get3A_357 = arith.index_cast %add3A_346 : i32 to index
      %get3A_358 = tpu.vector_load %arg11[%get3A_357] {strides = array<i32>} : memref<3200xi32, #tpu.memory_space<vmem>>, vector<16xi32>,
      %convert_element_type3A_359 = arith.sitofp %get3A_358 : vector<16xi32> to vector<16xf32>
      tpu.vector_store_idx %arg17[%add3A_344, %broadcast_in_dim3A_356], %convert_element_type3A_359 : memref<640x4xf32, #tpu.memory_space<vmem>>[vector<16xi32>, vector<16xi32>], vector<16xf32>,
      %iota3A_360 = tpu.iota {dimensions = array<i32: 0>} : vector<16xi32>
      %add3A_361 = arith.constant 192 : i32
      %add3A_362 = vector.broadcast %add3A_361 : i32 to vector<16xi32>
      %add3A_363 = arith.addi %add3A_362, %iota3A_360 : vector<16xi32>
      %add3A_364 = arith.constant 192 : i32
      %add3A_365 = arith.addi %mul3A_20, %add3A_364 : i32
      %broadcast_in_dim3A_366 = arith.constant 0 : i32
      %broadcast_in_dim3A_367 = vector.broadcast %broadcast_in_dim3A_366 : i32 to vector<16xi32>
      %get3A_368 = arith.index_cast %add3A_365 : i32 to index
      %get3A_369 = tpu.vector_load %arg12[%get3A_368] {strides = array<i32>} : memref<3200xf32, #tpu.memory_space<vmem>>, vector<16xf32>,
      tpu.vector_store_idx %arg17[%add3A_363, %broadcast_in_dim3A_367], %get3A_369 : memref<640x4xf32, #tpu.memory_space<vmem>>[vector<16xi32>, vector<16xi32>], vector<16xf32>,
      %broadcast_in_dim3A_370 = arith.constant 1 : i32
      %broadcast_in_dim3A_371 = vector.broadcast %broadcast_in_dim3A_370 : i32 to vector<16xi32>
      %get3A_372 = arith.index_cast %add3A_365 : i32 to index
      %get3A_373 = tpu.vector_load %arg13[%get3A_372] {strides = array<i32>} : memref<3200xf32, #tpu.memory_space<vmem>>, vector<16xf32>,
      tpu.vector_store_idx %arg17[%add3A_363, %broadcast_in_dim3A_371], %get3A_373 : memref<640x4xf32, #tpu.memory_space<vmem>>[vector<16xi32>, vector<16xi32>], vector<16xf32>,
      %broadcast_in_dim3A_374 = arith.constant 2 : i32
      %broadcast_in_dim3A_375 = vector.broadcast %broadcast_in_dim3A_374 : i32 to vector<16xi32>
      %get3A_376 = arith.index_cast %add3A_365 : i32 to index
      %get3A_377 = tpu.vector_load %arg11[%get3A_376] {strides = array<i32>} : memref<3200xi32, #tpu.memory_space<vmem>>, vector<16xi32>,
      %convert_element_type3A_378 = arith.sitofp %get3A_377 : vector<16xi32> to vector<16xf32>
      tpu.vector_store_idx %arg17[%add3A_363, %broadcast_in_dim3A_375], %convert_element_type3A_378 : memref<640x4xf32, #tpu.memory_space<vmem>>[vector<16xi32>, vector<16xi32>], vector<16xf32>,
      %iota3A_379 = tpu.iota {dimensions = array<i32: 0>} : vector<16xi32>
      %add3A_380 = arith.constant 208 : i32
      %add3A_381 = vector.broadcast %add3A_380 : i32 to vector<16xi32>
      %add3A_382 = arith.addi %add3A_381, %iota3A_379 : vector<16xi32>
      %add3A_383 = arith.constant 208 : i32
      %add3A_384 = arith.addi %mul3A_20, %add3A_383 : i32
      %broadcast_in_dim3A_385 = arith.constant 0 : i32
      %broadcast_in_dim3A_386 = vector.broadcast %broadcast_in_dim3A_385 : i32 to vector<16xi32>
      %get3A_387 = arith.index_cast %add3A_384 : i32 to index
      %get3A_388 = tpu.vector_load %arg12[%get3A_387] {strides = array<i32>} : memref<3200xf32, #tpu.memory_space<vmem>>, vector<16xf32>,
      tpu.vector_store_idx %arg17[%add3A_382, %broadcast_in_dim3A_386], %get3A_388 : memref<640x4xf32, #tpu.memory_space<vmem>>[vector<16xi32>, vector<16xi32>], vector<16xf32>,
      %broadcast_in_dim3A_389 = arith.constant 1 : i32
      %broadcast_in_dim3A_390 = vector.broadcast %broadcast_in_dim3A_389 : i32 to vector<16xi32>
      %get3A_391 = arith.index_cast %add3A_384 : i32 to index
      %get3A_392 = tpu.vector_load %arg13[%get3A_391] {strides = array<i32>} : memref<3200xf32, #tpu.memory_space<vmem>>, vector<16xf32>,
      tpu.vector_store_idx %arg17[%add3A_382, %broadcast_in_dim3A_390], %get3A_392 : memref<640x4xf32, #tpu.memory_space<vmem>>[vector<16xi32>, vector<16xi32>], vector<16xf32>,
      %broadcast_in_dim3A_393 = arith.constant 2 : i32
      %broadcast_in_dim3A_394 = vector.broadcast %broadcast_in_dim3A_393 : i32 to vector<16xi32>
      %get3A_395 = arith.index_cast %add3A_384 : i32 to index
      %get3A_396 = tpu.vector_load %arg11[%get3A_395] {strides = array<i32>} : memref<3200xi32, #tpu.memory_space<vmem>>, vector<16xi32>,
      %convert_element_type3A_397 = arith.sitofp %get3A_396 : vector<16xi32> to vector<16xf32>
      tpu.vector_store_idx %arg17[%add3A_382, %broadcast_in_dim3A_394], %convert_element_type3A_397 : memref<640x4xf32, #tpu.memory_space<vmem>>[vector<16xi32>, vector<16xi32>], vector<16xf32>,
      %iota3A_398 = tpu.iota {dimensions = array<i32: 0>} : vector<16xi32>
      %add3A_399 = arith.constant 224 : i32
      %add3A_400 = vector.broadcast %add3A_399 : i32 to vector<16xi32>
      %add3A_401 = arith.addi %add3A_400, %iota3A_398 : vector<16xi32>
      %add3A_402 = arith.constant 224 : i32
      %add3A_403 = arith.addi %mul3A_20, %add3A_402 : i32
      %broadcast_in_dim3A_404 = arith.constant 0 : i32
      %broadcast_in_dim3A_405 = vector.broadcast %broadcast_in_dim3A_404 : i32 to vector<16xi32>
      %get3A_406 = arith.index_cast %add3A_403 : i32 to index
      %get3A_407 = tpu.vector_load %arg12[%get3A_406] {strides = array<i32>} : memref<3200xf32, #tpu.memory_space<vmem>>, vector<16xf32>,
      tpu.vector_store_idx %arg17[%add3A_401, %broadcast_in_dim3A_405], %get3A_407 : memref<640x4xf32, #tpu.memory_space<vmem>>[vector<16xi32>, vector<16xi32>], vector<16xf32>,
      %broadcast_in_dim3A_408 = arith.constant 1 : i32
      %broadcast_in_dim3A_409 = vector.broadcast %broadcast_in_dim3A_408 : i32 to vector<16xi32>
      %get3A_410 = arith.index_cast %add3A_403 : i32 to index
      %get3A_411 = tpu.vector_load %arg13[%get3A_410] {strides = array<i32>} : memref<3200xf32, #tpu.memory_space<vmem>>, vector<16xf32>,
      tpu.vector_store_idx %arg17[%add3A_401, %broadcast_in_dim3A_409], %get3A_411 : memref<640x4xf32, #tpu.memory_space<vmem>>[vector<16xi32>, vector<16xi32>], vector<16xf32>,
      %broadcast_in_dim3A_412 = arith.constant 2 : i32
      %broadcast_in_dim3A_413 = vector.broadcast %broadcast_in_dim3A_412 : i32 to vector<16xi32>
      %get3A_414 = arith.index_cast %add3A_403 : i32 to index
      %get3A_415 = tpu.vector_load %arg11[%get3A_414] {strides = array<i32>} : memref<3200xi32, #tpu.memory_space<vmem>>, vector<16xi32>,
      %convert_element_type3A_416 = arith.sitofp %get3A_415 : vector<16xi32> to vector<16xf32>
      tpu.vector_store_idx %arg17[%add3A_401, %broadcast_in_dim3A_413], %convert_element_type3A_416 : memref<640x4xf32, #tpu.memory_space<vmem>>[vector<16xi32>, vector<16xi32>], vector<16xf32>,
      %iota3A_417 = tpu.iota {dimensions = array<i32: 0>} : vector<16xi32>
      %add3A_418 = arith.constant 240 : i32
      %add3A_419 = vector.broadcast %add3A_418 : i32 to vector<16xi32>
      %add3A_420 = arith.addi %add3A_419, %iota3A_417 : vector<16xi32>
      %add3A_421 = arith.constant 240 : i32
      %add3A_422 = arith.addi %mul3A_20, %add3A_421 : i32
      %broadcast_in_dim3A_423 = arith.constant 0 : i32
      %broadcast_in_dim3A_424 = vector.broadcast %broadcast_in_dim3A_423 : i32 to vector<16xi32>
      %get3A_425 = arith.index_cast %add3A_422 : i32 to index
      %get3A_426 = tpu.vector_load %arg12[%get3A_425] {strides = array<i32>} : memref<3200xf32, #tpu.memory_space<vmem>>, vector<16xf32>,
      tpu.vector_store_idx %arg17[%add3A_420, %broadcast_in_dim3A_424], %get3A_426 : memref<640x4xf32, #tpu.memory_space<vmem>>[vector<16xi32>, vector<16xi32>], vector<16xf32>,
      %broadcast_in_dim3A_427 = arith.constant 1 : i32
      %broadcast_in_dim3A_428 = vector.broadcast %broadcast_in_dim3A_427 : i32 to vector<16xi32>
      %get3A_429 = arith.index_cast %add3A_422 : i32 to index
      %get3A_430 = tpu.vector_load %arg13[%get3A_429] {strides = array<i32>} : memref<3200xf32, #tpu.memory_space<vmem>>, vector<16xf32>,
      tpu.vector_store_idx %arg17[%add3A_420, %broadcast_in_dim3A_428], %get3A_430 : memref<640x4xf32, #tpu.memory_space<vmem>>[vector<16xi32>, vector<16xi32>], vector<16xf32>,
      %broadcast_in_dim3A_431 = arith.constant 2 : i32
      %broadcast_in_dim3A_432 = vector.broadcast %broadcast_in_dim3A_431 : i32 to vector<16xi32>
      %get3A_433 = arith.index_cast %add3A_422 : i32 to index
      %get3A_434 = tpu.vector_load %arg11[%get3A_433] {strides = array<i32>} : memref<3200xi32, #tpu.memory_space<vmem>>, vector<16xi32>,
      %convert_element_type3A_435 = arith.sitofp %get3A_434 : vector<16xi32> to vector<16xf32>
      tpu.vector_store_idx %arg17[%add3A_420, %broadcast_in_dim3A_432], %convert_element_type3A_435 : memref<640x4xf32, #tpu.memory_space<vmem>>[vector<16xi32>, vector<16xi32>], vector<16xf32>,
      %iota3A_436 = tpu.iota {dimensions = array<i32: 0>} : vector<16xi32>
      %add3A_437 = arith.constant 256 : i32
      %add3A_438 = vector.broadcast %add3A_437 : i32 to vector<16xi32>
      %add3A_439 = arith.addi %add3A_438, %iota3A_436 : vector<16xi32>
      %add3A_440 = arith.constant 256 : i32
      %add3A_441 = arith.addi %mul3A_20, %add3A_440 : i32
      %broadcast_in_dim3A_442 = arith.constant 0 : i32
      %broadcast_in_dim3A_443 = vector.broadcast %broadcast_in_dim3A_442 : i32 to vector<16xi32>
      %get3A_444 = arith.index_cast %add3A_441 : i32 to index
      %get3A_445 = tpu.vector_load %arg12[%get3A_444] {strides = array<i32>} : memref<3200xf32, #tpu.memory_space<vmem>>, vector<16xf32>,
      tpu.vector_store_idx %arg17[%add3A_439, %broadcast_in_dim3A_443], %get3A_445 : memref<640x4xf32, #tpu.memory_space<vmem>>[vector<16xi32>, vector<16xi32>], vector<16xf32>,
      %broadcast_in_dim3A_446 = arith.constant 1 : i32
      %broadcast_in_dim3A_447 = vector.broadcast %broadcast_in_dim3A_446 : i32 to vector<16xi32>
      %get3A_448 = arith.index_cast %add3A_441 : i32 to index
      %get3A_449 = tpu.vector_load %arg13[%get3A_448] {strides = array<i32>} : memref<3200xf32, #tpu.memory_space<vmem>>, vector<16xf32>,
      tpu.vector_store_idx %arg17[%add3A_439, %broadcast_in_dim3A_447], %get3A_449 : memref<640x4xf32, #tpu.memory_space<vmem>>[vector<16xi32>, vector<16xi32>], vector<16xf32>,
      %broadcast_in_dim3A_450 = arith.constant 2 : i32
      %broadcast_in_dim3A_451 = vector.broadcast %broadcast_in_dim3A_450 : i32 to vector<16xi32>
      %get3A_452 = arith.index_cast %add3A_441 : i32 to index
      %get3A_453 = tpu.vector_load %arg11[%get3A_452] {strides = array<i32>} : memref<3200xi32, #tpu.memory_space<vmem>>, vector<16xi32>,
      %convert_element_type3A_454 = arith.sitofp %get3A_453 : vector<16xi32> to vector<16xf32>
      tpu.vector_store_idx %arg17[%add3A_439, %broadcast_in_dim3A_451], %convert_element_type3A_454 : memref<640x4xf32, #tpu.memory_space<vmem>>[vector<16xi32>, vector<16xi32>], vector<16xf32>,
      %iota3A_455 = tpu.iota {dimensions = array<i32: 0>} : vector<16xi32>
      %add3A_456 = arith.constant 272 : i32
      %add3A_457 = vector.broadcast %add3A_456 : i32 to vector<16xi32>
      %add3A_458 = arith.addi %add3A_457, %iota3A_455 : vector<16xi32>
      %add3A_459 = arith.constant 272 : i32
      %add3A_460 = arith.addi %mul3A_20, %add3A_459 : i32
      %broadcast_in_dim3A_461 = arith.constant 0 : i32
      %broadcast_in_dim3A_462 = vector.broadcast %broadcast_in_dim3A_461 : i32 to vector<16xi32>
      %get3A_463 = arith.index_cast %add3A_460 : i32 to index
      %get3A_464 = tpu.vector_load %arg12[%get3A_463] {strides = array<i32>} : memref<3200xf32, #tpu.memory_space<vmem>>, vector<16xf32>,
      tpu.vector_store_idx %arg17[%add3A_458, %broadcast_in_dim3A_462], %get3A_464 : memref<640x4xf32, #tpu.memory_space<vmem>>[vector<16xi32>, vector<16xi32>], vector<16xf32>,
      %broadcast_in_dim3A_465 = arith.constant 1 : i32
      %broadcast_in_dim3A_466 = vector.broadcast %broadcast_in_dim3A_465 : i32 to vector<16xi32>
      %get3A_467 = arith.index_cast %add3A_460 : i32 to index
      %get3A_468 = tpu.vector_load %arg13[%get3A_467] {strides = array<i32>} : memref<3200xf32, #tpu.memory_space<vmem>>, vector<16xf32>,
      tpu.vector_store_idx %arg17[%add3A_458, %broadcast_in_dim3A_466], %get3A_468 : memref<640x4xf32, #tpu.memory_space<vmem>>[vector<16xi32>, vector<16xi32>], vector<16xf32>,
      %broadcast_in_dim3A_469 = arith.constant 2 : i32
      %broadcast_in_dim3A_470 = vector.broadcast %broadcast_in_dim3A_469 : i32 to vector<16xi32>
      %get3A_471 = arith.index_cast %add3A_460 : i32 to index
      %get3A_472 = tpu.vector_load %arg11[%get3A_471] {strides = array<i32>} : memref<3200xi32, #tpu.memory_space<vmem>>, vector<16xi32>,
      %convert_element_type3A_473 = arith.sitofp %get3A_472 : vector<16xi32> to vector<16xf32>
      tpu.vector_store_idx %arg17[%add3A_458, %broadcast_in_dim3A_470], %convert_element_type3A_473 : memref<640x4xf32, #tpu.memory_space<vmem>>[vector<16xi32>, vector<16xi32>], vector<16xf32>,
      %iota3A_474 = tpu.iota {dimensions = array<i32: 0>} : vector<16xi32>
      %add3A_475 = arith.constant 288 : i32
      %add3A_476 = vector.broadcast %add3A_475 : i32 to vector<16xi32>
      %add3A_477 = arith.addi %add3A_476, %iota3A_474 : vector<16xi32>
      %add3A_478 = arith.constant 288 : i32
      %add3A_479 = arith.addi %mul3A_20, %add3A_478 : i32
      %broadcast_in_dim3A_480 = arith.constant 0 : i32
      %broadcast_in_dim3A_481 = vector.broadcast %broadcast_in_dim3A_480 : i32 to vector<16xi32>
      %get3A_482 = arith.index_cast %add3A_479 : i32 to index
      %get3A_483 = tpu.vector_load %arg12[%get3A_482] {strides = array<i32>} : memref<3200xf32, #tpu.memory_space<vmem>>, vector<16xf32>,
      tpu.vector_store_idx %arg17[%add3A_477, %broadcast_in_dim3A_481], %get3A_483 : memref<640x4xf32, #tpu.memory_space<vmem>>[vector<16xi32>, vector<16xi32>], vector<16xf32>,
      %broadcast_in_dim3A_484 = arith.constant 1 : i32
      %broadcast_in_dim3A_485 = vector.broadcast %broadcast_in_dim3A_484 : i32 to vector<16xi32>
      %get3A_486 = arith.index_cast %add3A_479 : i32 to index
      %get3A_487 = tpu.vector_load %arg13[%get3A_486] {strides = array<i32>} : memref<3200xf32, #tpu.memory_space<vmem>>, vector<16xf32>,
      tpu.vector_store_idx %arg17[%add3A_477, %broadcast_in_dim3A_485], %get3A_487 : memref<640x4xf32, #tpu.memory_space<vmem>>[vector<16xi32>, vector<16xi32>], vector<16xf32>,
      %broadcast_in_dim3A_488 = arith.constant 2 : i32
      %broadcast_in_dim3A_489 = vector.broadcast %broadcast_in_dim3A_488 : i32 to vector<16xi32>
      %get3A_490 = arith.index_cast %add3A_479 : i32 to index
      %get3A_491 = tpu.vector_load %arg11[%get3A_490] {strides = array<i32>} : memref<3200xi32, #tpu.memory_space<vmem>>, vector<16xi32>,
      %convert_element_type3A_492 = arith.sitofp %get3A_491 : vector<16xi32> to vector<16xf32>
      tpu.vector_store_idx %arg17[%add3A_477, %broadcast_in_dim3A_489], %convert_element_type3A_492 : memref<640x4xf32, #tpu.memory_space<vmem>>[vector<16xi32>, vector<16xi32>], vector<16xf32>,
      %iota3A_493 = tpu.iota {dimensions = array<i32: 0>} : vector<16xi32>
      %add3A_494 = arith.constant 304 : i32
      %add3A_495 = vector.broadcast %add3A_494 : i32 to vector<16xi32>
      %add3A_496 = arith.addi %add3A_495, %iota3A_493 : vector<16xi32>
      %add3A_497 = arith.constant 304 : i32
      %add3A_498 = arith.addi %mul3A_20, %add3A_497 : i32
      %broadcast_in_dim3A_499 = arith.constant 0 : i32
      %broadcast_in_dim3A_500 = vector.broadcast %broadcast_in_dim3A_499 : i32 to vector<16xi32>
      %get3A_501 = arith.index_cast %add3A_498 : i32 to index
      %get3A_502 = tpu.vector_load %arg12[%get3A_501] {strides = array<i32>} : memref<3200xf32, #tpu.memory_space<vmem>>, vector<16xf32>,
      tpu.vector_store_idx %arg17[%add3A_496, %broadcast_in_dim3A_500], %get3A_502 : memref<640x4xf32, #tpu.memory_space<vmem>>[vector<16xi32>, vector<16xi32>], vector<16xf32>,
      %broadcast_in_dim3A_503 = arith.constant 1 : i32
      %broadcast_in_dim3A_504 = vector.broadcast %broadcast_in_dim3A_503 : i32 to vector<16xi32>
      %get3A_505 = arith.index_cast %add3A_498 : i32 to index
      %get3A_506 = tpu.vector_load %arg13[%get3A_505] {strides = array<i32>} : memref<3200xf32, #tpu.memory_space<vmem>>, vector<16xf32>,
      tpu.vector_store_idx %arg17[%add3A_496, %broadcast_in_dim3A_504], %get3A_506 : memref<640x4xf32, #tpu.memory_space<vmem>>[vector<16xi32>, vector<16xi32>], vector<16xf32>,
      %broadcast_in_dim3A_507 = arith.constant 2 : i32
      %broadcast_in_dim3A_508 = vector.broadcast %broadcast_in_dim3A_507 : i32 to vector<16xi32>
      %get3A_509 = arith.index_cast %add3A_498 : i32 to index
      %get3A_510 = tpu.vector_load %arg11[%get3A_509] {strides = array<i32>} : memref<3200xi32, #tpu.memory_space<vmem>>, vector<16xi32>,
      %convert_element_type3A_511 = arith.sitofp %get3A_510 : vector<16xi32> to vector<16xf32>
      tpu.vector_store_idx %arg17[%add3A_496, %broadcast_in_dim3A_508], %convert_element_type3A_511 : memref<640x4xf32, #tpu.memory_space<vmem>>[vector<16xi32>, vector<16xi32>], vector<16xf32>,
      %iota3A_512 = tpu.iota {dimensions = array<i32: 0>} : vector<16xi32>
      %add3A_513 = arith.constant 320 : i32
      %add3A_514 = vector.broadcast %add3A_513 : i32 to vector<16xi32>
      %add3A_515 = arith.addi %add3A_514, %iota3A_512 : vector<16xi32>
      %add3A_516 = arith.constant 320 : i32
      %add3A_517 = arith.addi %mul3A_20, %add3A_516 : i32
      %broadcast_in_dim3A_518 = arith.constant 0 : i32
      %broadcast_in_dim3A_519 = vector.broadcast %broadcast_in_dim3A_518 : i32 to vector<16xi32>
      %get3A_520 = arith.index_cast %add3A_517 : i32 to index
      %get3A_521 = tpu.vector_load %arg12[%get3A_520] {strides = array<i32>} : memref<3200xf32, #tpu.memory_space<vmem>>, vector<16xf32>,
      tpu.vector_store_idx %arg17[%add3A_515, %broadcast_in_dim3A_519], %get3A_521 : memref<640x4xf32, #tpu.memory_space<vmem>>[vector<16xi32>, vector<16xi32>], vector<16xf32>,
      %broadcast_in_dim3A_522 = arith.constant 1 : i32
      %broadcast_in_dim3A_523 = vector.broadcast %broadcast_in_dim3A_522 : i32 to vector<16xi32>
      %get3A_524 = arith.index_cast %add3A_517 : i32 to index
      %get3A_525 = tpu.vector_load %arg13[%get3A_524] {strides = array<i32>} : memref<3200xf32, #tpu.memory_space<vmem>>, vector<16xf32>,
      tpu.vector_store_idx %arg17[%add3A_515, %broadcast_in_dim3A_523], %get3A_525 : memref<640x4xf32, #tpu.memory_space<vmem>>[vector<16xi32>, vector<16xi32>], vector<16xf32>,
      %broadcast_in_dim3A_526 = arith.constant 2 : i32
      %broadcast_in_dim3A_527 = vector.broadcast %broadcast_in_dim3A_526 : i32 to vector<16xi32>
      %get3A_528 = arith.index_cast %add3A_517 : i32 to index
      %get3A_529 = tpu.vector_load %arg11[%get3A_528] {strides = array<i32>} : memref<3200xi32, #tpu.memory_space<vmem>>, vector<16xi32>,
      %convert_element_type3A_530 = arith.sitofp %get3A_529 : vector<16xi32> to vector<16xf32>
      tpu.vector_store_idx %arg17[%add3A_515, %broadcast_in_dim3A_527], %convert_element_type3A_530 : memref<640x4xf32, #tpu.memory_space<vmem>>[vector<16xi32>, vector<16xi32>], vector<16xf32>,
      %iota3A_531 = tpu.iota {dimensions = array<i32: 0>} : vector<16xi32>
      %add3A_532 = arith.constant 336 : i32
      %add3A_533 = vector.broadcast %add3A_532 : i32 to vector<16xi32>
      %add3A_534 = arith.addi %add3A_533, %iota3A_531 : vector<16xi32>
      %add3A_535 = arith.constant 336 : i32
      %add3A_536 = arith.addi %mul3A_20, %add3A_535 : i32
      %broadcast_in_dim3A_537 = arith.constant 0 : i32
      %broadcast_in_dim3A_538 = vector.broadcast %broadcast_in_dim3A_537 : i32 to vector<16xi32>
      %get3A_539 = arith.index_cast %add3A_536 : i32 to index
      %get3A_540 = tpu.vector_load %arg12[%get3A_539] {strides = array<i32>} : memref<3200xf32, #tpu.memory_space<vmem>>, vector<16xf32>,
      tpu.vector_store_idx %arg17[%add3A_534, %broadcast_in_dim3A_538], %get3A_540 : memref<640x4xf32, #tpu.memory_space<vmem>>[vector<16xi32>, vector<16xi32>], vector<16xf32>,
      %broadcast_in_dim3A_541 = arith.constant 1 : i32
      %broadcast_in_dim3A_542 = vector.broadcast %broadcast_in_dim3A_541 : i32 to vector<16xi32>
      %get3A_543 = arith.index_cast %add3A_536 : i32 to index
      %get3A_544 = tpu.vector_load %arg13[%get3A_543] {strides = array<i32>} : memref<3200xf32, #tpu.memory_space<vmem>>, vector<16xf32>,
      tpu.vector_store_idx %arg17[%add3A_534, %broadcast_in_dim3A_542], %get3A_544 : memref<640x4xf32, #tpu.memory_space<vmem>>[vector<16xi32>, vector<16xi32>], vector<16xf32>,
      %broadcast_in_dim3A_545 = arith.constant 2 : i32
      %broadcast_in_dim3A_546 = vector.broadcast %broadcast_in_dim3A_545 : i32 to vector<16xi32>
      %get3A_547 = arith.index_cast %add3A_536 : i32 to index
      %get3A_548 = tpu.vector_load %arg11[%get3A_547] {strides = array<i32>} : memref<3200xi32, #tpu.memory_space<vmem>>, vector<16xi32>,
      %convert_element_type3A_549 = arith.sitofp %get3A_548 : vector<16xi32> to vector<16xf32>
      tpu.vector_store_idx %arg17[%add3A_534, %broadcast_in_dim3A_546], %convert_element_type3A_549 : memref<640x4xf32, #tpu.memory_space<vmem>>[vector<16xi32>, vector<16xi32>], vector<16xf32>,
      %iota3A_550 = tpu.iota {dimensions = array<i32: 0>} : vector<16xi32>
      %add3A_551 = arith.constant 352 : i32
      %add3A_552 = vector.broadcast %add3A_551 : i32 to vector<16xi32>
      %add3A_553 = arith.addi %add3A_552, %iota3A_550 : vector<16xi32>
      %add3A_554 = arith.constant 352 : i32
      %add3A_555 = arith.addi %mul3A_20, %add3A_554 : i32
      %broadcast_in_dim3A_556 = arith.constant 0 : i32
      %broadcast_in_dim3A_557 = vector.broadcast %broadcast_in_dim3A_556 : i32 to vector<16xi32>
      %get3A_558 = arith.index_cast %add3A_555 : i32 to index
      %get3A_559 = tpu.vector_load %arg12[%get3A_558] {strides = array<i32>} : memref<3200xf32, #tpu.memory_space<vmem>>, vector<16xf32>,
      tpu.vector_store_idx %arg17[%add3A_553, %broadcast_in_dim3A_557], %get3A_559 : memref<640x4xf32, #tpu.memory_space<vmem>>[vector<16xi32>, vector<16xi32>], vector<16xf32>,
      %broadcast_in_dim3A_560 = arith.constant 1 : i32
      %broadcast_in_dim3A_561 = vector.broadcast %broadcast_in_dim3A_560 : i32 to vector<16xi32>
      %get3A_562 = arith.index_cast %add3A_555 : i32 to index
      %get3A_563 = tpu.vector_load %arg13[%get3A_562] {strides = array<i32>} : memref<3200xf32, #tpu.memory_space<vmem>>, vector<16xf32>,
      tpu.vector_store_idx %arg17[%add3A_553, %broadcast_in_dim3A_561], %get3A_563 : memref<640x4xf32, #tpu.memory_space<vmem>>[vector<16xi32>, vector<16xi32>], vector<16xf32>,
      %broadcast_in_dim3A_564 = arith.constant 2 : i32
      %broadcast_in_dim3A_565 = vector.broadcast %broadcast_in_dim3A_564 : i32 to vector<16xi32>
      %get3A_566 = arith.index_cast %add3A_555 : i32 to index
      %get3A_567 = tpu.vector_load %arg11[%get3A_566] {strides = array<i32>} : memref<3200xi32, #tpu.memory_space<vmem>>, vector<16xi32>,
      %convert_element_type3A_568 = arith.sitofp %get3A_567 : vector<16xi32> to vector<16xf32>
      tpu.vector_store_idx %arg17[%add3A_553, %broadcast_in_dim3A_565], %convert_element_type3A_568 : memref<640x4xf32, #tpu.memory_space<vmem>>[vector<16xi32>, vector<16xi32>], vector<16xf32>,
      %iota3A_569 = tpu.iota {dimensions = array<i32: 0>} : vector<16xi32>
      %add3A_570 = arith.constant 368 : i32
      %add3A_571 = vector.broadcast %add3A_570 : i32 to vector<16xi32>
      %add3A_572 = arith.addi %add3A_571, %iota3A_569 : vector<16xi32>
      %add3A_573 = arith.constant 368 : i32
      %add3A_574 = arith.addi %mul3A_20, %add3A_573 : i32
      %broadcast_in_dim3A_575 = arith.constant 0 : i32
      %broadcast_in_dim3A_576 = vector.broadcast %broadcast_in_dim3A_575 : i32 to vector<16xi32>
      %get3A_577 = arith.index_cast %add3A_574 : i32 to index
      %get3A_578 = tpu.vector_load %arg12[%get3A_577] {strides = array<i32>} : memref<3200xf32, #tpu.memory_space<vmem>>, vector<16xf32>,
      tpu.vector_store_idx %arg17[%add3A_572, %broadcast_in_dim3A_576], %get3A_578 : memref<640x4xf32, #tpu.memory_space<vmem>>[vector<16xi32>, vector<16xi32>], vector<16xf32>,
      %broadcast_in_dim3A_579 = arith.constant 1 : i32
      %broadcast_in_dim3A_580 = vector.broadcast %broadcast_in_dim3A_579 : i32 to vector<16xi32>
      %get3A_581 = arith.index_cast %add3A_574 : i32 to index
      %get3A_582 = tpu.vector_load %arg13[%get3A_581] {strides = array<i32>} : memref<3200xf32, #tpu.memory_space<vmem>>, vector<16xf32>,
      tpu.vector_store_idx %arg17[%add3A_572, %broadcast_in_dim3A_580], %get3A_582 : memref<640x4xf32, #tpu.memory_space<vmem>>[vector<16xi32>, vector<16xi32>], vector<16xf32>,
      %broadcast_in_dim3A_583 = arith.constant 2 : i32
      %broadcast_in_dim3A_584 = vector.broadcast %broadcast_in_dim3A_583 : i32 to vector<16xi32>
      %get3A_585 = arith.index_cast %add3A_574 : i32 to index
      %get3A_586 = tpu.vector_load %arg11[%get3A_585] {strides = array<i32>} : memref<3200xi32, #tpu.memory_space<vmem>>, vector<16xi32>,
      %convert_element_type3A_587 = arith.sitofp %get3A_586 : vector<16xi32> to vector<16xf32>
      tpu.vector_store_idx %arg17[%add3A_572, %broadcast_in_dim3A_584], %convert_element_type3A_587 : memref<640x4xf32, #tpu.memory_space<vmem>>[vector<16xi32>, vector<16xi32>], vector<16xf32>,
      %iota3A_588 = tpu.iota {dimensions = array<i32: 0>} : vector<16xi32>
      %add3A_589 = arith.constant 384 : i32
      %add3A_590 = vector.broadcast %add3A_589 : i32 to vector<16xi32>
      %add3A_591 = arith.addi %add3A_590, %iota3A_588 : vector<16xi32>
      %add3A_592 = arith.constant 384 : i32
      %add3A_593 = arith.addi %mul3A_20, %add3A_592 : i32
      %broadcast_in_dim3A_594 = arith.constant 0 : i32
      %broadcast_in_dim3A_595 = vector.broadcast %broadcast_in_dim3A_594 : i32 to vector<16xi32>
      %get3A_596 = arith.index_cast %add3A_593 : i32 to index
      %get3A_597 = tpu.vector_load %arg12[%get3A_596] {strides = array<i32>} : memref<3200xf32, #tpu.memory_space<vmem>>, vector<16xf32>,
      tpu.vector_store_idx %arg17[%add3A_591, %broadcast_in_dim3A_595], %get3A_597 : memref<640x4xf32, #tpu.memory_space<vmem>>[vector<16xi32>, vector<16xi32>], vector<16xf32>,
      %broadcast_in_dim3A_598 = arith.constant 1 : i32
      %broadcast_in_dim3A_599 = vector.broadcast %broadcast_in_dim3A_598 : i32 to vector<16xi32>
      %get3A_600 = arith.index_cast %add3A_593 : i32 to index
      %get3A_601 = tpu.vector_load %arg13[%get3A_600] {strides = array<i32>} : memref<3200xf32, #tpu.memory_space<vmem>>, vector<16xf32>,
      tpu.vector_store_idx %arg17[%add3A_591, %broadcast_in_dim3A_599], %get3A_601 : memref<640x4xf32, #tpu.memory_space<vmem>>[vector<16xi32>, vector<16xi32>], vector<16xf32>,
      %broadcast_in_dim3A_602 = arith.constant 2 : i32
      %broadcast_in_dim3A_603 = vector.broadcast %broadcast_in_dim3A_602 : i32 to vector<16xi32>
      %get3A_604 = arith.index_cast %add3A_593 : i32 to index
      %get3A_605 = tpu.vector_load %arg11[%get3A_604] {strides = array<i32>} : memref<3200xi32, #tpu.memory_space<vmem>>, vector<16xi32>,
      %convert_element_type3A_606 = arith.sitofp %get3A_605 : vector<16xi32> to vector<16xf32>
      tpu.vector_store_idx %arg17[%add3A_591, %broadcast_in_dim3A_603], %convert_element_type3A_606 : memref<640x4xf32, #tpu.memory_space<vmem>>[vector<16xi32>, vector<16xi32>], vector<16xf32>,
      %iota3A_607 = tpu.iota {dimensions = array<i32: 0>} : vector<16xi32>
      %add3A_608 = arith.constant 400 : i32
      %add3A_609 = vector.broadcast %add3A_608 : i32 to vector<16xi32>
      %add3A_610 = arith.addi %add3A_609, %iota3A_607 : vector<16xi32>
      %add3A_611 = arith.constant 400 : i32
      %add3A_612 = arith.addi %mul3A_20, %add3A_611 : i32
      %broadcast_in_dim3A_613 = arith.constant 0 : i32
      %broadcast_in_dim3A_614 = vector.broadcast %broadcast_in_dim3A_613 : i32 to vector<16xi32>
      %get3A_615 = arith.index_cast %add3A_612 : i32 to index
      %get3A_616 = tpu.vector_load %arg12[%get3A_615] {strides = array<i32>} : memref<3200xf32, #tpu.memory_space<vmem>>, vector<16xf32>,
      tpu.vector_store_idx %arg17[%add3A_610, %broadcast_in_dim3A_614], %get3A_616 : memref<640x4xf32, #tpu.memory_space<vmem>>[vector<16xi32>, vector<16xi32>], vector<16xf32>,
      %broadcast_in_dim3A_617 = arith.constant 1 : i32
      %broadcast_in_dim3A_618 = vector.broadcast %broadcast_in_dim3A_617 : i32 to vector<16xi32>
      %get3A_619 = arith.index_cast %add3A_612 : i32 to index
      %get3A_620 = tpu.vector_load %arg13[%get3A_619] {strides = array<i32>} : memref<3200xf32, #tpu.memory_space<vmem>>, vector<16xf32>,
      tpu.vector_store_idx %arg17[%add3A_610, %broadcast_in_dim3A_618], %get3A_620 : memref<640x4xf32, #tpu.memory_space<vmem>>[vector<16xi32>, vector<16xi32>], vector<16xf32>,
      %broadcast_in_dim3A_621 = arith.constant 2 : i32
      %broadcast_in_dim3A_622 = vector.broadcast %broadcast_in_dim3A_621 : i32 to vector<16xi32>
      %get3A_623 = arith.index_cast %add3A_612 : i32 to index
      %get3A_624 = tpu.vector_load %arg11[%get3A_623] {strides = array<i32>} : memref<3200xi32, #tpu.memory_space<vmem>>, vector<16xi32>,
      %convert_element_type3A_625 = arith.sitofp %get3A_624 : vector<16xi32> to vector<16xf32>
      tpu.vector_store_idx %arg17[%add3A_610, %broadcast_in_dim3A_622], %convert_element_type3A_625 : memref<640x4xf32, #tpu.memory_space<vmem>>[vector<16xi32>, vector<16xi32>], vector<16xf32>,
      %iota3A_626 = tpu.iota {dimensions = array<i32: 0>} : vector<16xi32>
      %add3A_627 = arith.constant 416 : i32
      %add3A_628 = vector.broadcast %add3A_627 : i32 to vector<16xi32>
      %add3A_629 = arith.addi %add3A_628, %iota3A_626 : vector<16xi32>
      %add3A_630 = arith.constant 416 : i32
      %add3A_631 = arith.addi %mul3A_20, %add3A_630 : i32
      %broadcast_in_dim3A_632 = arith.constant 0 : i32
      %broadcast_in_dim3A_633 = vector.broadcast %broadcast_in_dim3A_632 : i32 to vector<16xi32>
      %get3A_634 = arith.index_cast %add3A_631 : i32 to index
      %get3A_635 = tpu.vector_load %arg12[%get3A_634] {strides = array<i32>} : memref<3200xf32, #tpu.memory_space<vmem>>, vector<16xf32>,
      tpu.vector_store_idx %arg17[%add3A_629, %broadcast_in_dim3A_633], %get3A_635 : memref<640x4xf32, #tpu.memory_space<vmem>>[vector<16xi32>, vector<16xi32>], vector<16xf32>,
      %broadcast_in_dim3A_636 = arith.constant 1 : i32
      %broadcast_in_dim3A_637 = vector.broadcast %broadcast_in_dim3A_636 : i32 to vector<16xi32>
      %get3A_638 = arith.index_cast %add3A_631 : i32 to index
      %get3A_639 = tpu.vector_load %arg13[%get3A_638] {strides = array<i32>} : memref<3200xf32, #tpu.memory_space<vmem>>, vector<16xf32>,
      tpu.vector_store_idx %arg17[%add3A_629, %broadcast_in_dim3A_637], %get3A_639 : memref<640x4xf32, #tpu.memory_space<vmem>>[vector<16xi32>, vector<16xi32>], vector<16xf32>,
      %broadcast_in_dim3A_640 = arith.constant 2 : i32
      %broadcast_in_dim3A_641 = vector.broadcast %broadcast_in_dim3A_640 : i32 to vector<16xi32>
      %get3A_642 = arith.index_cast %add3A_631 : i32 to index
      %get3A_643 = tpu.vector_load %arg11[%get3A_642] {strides = array<i32>} : memref<3200xi32, #tpu.memory_space<vmem>>, vector<16xi32>,
      %convert_element_type3A_644 = arith.sitofp %get3A_643 : vector<16xi32> to vector<16xf32>
      tpu.vector_store_idx %arg17[%add3A_629, %broadcast_in_dim3A_641], %convert_element_type3A_644 : memref<640x4xf32, #tpu.memory_space<vmem>>[vector<16xi32>, vector<16xi32>], vector<16xf32>,
      %iota3A_645 = tpu.iota {dimensions = array<i32: 0>} : vector<16xi32>
      %add3A_646 = arith.constant 432 : i32
      %add3A_647 = vector.broadcast %add3A_646 : i32 to vector<16xi32>
      %add3A_648 = arith.addi %add3A_647, %iota3A_645 : vector<16xi32>
      %add3A_649 = arith.constant 432 : i32
      %add3A_650 = arith.addi %mul3A_20, %add3A_649 : i32
      %broadcast_in_dim3A_651 = arith.constant 0 : i32
      %broadcast_in_dim3A_652 = vector.broadcast %broadcast_in_dim3A_651 : i32 to vector<16xi32>
      %get3A_653 = arith.index_cast %add3A_650 : i32 to index
      %get3A_654 = tpu.vector_load %arg12[%get3A_653] {strides = array<i32>} : memref<3200xf32, #tpu.memory_space<vmem>>, vector<16xf32>,
      tpu.vector_store_idx %arg17[%add3A_648, %broadcast_in_dim3A_652], %get3A_654 : memref<640x4xf32, #tpu.memory_space<vmem>>[vector<16xi32>, vector<16xi32>], vector<16xf32>,
      %broadcast_in_dim3A_655 = arith.constant 1 : i32
      %broadcast_in_dim3A_656 = vector.broadcast %broadcast_in_dim3A_655 : i32 to vector<16xi32>
      %get3A_657 = arith.index_cast %add3A_650 : i32 to index
      %get3A_658 = tpu.vector_load %arg13[%get3A_657] {strides = array<i32>} : memref<3200xf32, #tpu.memory_space<vmem>>, vector<16xf32>,
      tpu.vector_store_idx %arg17[%add3A_648, %broadcast_in_dim3A_656], %get3A_658 : memref<640x4xf32, #tpu.memory_space<vmem>>[vector<16xi32>, vector<16xi32>], vector<16xf32>,
      %broadcast_in_dim3A_659 = arith.constant 2 : i32
      %broadcast_in_dim3A_660 = vector.broadcast %broadcast_in_dim3A_659 : i32 to vector<16xi32>
      %get3A_661 = arith.index_cast %add3A_650 : i32 to index
      %get3A_662 = tpu.vector_load %arg11[%get3A_661] {strides = array<i32>} : memref<3200xi32, #tpu.memory_space<vmem>>, vector<16xi32>,
      %convert_element_type3A_663 = arith.sitofp %get3A_662 : vector<16xi32> to vector<16xf32>
      tpu.vector_store_idx %arg17[%add3A_648, %broadcast_in_dim3A_660], %convert_element_type3A_663 : memref<640x4xf32, #tpu.memory_space<vmem>>[vector<16xi32>, vector<16xi32>], vector<16xf32>,
      %iota3A_664 = tpu.iota {dimensions = array<i32: 0>} : vector<16xi32>
      %add3A_665 = arith.constant 448 : i32
      %add3A_666 = vector.broadcast %add3A_665 : i32 to vector<16xi32>
      %add3A_667 = arith.addi %add3A_666, %iota3A_664 : vector<16xi32>
      %add3A_668 = arith.constant 448 : i32
      %add3A_669 = arith.addi %mul3A_20, %add3A_668 : i32
      %broadcast_in_dim3A_670 = arith.constant 0 : i32
      %broadcast_in_dim3A_671 = vector.broadcast %broadcast_in_dim3A_670 : i32 to vector<16xi32>
      %get3A_672 = arith.index_cast %add3A_669 : i32 to index
      %get3A_673 = tpu.vector_load %arg12[%get3A_672] {strides = array<i32>} : memref<3200xf32, #tpu.memory_space<vmem>>, vector<16xf32>,
      tpu.vector_store_idx %arg17[%add3A_667, %broadcast_in_dim3A_671], %get3A_673 : memref<640x4xf32, #tpu.memory_space<vmem>>[vector<16xi32>, vector<16xi32>], vector<16xf32>,
      %broadcast_in_dim3A_674 = arith.constant 1 : i32
      %broadcast_in_dim3A_675 = vector.broadcast %broadcast_in_dim3A_674 : i32 to vector<16xi32>
      %get3A_676 = arith.index_cast %add3A_669 : i32 to index
      %get3A_677 = tpu.vector_load %arg13[%get3A_676] {strides = array<i32>} : memref<3200xf32, #tpu.memory_space<vmem>>, vector<16xf32>,
      tpu.vector_store_idx %arg17[%add3A_667, %broadcast_in_dim3A_675], %get3A_677 : memref<640x4xf32, #tpu.memory_space<vmem>>[vector<16xi32>, vector<16xi32>], vector<16xf32>,
      %broadcast_in_dim3A_678 = arith.constant 2 : i32
      %broadcast_in_dim3A_679 = vector.broadcast %broadcast_in_dim3A_678 : i32 to vector<16xi32>
      %get3A_680 = arith.index_cast %add3A_669 : i32 to index
      %get3A_681 = tpu.vector_load %arg11[%get3A_680] {strides = array<i32>} : memref<3200xi32, #tpu.memory_space<vmem>>, vector<16xi32>,
      %convert_element_type3A_682 = arith.sitofp %get3A_681 : vector<16xi32> to vector<16xf32>
      tpu.vector_store_idx %arg17[%add3A_667, %broadcast_in_dim3A_679], %convert_element_type3A_682 : memref<640x4xf32, #tpu.memory_space<vmem>>[vector<16xi32>, vector<16xi32>], vector<16xf32>,
      %iota3A_683 = tpu.iota {dimensions = array<i32: 0>} : vector<16xi32>
      %add3A_684 = arith.constant 464 : i32
      %add3A_685 = vector.broadcast %add3A_684 : i32 to vector<16xi32>
      %add3A_686 = arith.addi %add3A_685, %iota3A_683 : vector<16xi32>
      %add3A_687 = arith.constant 464 : i32
      %add3A_688 = arith.addi %mul3A_20, %add3A_687 : i32
      %broadcast_in_dim3A_689 = arith.constant 0 : i32
      %broadcast_in_dim3A_690 = vector.broadcast %broadcast_in_dim3A_689 : i32 to vector<16xi32>
      %get3A_691 = arith.index_cast %add3A_688 : i32 to index
      %get3A_692 = tpu.vector_load %arg12[%get3A_691] {strides = array<i32>} : memref<3200xf32, #tpu.memory_space<vmem>>, vector<16xf32>,
      tpu.vector_store_idx %arg17[%add3A_686, %broadcast_in_dim3A_690], %get3A_692 : memref<640x4xf32, #tpu.memory_space<vmem>>[vector<16xi32>, vector<16xi32>], vector<16xf32>,
      %broadcast_in_dim3A_693 = arith.constant 1 : i32
      %broadcast_in_dim3A_694 = vector.broadcast %broadcast_in_dim3A_693 : i32 to vector<16xi32>
      %get3A_695 = arith.index_cast %add3A_688 : i32 to index
      %get3A_696 = tpu.vector_load %arg13[%get3A_695] {strides = array<i32>} : memref<3200xf32, #tpu.memory_space<vmem>>, vector<16xf32>,
      tpu.vector_store_idx %arg17[%add3A_686, %broadcast_in_dim3A_694], %get3A_696 : memref<640x4xf32, #tpu.memory_space<vmem>>[vector<16xi32>, vector<16xi32>], vector<16xf32>,
      %broadcast_in_dim3A_697 = arith.constant 2 : i32
      %broadcast_in_dim3A_698 = vector.broadcast %broadcast_in_dim3A_697 : i32 to vector<16xi32>
      %get3A_699 = arith.index_cast %add3A_688 : i32 to index
      %get3A_700 = tpu.vector_load %arg11[%get3A_699] {strides = array<i32>} : memref<3200xi32, #tpu.memory_space<vmem>>, vector<16xi32>,
      %convert_element_type3A_701 = arith.sitofp %get3A_700 : vector<16xi32> to vector<16xf32>
      tpu.vector_store_idx %arg17[%add3A_686, %broadcast_in_dim3A_698], %convert_element_type3A_701 : memref<640x4xf32, #tpu.memory_space<vmem>>[vector<16xi32>, vector<16xi32>], vector<16xf32>,
      %iota3A_702 = tpu.iota {dimensions = array<i32: 0>} : vector<16xi32>
      %add3A_703 = arith.constant 480 : i32
      %add3A_704 = vector.broadcast %add3A_703 : i32 to vector<16xi32>
      %add3A_705 = arith.addi %add3A_704, %iota3A_702 : vector<16xi32>
      %add3A_706 = arith.constant 480 : i32
      %add3A_707 = arith.addi %mul3A_20, %add3A_706 : i32
      %broadcast_in_dim3A_708 = arith.constant 0 : i32
      %broadcast_in_dim3A_709 = vector.broadcast %broadcast_in_dim3A_708 : i32 to vector<16xi32>
      %get3A_710 = arith.index_cast %add3A_707 : i32 to index
      %get3A_711 = tpu.vector_load %arg12[%get3A_710] {strides = array<i32>} : memref<3200xf32, #tpu.memory_space<vmem>>, vector<16xf32>,
      tpu.vector_store_idx %arg17[%add3A_705, %broadcast_in_dim3A_709], %get3A_711 : memref<640x4xf32, #tpu.memory_space<vmem>>[vector<16xi32>, vector<16xi32>], vector<16xf32>,
      %broadcast_in_dim3A_712 = arith.constant 1 : i32
      %broadcast_in_dim3A_713 = vector.broadcast %broadcast_in_dim3A_712 : i32 to vector<16xi32>
      %get3A_714 = arith.index_cast %add3A_707 : i32 to index
      %get3A_715 = tpu.vector_load %arg13[%get3A_714] {strides = array<i32>} : memref<3200xf32, #tpu.memory_space<vmem>>, vector<16xf32>,
      tpu.vector_store_idx %arg17[%add3A_705, %broadcast_in_dim3A_713], %get3A_715 : memref<640x4xf32, #tpu.memory_space<vmem>>[vector<16xi32>, vector<16xi32>], vector<16xf32>,
      %broadcast_in_dim3A_716 = arith.constant 2 : i32
      %broadcast_in_dim3A_717 = vector.broadcast %broadcast_in_dim3A_716 : i32 to vector<16xi32>
      %get3A_718 = arith.index_cast %add3A_707 : i32 to index
      %get3A_719 = tpu.vector_load %arg11[%get3A_718] {strides = array<i32>} : memref<3200xi32, #tpu.memory_space<vmem>>, vector<16xi32>,
      %convert_element_type3A_720 = arith.sitofp %get3A_719 : vector<16xi32> to vector<16xf32>
      tpu.vector_store_idx %arg17[%add3A_705, %broadcast_in_dim3A_717], %convert_element_type3A_720 : memref<640x4xf32, #tpu.memory_space<vmem>>[vector<16xi32>, vector<16xi32>], vector<16xf32>,
      %iota3A_721 = tpu.iota {dimensions = array<i32: 0>} : vector<16xi32>
      %add3A_722 = arith.constant 496 : i32
      %add3A_723 = vector.broadcast %add3A_722 : i32 to vector<16xi32>
      %add3A_724 = arith.addi %add3A_723, %iota3A_721 : vector<16xi32>
      %add3A_725 = arith.constant 496 : i32
      %add3A_726 = arith.addi %mul3A_20, %add3A_725 : i32
      %broadcast_in_dim3A_727 = arith.constant 0 : i32
      %broadcast_in_dim3A_728 = vector.broadcast %broadcast_in_dim3A_727 : i32 to vector<16xi32>
      %get3A_729 = arith.index_cast %add3A_726 : i32 to index
      %get3A_730 = tpu.vector_load %arg12[%get3A_729] {strides = array<i32>} : memref<3200xf32, #tpu.memory_space<vmem>>, vector<16xf32>,
      tpu.vector_store_idx %arg17[%add3A_724, %broadcast_in_dim3A_728], %get3A_730 : memref<640x4xf32, #tpu.memory_space<vmem>>[vector<16xi32>, vector<16xi32>], vector<16xf32>,
      %broadcast_in_dim3A_731 = arith.constant 1 : i32
      %broadcast_in_dim3A_732 = vector.broadcast %broadcast_in_dim3A_731 : i32 to vector<16xi32>
      %get3A_733 = arith.index_cast %add3A_726 : i32 to index
      %get3A_734 = tpu.vector_load %arg13[%get3A_733] {strides = array<i32>} : memref<3200xf32, #tpu.memory_space<vmem>>, vector<16xf32>,
      tpu.vector_store_idx %arg17[%add3A_724, %broadcast_in_dim3A_732], %get3A_734 : memref<640x4xf32, #tpu.memory_space<vmem>>[vector<16xi32>, vector<16xi32>], vector<16xf32>,
      %broadcast_in_dim3A_735 = arith.constant 2 : i32
      %broadcast_in_dim3A_736 = vector.broadcast %broadcast_in_dim3A_735 : i32 to vector<16xi32>
      %get3A_737 = arith.index_cast %add3A_726 : i32 to index
      %get3A_738 = tpu.vector_load %arg11[%get3A_737] {strides = array<i32>} : memref<3200xi32, #tpu.memory_space<vmem>>, vector<16xi32>,
      %convert_element_type3A_739 = arith.sitofp %get3A_738 : vector<16xi32> to vector<16xf32>
      tpu.vector_store_idx %arg17[%add3A_724, %broadcast_in_dim3A_736], %convert_element_type3A_739 : memref<640x4xf32, #tpu.memory_space<vmem>>[vector<16xi32>, vector<16xi32>], vector<16xf32>,
      %iota3A_740 = tpu.iota {dimensions = array<i32: 0>} : vector<16xi32>
      %add3A_741 = arith.constant 512 : i32
      %add3A_742 = vector.broadcast %add3A_741 : i32 to vector<16xi32>
      %add3A_743 = arith.addi %add3A_742, %iota3A_740 : vector<16xi32>
      %add3A_744 = arith.constant 512 : i32
      %add3A_745 = arith.addi %mul3A_20, %add3A_744 : i32
      %broadcast_in_dim3A_746 = arith.constant 0 : i32
      %broadcast_in_dim3A_747 = vector.broadcast %broadcast_in_dim3A_746 : i32 to vector<16xi32>
      %get3A_748 = arith.index_cast %add3A_745 : i32 to index
      %get3A_749 = tpu.vector_load %arg12[%get3A_748] {strides = array<i32>} : memref<3200xf32, #tpu.memory_space<vmem>>, vector<16xf32>,
      tpu.vector_store_idx %arg17[%add3A_743, %broadcast_in_dim3A_747], %get3A_749 : memref<640x4xf32, #tpu.memory_space<vmem>>[vector<16xi32>, vector<16xi32>], vector<16xf32>,
      %broadcast_in_dim3A_750 = arith.constant 1 : i32
      %broadcast_in_dim3A_751 = vector.broadcast %broadcast_in_dim3A_750 : i32 to vector<16xi32>
      %get3A_752 = arith.index_cast %add3A_745 : i32 to index
      %get3A_753 = tpu.vector_load %arg13[%get3A_752] {strides = array<i32>} : memref<3200xf32, #tpu.memory_space<vmem>>, vector<16xf32>,
      tpu.vector_store_idx %arg17[%add3A_743, %broadcast_in_dim3A_751], %get3A_753 : memref<640x4xf32, #tpu.memory_space<vmem>>[vector<16xi32>, vector<16xi32>], vector<16xf32>,
      %broadcast_in_dim3A_754 = arith.constant 2 : i32
      %broadcast_in_dim3A_755 = vector.broadcast %broadcast_in_dim3A_754 : i32 to vector<16xi32>
      %get3A_756 = arith.index_cast %add3A_745 : i32 to index
      %get3A_757 = tpu.vector_load %arg11[%get3A_756] {strides = array<i32>} : memref<3200xi32, #tpu.memory_space<vmem>>, vector<16xi32>,
      %convert_element_type3A_758 = arith.sitofp %get3A_757 : vector<16xi32> to vector<16xf32>
      tpu.vector_store_idx %arg17[%add3A_743, %broadcast_in_dim3A_755], %convert_element_type3A_758 : memref<640x4xf32, #tpu.memory_space<vmem>>[vector<16xi32>, vector<16xi32>], vector<16xf32>,
      %iota3A_759 = tpu.iota {dimensions = array<i32: 0>} : vector<16xi32>
      %add3A_760 = arith.constant 528 : i32
      %add3A_761 = vector.broadcast %add3A_760 : i32 to vector<16xi32>
      %add3A_762 = arith.addi %add3A_761, %iota3A_759 : vector<16xi32>
      %add3A_763 = arith.constant 528 : i32
      %add3A_764 = arith.addi %mul3A_20, %add3A_763 : i32
      %broadcast_in_dim3A_765 = arith.constant 0 : i32
      %broadcast_in_dim3A_766 = vector.broadcast %broadcast_in_dim3A_765 : i32 to vector<16xi32>
      %get3A_767 = arith.index_cast %add3A_764 : i32 to index
      %get3A_768 = tpu.vector_load %arg12[%get3A_767] {strides = array<i32>} : memref<3200xf32, #tpu.memory_space<vmem>>, vector<16xf32>,
      tpu.vector_store_idx %arg17[%add3A_762, %broadcast_in_dim3A_766], %get3A_768 : memref<640x4xf32, #tpu.memory_space<vmem>>[vector<16xi32>, vector<16xi32>], vector<16xf32>,
      %broadcast_in_dim3A_769 = arith.constant 1 : i32
      %broadcast_in_dim3A_770 = vector.broadcast %broadcast_in_dim3A_769 : i32 to vector<16xi32>
      %get3A_771 = arith.index_cast %add3A_764 : i32 to index
      %get3A_772 = tpu.vector_load %arg13[%get3A_771] {strides = array<i32>} : memref<3200xf32, #tpu.memory_space<vmem>>, vector<16xf32>,
      tpu.vector_store_idx %arg17[%add3A_762, %broadcast_in_dim3A_770], %get3A_772 : memref<640x4xf32, #tpu.memory_space<vmem>>[vector<16xi32>, vector<16xi32>], vector<16xf32>,
      %broadcast_in_dim3A_773 = arith.constant 2 : i32
      %broadcast_in_dim3A_774 = vector.broadcast %broadcast_in_dim3A_773 : i32 to vector<16xi32>
      %get3A_775 = arith.index_cast %add3A_764 : i32 to index
      %get3A_776 = tpu.vector_load %arg11[%get3A_775] {strides = array<i32>} : memref<3200xi32, #tpu.memory_space<vmem>>, vector<16xi32>,
      %convert_element_type3A_777 = arith.sitofp %get3A_776 : vector<16xi32> to vector<16xf32>
      tpu.vector_store_idx %arg17[%add3A_762, %broadcast_in_dim3A_774], %convert_element_type3A_777 : memref<640x4xf32, #tpu.memory_space<vmem>>[vector<16xi32>, vector<16xi32>], vector<16xf32>,
      %iota3A_778 = tpu.iota {dimensions = array<i32: 0>} : vector<16xi32>
      %add3A_779 = arith.constant 544 : i32
      %add3A_780 = vector.broadcast %add3A_779 : i32 to vector<16xi32>
      %add3A_781 = arith.addi %add3A_780, %iota3A_778 : vector<16xi32>
      %add3A_782 = arith.constant 544 : i32
      %add3A_783 = arith.addi %mul3A_20, %add3A_782 : i32
      %broadcast_in_dim3A_784 = arith.constant 0 : i32
      %broadcast_in_dim3A_785 = vector.broadcast %broadcast_in_dim3A_784 : i32 to vector<16xi32>
      %get3A_786 = arith.index_cast %add3A_783 : i32 to index
      %get3A_787 = tpu.vector_load %arg12[%get3A_786] {strides = array<i32>} : memref<3200xf32, #tpu.memory_space<vmem>>, vector<16xf32>,
      tpu.vector_store_idx %arg17[%add3A_781, %broadcast_in_dim3A_785], %get3A_787 : memref<640x4xf32, #tpu.memory_space<vmem>>[vector<16xi32>, vector<16xi32>], vector<16xf32>,
      %broadcast_in_dim3A_788 = arith.constant 1 : i32
      %broadcast_in_dim3A_789 = vector.broadcast %broadcast_in_dim3A_788 : i32 to vector<16xi32>
      %get3A_790 = arith.index_cast %add3A_783 : i32 to index
      %get3A_791 = tpu.vector_load %arg13[%get3A_790] {strides = array<i32>} : memref<3200xf32, #tpu.memory_space<vmem>>, vector<16xf32>,
      tpu.vector_store_idx %arg17[%add3A_781, %broadcast_in_dim3A_789], %get3A_791 : memref<640x4xf32, #tpu.memory_space<vmem>>[vector<16xi32>, vector<16xi32>], vector<16xf32>,
      %broadcast_in_dim3A_792 = arith.constant 2 : i32
      %broadcast_in_dim3A_793 = vector.broadcast %broadcast_in_dim3A_792 : i32 to vector<16xi32>
      %get3A_794 = arith.index_cast %add3A_783 : i32 to index
      %get3A_795 = tpu.vector_load %arg11[%get3A_794] {strides = array<i32>} : memref<3200xi32, #tpu.memory_space<vmem>>, vector<16xi32>,
      %convert_element_type3A_796 = arith.sitofp %get3A_795 : vector<16xi32> to vector<16xf32>
      tpu.vector_store_idx %arg17[%add3A_781, %broadcast_in_dim3A_793], %convert_element_type3A_796 : memref<640x4xf32, #tpu.memory_space<vmem>>[vector<16xi32>, vector<16xi32>], vector<16xf32>,
      %iota3A_797 = tpu.iota {dimensions = array<i32: 0>} : vector<16xi32>
      %add3A_798 = arith.constant 560 : i32
      %add3A_799 = vector.broadcast %add3A_798 : i32 to vector<16xi32>
      %add3A_800 = arith.addi %add3A_799, %iota3A_797 : vector<16xi32>
      %add3A_801 = arith.constant 560 : i32
      %add3A_802 = arith.addi %mul3A_20, %add3A_801 : i32
      %broadcast_in_dim3A_803 = arith.constant 0 : i32
      %broadcast_in_dim3A_804 = vector.broadcast %broadcast_in_dim3A_803 : i32 to vector<16xi32>
      %get3A_805 = arith.index_cast %add3A_802 : i32 to index
      %get3A_806 = tpu.vector_load %arg12[%get3A_805] {strides = array<i32>} : memref<3200xf32, #tpu.memory_space<vmem>>, vector<16xf32>,
      tpu.vector_store_idx %arg17[%add3A_800, %broadcast_in_dim3A_804], %get3A_806 : memref<640x4xf32, #tpu.memory_space<vmem>>[vector<16xi32>, vector<16xi32>], vector<16xf32>,
      %broadcast_in_dim3A_807 = arith.constant 1 : i32
      %broadcast_in_dim3A_808 = vector.broadcast %broadcast_in_dim3A_807 : i32 to vector<16xi32>
      %get3A_809 = arith.index_cast %add3A_802 : i32 to index
      %get3A_810 = tpu.vector_load %arg13[%get3A_809] {strides = array<i32>} : memref<3200xf32, #tpu.memory_space<vmem>>, vector<16xf32>,
      tpu.vector_store_idx %arg17[%add3A_800, %broadcast_in_dim3A_808], %get3A_810 : memref<640x4xf32, #tpu.memory_space<vmem>>[vector<16xi32>, vector<16xi32>], vector<16xf32>,
      %broadcast_in_dim3A_811 = arith.constant 2 : i32
      %broadcast_in_dim3A_812 = vector.broadcast %broadcast_in_dim3A_811 : i32 to vector<16xi32>
      %get3A_813 = arith.index_cast %add3A_802 : i32 to index
      %get3A_814 = tpu.vector_load %arg11[%get3A_813] {strides = array<i32>} : memref<3200xi32, #tpu.memory_space<vmem>>, vector<16xi32>,
      %convert_element_type3A_815 = arith.sitofp %get3A_814 : vector<16xi32> to vector<16xf32>
      tpu.vector_store_idx %arg17[%add3A_800, %broadcast_in_dim3A_812], %convert_element_type3A_815 : memref<640x4xf32, #tpu.memory_space<vmem>>[vector<16xi32>, vector<16xi32>], vector<16xf32>,
      %iota3A_816 = tpu.iota {dimensions = array<i32: 0>} : vector<16xi32>
      %add3A_817 = arith.constant 576 : i32
      %add3A_818 = vector.broadcast %add3A_817 : i32 to vector<16xi32>
      %add3A_819 = arith.addi %add3A_818, %iota3A_816 : vector<16xi32>
      %add3A_820 = arith.constant 576 : i32
      %add3A_821 = arith.addi %mul3A_20, %add3A_820 : i32
      %broadcast_in_dim3A_822 = arith.constant 0 : i32
      %broadcast_in_dim3A_823 = vector.broadcast %broadcast_in_dim3A_822 : i32 to vector<16xi32>
      %get3A_824 = arith.index_cast %add3A_821 : i32 to index
      %get3A_825 = tpu.vector_load %arg12[%get3A_824] {strides = array<i32>} : memref<3200xf32, #tpu.memory_space<vmem>>, vector<16xf32>,
      tpu.vector_store_idx %arg17[%add3A_819, %broadcast_in_dim3A_823], %get3A_825 : memref<640x4xf32, #tpu.memory_space<vmem>>[vector<16xi32>, vector<16xi32>], vector<16xf32>,
      %broadcast_in_dim3A_826 = arith.constant 1 : i32
      %broadcast_in_dim3A_827 = vector.broadcast %broadcast_in_dim3A_826 : i32 to vector<16xi32>
      %get3A_828 = arith.index_cast %add3A_821 : i32 to index
      %get3A_829 = tpu.vector_load %arg13[%get3A_828] {strides = array<i32>} : memref<3200xf32, #tpu.memory_space<vmem>>, vector<16xf32>,
      tpu.vector_store_idx %arg17[%add3A_819, %broadcast_in_dim3A_827], %get3A_829 : memref<640x4xf32, #tpu.memory_space<vmem>>[vector<16xi32>, vector<16xi32>], vector<16xf32>,
      %broadcast_in_dim3A_830 = arith.constant 2 : i32
      %broadcast_in_dim3A_831 = vector.broadcast %broadcast_in_dim3A_830 : i32 to vector<16xi32>
      %get3A_832 = arith.index_cast %add3A_821 : i32 to index
      %get3A_833 = tpu.vector_load %arg11[%get3A_832] {strides = array<i32>} : memref<3200xi32, #tpu.memory_space<vmem>>, vector<16xi32>,
      %convert_element_type3A_834 = arith.sitofp %get3A_833 : vector<16xi32> to vector<16xf32>
      tpu.vector_store_idx %arg17[%add3A_819, %broadcast_in_dim3A_831], %convert_element_type3A_834 : memref<640x4xf32, #tpu.memory_space<vmem>>[vector<16xi32>, vector<16xi32>], vector<16xf32>,
      %iota3A_835 = tpu.iota {dimensions = array<i32: 0>} : vector<16xi32>
      %add3A_836 = arith.constant 592 : i32
      %add3A_837 = vector.broadcast %add3A_836 : i32 to vector<16xi32>
      %add3A_838 = arith.addi %add3A_837, %iota3A_835 : vector<16xi32>
      %add3A_839 = arith.constant 592 : i32
      %add3A_840 = arith.addi %mul3A_20, %add3A_839 : i32
      %broadcast_in_dim3A_841 = arith.constant 0 : i32
      %broadcast_in_dim3A_842 = vector.broadcast %broadcast_in_dim3A_841 : i32 to vector<16xi32>
      %get3A_843 = arith.index_cast %add3A_840 : i32 to index
      %get3A_844 = tpu.vector_load %arg12[%get3A_843] {strides = array<i32>} : memref<3200xf32, #tpu.memory_space<vmem>>, vector<16xf32>,
      tpu.vector_store_idx %arg17[%add3A_838, %broadcast_in_dim3A_842], %get3A_844 : memref<640x4xf32, #tpu.memory_space<vmem>>[vector<16xi32>, vector<16xi32>], vector<16xf32>,
      %broadcast_in_dim3A_845 = arith.constant 1 : i32
      %broadcast_in_dim3A_846 = vector.broadcast %broadcast_in_dim3A_845 : i32 to vector<16xi32>
      %get3A_847 = arith.index_cast %add3A_840 : i32 to index
      %get3A_848 = tpu.vector_load %arg13[%get3A_847] {strides = array<i32>} : memref<3200xf32, #tpu.memory_space<vmem>>, vector<16xf32>,
      tpu.vector_store_idx %arg17[%add3A_838, %broadcast_in_dim3A_846], %get3A_848 : memref<640x4xf32, #tpu.memory_space<vmem>>[vector<16xi32>, vector<16xi32>], vector<16xf32>,
      %broadcast_in_dim3A_849 = arith.constant 2 : i32
      %broadcast_in_dim3A_850 = vector.broadcast %broadcast_in_dim3A_849 : i32 to vector<16xi32>
      %get3A_851 = arith.index_cast %add3A_840 : i32 to index
      %get3A_852 = tpu.vector_load %arg11[%get3A_851] {strides = array<i32>} : memref<3200xi32, #tpu.memory_space<vmem>>, vector<16xi32>,
      %convert_element_type3A_853 = arith.sitofp %get3A_852 : vector<16xi32> to vector<16xf32>
      tpu.vector_store_idx %arg17[%add3A_838, %broadcast_in_dim3A_850], %convert_element_type3A_853 : memref<640x4xf32, #tpu.memory_space<vmem>>[vector<16xi32>, vector<16xi32>], vector<16xf32>,
      %iota3A_854 = tpu.iota {dimensions = array<i32: 0>} : vector<16xi32>
      %add3A_855 = arith.constant 608 : i32
      %add3A_856 = vector.broadcast %add3A_855 : i32 to vector<16xi32>
      %add3A_857 = arith.addi %add3A_856, %iota3A_854 : vector<16xi32>
      %add3A_858 = arith.constant 608 : i32
      %add3A_859 = arith.addi %mul3A_20, %add3A_858 : i32
      %broadcast_in_dim3A_860 = arith.constant 0 : i32
      %broadcast_in_dim3A_861 = vector.broadcast %broadcast_in_dim3A_860 : i32 to vector<16xi32>
      %get3A_862 = arith.index_cast %add3A_859 : i32 to index
      %get3A_863 = tpu.vector_load %arg12[%get3A_862] {strides = array<i32>} : memref<3200xf32, #tpu.memory_space<vmem>>, vector<16xf32>,
      tpu.vector_store_idx %arg17[%add3A_857, %broadcast_in_dim3A_861], %get3A_863 : memref<640x4xf32, #tpu.memory_space<vmem>>[vector<16xi32>, vector<16xi32>], vector<16xf32>,
      %broadcast_in_dim3A_864 = arith.constant 1 : i32
      %broadcast_in_dim3A_865 = vector.broadcast %broadcast_in_dim3A_864 : i32 to vector<16xi32>
      %get3A_866 = arith.index_cast %add3A_859 : i32 to index
      %get3A_867 = tpu.vector_load %arg13[%get3A_866] {strides = array<i32>} : memref<3200xf32, #tpu.memory_space<vmem>>, vector<16xf32>,
      tpu.vector_store_idx %arg17[%add3A_857, %broadcast_in_dim3A_865], %get3A_867 : memref<640x4xf32, #tpu.memory_space<vmem>>[vector<16xi32>, vector<16xi32>], vector<16xf32>,
      %broadcast_in_dim3A_868 = arith.constant 2 : i32
      %broadcast_in_dim3A_869 = vector.broadcast %broadcast_in_dim3A_868 : i32 to vector<16xi32>
      %get3A_870 = arith.index_cast %add3A_859 : i32 to index
      %get3A_871 = tpu.vector_load %arg11[%get3A_870] {strides = array<i32>} : memref<3200xi32, #tpu.memory_space<vmem>>, vector<16xi32>,
      %convert_element_type3A_872 = arith.sitofp %get3A_871 : vector<16xi32> to vector<16xf32>
      tpu.vector_store_idx %arg17[%add3A_857, %broadcast_in_dim3A_869], %convert_element_type3A_872 : memref<640x4xf32, #tpu.memory_space<vmem>>[vector<16xi32>, vector<16xi32>], vector<16xf32>,
      %iota3A_873 = tpu.iota {dimensions = array<i32: 0>} : vector<16xi32>
      %add3A_874 = arith.constant 624 : i32
      %add3A_875 = vector.broadcast %add3A_874 : i32 to vector<16xi32>
      %add3A_876 = arith.addi %add3A_875, %iota3A_873 : vector<16xi32>
      %add3A_877 = arith.constant 624 : i32
      %add3A_878 = arith.addi %mul3A_20, %add3A_877 : i32
      %broadcast_in_dim3A_879 = arith.constant 0 : i32
      %broadcast_in_dim3A_880 = vector.broadcast %broadcast_in_dim3A_879 : i32 to vector<16xi32>
      %get3A_881 = arith.index_cast %add3A_878 : i32 to index
      %get3A_882 = tpu.vector_load %arg12[%get3A_881] {strides = array<i32>} : memref<3200xf32, #tpu.memory_space<vmem>>, vector<16xf32>,
      tpu.vector_store_idx %arg17[%add3A_876, %broadcast_in_dim3A_880], %get3A_882 : memref<640x4xf32, #tpu.memory_space<vmem>>[vector<16xi32>, vector<16xi32>], vector<16xf32>,
      %broadcast_in_dim3A_883 = arith.constant 1 : i32
      %broadcast_in_dim3A_884 = vector.broadcast %broadcast_in_dim3A_883 : i32 to vector<16xi32>
      %get3A_885 = arith.index_cast %add3A_878 : i32 to index
      %get3A_886 = tpu.vector_load %arg13[%get3A_885] {strides = array<i32>} : memref<3200xf32, #tpu.memory_space<vmem>>, vector<16xf32>,
      tpu.vector_store_idx %arg17[%add3A_876, %broadcast_in_dim3A_884], %get3A_886 : memref<640x4xf32, #tpu.memory_space<vmem>>[vector<16xi32>, vector<16xi32>], vector<16xf32>,
      %broadcast_in_dim3A_887 = arith.constant 2 : i32
      %broadcast_in_dim3A_888 = vector.broadcast %broadcast_in_dim3A_887 : i32 to vector<16xi32>
      %get3A_889 = arith.index_cast %add3A_878 : i32 to index
      %get3A_890 = tpu.vector_load %arg11[%get3A_889] {strides = array<i32>} : memref<3200xi32, #tpu.memory_space<vmem>>, vector<16xi32>,
      %convert_element_type3A_891 = arith.sitofp %get3A_890 : vector<16xi32> to vector<16xf32>
      tpu.vector_store_idx %arg17[%add3A_876, %broadcast_in_dim3A_888], %convert_element_type3A_891 : memref<640x4xf32, #tpu.memory_space<vmem>>[vector<16xi32>, vector<16xi32>], vector<16xf32>,
      %dma_wait3A = arith.constant 0 : i32
      %dma_wait3A_892 = arith.constant 0 : i32
      %dma_wait3A_893 = tpu.memref_slice %arg14[%dma_wait3A, %dma_wait3A_892] : memref<640x32xf32, #tpu.memory_space<vmem>> -> memref<128x32xf32, #tpu.memory_space<vmem>>
      %dma_wait3A_894 = tpu.memref_slice %arg8[%add3A_23] : memref<3200xi32, #tpu.memory_space<vmem>> -> memref<128xi32, #tpu.memory_space<vmem>>
      %dma_wait3A_895 = arith.constant 0 : i32
      %dma_wait3A_896 = arith.constant 0 : i32
      %dma_wait3A_897 = tpu.memref_slice %arg2[%dma_wait3A_895, %dma_wait3A_896] : memref<100001x32xf32, #tpu.memory_space<hbm>> -> memref<100001x32xf32, #tpu.memory_space<hbm>>
      tpu.wait_indirect_dma semaphore(%arg18 : memref<!tpu.dma_semaphore, #tpu.memory_space<semaphore_mem>>) src(%dma_wait3A_897 : memref<100001x32xf32, #tpu.memory_space<hbm>>) dst(%dma_wait3A_893 : memref<128x32xf32, #tpu.memory_space<vmem>>)
      %dma_wait3A_898 = arith.constant 0 : i32
      %dma_wait3A_899 = arith.constant 0 : i32
      %dma_wait3A_900 = tpu.memref_slice %arg15[%dma_wait3A_898, %dma_wait3A_899] : memref<640x32xf32, #tpu.memory_space<vmem>> -> memref<128x32xf32, #tpu.memory_space<vmem>>
      %dma_wait3A_901 = tpu.memref_slice %arg9[%add3A_23] : memref<3200xi32, #tpu.memory_space<vmem>> -> memref<128xi32, #tpu.memory_space<vmem>>
      %dma_wait3A_902 = arith.constant 0 : i32
      %dma_wait3A_903 = arith.constant 0 : i32
      %dma_wait3A_904 = tpu.memref_slice %arg3[%dma_wait3A_902, %dma_wait3A_903] : memref<100001x32xf32, #tpu.memory_space<hbm>> -> memref<100001x32xf32, #tpu.memory_space<hbm>>
      tpu.wait_indirect_dma semaphore(%arg18 : memref<!tpu.dma_semaphore, #tpu.memory_space<semaphore_mem>>) src(%dma_wait3A_904 : memref<100001x32xf32, #tpu.memory_space<hbm>>) dst(%dma_wait3A_900 : memref<128x32xf32, #tpu.memory_space<vmem>>)
      %dma_wait3A_905 = arith.constant 0 : i32
      %dma_wait3A_906 = arith.constant 0 : i32
      %dma_wait3A_907 = tpu.memref_slice %arg16[%dma_wait3A_905, %dma_wait3A_906] : memref<640x32xf32, #tpu.memory_space<vmem>> -> memref<128x32xf32, #tpu.memory_space<vmem>>
      %dma_wait3A_908 = tpu.memref_slice %arg10[%add3A_23] : memref<3200xi32, #tpu.memory_space<vmem>> -> memref<128xi32, #tpu.memory_space<vmem>>
      %dma_wait3A_909 = arith.constant 0 : i32
      %dma_wait3A_910 = arith.constant 0 : i32
      %dma_wait3A_911 = tpu.memref_slice %arg4[%dma_wait3A_909, %dma_wait3A_910] : memref<1001x32xf32, #tpu.memory_space<hbm>> -> memref<1001x32xf32, #tpu.memory_space<hbm>>
      tpu.wait_indirect_dma semaphore(%arg18 : memref<!tpu.dma_semaphore, #tpu.memory_space<semaphore_mem>>) src(%dma_wait3A_911 : memref<1001x32xf32, #tpu.memory_space<hbm>>) dst(%dma_wait3A_907 : memref<128x32xf32, #tpu.memory_space<vmem>>)
      %dma_wait3A_912 = arith.constant 128 : i32
      %dma_wait3A_913 = arith.constant 0 : i32
      %dma_wait3A_914 = tpu.memref_slice %arg14[%dma_wait3A_912, %dma_wait3A_913] : memref<640x32xf32, #tpu.memory_space<vmem>> -> memref<128x32xf32, #tpu.memory_space<vmem>>
      %dma_wait3A_915 = tpu.memref_slice %arg8[%add3A_45] : memref<3200xi32, #tpu.memory_space<vmem>> -> memref<128xi32, #tpu.memory_space<vmem>>
      %dma_wait3A_916 = arith.constant 0 : i32
      %dma_wait3A_917 = arith.constant 0 : i32
      %dma_wait3A_918 = tpu.memref_slice %arg2[%dma_wait3A_916, %dma_wait3A_917] : memref<100001x32xf32, #tpu.memory_space<hbm>> -> memref<100001x32xf32, #tpu.memory_space<hbm>>
      tpu.wait_indirect_dma semaphore(%arg18 : memref<!tpu.dma_semaphore, #tpu.memory_space<semaphore_mem>>) src(%dma_wait3A_918 : memref<100001x32xf32, #tpu.memory_space<hbm>>) dst(%dma_wait3A_914 : memref<128x32xf32, #tpu.memory_space<vmem>>)
      %dma_wait3A_919 = arith.constant 128 : i32
      %dma_wait3A_920 = arith.constant 0 : i32
      %dma_wait3A_921 = tpu.memref_slice %arg15[%dma_wait3A_919, %dma_wait3A_920] : memref<640x32xf32, #tpu.memory_space<vmem>> -> memref<128x32xf32, #tpu.memory_space<vmem>>
      %dma_wait3A_922 = tpu.memref_slice %arg9[%add3A_45] : memref<3200xi32, #tpu.memory_space<vmem>> -> memref<128xi32, #tpu.memory_space<vmem>>
      %dma_wait3A_923 = arith.constant 0 : i32
      %dma_wait3A_924 = arith.constant 0 : i32
      %dma_wait3A_925 = tpu.memref_slice %arg3[%dma_wait3A_923, %dma_wait3A_924] : memref<100001x32xf32, #tpu.memory_space<hbm>> -> memref<100001x32xf32, #tpu.memory_space<hbm>>
      tpu.wait_indirect_dma semaphore(%arg18 : memref<!tpu.dma_semaphore, #tpu.memory_space<semaphore_mem>>) src(%dma_wait3A_925 : memref<100001x32xf32, #tpu.memory_space<hbm>>) dst(%dma_wait3A_921 : memref<128x32xf32, #tpu.memory_space<vmem>>)
      %dma_wait3A_926 = arith.constant 128 : i32
      %dma_wait3A_927 = arith.constant 0 : i32
      %dma_wait3A_928 = tpu.memref_slice %arg16[%dma_wait3A_926, %dma_wait3A_927] : memref<640x32xf32, #tpu.memory_space<vmem>> -> memref<128x32xf32, #tpu.memory_space<vmem>>
      %dma_wait3A_929 = tpu.memref_slice %arg10[%add3A_45] : memref<3200xi32, #tpu.memory_space<vmem>> -> memref<128xi32, #tpu.memory_space<vmem>>
      %dma_wait3A_930 = arith.constant 0 : i32
      %dma_wait3A_931 = arith.constant 0 : i32
      %dma_wait3A_932 = tpu.memref_slice %arg4[%dma_wait3A_930, %dma_wait3A_931] : memref<1001x32xf32, #tpu.memory_space<hbm>> -> memref<1001x32xf32, #tpu.memory_space<hbm>>
      tpu.wait_indirect_dma semaphore(%arg18 : memref<!tpu.dma_semaphore, #tpu.memory_space<semaphore_mem>>) src(%dma_wait3A_932 : memref<1001x32xf32, #tpu.memory_space<hbm>>) dst(%dma_wait3A_928 : memref<128x32xf32, #tpu.memory_space<vmem>>)
      %dma_wait3A_933 = arith.constant 256 : i32
      %dma_wait3A_934 = arith.constant 0 : i32
      %dma_wait3A_935 = tpu.memref_slice %arg14[%dma_wait3A_933, %dma_wait3A_934] : memref<640x32xf32, #tpu.memory_space<vmem>> -> memref<128x32xf32, #tpu.memory_space<vmem>>
      %dma_wait3A_936 = tpu.memref_slice %arg8[%add3A_68] : memref<3200xi32, #tpu.memory_space<vmem>> -> memref<128xi32, #tpu.memory_space<vmem>>
      %dma_wait3A_937 = arith.constant 0 : i32
      %dma_wait3A_938 = arith.constant 0 : i32
      %dma_wait3A_939 = tpu.memref_slice %arg2[%dma_wait3A_937, %dma_wait3A_938] : memref<100001x32xf32, #tpu.memory_space<hbm>> -> memref<100001x32xf32, #tpu.memory_space<hbm>>
      tpu.wait_indirect_dma semaphore(%arg18 : memref<!tpu.dma_semaphore, #tpu.memory_space<semaphore_mem>>) src(%dma_wait3A_939 : memref<100001x32xf32, #tpu.memory_space<hbm>>) dst(%dma_wait3A_935 : memref<128x32xf32, #tpu.memory_space<vmem>>)
      %dma_wait3A_940 = arith.constant 256 : i32
      %dma_wait3A_941 = arith.constant 0 : i32
      %dma_wait3A_942 = tpu.memref_slice %arg15[%dma_wait3A_940, %dma_wait3A_941] : memref<640x32xf32, #tpu.memory_space<vmem>> -> memref<128x32xf32, #tpu.memory_space<vmem>>
      %dma_wait3A_943 = tpu.memref_slice %arg9[%add3A_68] : memref<3200xi32, #tpu.memory_space<vmem>> -> memref<128xi32, #tpu.memory_space<vmem>>
      %dma_wait3A_944 = arith.constant 0 : i32
      %dma_wait3A_945 = arith.constant 0 : i32
      %dma_wait3A_946 = tpu.memref_slice %arg3[%dma_wait3A_944, %dma_wait3A_945] : memref<100001x32xf32, #tpu.memory_space<hbm>> -> memref<100001x32xf32, #tpu.memory_space<hbm>>
      tpu.wait_indirect_dma semaphore(%arg18 : memref<!tpu.dma_semaphore, #tpu.memory_space<semaphore_mem>>) src(%dma_wait3A_946 : memref<100001x32xf32, #tpu.memory_space<hbm>>) dst(%dma_wait3A_942 : memref<128x32xf32, #tpu.memory_space<vmem>>)
      %dma_wait3A_947 = arith.constant 256 : i32
      %dma_wait3A_948 = arith.constant 0 : i32
      %dma_wait3A_949 = tpu.memref_slice %arg16[%dma_wait3A_947, %dma_wait3A_948] : memref<640x32xf32, #tpu.memory_space<vmem>> -> memref<128x32xf32, #tpu.memory_space<vmem>>
      %dma_wait3A_950 = tpu.memref_slice %arg10[%add3A_68] : memref<3200xi32, #tpu.memory_space<vmem>> -> memref<128xi32, #tpu.memory_space<vmem>>
      %dma_wait3A_951 = arith.constant 0 : i32
      %dma_wait3A_952 = arith.constant 0 : i32
      %dma_wait3A_953 = tpu.memref_slice %arg4[%dma_wait3A_951, %dma_wait3A_952] : memref<1001x32xf32, #tpu.memory_space<hbm>> -> memref<1001x32xf32, #tpu.memory_space<hbm>>
      tpu.wait_indirect_dma semaphore(%arg18 : memref<!tpu.dma_semaphore, #tpu.memory_space<semaphore_mem>>) src(%dma_wait3A_953 : memref<1001x32xf32, #tpu.memory_space<hbm>>) dst(%dma_wait3A_949 : memref<128x32xf32, #tpu.memory_space<vmem>>)
      %dma_wait3A_954 = arith.constant 384 : i32
      %dma_wait3A_955 = arith.constant 0 : i32
      %dma_wait3A_956 = tpu.memref_slice %arg14[%dma_wait3A_954, %dma_wait3A_955] : memref<640x32xf32, #tpu.memory_space<vmem>> -> memref<128x32xf32, #tpu.memory_space<vmem>>
      %dma_wait3A_957 = tpu.memref_slice %arg8[%add3A_91] : memref<3200xi32, #tpu.memory_space<vmem>> -> memref<128xi32, #tpu.memory_space<vmem>>
      %dma_wait3A_958 = arith.constant 0 : i32
      %dma_wait3A_959 = arith.constant 0 : i32
      %dma_wait3A_960 = tpu.memref_slice %arg2[%dma_wait3A_958, %dma_wait3A_959] : memref<100001x32xf32, #tpu.memory_space<hbm>> -> memref<100001x32xf32, #tpu.memory_space<hbm>>
      tpu.wait_indirect_dma semaphore(%arg18 : memref<!tpu.dma_semaphore, #tpu.memory_space<semaphore_mem>>) src(%dma_wait3A_960 : memref<100001x32xf32, #tpu.memory_space<hbm>>) dst(%dma_wait3A_956 : memref<128x32xf32, #tpu.memory_space<vmem>>)
      %dma_wait3A_961 = arith.constant 384 : i32
      %dma_wait3A_962 = arith.constant 0 : i32
      %dma_wait3A_963 = tpu.memref_slice %arg15[%dma_wait3A_961, %dma_wait3A_962] : memref<640x32xf32, #tpu.memory_space<vmem>> -> memref<128x32xf32, #tpu.memory_space<vmem>>
      %dma_wait3A_964 = tpu.memref_slice %arg9[%add3A_91] : memref<3200xi32, #tpu.memory_space<vmem>> -> memref<128xi32, #tpu.memory_space<vmem>>
      %dma_wait3A_965 = arith.constant 0 : i32
      %dma_wait3A_966 = arith.constant 0 : i32
      %dma_wait3A_967 = tpu.memref_slice %arg3[%dma_wait3A_965, %dma_wait3A_966] : memref<100001x32xf32, #tpu.memory_space<hbm>> -> memref<100001x32xf32, #tpu.memory_space<hbm>>
      tpu.wait_indirect_dma semaphore(%arg18 : memref<!tpu.dma_semaphore, #tpu.memory_space<semaphore_mem>>) src(%dma_wait3A_967 : memref<100001x32xf32, #tpu.memory_space<hbm>>) dst(%dma_wait3A_963 : memref<128x32xf32, #tpu.memory_space<vmem>>)
      %dma_wait3A_968 = arith.constant 384 : i32
      %dma_wait3A_969 = arith.constant 0 : i32
      %dma_wait3A_970 = tpu.memref_slice %arg16[%dma_wait3A_968, %dma_wait3A_969] : memref<640x32xf32, #tpu.memory_space<vmem>> -> memref<128x32xf32, #tpu.memory_space<vmem>>
      %dma_wait3A_971 = tpu.memref_slice %arg10[%add3A_91] : memref<3200xi32, #tpu.memory_space<vmem>> -> memref<128xi32, #tpu.memory_space<vmem>>
      %dma_wait3A_972 = arith.constant 0 : i32
      %dma_wait3A_973 = arith.constant 0 : i32
      %dma_wait3A_974 = tpu.memref_slice %arg4[%dma_wait3A_972, %dma_wait3A_973] : memref<1001x32xf32, #tpu.memory_space<hbm>> -> memref<1001x32xf32, #tpu.memory_space<hbm>>
      tpu.wait_indirect_dma semaphore(%arg18 : memref<!tpu.dma_semaphore, #tpu.memory_space<semaphore_mem>>) src(%dma_wait3A_974 : memref<1001x32xf32, #tpu.memory_space<hbm>>) dst(%dma_wait3A_970 : memref<128x32xf32, #tpu.memory_space<vmem>>)
      %dma_wait3A_975 = arith.constant 512 : i32
      %dma_wait3A_976 = arith.constant 0 : i32
      %dma_wait3A_977 = tpu.memref_slice %arg14[%dma_wait3A_975, %dma_wait3A_976] : memref<640x32xf32, #tpu.memory_space<vmem>> -> memref<128x32xf32, #tpu.memory_space<vmem>>
      %dma_wait3A_978 = tpu.memref_slice %arg8[%add3A_114] : memref<3200xi32, #tpu.memory_space<vmem>> -> memref<128xi32, #tpu.memory_space<vmem>>
      %dma_wait3A_979 = arith.constant 0 : i32
      %dma_wait3A_980 = arith.constant 0 : i32
      %dma_wait3A_981 = tpu.memref_slice %arg2[%dma_wait3A_979, %dma_wait3A_980] : memref<100001x32xf32, #tpu.memory_space<hbm>> -> memref<100001x32xf32, #tpu.memory_space<hbm>>
      tpu.wait_indirect_dma semaphore(%arg18 : memref<!tpu.dma_semaphore, #tpu.memory_space<semaphore_mem>>) src(%dma_wait3A_981 : memref<100001x32xf32, #tpu.memory_space<hbm>>) dst(%dma_wait3A_977 : memref<128x32xf32, #tpu.memory_space<vmem>>)
      %dma_wait3A_982 = arith.constant 512 : i32
      %dma_wait3A_983 = arith.constant 0 : i32
      %dma_wait3A_984 = tpu.memref_slice %arg15[%dma_wait3A_982, %dma_wait3A_983] : memref<640x32xf32, #tpu.memory_space<vmem>> -> memref<128x32xf32, #tpu.memory_space<vmem>>
      %dma_wait3A_985 = tpu.memref_slice %arg9[%add3A_114] : memref<3200xi32, #tpu.memory_space<vmem>> -> memref<128xi32, #tpu.memory_space<vmem>>
      %dma_wait3A_986 = arith.constant 0 : i32
      %dma_wait3A_987 = arith.constant 0 : i32
      %dma_wait3A_988 = tpu.memref_slice %arg3[%dma_wait3A_986, %dma_wait3A_987] : memref<100001x32xf32, #tpu.memory_space<hbm>> -> memref<100001x32xf32, #tpu.memory_space<hbm>>
      tpu.wait_indirect_dma semaphore(%arg18 : memref<!tpu.dma_semaphore, #tpu.memory_space<semaphore_mem>>) src(%dma_wait3A_988 : memref<100001x32xf32, #tpu.memory_space<hbm>>) dst(%dma_wait3A_984 : memref<128x32xf32, #tpu.memory_space<vmem>>)
      %dma_wait3A_989 = arith.constant 512 : i32
      %dma_wait3A_990 = arith.constant 0 : i32
      %dma_wait3A_991 = tpu.memref_slice %arg16[%dma_wait3A_989, %dma_wait3A_990] : memref<640x32xf32, #tpu.memory_space<vmem>> -> memref<128x32xf32, #tpu.memory_space<vmem>>
      %dma_wait3A_992 = tpu.memref_slice %arg10[%add3A_114] : memref<3200xi32, #tpu.memory_space<vmem>> -> memref<128xi32, #tpu.memory_space<vmem>>
      %dma_wait3A_993 = arith.constant 0 : i32
      %dma_wait3A_994 = arith.constant 0 : i32
      %dma_wait3A_995 = tpu.memref_slice %arg4[%dma_wait3A_993, %dma_wait3A_994] : memref<1001x32xf32, #tpu.memory_space<hbm>> -> memref<1001x32xf32, #tpu.memory_space<hbm>>
      tpu.wait_indirect_dma semaphore(%arg18 : memref<!tpu.dma_semaphore, #tpu.memory_space<semaphore_mem>>) src(%dma_wait3A_995 : memref<1001x32xf32, #tpu.memory_space<hbm>>) dst(%dma_wait3A_991 : memref<128x32xf32, #tpu.memory_space<vmem>>)
      "tpu.region"() ({
        %run_scoped3A = tpu.sem_alloc : memref<!tpu.dma_semaphore, #tpu.memory_space<semaphore_mem>>
        %dma_start3A_996 = arith.constant 0 : i32
        %dma_start3A_997 = tpu.memref_slice %arg7[%add3A_21, %dma_start3A_996] : memref<102400x128xf32, #tpu.memory_space<hbm>> -> memref<640x32xf32, #tpu.memory_space<hbm>>
        %dma_start3A_998 = arith.constant 0 : i32
        %dma_start3A_999 = tpu.memref_slice %arg7[%add3A_21, %dma_start3A_998] : memref<102400x128xf32, #tpu.memory_space<hbm>> -> memref<640x32xf32, #tpu.memory_space<hbm>>
        tpu.enqueue_dma source(%arg14 : memref<640x32xf32, #tpu.memory_space<vmem>>) target(%dma_start3A_999 : memref<640x32xf32, #tpu.memory_space<hbm>>) target_semaphore(%run_scoped3A : memref<!tpu.dma_semaphore, #tpu.memory_space<semaphore_mem>>)
        %dma_wait3A_1000 = arith.constant 0 : i32
        %dma_wait3A_1001 = tpu.memref_slice %arg7[%add3A_21, %dma_wait3A_1000] : memref<102400x128xf32, #tpu.memory_space<hbm>> -> memref<640x32xf32, #tpu.memory_space<hbm>>
        %dma_wait3A_1002 = arith.constant 0 : i32
        %dma_wait3A_1003 = tpu.memref_slice %arg7[%add3A_21, %dma_wait3A_1002] : memref<102400x128xf32, #tpu.memory_space<hbm>> -> memref<640x32xf32, #tpu.memory_space<hbm>>
        tpu.wait_dma2 semaphore(%run_scoped3A : memref<!tpu.dma_semaphore, #tpu.memory_space<semaphore_mem>>) src(%arg14 : memref<640x32xf32, #tpu.memory_space<vmem>>) dst(%dma_wait3A_1003 : memref<640x32xf32, #tpu.memory_space<hbm>>)
        tpu.yield
      }) : () -> ()
      "tpu.region"() ({
        %run_scoped3A = tpu.sem_alloc : memref<!tpu.dma_semaphore, #tpu.memory_space<semaphore_mem>>
        %dma_start3A_996 = arith.constant 32 : i32
        %dma_start3A_997 = tpu.memref_slice %arg7[%add3A_21, %dma_start3A_996] : memref<102400x128xf32, #tpu.memory_space<hbm>> -> memref<640x32xf32, #tpu.memory_space<hbm>>
        %dma_start3A_998 = arith.constant 32 : i32
        %dma_start3A_999 = tpu.memref_slice %arg7[%add3A_21, %dma_start3A_998] : memref<102400x128xf32, #tpu.memory_space<hbm>> -> memref<640x32xf32, #tpu.memory_space<hbm>>
        tpu.enqueue_dma source(%arg15 : memref<640x32xf32, #tpu.memory_space<vmem>>) target(%dma_start3A_999 : memref<640x32xf32, #tpu.memory_space<hbm>>) target_semaphore(%run_scoped3A : memref<!tpu.dma_semaphore, #tpu.memory_space<semaphore_mem>>)
        %dma_wait3A_1000 = arith.constant 32 : i32
        %dma_wait3A_1001 = tpu.memref_slice %arg7[%add3A_21, %dma_wait3A_1000] : memref<102400x128xf32, #tpu.memory_space<hbm>> -> memref<640x32xf32, #tpu.memory_space<hbm>>
        %dma_wait3A_1002 = arith.constant 32 : i32
        %dma_wait3A_1003 = tpu.memref_slice %arg7[%add3A_21, %dma_wait3A_1002] : memref<102400x128xf32, #tpu.memory_space<hbm>> -> memref<640x32xf32, #tpu.memory_space<hbm>>
        tpu.wait_dma2 semaphore(%run_scoped3A : memref<!tpu.dma_semaphore, #tpu.memory_space<semaphore_mem>>) src(%arg15 : memref<640x32xf32, #tpu.memory_space<vmem>>) dst(%dma_wait3A_1003 : memref<640x32xf32, #tpu.memory_space<hbm>>)
        tpu.yield
      }) : () -> ()
      "tpu.region"() ({
        %run_scoped3A = tpu.sem_alloc : memref<!tpu.dma_semaphore, #tpu.memory_space<semaphore_mem>>
        %dma_start3A_996 = arith.constant 64 : i32
        %dma_start3A_997 = tpu.memref_slice %arg7[%add3A_21, %dma_start3A_996] : memref<102400x128xf32, #tpu.memory_space<hbm>> -> memref<640x32xf32, #tpu.memory_space<hbm>>
        %dma_start3A_998 = arith.constant 64 : i32
        %dma_start3A_999 = tpu.memref_slice %arg7[%add3A_21, %dma_start3A_998] : memref<102400x128xf32, #tpu.memory_space<hbm>> -> memref<640x32xf32, #tpu.memory_space<hbm>>
        tpu.enqueue_dma source(%arg16 : memref<640x32xf32, #tpu.memory_space<vmem>>) target(%dma_start3A_999 : memref<640x32xf32, #tpu.memory_space<hbm>>) target_semaphore(%run_scoped3A : memref<!tpu.dma_semaphore, #tpu.memory_space<semaphore_mem>>)
        %dma_wait3A_1000 = arith.constant 64 : i32
        %dma_wait3A_1001 = tpu.memref_slice %arg7[%add3A_21, %dma_wait3A_1000] : memref<102400x128xf32, #tpu.memory_space<hbm>> -> memref<640x32xf32, #tpu.memory_space<hbm>>
        %dma_wait3A_1002 = arith.constant 64 : i32
        %dma_wait3A_1003 = tpu.memref_slice %arg7[%add3A_21, %dma_wait3A_1002] : memref<102400x128xf32, #tpu.memory_space<hbm>> -> memref<640x32xf32, #tpu.memory_space<hbm>>
        tpu.wait_dma2 semaphore(%run_scoped3A : memref<!tpu.dma_semaphore, #tpu.memory_space<semaphore_mem>>) src(%arg16 : memref<640x32xf32, #tpu.memory_space<vmem>>) dst(%dma_wait3A_1003 : memref<640x32xf32, #tpu.memory_space<hbm>>)
        tpu.yield
      }) : () -> ()
      "tpu.region"() ({
        %run_scoped3A = tpu.sem_alloc : memref<!tpu.dma_semaphore, #tpu.memory_space<semaphore_mem>>
        %dma_start3A_996 = arith.constant 96 : i32
        %dma_start3A_997 = tpu.memref_slice %arg7[%add3A_21, %dma_start3A_996] : memref<102400x128xf32, #tpu.memory_space<hbm>> -> memref<640x4xf32, #tpu.memory_space<hbm>>
        %dma_start3A_998 = arith.constant 96 : i32
        %dma_start3A_999 = tpu.memref_slice %arg7[%add3A_21, %dma_start3A_998] : memref<102400x128xf32, #tpu.memory_space<hbm>> -> memref<640x4xf32, #tpu.memory_space<hbm>>
        tpu.enqueue_dma source(%arg17 : memref<640x4xf32, #tpu.memory_space<vmem>>) target(%dma_start3A_999 : memref<640x4xf32, #tpu.memory_space<hbm>>) target_semaphore(%run_scoped3A : memref<!tpu.dma_semaphore, #tpu.memory_space<semaphore_mem>>)
        %dma_wait3A_1000 = arith.constant 96 : i32
        %dma_wait3A_1001 = tpu.memref_slice %arg7[%add3A_21, %dma_wait3A_1000] : memref<102400x128xf32, #tpu.memory_space<hbm>> -> memref<640x4xf32, #tpu.memory_space<hbm>>
        %dma_wait3A_1002 = arith.constant 96 : i32
        %dma_wait3A_1003 = tpu.memref_slice %arg7[%add3A_21, %dma_wait3A_1002] : memref<102400x128xf32, #tpu.memory_space<hbm>> -> memref<640x4xf32, #tpu.memory_space<hbm>>
        tpu.wait_dma2 semaphore(%run_scoped3A : memref<!tpu.dma_semaphore, #tpu.memory_space<semaphore_mem>>) src(%arg17 : memref<640x4xf32, #tpu.memory_space<vmem>>) dst(%dma_wait3A_1003 : memref<640x4xf32, #tpu.memory_space<hbm>>)
        tpu.yield
      }) : () -> ()
    }
    %scan3A_17 = arith.constant 5 : i32
    return
  }
}

#map = affine_map<(d0, d1) -> (0, 0)>
#map1 = affine_map<(d0, d1) -> (0)>
module attributes {stable_mosaic.version = 14 : i64} {
  func.func @k(%arg0: i32, %arg1: i32, %arg2: memref<100001x32xf32, #tpu.memory_space<hbm>>, %arg3: memref<100001x32xf32, #tpu.memory_space<hbm>>, %arg4: memref<1001x32xf32, #tpu.memory_space<hbm>>, %arg5: memref<819200xi32, #tpu.memory_space<hbm>>, %arg6: memref<409600xf32, #tpu.memory_space<hbm>>, %arg7: memref<102400x128xf32, #tpu.memory_space<hbm>>, %arg8: memref<3200xi32, #tpu.memory_space<vmem>>, %arg9: memref<3200xi32, #tpu.memory_space<vmem>>, %arg10: memref<3200xi32, #tpu.memory_space<vmem>>, %arg11: memref<3200xi32, #tpu.memory_space<vmem>>, %arg12: memref<3200xf32, #tpu.memory_space<vmem>>, %arg13: memref<3200xf32, #tpu.memory_space<vmem>>, %arg14: memref<640x32xf32, #tpu.memory_space<vmem>>, %arg15: memref<640x32xf32, #tpu.memory_space<vmem>>, %arg16: memref<640x32xf32, #tpu.memory_space<vmem>>, %arg17: memref<640x4xf32, #tpu.memory_space<vmem>>, %arg18: memref<!tpu.dma_semaphore, #tpu.memory_space<semaphore_mem>>) attributes {dimension_semantics = [#tpu.dimension_semantics<core_parallel>, #tpu.dimension_semantics<subcore_parallel>], iteration_bounds = array<i64: 2, 16>, scalar_prefetch = 0 : i64, scratch_operands = 11 : i64, tpu.core_type = #tpu.core_type<sc_vector_subcore>, window_params = [{transform_indices = #map}, {transform_indices = #map}, {transform_indices = #map}, {transform_indices = #map1}, {transform_indices = #map1}, {transform_indices = #map}]} {
    %mul3A = arith.constant 2 : i32
    %mul3A_0 = arith.muli %arg1, %mul3A : i32
    %add3A = arith.addi %mul3A_0, %arg0 : i32
    %mul3A_1 = arith.constant 3200 : i32
    %mul3A_2 = arith.muli %add3A, %mul3A_1 : i32
    %add3A_3 = arith.constant 102400 : i32
    %add3A_4 = arith.addi %add3A_3, %mul3A_2 : i32
    "tpu.region"() ({
      %run_scoped3A = tpu.sem_alloc : memref<!tpu.dma_semaphore, #tpu.memory_space<semaphore_mem>>
      %dma_start3A = tpu.memref_slice %arg5[%add3A_4] : memref<819200xi32, #tpu.memory_space<hbm>> -> memref<3200xi32, #tpu.memory_space<hbm>>
      %dma_start3A_18 = tpu.memref_slice %arg5[%add3A_4] : memref<819200xi32, #tpu.memory_space<hbm>> -> memref<3200xi32, #tpu.memory_space<hbm>>
      tpu.enqueue_dma source(%dma_start3A_18 : memref<3200xi32, #tpu.memory_space<hbm>>) target(%arg8 : memref<3200xi32, #tpu.memory_space<vmem>>) target_semaphore(%run_scoped3A : memref<!tpu.dma_semaphore, #tpu.memory_space<semaphore_mem>>)
      %dma_wait3A = tpu.memref_slice %arg5[%add3A_4] : memref<819200xi32, #tpu.memory_space<hbm>> -> memref<3200xi32, #tpu.memory_space<hbm>>
      %dma_wait3A_19 = tpu.memref_slice %arg5[%add3A_4] : memref<819200xi32, #tpu.memory_space<hbm>> -> memref<3200xi32, #tpu.memory_space<hbm>>
      tpu.wait_dma2 semaphore(%run_scoped3A : memref<!tpu.dma_semaphore, #tpu.memory_space<semaphore_mem>>) src(%dma_wait3A_19 : memref<3200xi32, #tpu.memory_space<hbm>>) dst(%arg8 : memref<3200xi32, #tpu.memory_space<vmem>>)
      tpu.yield
    }) : () -> ()
    %add3A_5 = arith.constant 204800 : i32
    %add3A_6 = arith.addi %add3A_5, %add3A_4 : i32
    "tpu.region"() ({
      %run_scoped3A = tpu.sem_alloc : memref<!tpu.dma_semaphore, #tpu.memory_space<semaphore_mem>>
      %dma_start3A = tpu.memref_slice %arg5[%add3A_6] : memref<819200xi32, #tpu.memory_space<hbm>> -> memref<3200xi32, #tpu.memory_space<hbm>>
      %dma_start3A_18 = tpu.memref_slice %arg5[%add3A_6] : memref<819200xi32, #tpu.memory_space<hbm>> -> memref<3200xi32, #tpu.memory_space<hbm>>
      tpu.enqueue_dma source(%dma_start3A_18 : memref<3200xi32, #tpu.memory_space<hbm>>) target(%arg9 : memref<3200xi32, #tpu.memory_space<vmem>>) target_semaphore(%run_scoped3A : memref<!tpu.dma_semaphore, #tpu.memory_space<semaphore_mem>>)
      %dma_wait3A = tpu.memref_slice %arg5[%add3A_6] : memref<819200xi32, #tpu.memory_space<hbm>> -> memref<3200xi32, #tpu.memory_space<hbm>>
      %dma_wait3A_19 = tpu.memref_slice %arg5[%add3A_6] : memref<819200xi32, #tpu.memory_space<hbm>> -> memref<3200xi32, #tpu.memory_space<hbm>>
      tpu.wait_dma2 semaphore(%run_scoped3A : memref<!tpu.dma_semaphore, #tpu.memory_space<semaphore_mem>>) src(%dma_wait3A_19 : memref<3200xi32, #tpu.memory_space<hbm>>) dst(%arg9 : memref<3200xi32, #tpu.memory_space<vmem>>)
      tpu.yield
    }) : () -> ()
    %add3A_7 = arith.constant 409600 : i32
    %add3A_8 = arith.addi %add3A_7, %add3A_4 : i32
    "tpu.region"() ({
      %run_scoped3A = tpu.sem_alloc : memref<!tpu.dma_semaphore, #tpu.memory_space<semaphore_mem>>
      %dma_start3A = tpu.memref_slice %arg5[%add3A_8] : memref<819200xi32, #tpu.memory_space<hbm>> -> memref<3200xi32, #tpu.memory_space<hbm>>
      %dma_start3A_18 = tpu.memref_slice %arg5[%add3A_8] : memref<819200xi32, #tpu.memory_space<hbm>> -> memref<3200xi32, #tpu.memory_space<hbm>>
      tpu.enqueue_dma source(%dma_start3A_18 : memref<3200xi32, #tpu.memory_space<hbm>>) target(%arg10 : memref<3200xi32, #tpu.memory_space<vmem>>) target_semaphore(%run_scoped3A : memref<!tpu.dma_semaphore, #tpu.memory_space<semaphore_mem>>)
      %dma_wait3A = tpu.memref_slice %arg5[%add3A_8] : memref<819200xi32, #tpu.memory_space<hbm>> -> memref<3200xi32, #tpu.memory_space<hbm>>
      %dma_wait3A_19 = tpu.memref_slice %arg5[%add3A_8] : memref<819200xi32, #tpu.memory_space<hbm>> -> memref<3200xi32, #tpu.memory_space<hbm>>
      tpu.wait_dma2 semaphore(%run_scoped3A : memref<!tpu.dma_semaphore, #tpu.memory_space<semaphore_mem>>) src(%dma_wait3A_19 : memref<3200xi32, #tpu.memory_space<hbm>>) dst(%arg10 : memref<3200xi32, #tpu.memory_space<vmem>>)
      tpu.yield
    }) : () -> ()
    %add3A_9 = arith.constant 614400 : i32
    %add3A_10 = arith.addi %add3A_9, %add3A_4 : i32
    "tpu.region"() ({
      %run_scoped3A = tpu.sem_alloc : memref<!tpu.dma_semaphore, #tpu.memory_space<semaphore_mem>>
      %dma_start3A = tpu.memref_slice %arg5[%add3A_10] : memref<819200xi32, #tpu.memory_space<hbm>> -> memref<3200xi32, #tpu.memory_space<hbm>>
      %dma_start3A_18 = tpu.memref_slice %arg5[%add3A_10] : memref<819200xi32, #tpu.memory_space<hbm>> -> memref<3200xi32, #tpu.memory_space<hbm>>
      tpu.enqueue_dma source(%dma_start3A_18 : memref<3200xi32, #tpu.memory_space<hbm>>) target(%arg11 : memref<3200xi32, #tpu.memory_space<vmem>>) target_semaphore(%run_scoped3A : memref<!tpu.dma_semaphore, #tpu.memory_space<semaphore_mem>>)
      %dma_wait3A = tpu.memref_slice %arg5[%add3A_10] : memref<819200xi32, #tpu.memory_space<hbm>> -> memref<3200xi32, #tpu.memory_space<hbm>>
      %dma_wait3A_19 = tpu.memref_slice %arg5[%add3A_10] : memref<819200xi32, #tpu.memory_space<hbm>> -> memref<3200xi32, #tpu.memory_space<hbm>>
      tpu.wait_dma2 semaphore(%run_scoped3A : memref<!tpu.dma_semaphore, #tpu.memory_space<semaphore_mem>>) src(%dma_wait3A_19 : memref<3200xi32, #tpu.memory_space<hbm>>) dst(%arg11 : memref<3200xi32, #tpu.memory_space<vmem>>)
      tpu.yield
    }) : () -> ()
    "tpu.region"() ({
      %run_scoped3A = tpu.sem_alloc : memref<!tpu.dma_semaphore, #tpu.memory_space<semaphore_mem>>
      %dma_start3A = tpu.memref_slice %arg6[%add3A_4] : memref<409600xf32, #tpu.memory_space<hbm>> -> memref<3200xf32, #tpu.memory_space<hbm>>
      %dma_start3A_18 = tpu.memref_slice %arg6[%add3A_4] : memref<409600xf32, #tpu.memory_space<hbm>> -> memref<3200xf32, #tpu.memory_space<hbm>>
      tpu.enqueue_dma source(%dma_start3A_18 : memref<3200xf32, #tpu.memory_space<hbm>>) target(%arg12 : memref<3200xf32, #tpu.memory_space<vmem>>) target_semaphore(%run_scoped3A : memref<!tpu.dma_semaphore, #tpu.memory_space<semaphore_mem>>)
      %dma_wait3A = tpu.memref_slice %arg6[%add3A_4] : memref<409600xf32, #tpu.memory_space<hbm>> -> memref<3200xf32, #tpu.memory_space<hbm>>
      %dma_wait3A_19 = tpu.memref_slice %arg6[%add3A_4] : memref<409600xf32, #tpu.memory_space<hbm>> -> memref<3200xf32, #tpu.memory_space<hbm>>
      tpu.wait_dma2 semaphore(%run_scoped3A : memref<!tpu.dma_semaphore, #tpu.memory_space<semaphore_mem>>) src(%dma_wait3A_19 : memref<3200xf32, #tpu.memory_space<hbm>>) dst(%arg12 : memref<3200xf32, #tpu.memory_space<vmem>>)
      tpu.yield
    }) : () -> ()
    %add3A_11 = arith.constant 204800 : i32
    %add3A_12 = arith.addi %add3A_11, %add3A_4 : i32
    "tpu.region"() ({
      %run_scoped3A = tpu.sem_alloc : memref<!tpu.dma_semaphore, #tpu.memory_space<semaphore_mem>>
      %dma_start3A = tpu.memref_slice %arg6[%add3A_12] : memref<409600xf32, #tpu.memory_space<hbm>> -> memref<3200xf32, #tpu.memory_space<hbm>>
      %dma_start3A_18 = tpu.memref_slice %arg6[%add3A_12] : memref<409600xf32, #tpu.memory_space<hbm>> -> memref<3200xf32, #tpu.memory_space<hbm>>
      tpu.enqueue_dma source(%dma_start3A_18 : memref<3200xf32, #tpu.memory_space<hbm>>) target(%arg13 : memref<3200xf32, #tpu.memory_space<vmem>>) target_semaphore(%run_scoped3A : memref<!tpu.dma_semaphore, #tpu.memory_space<semaphore_mem>>)
      %dma_wait3A = tpu.memref_slice %arg6[%add3A_12] : memref<409600xf32, #tpu.memory_space<hbm>> -> memref<3200xf32, #tpu.memory_space<hbm>>
      %dma_wait3A_19 = tpu.memref_slice %arg6[%add3A_12] : memref<409600xf32, #tpu.memory_space<hbm>> -> memref<3200xf32, #tpu.memory_space<hbm>>
      tpu.wait_dma2 semaphore(%run_scoped3A : memref<!tpu.dma_semaphore, #tpu.memory_space<semaphore_mem>>) src(%dma_wait3A_19 : memref<3200xf32, #tpu.memory_space<hbm>>) dst(%arg13 : memref<3200xf32, #tpu.memory_space<vmem>>)
      tpu.yield
    }) : () -> ()
    %scan3A = arith.constant 0 : i32
    %scan3A_13 = arith.constant 0 : i32
    %scan3A_14 = arith.constant 5 : i32
    %scan3A_15 = arith.addi %scan3A_13, %scan3A_14 : i32
    %scan3A_16 = arith.constant 1 : i32
    scf.for %scan3A_18 = %scan3A_13 to %scan3A_15 step %scan3A_16  : i32 {
      %mul3A_19 = arith.constant 640 : i32
      %mul3A_20 = arith.muli %scan3A_18, %mul3A_19 : i32
      %add3A_21 = arith.addi %mul3A_2, %mul3A_20 : i32
      %add3A_22 = arith.constant 0 : i32
      %add3A_23 = arith.addi %mul3A_20, %add3A_22 : i32
      %dma_start3A = arith.constant 0 : i32
      %dma_start3A_24 = arith.constant 0 : i32
      %dma_start3A_25 = tpu.memref_slice %arg14[%dma_start3A, %dma_start3A_24] : memref<640x32xf32, #tpu.memory_space<vmem>> -> memref<128x32xf32, #tpu.memory_space<vmem>>
      %dma_start3A_26 = tpu.memref_slice %arg8[%add3A_23] : memref<3200xi32, #tpu.memory_space<vmem>> -> memref<128xi32, #tpu.memory_space<vmem>>
      %dma_start3A_27 = arith.constant 0 : i32
      %dma_start3A_28 = arith.constant 0 : i32
      %dma_start3A_29 = tpu.memref_slice %arg2[%dma_start3A_27, %dma_start3A_28] : memref<100001x32xf32, #tpu.memory_space<hbm>> -> memref<100001x32xf32, #tpu.memory_space<hbm>>
      tpu.enqueue_indirect_dma source(%dma_start3A_29 : memref<100001x32xf32, #tpu.memory_space<hbm>>) target(%dma_start3A_25 : memref<128x32xf32, #tpu.memory_space<vmem>>) offsets(%dma_start3A_26 : memref<128xi32, #tpu.memory_space<vmem>>) semaphore(%arg18 : memref<!tpu.dma_semaphore, #tpu.memory_space<semaphore_mem>>)
      %dma_start3A_30 = arith.constant 0 : i32
      %dma_start3A_31 = arith.constant 0 : i32
      %dma_start3A_32 = tpu.memref_slice %arg15[%dma_start3A_30, %dma_start3A_31] : memref<640x32xf32, #tpu.memory_space<vmem>> -> memref<128x32xf32, #tpu.memory_space<vmem>>
      %dma_start3A_33 = tpu.memref_slice %arg9[%add3A_23] : memref<3200xi32, #tpu.memory_space<vmem>> -> memref<128xi32, #tpu.memory_space<vmem>>
      %dma_start3A_34 = arith.constant 0 : i32
      %dma_start3A_35 = arith.constant 0 : i32
      %dma_start3A_36 = tpu.memref_slice %arg3[%dma_start3A_34, %dma_start3A_35] : memref<100001x32xf32, #tpu.memory_space<hbm>> -> memref<100001x32xf32, #tpu.memory_space<hbm>>
      tpu.enqueue_indirect_dma source(%dma_start3A_36 : memref<100001x32xf32, #tpu.memory_space<hbm>>) target(%dma_start3A_32 : memref<128x32xf32, #tpu.memory_space<vmem>>) offsets(%dma_start3A_33 : memref<128xi32, #tpu.memory_space<vmem>>) semaphore(%arg18 : memref<!tpu.dma_semaphore, #tpu.memory_space<semaphore_mem>>)
      %dma_start3A_37 = arith.constant 0 : i32
      %dma_start3A_38 = arith.constant 0 : i32
      %dma_start3A_39 = tpu.memref_slice %arg16[%dma_start3A_37, %dma_start3A_38] : memref<640x32xf32, #tpu.memory_space<vmem>> -> memref<128x32xf32, #tpu.memory_space<vmem>>
      %dma_start3A_40 = tpu.memref_slice %arg10[%add3A_23] : memref<3200xi32, #tpu.memory_space<vmem>> -> memref<128xi32, #tpu.memory_space<vmem>>
      %dma_start3A_41 = arith.constant 0 : i32
      %dma_start3A_42 = arith.constant 0 : i32
      %dma_start3A_43 = tpu.memref_slice %arg4[%dma_start3A_41, %dma_start3A_42] : memref<1001x32xf32, #tpu.memory_space<hbm>> -> memref<1001x32xf32, #tpu.memory_space<hbm>>
      tpu.enqueue_indirect_dma source(%dma_start3A_43 : memref<1001x32xf32, #tpu.memory_space<hbm>>) target(%dma_start3A_39 : memref<128x32xf32, #tpu.memory_space<vmem>>) offsets(%dma_start3A_40 : memref<128xi32, #tpu.memory_space<vmem>>) semaphore(%arg18 : memref<!tpu.dma_semaphore, #tpu.memory_space<semaphore_mem>>)
      %add3A_44 = arith.constant 128 : i32
      %add3A_45 = arith.addi %mul3A_20, %add3A_44 : i32
      %dma_start3A_46 = arith.constant 128 : i32
      %dma_start3A_47 = arith.constant 0 : i32
      %dma_start3A_48 = tpu.memref_slice %arg14[%dma_start3A_46, %dma_start3A_47] : memref<640x32xf32, #tpu.memory_space<vmem>> -> memref<128x32xf32, #tpu.memory_space<vmem>>
      %dma_start3A_49 = tpu.memref_slice %arg8[%add3A_45] : memref<3200xi32, #tpu.memory_space<vmem>> -> memref<128xi32, #tpu.memory_space<vmem>>
      %dma_start3A_50 = arith.constant 0 : i32
      %dma_start3A_51 = arith.constant 0 : i32
      %dma_start3A_52 = tpu.memref_slice %arg2[%dma_start3A_50, %dma_start3A_51] : memref<100001x32xf32, #tpu.memory_space<hbm>> -> memref<100001x32xf32, #tpu.memory_space<hbm>>
      tpu.enqueue_indirect_dma source(%dma_start3A_52 : memref<100001x32xf32, #tpu.memory_space<hbm>>) target(%dma_start3A_48 : memref<128x32xf32, #tpu.memory_space<vmem>>) offsets(%dma_start3A_49 : memref<128xi32, #tpu.memory_space<vmem>>) semaphore(%arg18 : memref<!tpu.dma_semaphore, #tpu.memory_space<semaphore_mem>>)
      %dma_start3A_53 = arith.constant 128 : i32
      %dma_start3A_54 = arith.constant 0 : i32
      %dma_start3A_55 = tpu.memref_slice %arg15[%dma_start3A_53, %dma_start3A_54] : memref<640x32xf32, #tpu.memory_space<vmem>> -> memref<128x32xf32, #tpu.memory_space<vmem>>
      %dma_start3A_56 = tpu.memref_slice %arg9[%add3A_45] : memref<3200xi32, #tpu.memory_space<vmem>> -> memref<128xi32, #tpu.memory_space<vmem>>
      %dma_start3A_57 = arith.constant 0 : i32
      %dma_start3A_58 = arith.constant 0 : i32
      %dma_start3A_59 = tpu.memref_slice %arg3[%dma_start3A_57, %dma_start3A_58] : memref<100001x32xf32, #tpu.memory_space<hbm>> -> memref<100001x32xf32, #tpu.memory_space<hbm>>
      tpu.enqueue_indirect_dma source(%dma_start3A_59 : memref<100001x32xf32, #tpu.memory_space<hbm>>) target(%dma_start3A_55 : memref<128x32xf32, #tpu.memory_space<vmem>>) offsets(%dma_start3A_56 : memref<128xi32, #tpu.memory_space<vmem>>) semaphore(%arg18 : memref<!tpu.dma_semaphore, #tpu.memory_space<semaphore_mem>>)
      %dma_start3A_60 = arith.constant 128 : i32
      %dma_start3A_61 = arith.constant 0 : i32
      %dma_start3A_62 = tpu.memref_slice %arg16[%dma_start3A_60, %dma_start3A_61] : memref<640x32xf32, #tpu.memory_space<vmem>> -> memref<128x32xf32, #tpu.memory_space<vmem>>
      %dma_start3A_63 = tpu.memref_slice %arg10[%add3A_45] : memref<3200xi32, #tpu.memory_space<vmem>> -> memref<128xi32, #tpu.memory_space<vmem>>
      %dma_start3A_64 = arith.constant 0 : i32
      %dma_start3A_65 = arith.constant 0 : i32
      %dma_start3A_66 = tpu.memref_slice %arg4[%dma_start3A_64, %dma_start3A_65] : memref<1001x32xf32, #tpu.memory_space<hbm>> -> memref<1001x32xf32, #tpu.memory_space<hbm>>
      tpu.enqueue_indirect_dma source(%dma_start3A_66 : memref<1001x32xf32, #tpu.memory_space<hbm>>) target(%dma_start3A_62 : memref<128x32xf32, #tpu.memory_space<vmem>>) offsets(%dma_start3A_63 : memref<128xi32, #tpu.memory_space<vmem>>) semaphore(%arg18 : memref<!tpu.dma_semaphore, #tpu.memory_space<semaphore_mem>>)
      %add3A_67 = arith.constant 256 : i32
      %add3A_68 = arith.addi %mul3A_20, %add3A_67 : i32
      %dma_start3A_69 = arith.constant 256 : i32
      %dma_start3A_70 = arith.constant 0 : i32
      %dma_start3A_71 = tpu.memref_slice %arg14[%dma_start3A_69, %dma_start3A_70] : memref<640x32xf32, #tpu.memory_space<vmem>> -> memref<128x32xf32, #tpu.memory_space<vmem>>
      %dma_start3A_72 = tpu.memref_slice %arg8[%add3A_68] : memref<3200xi32, #tpu.memory_space<vmem>> -> memref<128xi32, #tpu.memory_space<vmem>>
      %dma_start3A_73 = arith.constant 0 : i32
      %dma_start3A_74 = arith.constant 0 : i32
      %dma_start3A_75 = tpu.memref_slice %arg2[%dma_start3A_73, %dma_start3A_74] : memref<100001x32xf32, #tpu.memory_space<hbm>> -> memref<100001x32xf32, #tpu.memory_space<hbm>>
      tpu.enqueue_indirect_dma source(%dma_start3A_75 : memref<100001x32xf32, #tpu.memory_space<hbm>>) target(%dma_start3A_71 : memref<128x32xf32, #tpu.memory_space<vmem>>) offsets(%dma_start3A_72 : memref<128xi32, #tpu.memory_space<vmem>>) semaphore(%arg18 : memref<!tpu.dma_semaphore, #tpu.memory_space<semaphore_mem>>)
      %dma_start3A_76 = arith.constant 256 : i32
      %dma_start3A_77 = arith.constant 0 : i32
      %dma_start3A_78 = tpu.memref_slice %arg15[%dma_start3A_76, %dma_start3A_77] : memref<640x32xf32, #tpu.memory_space<vmem>> -> memref<128x32xf32, #tpu.memory_space<vmem>>
      %dma_start3A_79 = tpu.memref_slice %arg9[%add3A_68] : memref<3200xi32, #tpu.memory_space<vmem>> -> memref<128xi32, #tpu.memory_space<vmem>>
      %dma_start3A_80 = arith.constant 0 : i32
      %dma_start3A_81 = arith.constant 0 : i32
      %dma_start3A_82 = tpu.memref_slice %arg3[%dma_start3A_80, %dma_start3A_81] : memref<100001x32xf32, #tpu.memory_space<hbm>> -> memref<100001x32xf32, #tpu.memory_space<hbm>>
      tpu.enqueue_indirect_dma source(%dma_start3A_82 : memref<100001x32xf32, #tpu.memory_space<hbm>>) target(%dma_start3A_78 : memref<128x32xf32, #tpu.memory_space<vmem>>) offsets(%dma_start3A_79 : memref<128xi32, #tpu.memory_space<vmem>>) semaphore(%arg18 : memref<!tpu.dma_semaphore, #tpu.memory_space<semaphore_mem>>)
      %dma_start3A_83 = arith.constant 256 : i32
      %dma_start3A_84 = arith.constant 0 : i32
      %dma_start3A_85 = tpu.memref_slice %arg16[%dma_start3A_83, %dma_start3A_84] : memref<640x32xf32, #tpu.memory_space<vmem>> -> memref<128x32xf32, #tpu.memory_space<vmem>>
      %dma_start3A_86 = tpu.memref_slice %arg10[%add3A_68] : memref<3200xi32, #tpu.memory_space<vmem>> -> memref<128xi32, #tpu.memory_space<vmem>>
      %dma_start3A_87 = arith.constant 0 : i32
      %dma_start3A_88 = arith.constant 0 : i32
      %dma_start3A_89 = tpu.memref_slice %arg4[%dma_start3A_87, %dma_start3A_88] : memref<1001x32xf32, #tpu.memory_space<hbm>> -> memref<1001x32xf32, #tpu.memory_space<hbm>>
      tpu.enqueue_indirect_dma source(%dma_start3A_89 : memref<1001x32xf32, #tpu.memory_space<hbm>>) target(%dma_start3A_85 : memref<128x32xf32, #tpu.memory_space<vmem>>) offsets(%dma_start3A_86 : memref<128xi32, #tpu.memory_space<vmem>>) semaphore(%arg18 : memref<!tpu.dma_semaphore, #tpu.memory_space<semaphore_mem>>)
      %add3A_90 = arith.constant 384 : i32
      %add3A_91 = arith.addi %mul3A_20, %add3A_90 : i32
      %dma_start3A_92 = arith.constant 384 : i32
      %dma_start3A_93 = arith.constant 0 : i32
      %dma_start3A_94 = tpu.memref_slice %arg14[%dma_start3A_92, %dma_start3A_93] : memref<640x32xf32, #tpu.memory_space<vmem>> -> memref<128x32xf32, #tpu.memory_space<vmem>>
      %dma_start3A_95 = tpu.memref_slice %arg8[%add3A_91] : memref<3200xi32, #tpu.memory_space<vmem>> -> memref<128xi32, #tpu.memory_space<vmem>>
      %dma_start3A_96 = arith.constant 0 : i32
      %dma_start3A_97 = arith.constant 0 : i32
      %dma_start3A_98 = tpu.memref_slice %arg2[%dma_start3A_96, %dma_start3A_97] : memref<100001x32xf32, #tpu.memory_space<hbm>> -> memref<100001x32xf32, #tpu.memory_space<hbm>>
      tpu.enqueue_indirect_dma source(%dma_start3A_98 : memref<100001x32xf32, #tpu.memory_space<hbm>>) target(%dma_start3A_94 : memref<128x32xf32, #tpu.memory_space<vmem>>) offsets(%dma_start3A_95 : memref<128xi32, #tpu.memory_space<vmem>>) semaphore(%arg18 : memref<!tpu.dma_semaphore, #tpu.memory_space<semaphore_mem>>)
      %dma_start3A_99 = arith.constant 384 : i32
      %dma_start3A_100 = arith.constant 0 : i32
      %dma_start3A_101 = tpu.memref_slice %arg15[%dma_start3A_99, %dma_start3A_100] : memref<640x32xf32, #tpu.memory_space<vmem>> -> memref<128x32xf32, #tpu.memory_space<vmem>>
      %dma_start3A_102 = tpu.memref_slice %arg9[%add3A_91] : memref<3200xi32, #tpu.memory_space<vmem>> -> memref<128xi32, #tpu.memory_space<vmem>>
      %dma_start3A_103 = arith.constant 0 : i32
      %dma_start3A_104 = arith.constant 0 : i32
      %dma_start3A_105 = tpu.memref_slice %arg3[%dma_start3A_103, %dma_start3A_104] : memref<100001x32xf32, #tpu.memory_space<hbm>> -> memref<100001x32xf32, #tpu.memory_space<hbm>>
      tpu.enqueue_indirect_dma source(%dma_start3A_105 : memref<100001x32xf32, #tpu.memory_space<hbm>>) target(%dma_start3A_101 : memref<128x32xf32, #tpu.memory_space<vmem>>) offsets(%dma_start3A_102 : memref<128xi32, #tpu.memory_space<vmem>>) semaphore(%arg18 : memref<!tpu.dma_semaphore, #tpu.memory_space<semaphore_mem>>)
      %dma_start3A_106 = arith.constant 384 : i32
      %dma_start3A_107 = arith.constant 0 : i32
      %dma_start3A_108 = tpu.memref_slice %arg16[%dma_start3A_106, %dma_start3A_107] : memref<640x32xf32, #tpu.memory_space<vmem>> -> memref<128x32xf32, #tpu.memory_space<vmem>>
      %dma_start3A_109 = tpu.memref_slice %arg10[%add3A_91] : memref<3200xi32, #tpu.memory_space<vmem>> -> memref<128xi32, #tpu.memory_space<vmem>>
      %dma_start3A_110 = arith.constant 0 : i32
      %dma_start3A_111 = arith.constant 0 : i32
      %dma_start3A_112 = tpu.memref_slice %arg4[%dma_start3A_110, %dma_start3A_111] : memref<1001x32xf32, #tpu.memory_space<hbm>> -> memref<1001x32xf32, #tpu.memory_space<hbm>>
      tpu.enqueue_indirect_dma source(%dma_start3A_112 : memref<1001x32xf32, #tpu.memory_space<hbm>>) target(%dma_start3A_108 : memref<128x32xf32, #tpu.memory_space<vmem>>) offsets(%dma_start3A_109 : memref<128xi32, #tpu.memory_space<vmem>>) semaphore(%arg18 : memref<!tpu.dma_semaphore, #tpu.memory_space<semaphore_mem>>)
      %add3A_113 = arith.constant 512 : i32
      %add3A_114 = arith.addi %mul3A_20, %add3A_113 : i32
      %dma_start3A_115 = arith.constant 512 : i32
      %dma_start3A_116 = arith.constant 0 : i32
      %dma_start3A_117 = tpu.memref_slice %arg14[%dma_start3A_115, %dma_start3A_116] : memref<640x32xf32, #tpu.memory_space<vmem>> -> memref<128x32xf32, #tpu.memory_space<vmem>>
      %dma_start3A_118 = tpu.memref_slice %arg8[%add3A_114] : memref<3200xi32, #tpu.memory_space<vmem>> -> memref<128xi32, #tpu.memory_space<vmem>>
      %dma_start3A_119 = arith.constant 0 : i32
      %dma_start3A_120 = arith.constant 0 : i32
      %dma_start3A_121 = tpu.memref_slice %arg2[%dma_start3A_119, %dma_start3A_120] : memref<100001x32xf32, #tpu.memory_space<hbm>> -> memref<100001x32xf32, #tpu.memory_space<hbm>>
      tpu.enqueue_indirect_dma source(%dma_start3A_121 : memref<100001x32xf32, #tpu.memory_space<hbm>>) target(%dma_start3A_117 : memref<128x32xf32, #tpu.memory_space<vmem>>) offsets(%dma_start3A_118 : memref<128xi32, #tpu.memory_space<vmem>>) semaphore(%arg18 : memref<!tpu.dma_semaphore, #tpu.memory_space<semaphore_mem>>)
      %dma_start3A_122 = arith.constant 512 : i32
      %dma_start3A_123 = arith.constant 0 : i32
      %dma_start3A_124 = tpu.memref_slice %arg15[%dma_start3A_122, %dma_start3A_123] : memref<640x32xf32, #tpu.memory_space<vmem>> -> memref<128x32xf32, #tpu.memory_space<vmem>>
      %dma_start3A_125 = tpu.memref_slice %arg9[%add3A_114] : memref<3200xi32, #tpu.memory_space<vmem>> -> memref<128xi32, #tpu.memory_space<vmem>>
      %dma_start3A_126 = arith.constant 0 : i32
      %dma_start3A_127 = arith.constant 0 : i32
      %dma_start3A_128 = tpu.memref_slice %arg3[%dma_start3A_126, %dma_start3A_127] : memref<100001x32xf32, #tpu.memory_space<hbm>> -> memref<100001x32xf32, #tpu.memory_space<hbm>>
      tpu.enqueue_indirect_dma source(%dma_start3A_128 : memref<100001x32xf32, #tpu.memory_space<hbm>>) target(%dma_start3A_124 : memref<128x32xf32, #tpu.memory_space<vmem>>) offsets(%dma_start3A_125 : memref<128xi32, #tpu.memory_space<vmem>>) semaphore(%arg18 : memref<!tpu.dma_semaphore, #tpu.memory_space<semaphore_mem>>)
      %dma_start3A_129 = arith.constant 512 : i32
      %dma_start3A_130 = arith.constant 0 : i32
      %dma_start3A_131 = tpu.memref_slice %arg16[%dma_start3A_129, %dma_start3A_130] : memref<640x32xf32, #tpu.memory_space<vmem>> -> memref<128x32xf32, #tpu.memory_space<vmem>>
      %dma_start3A_132 = tpu.memref_slice %arg10[%add3A_114] : memref<3200xi32, #tpu.memory_space<vmem>> -> memref<128xi32, #tpu.memory_space<vmem>>
      %dma_start3A_133 = arith.constant 0 : i32
      %dma_start3A_134 = arith.constant 0 : i32
      %dma_start3A_135 = tpu.memref_slice %arg4[%dma_start3A_133, %dma_start3A_134] : memref<1001x32xf32, #tpu.memory_space<hbm>> -> memref<1001x32xf32, #tpu.memory_space<hbm>>
      tpu.enqueue_indirect_dma source(%dma_start3A_135 : memref<1001x32xf32, #tpu.memory_space<hbm>>) target(%dma_start3A_131 : memref<128x32xf32, #tpu.memory_space<vmem>>) offsets(%dma_start3A_132 : memref<128xi32, #tpu.memory_space<vmem>>) semaphore(%arg18 : memref<!tpu.dma_semaphore, #tpu.memory_space<semaphore_mem>>)
      %iota3A = tpu.iota {dimensions = array<i32: 0>} : vector<16xi32>
      %add3A_136 = arith.constant 0 : i32
      %add3A_137 = vector.broadcast %add3A_136 : i32 to vector<16xi32>
      %add3A_138 = arith.addi %add3A_137, %iota3A : vector<16xi32>
      %add3A_139 = arith.constant 0 : i32
      %add3A_140 = arith.addi %mul3A_20, %add3A_139 : i32
      %broadcast_in_dim3A = arith.constant 0 : i32
      %broadcast_in_dim3A_141 = vector.broadcast %broadcast_in_dim3A : i32 to vector<16xi32>
      %get3A = arith.index_cast %add3A_140 : i32 to index
      %get3A_142 = tpu.vector_load %arg12[%get3A] {strides = array<i32>} : memref<3200xf32, #tpu.memory_space<vmem>>, vector<16xf32>,
      tpu.vector_store_idx %arg17[%add3A_138, %broadcast_in_dim3A_141], %get3A_142 : memref<640x4xf32, #tpu.memory_space<vmem>>[vector<16xi32>, vector<16xi32>], vector<16xf32>,
      %broadcast_in_dim3A_143 = arith.constant 1 : i32
      %broadcast_in_dim3A_144 = vector.broadcast %broadcast_in_dim3A_143 : i32 to vector<16xi32>
      %get3A_145 = arith.index_cast %add3A_140 : i32 to index
      %get3A_146 = tpu.vector_load %arg13[%get3A_145] {strides = array<i32>} : memref<3200xf32, #tpu.memory_space<vmem>>, vector<16xf32>,
      tpu.vector_store_idx %arg17[%add3A_138, %broadcast_in_dim3A_144], %get3A_146 : memref<640x4xf32, #tpu.memory_space<vmem>>[vector<16xi32>, vector<16xi32>], vector<16xf32>,
      %broadcast_in_dim3A_147 = arith.constant 2 : i32
      %broadcast_in_dim3A_148 = vector.broadcast %broadcast_in_dim3A_147 : i32 to vector<16xi32>
      %get3A_149 = arith.index_cast %add3A_140 : i32 to index
      %get3A_150 = tpu.vector_load %arg11[%get3A_149] {strides = array<i32>} : memref<3200xi32, #tpu.memory_space<vmem>>, vector<16xi32>,
      %convert_element_type3A = arith.sitofp %get3A_150 : vector<16xi32> to vector<16xf32>
      tpu.vector_store_idx %arg17[%add3A_138, %broadcast_in_dim3A_148], %convert_element_type3A : memref<640x4xf32, #tpu.memory_space<vmem>>[vector<16xi32>, vector<16xi32>], vector<16xf32>,
      %iota3A_151 = tpu.iota {dimensions = array<i32: 0>} : vector<16xi32>
      %add3A_152 = arith.constant 16 : i32
      %add3A_153 = vector.broadcast %add3A_152 : i32 to vector<16xi32>
      %add3A_154 = arith.addi %add3A_153, %iota3A_151 : vector<16xi32>
      %add3A_155 = arith.constant 16 : i32
      %add3A_156 = arith.addi %mul3A_20, %add3A_155 : i32
      %broadcast_in_dim3A_157 = arith.constant 0 : i32
      %broadcast_in_dim3A_158 = vector.broadcast %broadcast_in_dim3A_157 : i32 to vector<16xi32>
      %get3A_159 = arith.index_cast %add3A_156 : i32 to index
      %get3A_160 = tpu.vector_load %arg12[%get3A_159] {strides = array<i32>} : memref<3200xf32, #tpu.memory_space<vmem>>, vector<16xf32>,
      tpu.vector_store_idx %arg17[%add3A_154, %broadcast_in_dim3A_158], %get3A_160 : memref<640x4xf32, #tpu.memory_space<vmem>>[vector<16xi32>, vector<16xi32>], vector<16xf32>,
      %broadcast_in_dim3A_161 = arith.constant 1 : i32
      %broadcast_in_dim3A_162 = vector.broadcast %broadcast_in_dim3A_161 : i32 to vector<16xi32>
      %get3A_163 = arith.index_cast %add3A_156 : i32 to index
      %get3A_164 = tpu.vector_load %arg13[%get3A_163] {strides = array<i32>} : memref<3200xf32, #tpu.memory_space<vmem>>, vector<16xf32>,
      tpu.vector_store_idx %arg17[%add3A_154, %broadcast_in_dim3A_162], %get3A_164 : memref<640x4xf32, #tpu.memory_space<vmem>>[vector<16xi32>, vector<16xi32>], vector<16xf32>,
      %broadcast_in_dim3A_165 = arith.constant 2 : i32
      %broadcast_in_dim3A_166 = vector.broadcast %broadcast_in_dim3A_165 : i32 to vector<16xi32>
      %get3A_167 = arith.index_cast %add3A_156 : i32 to index
      %get3A_168 = tpu.vector_load %arg11[%get3A_167] {strides = array<i32>} : memref<3200xi32, #tpu.memory_space<vmem>>, vector<16xi32>,
      %convert_element_type3A_169 = arith.sitofp %get3A_168 : vector<16xi32> to vector<16xf32>
      tpu.vector_store_idx %arg17[%add3A_154, %broadcast_in_dim3A_166], %convert_element_type3A_169 : memref<640x4xf32, #tpu.memory_space<vmem>>[vector<16xi32>, vector<16xi32>], vector<16xf32>,
      %iota3A_170 = tpu.iota {dimensions = array<i32: 0>} : vector<16xi32>
      %add3A_171 = arith.constant 32 : i32
      %add3A_172 = vector.broadcast %add3A_171 : i32 to vector<16xi32>
      %add3A_173 = arith.addi %add3A_172, %iota3A_170 : vector<16xi32>
      %add3A_174 = arith.constant 32 : i32
      %add3A_175 = arith.addi %mul3A_20, %add3A_174 : i32
      %broadcast_in_dim3A_176 = arith.constant 0 : i32
      %broadcast_in_dim3A_177 = vector.broadcast %broadcast_in_dim3A_176 : i32 to vector<16xi32>
      %get3A_178 = arith.index_cast %add3A_175 : i32 to index
      %get3A_179 = tpu.vector_load %arg12[%get3A_178] {strides = array<i32>} : memref<3200xf32, #tpu.memory_space<vmem>>, vector<16xf32>,
      tpu.vector_store_idx %arg17[%add3A_173, %broadcast_in_dim3A_177], %get3A_179 : memref<640x4xf32, #tpu.memory_space<vmem>>[vector<16xi32>, vector<16xi32>], vector<16xf32>,
      %broadcast_in_dim3A_180 = arith.constant 1 : i32
      %broadcast_in_dim3A_181 = vector.broadcast %broadcast_in_dim3A_180 : i32 to vector<16xi32>
      %get3A_182 = arith.index_cast %add3A_175 : i32 to index
      %get3A_183 = tpu.vector_load %arg13[%get3A_182] {strides = array<i32>} : memref<3200xf32, #tpu.memory_space<vmem>>, vector<16xf32>,
      tpu.vector_store_idx %arg17[%add3A_173, %broadcast_in_dim3A_181], %get3A_183 : memref<640x4xf32, #tpu.memory_space<vmem>>[vector<16xi32>, vector<16xi32>], vector<16xf32>,
      %broadcast_in_dim3A_184 = arith.constant 2 : i32
      %broadcast_in_dim3A_185 = vector.broadcast %broadcast_in_dim3A_184 : i32 to vector<16xi32>
      %get3A_186 = arith.index_cast %add3A_175 : i32 to index
      %get3A_187 = tpu.vector_load %arg11[%get3A_186] {strides = array<i32>} : memref<3200xi32, #tpu.memory_space<vmem>>, vector<16xi32>,
      %convert_element_type3A_188 = arith.sitofp %get3A_187 : vector<16xi32> to vector<16xf32>
      tpu.vector_store_idx %arg17[%add3A_173, %broadcast_in_dim3A_185], %convert_element_type3A_188 : memref<640x4xf32, #tpu.memory_space<vmem>>[vector<16xi32>, vector<16xi32>], vector<16xf32>,
      %iota3A_189 = tpu.iota {dimensions = array<i32: 0>} : vector<16xi32>
      %add3A_190 = arith.constant 48 : i32
      %add3A_191 = vector.broadcast %add3A_190 : i32 to vector<16xi32>
      %add3A_192 = arith.addi %add3A_191, %iota3A_189 : vector<16xi32>
      %add3A_193 = arith.constant 48 : i32
      %add3A_194 = arith.addi %mul3A_20, %add3A_193 : i32
      %broadcast_in_dim3A_195 = arith.constant 0 : i32
      %broadcast_in_dim3A_196 = vector.broadcast %broadcast_in_dim3A_195 : i32 to vector<16xi32>
      %get3A_197 = arith.index_cast %add3A_194 : i32 to index
      %get3A_198 = tpu.vector_load %arg12[%get3A_197] {strides = array<i32>} : memref<3200xf32, #tpu.memory_space<vmem>>, vector<16xf32>,
      tpu.vector_store_idx %arg17[%add3A_192, %broadcast_in_dim3A_196], %get3A_198 : memref<640x4xf32, #tpu.memory_space<vmem>>[vector<16xi32>, vector<16xi32>], vector<16xf32>,
      %broadcast_in_dim3A_199 = arith.constant 1 : i32
      %broadcast_in_dim3A_200 = vector.broadcast %broadcast_in_dim3A_199 : i32 to vector<16xi32>
      %get3A_201 = arith.index_cast %add3A_194 : i32 to index
      %get3A_202 = tpu.vector_load %arg13[%get3A_201] {strides = array<i32>} : memref<3200xf32, #tpu.memory_space<vmem>>, vector<16xf32>,
      tpu.vector_store_idx %arg17[%add3A_192, %broadcast_in_dim3A_200], %get3A_202 : memref<640x4xf32, #tpu.memory_space<vmem>>[vector<16xi32>, vector<16xi32>], vector<16xf32>,
      %broadcast_in_dim3A_203 = arith.constant 2 : i32
      %broadcast_in_dim3A_204 = vector.broadcast %broadcast_in_dim3A_203 : i32 to vector<16xi32>
      %get3A_205 = arith.index_cast %add3A_194 : i32 to index
      %get3A_206 = tpu.vector_load %arg11[%get3A_205] {strides = array<i32>} : memref<3200xi32, #tpu.memory_space<vmem>>, vector<16xi32>,
      %convert_element_type3A_207 = arith.sitofp %get3A_206 : vector<16xi32> to vector<16xf32>
      tpu.vector_store_idx %arg17[%add3A_192, %broadcast_in_dim3A_204], %convert_element_type3A_207 : memref<640x4xf32, #tpu.memory_space<vmem>>[vector<16xi32>, vector<16xi32>], vector<16xf32>,
      %iota3A_208 = tpu.iota {dimensions = array<i32: 0>} : vector<16xi32>
      %add3A_209 = arith.constant 64 : i32
      %add3A_210 = vector.broadcast %add3A_209 : i32 to vector<16xi32>
      %add3A_211 = arith.addi %add3A_210, %iota3A_208 : vector<16xi32>
      %add3A_212 = arith.constant 64 : i32
      %add3A_213 = arith.addi %mul3A_20, %add3A_212 : i32
      %broadcast_in_dim3A_214 = arith.constant 0 : i32
      %broadcast_in_dim3A_215 = vector.broadcast %broadcast_in_dim3A_214 : i32 to vector<16xi32>
      %get3A_216 = arith.index_cast %add3A_213 : i32 to index
      %get3A_217 = tpu.vector_load %arg12[%get3A_216] {strides = array<i32>} : memref<3200xf32, #tpu.memory_space<vmem>>, vector<16xf32>,
      tpu.vector_store_idx %arg17[%add3A_211, %broadcast_in_dim3A_215], %get3A_217 : memref<640x4xf32, #tpu.memory_space<vmem>>[vector<16xi32>, vector<16xi32>], vector<16xf32>,
      %broadcast_in_dim3A_218 = arith.constant 1 : i32
      %broadcast_in_dim3A_219 = vector.broadcast %broadcast_in_dim3A_218 : i32 to vector<16xi32>
      %get3A_220 = arith.index_cast %add3A_213 : i32 to index
      %get3A_221 = tpu.vector_load %arg13[%get3A_220] {strides = array<i32>} : memref<3200xf32, #tpu.memory_space<vmem>>, vector<16xf32>,
      tpu.vector_store_idx %arg17[%add3A_211, %broadcast_in_dim3A_219], %get3A_221 : memref<640x4xf32, #tpu.memory_space<vmem>>[vector<16xi32>, vector<16xi32>], vector<16xf32>,
      %broadcast_in_dim3A_222 = arith.constant 2 : i32
      %broadcast_in_dim3A_223 = vector.broadcast %broadcast_in_dim3A_222 : i32 to vector<16xi32>
      %get3A_224 = arith.index_cast %add3A_213 : i32 to index
      %get3A_225 = tpu.vector_load %arg11[%get3A_224] {strides = array<i32>} : memref<3200xi32, #tpu.memory_space<vmem>>, vector<16xi32>,
      %convert_element_type3A_226 = arith.sitofp %get3A_225 : vector<16xi32> to vector<16xf32>
      tpu.vector_store_idx %arg17[%add3A_211, %broadcast_in_dim3A_223], %convert_element_type3A_226 : memref<640x4xf32, #tpu.memory_space<vmem>>[vector<16xi32>, vector<16xi32>], vector<16xf32>,
      %iota3A_227 = tpu.iota {dimensions = array<i32: 0>} : vector<16xi32>
      %add3A_228 = arith.constant 80 : i32
      %add3A_229 = vector.broadcast %add3A_228 : i32 to vector<16xi32>
      %add3A_230 = arith.addi %add3A_229, %iota3A_227 : vector<16xi32>
      %add3A_231 = arith.constant 80 : i32
      %add3A_232 = arith.addi %mul3A_20, %add3A_231 : i32
      %broadcast_in_dim3A_233 = arith.constant 0 : i32
      %broadcast_in_dim3A_234 = vector.broadcast %broadcast_in_dim3A_233 : i32 to vector<16xi32>
      %get3A_235 = arith.index_cast %add3A_232 : i32 to index
      %get3A_236 = tpu.vector_load %arg12[%get3A_235] {strides = array<i32>} : memref<3200xf32, #tpu.memory_space<vmem>>, vector<16xf32>,
      tpu.vector_store_idx %arg17[%add3A_230, %broadcast_in_dim3A_234], %get3A_236 : memref<640x4xf32, #tpu.memory_space<vmem>>[vector<16xi32>, vector<16xi32>], vector<16xf32>,
      %broadcast_in_dim3A_237 = arith.constant 1 : i32
      %broadcast_in_dim3A_238 = vector.broadcast %broadcast_in_dim3A_237 : i32 to vector<16xi32>
      %get3A_239 = arith.index_cast %add3A_232 : i32 to index
      %get3A_240 = tpu.vector_load %arg13[%get3A_239] {strides = array<i32>} : memref<3200xf32, #tpu.memory_space<vmem>>, vector<16xf32>,
      tpu.vector_store_idx %arg17[%add3A_230, %broadcast_in_dim3A_238], %get3A_240 : memref<640x4xf32, #tpu.memory_space<vmem>>[vector<16xi32>, vector<16xi32>], vector<16xf32>,
      %broadcast_in_dim3A_241 = arith.constant 2 : i32
      %broadcast_in_dim3A_242 = vector.broadcast %broadcast_in_dim3A_241 : i32 to vector<16xi32>
      %get3A_243 = arith.index_cast %add3A_232 : i32 to index
      %get3A_244 = tpu.vector_load %arg11[%get3A_243] {strides = array<i32>} : memref<3200xi32, #tpu.memory_space<vmem>>, vector<16xi32>,
      %convert_element_type3A_245 = arith.sitofp %get3A_244 : vector<16xi32> to vector<16xf32>
      tpu.vector_store_idx %arg17[%add3A_230, %broadcast_in_dim3A_242], %convert_element_type3A_245 : memref<640x4xf32, #tpu.memory_space<vmem>>[vector<16xi32>, vector<16xi32>], vector<16xf32>,
      %iota3A_246 = tpu.iota {dimensions = array<i32: 0>} : vector<16xi32>
      %add3A_247 = arith.constant 96 : i32
      %add3A_248 = vector.broadcast %add3A_247 : i32 to vector<16xi32>
      %add3A_249 = arith.addi %add3A_248, %iota3A_246 : vector<16xi32>
      %add3A_250 = arith.constant 96 : i32
      %add3A_251 = arith.addi %mul3A_20, %add3A_250 : i32
      %broadcast_in_dim3A_252 = arith.constant 0 : i32
      %broadcast_in_dim3A_253 = vector.broadcast %broadcast_in_dim3A_252 : i32 to vector<16xi32>
      %get3A_254 = arith.index_cast %add3A_251 : i32 to index
      %get3A_255 = tpu.vector_load %arg12[%get3A_254] {strides = array<i32>} : memref<3200xf32, #tpu.memory_space<vmem>>, vector<16xf32>,
      tpu.vector_store_idx %arg17[%add3A_249, %broadcast_in_dim3A_253], %get3A_255 : memref<640x4xf32, #tpu.memory_space<vmem>>[vector<16xi32>, vector<16xi32>], vector<16xf32>,
      %broadcast_in_dim3A_256 = arith.constant 1 : i32
      %broadcast_in_dim3A_257 = vector.broadcast %broadcast_in_dim3A_256 : i32 to vector<16xi32>
      %get3A_258 = arith.index_cast %add3A_251 : i32 to index
      %get3A_259 = tpu.vector_load %arg13[%get3A_258] {strides = array<i32>} : memref<3200xf32, #tpu.memory_space<vmem>>, vector<16xf32>,
      tpu.vector_store_idx %arg17[%add3A_249, %broadcast_in_dim3A_257], %get3A_259 : memref<640x4xf32, #tpu.memory_space<vmem>>[vector<16xi32>, vector<16xi32>], vector<16xf32>,
      %broadcast_in_dim3A_260 = arith.constant 2 : i32
      %broadcast_in_dim3A_261 = vector.broadcast %broadcast_in_dim3A_260 : i32 to vector<16xi32>
      %get3A_262 = arith.index_cast %add3A_251 : i32 to index
      %get3A_263 = tpu.vector_load %arg11[%get3A_262] {strides = array<i32>} : memref<3200xi32, #tpu.memory_space<vmem>>, vector<16xi32>,
      %convert_element_type3A_264 = arith.sitofp %get3A_263 : vector<16xi32> to vector<16xf32>
      tpu.vector_store_idx %arg17[%add3A_249, %broadcast_in_dim3A_261], %convert_element_type3A_264 : memref<640x4xf32, #tpu.memory_space<vmem>>[vector<16xi32>, vector<16xi32>], vector<16xf32>,
      %iota3A_265 = tpu.iota {dimensions = array<i32: 0>} : vector<16xi32>
      %add3A_266 = arith.constant 112 : i32
      %add3A_267 = vector.broadcast %add3A_266 : i32 to vector<16xi32>
      %add3A_268 = arith.addi %add3A_267, %iota3A_265 : vector<16xi32>
      %add3A_269 = arith.constant 112 : i32
      %add3A_270 = arith.addi %mul3A_20, %add3A_269 : i32
      %broadcast_in_dim3A_271 = arith.constant 0 : i32
      %broadcast_in_dim3A_272 = vector.broadcast %broadcast_in_dim3A_271 : i32 to vector<16xi32>
      %get3A_273 = arith.index_cast %add3A_270 : i32 to index
      %get3A_274 = tpu.vector_load %arg12[%get3A_273] {strides = array<i32>} : memref<3200xf32, #tpu.memory_space<vmem>>, vector<16xf32>,
      tpu.vector_store_idx %arg17[%add3A_268, %broadcast_in_dim3A_272], %get3A_274 : memref<640x4xf32, #tpu.memory_space<vmem>>[vector<16xi32>, vector<16xi32>], vector<16xf32>,
      %broadcast_in_dim3A_275 = arith.constant 1 : i32
      %broadcast_in_dim3A_276 = vector.broadcast %broadcast_in_dim3A_275 : i32 to vector<16xi32>
      %get3A_277 = arith.index_cast %add3A_270 : i32 to index
      %get3A_278 = tpu.vector_load %arg13[%get3A_277] {strides = array<i32>} : memref<3200xf32, #tpu.memory_space<vmem>>, vector<16xf32>,
      tpu.vector_store_idx %arg17[%add3A_268, %broadcast_in_dim3A_276], %get3A_278 : memref<640x4xf32, #tpu.memory_space<vmem>>[vector<16xi32>, vector<16xi32>], vector<16xf32>,
      %broadcast_in_dim3A_279 = arith.constant 2 : i32
      %broadcast_in_dim3A_280 = vector.broadcast %broadcast_in_dim3A_279 : i32 to vector<16xi32>
      %get3A_281 = arith.index_cast %add3A_270 : i32 to index
      %get3A_282 = tpu.vector_load %arg11[%get3A_281] {strides = array<i32>} : memref<3200xi32, #tpu.memory_space<vmem>>, vector<16xi32>,
      %convert_element_type3A_283 = arith.sitofp %get3A_282 : vector<16xi32> to vector<16xf32>
      tpu.vector_store_idx %arg17[%add3A_268, %broadcast_in_dim3A_280], %convert_element_type3A_283 : memref<640x4xf32, #tpu.memory_space<vmem>>[vector<16xi32>, vector<16xi32>], vector<16xf32>,
      %iota3A_284 = tpu.iota {dimensions = array<i32: 0>} : vector<16xi32>
      %add3A_285 = arith.constant 128 : i32
      %add3A_286 = vector.broadcast %add3A_285 : i32 to vector<16xi32>
      %add3A_287 = arith.addi %add3A_286, %iota3A_284 : vector<16xi32>
      %add3A_288 = arith.constant 128 : i32
      %add3A_289 = arith.addi %mul3A_20, %add3A_288 : i32
      %broadcast_in_dim3A_290 = arith.constant 0 : i32
      %broadcast_in_dim3A_291 = vector.broadcast %broadcast_in_dim3A_290 : i32 to vector<16xi32>
      %get3A_292 = arith.index_cast %add3A_289 : i32 to index
      %get3A_293 = tpu.vector_load %arg12[%get3A_292] {strides = array<i32>} : memref<3200xf32, #tpu.memory_space<vmem>>, vector<16xf32>,
      tpu.vector_store_idx %arg17[%add3A_287, %broadcast_in_dim3A_291], %get3A_293 : memref<640x4xf32, #tpu.memory_space<vmem>>[vector<16xi32>, vector<16xi32>], vector<16xf32>,
      %broadcast_in_dim3A_294 = arith.constant 1 : i32
      %broadcast_in_dim3A_295 = vector.broadcast %broadcast_in_dim3A_294 : i32 to vector<16xi32>
      %get3A_296 = arith.index_cast %add3A_289 : i32 to index
      %get3A_297 = tpu.vector_load %arg13[%get3A_296] {strides = array<i32>} : memref<3200xf32, #tpu.memory_space<vmem>>, vector<16xf32>,
      tpu.vector_store_idx %arg17[%add3A_287, %broadcast_in_dim3A_295], %get3A_297 : memref<640x4xf32, #tpu.memory_space<vmem>>[vector<16xi32>, vector<16xi32>], vector<16xf32>,
      %broadcast_in_dim3A_298 = arith.constant 2 : i32
      %broadcast_in_dim3A_299 = vector.broadcast %broadcast_in_dim3A_298 : i32 to vector<16xi32>
      %get3A_300 = arith.index_cast %add3A_289 : i32 to index
      %get3A_301 = tpu.vector_load %arg11[%get3A_300] {strides = array<i32>} : memref<3200xi32, #tpu.memory_space<vmem>>, vector<16xi32>,
      %convert_element_type3A_302 = arith.sitofp %get3A_301 : vector<16xi32> to vector<16xf32>
      tpu.vector_store_idx %arg17[%add3A_287, %broadcast_in_dim3A_299], %convert_element_type3A_302 : memref<640x4xf32, #tpu.memory_space<vmem>>[vector<16xi32>, vector<16xi32>], vector<16xf32>,
      %iota3A_303 = tpu.iota {dimensions = array<i32: 0>} : vector<16xi32>
      %add3A_304 = arith.constant 144 : i32
      %add3A_305 = vector.broadcast %add3A_304 : i32 to vector<16xi32>
      %add3A_306 = arith.addi %add3A_305, %iota3A_303 : vector<16xi32>
      %add3A_307 = arith.constant 144 : i32
      %add3A_308 = arith.addi %mul3A_20, %add3A_307 : i32
      %broadcast_in_dim3A_309 = arith.constant 0 : i32
      %broadcast_in_dim3A_310 = vector.broadcast %broadcast_in_dim3A_309 : i32 to vector<16xi32>
      %get3A_311 = arith.index_cast %add3A_308 : i32 to index
      %get3A_312 = tpu.vector_load %arg12[%get3A_311] {strides = array<i32>} : memref<3200xf32, #tpu.memory_space<vmem>>, vector<16xf32>,
      tpu.vector_store_idx %arg17[%add3A_306, %broadcast_in_dim3A_310], %get3A_312 : memref<640x4xf32, #tpu.memory_space<vmem>>[vector<16xi32>, vector<16xi32>], vector<16xf32>,
      %broadcast_in_dim3A_313 = arith.constant 1 : i32
      %broadcast_in_dim3A_314 = vector.broadcast %broadcast_in_dim3A_313 : i32 to vector<16xi32>
      %get3A_315 = arith.index_cast %add3A_308 : i32 to index
      %get3A_316 = tpu.vector_load %arg13[%get3A_315] {strides = array<i32>} : memref<3200xf32, #tpu.memory_space<vmem>>, vector<16xf32>,
      tpu.vector_store_idx %arg17[%add3A_306, %broadcast_in_dim3A_314], %get3A_316 : memref<640x4xf32, #tpu.memory_space<vmem>>[vector<16xi32>, vector<16xi32>], vector<16xf32>,
      %broadcast_in_dim3A_317 = arith.constant 2 : i32
      %broadcast_in_dim3A_318 = vector.broadcast %broadcast_in_dim3A_317 : i32 to vector<16xi32>
      %get3A_319 = arith.index_cast %add3A_308 : i32 to index
      %get3A_320 = tpu.vector_load %arg11[%get3A_319] {strides = array<i32>} : memref<3200xi32, #tpu.memory_space<vmem>>, vector<16xi32>,
      %convert_element_type3A_321 = arith.sitofp %get3A_320 : vector<16xi32> to vector<16xf32>
      tpu.vector_store_idx %arg17[%add3A_306, %broadcast_in_dim3A_318], %convert_element_type3A_321 : memref<640x4xf32, #tpu.memory_space<vmem>>[vector<16xi32>, vector<16xi32>], vector<16xf32>,
      %iota3A_322 = tpu.iota {dimensions = array<i32: 0>} : vector<16xi32>
      %add3A_323 = arith.constant 160 : i32
      %add3A_324 = vector.broadcast %add3A_323 : i32 to vector<16xi32>
      %add3A_325 = arith.addi %add3A_324, %iota3A_322 : vector<16xi32>
      %add3A_326 = arith.constant 160 : i32
      %add3A_327 = arith.addi %mul3A_20, %add3A_326 : i32
      %broadcast_in_dim3A_328 = arith.constant 0 : i32
      %broadcast_in_dim3A_329 = vector.broadcast %broadcast_in_dim3A_328 : i32 to vector<16xi32>
      %get3A_330 = arith.index_cast %add3A_327 : i32 to index
      %get3A_331 = tpu.vector_load %arg12[%get3A_330] {strides = array<i32>} : memref<3200xf32, #tpu.memory_space<vmem>>, vector<16xf32>,
      tpu.vector_store_idx %arg17[%add3A_325, %broadcast_in_dim3A_329], %get3A_331 : memref<640x4xf32, #tpu.memory_space<vmem>>[vector<16xi32>, vector<16xi32>], vector<16xf32>,
      %broadcast_in_dim3A_332 = arith.constant 1 : i32
      %broadcast_in_dim3A_333 = vector.broadcast %broadcast_in_dim3A_332 : i32 to vector<16xi32>
      %get3A_334 = arith.index_cast %add3A_327 : i32 to index
      %get3A_335 = tpu.vector_load %arg13[%get3A_334] {strides = array<i32>} : memref<3200xf32, #tpu.memory_space<vmem>>, vector<16xf32>,
      tpu.vector_store_idx %arg17[%add3A_325, %broadcast_in_dim3A_333], %get3A_335 : memref<640x4xf32, #tpu.memory_space<vmem>>[vector<16xi32>, vector<16xi32>], vector<16xf32>,
      %broadcast_in_dim3A_336 = arith.constant 2 : i32
      %broadcast_in_dim3A_337 = vector.broadcast %broadcast_in_dim3A_336 : i32 to vector<16xi32>
      %get3A_338 = arith.index_cast %add3A_327 : i32 to index
      %get3A_339 = tpu.vector_load %arg11[%get3A_338] {strides = array<i32>} : memref<3200xi32, #tpu.memory_space<vmem>>, vector<16xi32>,
      %convert_element_type3A_340 = arith.sitofp %get3A_339 : vector<16xi32> to vector<16xf32>
      tpu.vector_store_idx %arg17[%add3A_325, %broadcast_in_dim3A_337], %convert_element_type3A_340 : memref<640x4xf32, #tpu.memory_space<vmem>>[vector<16xi32>, vector<16xi32>], vector<16xf32>,
      %iota3A_341 = tpu.iota {dimensions = array<i32: 0>} : vector<16xi32>
      %add3A_342 = arith.constant 176 : i32
      %add3A_343 = vector.broadcast %add3A_342 : i32 to vector<16xi32>
      %add3A_344 = arith.addi %add3A_343, %iota3A_341 : vector<16xi32>
      %add3A_345 = arith.constant 176 : i32
      %add3A_346 = arith.addi %mul3A_20, %add3A_345 : i32
      %broadcast_in_dim3A_347 = arith.constant 0 : i32
      %broadcast_in_dim3A_348 = vector.broadcast %broadcast_in_dim3A_347 : i32 to vector<16xi32>
      %get3A_349 = arith.index_cast %add3A_346 : i32 to index
      %get3A_350 = tpu.vector_load %arg12[%get3A_349] {strides = array<i32>} : memref<3200xf32, #tpu.memory_space<vmem>>, vector<16xf32>,
      tpu.vector_store_idx %arg17[%add3A_344, %broadcast_in_dim3A_348], %get3A_350 : memref<640x4xf32, #tpu.memory_space<vmem>>[vector<16xi32>, vector<16xi32>], vector<16xf32>,
      %broadcast_in_dim3A_351 = arith.constant 1 : i32
      %broadcast_in_dim3A_352 = vector.broadcast %broadcast_in_dim3A_351 : i32 to vector<16xi32>
      %get3A_353 = arith.index_cast %add3A_346 : i32 to index
      %get3A_354 = tpu.vector_load %arg13[%get3A_353] {strides = array<i32>} : memref<3200xf32, #tpu.memory_space<vmem>>, vector<16xf32>,
      tpu.vector_store_idx %arg17[%add3A_344, %broadcast_in_dim3A_352], %get3A_354 : memref<640x4xf32, #tpu.memory_space<vmem>>[vector<16xi32>, vector<16xi32>], vector<16xf32>,
      %broadcast_in_dim3A_355 = arith.constant 2 : i32
      %broadcast_in_dim3A_356 = vector.broadcast %broadcast_in_dim3A_355 : i32 to vector<16xi32>
      %get3A_357 = arith.index_cast %add3A_346 : i32 to index
      %get3A_358 = tpu.vector_load %arg11[%get3A_357] {strides = array<i32>} : memref<3200xi32, #tpu.memory_space<vmem>>, vector<16xi32>,
      %convert_element_type3A_359 = arith.sitofp %get3A_358 : vector<16xi32> to vector<16xf32>
      tpu.vector_store_idx %arg17[%add3A_344, %broadcast_in_dim3A_356], %convert_element_type3A_359 : memref<640x4xf32, #tpu.memory_space<vmem>>[vector<16xi32>, vector<16xi32>], vector<16xf32>,
      %iota3A_360 = tpu.iota {dimensions = array<i32: 0>} : vector<16xi32>
      %add3A_361 = arith.constant 192 : i32
      %add3A_362 = vector.broadcast %add3A_361 : i32 to vector<16xi32>
      %add3A_363 = arith.addi %add3A_362, %iota3A_360 : vector<16xi32>
      %add3A_364 = arith.constant 192 : i32
      %add3A_365 = arith.addi %mul3A_20, %add3A_364 : i32
      %broadcast_in_dim3A_366 = arith.constant 0 : i32
      %broadcast_in_dim3A_367 = vector.broadcast %broadcast_in_dim3A_366 : i32 to vector<16xi32>
      %get3A_368 = arith.index_cast %add3A_365 : i32 to index
      %get3A_369 = tpu.vector_load %arg12[%get3A_368] {strides = array<i32>} : memref<3200xf32, #tpu.memory_space<vmem>>, vector<16xf32>,
      tpu.vector_store_idx %arg17[%add3A_363, %broadcast_in_dim3A_367], %get3A_369 : memref<640x4xf32, #tpu.memory_space<vmem>>[vector<16xi32>, vector<16xi32>], vector<16xf32>,
      %broadcast_in_dim3A_370 = arith.constant 1 : i32
      %broadcast_in_dim3A_371 = vector.broadcast %broadcast_in_dim3A_370 : i32 to vector<16xi32>
      %get3A_372 = arith.index_cast %add3A_365 : i32 to index
      %get3A_373 = tpu.vector_load %arg13[%get3A_372] {strides = array<i32>} : memref<3200xf32, #tpu.memory_space<vmem>>, vector<16xf32>,
      tpu.vector_store_idx %arg17[%add3A_363, %broadcast_in_dim3A_371], %get3A_373 : memref<640x4xf32, #tpu.memory_space<vmem>>[vector<16xi32>, vector<16xi32>], vector<16xf32>,
      %broadcast_in_dim3A_374 = arith.constant 2 : i32
      %broadcast_in_dim3A_375 = vector.broadcast %broadcast_in_dim3A_374 : i32 to vector<16xi32>
      %get3A_376 = arith.index_cast %add3A_365 : i32 to index
      %get3A_377 = tpu.vector_load %arg11[%get3A_376] {strides = array<i32>} : memref<3200xi32, #tpu.memory_space<vmem>>, vector<16xi32>,
      %convert_element_type3A_378 = arith.sitofp %get3A_377 : vector<16xi32> to vector<16xf32>
      tpu.vector_store_idx %arg17[%add3A_363, %broadcast_in_dim3A_375], %convert_element_type3A_378 : memref<640x4xf32, #tpu.memory_space<vmem>>[vector<16xi32>, vector<16xi32>], vector<16xf32>,
      %iota3A_379 = tpu.iota {dimensions = array<i32: 0>} : vector<16xi32>
      %add3A_380 = arith.constant 208 : i32
      %add3A_381 = vector.broadcast %add3A_380 : i32 to vector<16xi32>
      %add3A_382 = arith.addi %add3A_381, %iota3A_379 : vector<16xi32>
      %add3A_383 = arith.constant 208 : i32
      %add3A_384 = arith.addi %mul3A_20, %add3A_383 : i32
      %broadcast_in_dim3A_385 = arith.constant 0 : i32
      %broadcast_in_dim3A_386 = vector.broadcast %broadcast_in_dim3A_385 : i32 to vector<16xi32>
      %get3A_387 = arith.index_cast %add3A_384 : i32 to index
      %get3A_388 = tpu.vector_load %arg12[%get3A_387] {strides = array<i32>} : memref<3200xf32, #tpu.memory_space<vmem>>, vector<16xf32>,
      tpu.vector_store_idx %arg17[%add3A_382, %broadcast_in_dim3A_386], %get3A_388 : memref<640x4xf32, #tpu.memory_space<vmem>>[vector<16xi32>, vector<16xi32>], vector<16xf32>,
      %broadcast_in_dim3A_389 = arith.constant 1 : i32
      %broadcast_in_dim3A_390 = vector.broadcast %broadcast_in_dim3A_389 : i32 to vector<16xi32>
      %get3A_391 = arith.index_cast %add3A_384 : i32 to index
      %get3A_392 = tpu.vector_load %arg13[%get3A_391] {strides = array<i32>} : memref<3200xf32, #tpu.memory_space<vmem>>, vector<16xf32>,
      tpu.vector_store_idx %arg17[%add3A_382, %broadcast_in_dim3A_390], %get3A_392 : memref<640x4xf32, #tpu.memory_space<vmem>>[vector<16xi32>, vector<16xi32>], vector<16xf32>,
      %broadcast_in_dim3A_393 = arith.constant 2 : i32
      %broadcast_in_dim3A_394 = vector.broadcast %broadcast_in_dim3A_393 : i32 to vector<16xi32>
      %get3A_395 = arith.index_cast %add3A_384 : i32 to index
      %get3A_396 = tpu.vector_load %arg11[%get3A_395] {strides = array<i32>} : memref<3200xi32, #tpu.memory_space<vmem>>, vector<16xi32>,
      %convert_element_type3A_397 = arith.sitofp %get3A_396 : vector<16xi32> to vector<16xf32>
      tpu.vector_store_idx %arg17[%add3A_382, %broadcast_in_dim3A_394], %convert_element_type3A_397 : memref<640x4xf32, #tpu.memory_space<vmem>>[vector<16xi32>, vector<16xi32>], vector<16xf32>,
      %iota3A_398 = tpu.iota {dimensions = array<i32: 0>} : vector<16xi32>
      %add3A_399 = arith.constant 224 : i32
      %add3A_400 = vector.broadcast %add3A_399 : i32 to vector<16xi32>
      %add3A_401 = arith.addi %add3A_400, %iota3A_398 : vector<16xi32>
      %add3A_402 = arith.constant 224 : i32
      %add3A_403 = arith.addi %mul3A_20, %add3A_402 : i32
      %broadcast_in_dim3A_404 = arith.constant 0 : i32
      %broadcast_in_dim3A_405 = vector.broadcast %broadcast_in_dim3A_404 : i32 to vector<16xi32>
      %get3A_406 = arith.index_cast %add3A_403 : i32 to index
      %get3A_407 = tpu.vector_load %arg12[%get3A_406] {strides = array<i32>} : memref<3200xf32, #tpu.memory_space<vmem>>, vector<16xf32>,
      tpu.vector_store_idx %arg17[%add3A_401, %broadcast_in_dim3A_405], %get3A_407 : memref<640x4xf32, #tpu.memory_space<vmem>>[vector<16xi32>, vector<16xi32>], vector<16xf32>,
      %broadcast_in_dim3A_408 = arith.constant 1 : i32
      %broadcast_in_dim3A_409 = vector.broadcast %broadcast_in_dim3A_408 : i32 to vector<16xi32>
      %get3A_410 = arith.index_cast %add3A_403 : i32 to index
      %get3A_411 = tpu.vector_load %arg13[%get3A_410] {strides = array<i32>} : memref<3200xf32, #tpu.memory_space<vmem>>, vector<16xf32>,
      tpu.vector_store_idx %arg17[%add3A_401, %broadcast_in_dim3A_409], %get3A_411 : memref<640x4xf32, #tpu.memory_space<vmem>>[vector<16xi32>, vector<16xi32>], vector<16xf32>,
      %broadcast_in_dim3A_412 = arith.constant 2 : i32
      %broadcast_in_dim3A_413 = vector.broadcast %broadcast_in_dim3A_412 : i32 to vector<16xi32>
      %get3A_414 = arith.index_cast %add3A_403 : i32 to index
      %get3A_415 = tpu.vector_load %arg11[%get3A_414] {strides = array<i32>} : memref<3200xi32, #tpu.memory_space<vmem>>, vector<16xi32>,
      %convert_element_type3A_416 = arith.sitofp %get3A_415 : vector<16xi32> to vector<16xf32>
      tpu.vector_store_idx %arg17[%add3A_401, %broadcast_in_dim3A_413], %convert_element_type3A_416 : memref<640x4xf32, #tpu.memory_space<vmem>>[vector<16xi32>, vector<16xi32>], vector<16xf32>,
      %iota3A_417 = tpu.iota {dimensions = array<i32: 0>} : vector<16xi32>
      %add3A_418 = arith.constant 240 : i32
      %add3A_419 = vector.broadcast %add3A_418 : i32 to vector<16xi32>
      %add3A_420 = arith.addi %add3A_419, %iota3A_417 : vector<16xi32>
      %add3A_421 = arith.constant 240 : i32
      %add3A_422 = arith.addi %mul3A_20, %add3A_421 : i32
      %broadcast_in_dim3A_423 = arith.constant 0 : i32
      %broadcast_in_dim3A_424 = vector.broadcast %broadcast_in_dim3A_423 : i32 to vector<16xi32>
      %get3A_425 = arith.index_cast %add3A_422 : i32 to index
      %get3A_426 = tpu.vector_load %arg12[%get3A_425] {strides = array<i32>} : memref<3200xf32, #tpu.memory_space<vmem>>, vector<16xf32>,
      tpu.vector_store_idx %arg17[%add3A_420, %broadcast_in_dim3A_424], %get3A_426 : memref<640x4xf32, #tpu.memory_space<vmem>>[vector<16xi32>, vector<16xi32>], vector<16xf32>,
      %broadcast_in_dim3A_427 = arith.constant 1 : i32
      %broadcast_in_dim3A_428 = vector.broadcast %broadcast_in_dim3A_427 : i32 to vector<16xi32>
      %get3A_429 = arith.index_cast %add3A_422 : i32 to index
      %get3A_430 = tpu.vector_load %arg13[%get3A_429] {strides = array<i32>} : memref<3200xf32, #tpu.memory_space<vmem>>, vector<16xf32>,
      tpu.vector_store_idx %arg17[%add3A_420, %broadcast_in_dim3A_428], %get3A_430 : memref<640x4xf32, #tpu.memory_space<vmem>>[vector<16xi32>, vector<16xi32>], vector<16xf32>,
      %broadcast_in_dim3A_431 = arith.constant 2 : i32
      %broadcast_in_dim3A_432 = vector.broadcast %broadcast_in_dim3A_431 : i32 to vector<16xi32>
      %get3A_433 = arith.index_cast %add3A_422 : i32 to index
      %get3A_434 = tpu.vector_load %arg11[%get3A_433] {strides = array<i32>} : memref<3200xi32, #tpu.memory_space<vmem>>, vector<16xi32>,
      %convert_element_type3A_435 = arith.sitofp %get3A_434 : vector<16xi32> to vector<16xf32>
      tpu.vector_store_idx %arg17[%add3A_420, %broadcast_in_dim3A_432], %convert_element_type3A_435 : memref<640x4xf32, #tpu.memory_space<vmem>>[vector<16xi32>, vector<16xi32>], vector<16xf32>,
      %iota3A_436 = tpu.iota {dimensions = array<i32: 0>} : vector<16xi32>
      %add3A_437 = arith.constant 256 : i32
      %add3A_438 = vector.broadcast %add3A_437 : i32 to vector<16xi32>
      %add3A_439 = arith.addi %add3A_438, %iota3A_436 : vector<16xi32>
      %add3A_440 = arith.constant 256 : i32
      %add3A_441 = arith.addi %mul3A_20, %add3A_440 : i32
      %broadcast_in_dim3A_442 = arith.constant 0 : i32
      %broadcast_in_dim3A_443 = vector.broadcast %broadcast_in_dim3A_442 : i32 to vector<16xi32>
      %get3A_444 = arith.index_cast %add3A_441 : i32 to index
      %get3A_445 = tpu.vector_load %arg12[%get3A_444] {strides = array<i32>} : memref<3200xf32, #tpu.memory_space<vmem>>, vector<16xf32>,
      tpu.vector_store_idx %arg17[%add3A_439, %broadcast_in_dim3A_443], %get3A_445 : memref<640x4xf32, #tpu.memory_space<vmem>>[vector<16xi32>, vector<16xi32>], vector<16xf32>,
      %broadcast_in_dim3A_446 = arith.constant 1 : i32
      %broadcast_in_dim3A_447 = vector.broadcast %broadcast_in_dim3A_446 : i32 to vector<16xi32>
      %get3A_448 = arith.index_cast %add3A_441 : i32 to index
      %get3A_449 = tpu.vector_load %arg13[%get3A_448] {strides = array<i32>} : memref<3200xf32, #tpu.memory_space<vmem>>, vector<16xf32>,
      tpu.vector_store_idx %arg17[%add3A_439, %broadcast_in_dim3A_447], %get3A_449 : memref<640x4xf32, #tpu.memory_space<vmem>>[vector<16xi32>, vector<16xi32>], vector<16xf32>,
      %broadcast_in_dim3A_450 = arith.constant 2 : i32
      %broadcast_in_dim3A_451 = vector.broadcast %broadcast_in_dim3A_450 : i32 to vector<16xi32>
      %get3A_452 = arith.index_cast %add3A_441 : i32 to index
      %get3A_453 = tpu.vector_load %arg11[%get3A_452] {strides = array<i32>} : memref<3200xi32, #tpu.memory_space<vmem>>, vector<16xi32>,
      %convert_element_type3A_454 = arith.sitofp %get3A_453 : vector<16xi32> to vector<16xf32>
      tpu.vector_store_idx %arg17[%add3A_439, %broadcast_in_dim3A_451], %convert_element_type3A_454 : memref<640x4xf32, #tpu.memory_space<vmem>>[vector<16xi32>, vector<16xi32>], vector<16xf32>,
      %iota3A_455 = tpu.iota {dimensions = array<i32: 0>} : vector<16xi32>
      %add3A_456 = arith.constant 272 : i32
      %add3A_457 = vector.broadcast %add3A_456 : i32 to vector<16xi32>
      %add3A_458 = arith.addi %add3A_457, %iota3A_455 : vector<16xi32>
      %add3A_459 = arith.constant 272 : i32
      %add3A_460 = arith.addi %mul3A_20, %add3A_459 : i32
      %broadcast_in_dim3A_461 = arith.constant 0 : i32
      %broadcast_in_dim3A_462 = vector.broadcast %broadcast_in_dim3A_461 : i32 to vector<16xi32>
      %get3A_463 = arith.index_cast %add3A_460 : i32 to index
      %get3A_464 = tpu.vector_load %arg12[%get3A_463] {strides = array<i32>} : memref<3200xf32, #tpu.memory_space<vmem>>, vector<16xf32>,
      tpu.vector_store_idx %arg17[%add3A_458, %broadcast_in_dim3A_462], %get3A_464 : memref<640x4xf32, #tpu.memory_space<vmem>>[vector<16xi32>, vector<16xi32>], vector<16xf32>,
      %broadcast_in_dim3A_465 = arith.constant 1 : i32
      %broadcast_in_dim3A_466 = vector.broadcast %broadcast_in_dim3A_465 : i32 to vector<16xi32>
      %get3A_467 = arith.index_cast %add3A_460 : i32 to index
      %get3A_468 = tpu.vector_load %arg13[%get3A_467] {strides = array<i32>} : memref<3200xf32, #tpu.memory_space<vmem>>, vector<16xf32>,
      tpu.vector_store_idx %arg17[%add3A_458, %broadcast_in_dim3A_466], %get3A_468 : memref<640x4xf32, #tpu.memory_space<vmem>>[vector<16xi32>, vector<16xi32>], vector<16xf32>,
      %broadcast_in_dim3A_469 = arith.constant 2 : i32
      %broadcast_in_dim3A_470 = vector.broadcast %broadcast_in_dim3A_469 : i32 to vector<16xi32>
      %get3A_471 = arith.index_cast %add3A_460 : i32 to index
      %get3A_472 = tpu.vector_load %arg11[%get3A_471] {strides = array<i32>} : memref<3200xi32, #tpu.memory_space<vmem>>, vector<16xi32>,
      %convert_element_type3A_473 = arith.sitofp %get3A_472 : vector<16xi32> to vector<16xf32>
      tpu.vector_store_idx %arg17[%add3A_458, %broadcast_in_dim3A_470], %convert_element_type3A_473 : memref<640x4xf32, #tpu.memory_space<vmem>>[vector<16xi32>, vector<16xi32>], vector<16xf32>,
      %iota3A_474 = tpu.iota {dimensions = array<i32: 0>} : vector<16xi32>
      %add3A_475 = arith.constant 288 : i32
      %add3A_476 = vector.broadcast %add3A_475 : i32 to vector<16xi32>
      %add3A_477 = arith.addi %add3A_476, %iota3A_474 : vector<16xi32>
      %add3A_478 = arith.constant 288 : i32
      %add3A_479 = arith.addi %mul3A_20, %add3A_478 : i32
      %broadcast_in_dim3A_480 = arith.constant 0 : i32
      %broadcast_in_dim3A_481 = vector.broadcast %broadcast_in_dim3A_480 : i32 to vector<16xi32>
      %get3A_482 = arith.index_cast %add3A_479 : i32 to index
      %get3A_483 = tpu.vector_load %arg12[%get3A_482] {strides = array<i32>} : memref<3200xf32, #tpu.memory_space<vmem>>, vector<16xf32>,
      tpu.vector_store_idx %arg17[%add3A_477, %broadcast_in_dim3A_481], %get3A_483 : memref<640x4xf32, #tpu.memory_space<vmem>>[vector<16xi32>, vector<16xi32>], vector<16xf32>,
      %broadcast_in_dim3A_484 = arith.constant 1 : i32
      %broadcast_in_dim3A_485 = vector.broadcast %broadcast_in_dim3A_484 : i32 to vector<16xi32>
      %get3A_486 = arith.index_cast %add3A_479 : i32 to index
      %get3A_487 = tpu.vector_load %arg13[%get3A_486] {strides = array<i32>} : memref<3200xf32, #tpu.memory_space<vmem>>, vector<16xf32>,
      tpu.vector_store_idx %arg17[%add3A_477, %broadcast_in_dim3A_485], %get3A_487 : memref<640x4xf32, #tpu.memory_space<vmem>>[vector<16xi32>, vector<16xi32>], vector<16xf32>,
      %broadcast_in_dim3A_488 = arith.constant 2 : i32
      %broadcast_in_dim3A_489 = vector.broadcast %broadcast_in_dim3A_488 : i32 to vector<16xi32>
      %get3A_490 = arith.index_cast %add3A_479 : i32 to index
      %get3A_491 = tpu.vector_load %arg11[%get3A_490] {strides = array<i32>} : memref<3200xi32, #tpu.memory_space<vmem>>, vector<16xi32>,
      %convert_element_type3A_492 = arith.sitofp %get3A_491 : vector<16xi32> to vector<16xf32>
      tpu.vector_store_idx %arg17[%add3A_477, %broadcast_in_dim3A_489], %convert_element_type3A_492 : memref<640x4xf32, #tpu.memory_space<vmem>>[vector<16xi32>, vector<16xi32>], vector<16xf32>,
      %iota3A_493 = tpu.iota {dimensions = array<i32: 0>} : vector<16xi32>
      %add3A_494 = arith.constant 304 : i32
      %add3A_495 = vector.broadcast %add3A_494 : i32 to vector<16xi32>
      %add3A_496 = arith.addi %add3A_495, %iota3A_493 : vector<16xi32>
      %add3A_497 = arith.constant 304 : i32
      %add3A_498 = arith.addi %mul3A_20, %add3A_497 : i32
      %broadcast_in_dim3A_499 = arith.constant 0 : i32
      %broadcast_in_dim3A_500 = vector.broadcast %broadcast_in_dim3A_499 : i32 to vector<16xi32>
      %get3A_501 = arith.index_cast %add3A_498 : i32 to index
      %get3A_502 = tpu.vector_load %arg12[%get3A_501] {strides = array<i32>} : memref<3200xf32, #tpu.memory_space<vmem>>, vector<16xf32>,
      tpu.vector_store_idx %arg17[%add3A_496, %broadcast_in_dim3A_500], %get3A_502 : memref<640x4xf32, #tpu.memory_space<vmem>>[vector<16xi32>, vector<16xi32>], vector<16xf32>,
      %broadcast_in_dim3A_503 = arith.constant 1 : i32
      %broadcast_in_dim3A_504 = vector.broadcast %broadcast_in_dim3A_503 : i32 to vector<16xi32>
      %get3A_505 = arith.index_cast %add3A_498 : i32 to index
      %get3A_506 = tpu.vector_load %arg13[%get3A_505] {strides = array<i32>} : memref<3200xf32, #tpu.memory_space<vmem>>, vector<16xf32>,
      tpu.vector_store_idx %arg17[%add3A_496, %broadcast_in_dim3A_504], %get3A_506 : memref<640x4xf32, #tpu.memory_space<vmem>>[vector<16xi32>, vector<16xi32>], vector<16xf32>,
      %broadcast_in_dim3A_507 = arith.constant 2 : i32
      %broadcast_in_dim3A_508 = vector.broadcast %broadcast_in_dim3A_507 : i32 to vector<16xi32>
      %get3A_509 = arith.index_cast %add3A_498 : i32 to index
      %get3A_510 = tpu.vector_load %arg11[%get3A_509] {strides = array<i32>} : memref<3200xi32, #tpu.memory_space<vmem>>, vector<16xi32>,
      %convert_element_type3A_511 = arith.sitofp %get3A_510 : vector<16xi32> to vector<16xf32>
      tpu.vector_store_idx %arg17[%add3A_496, %broadcast_in_dim3A_508], %convert_element_type3A_511 : memref<640x4xf32, #tpu.memory_space<vmem>>[vector<16xi32>, vector<16xi32>], vector<16xf32>,
      %iota3A_512 = tpu.iota {dimensions = array<i32: 0>} : vector<16xi32>
      %add3A_513 = arith.constant 320 : i32
      %add3A_514 = vector.broadcast %add3A_513 : i32 to vector<16xi32>
      %add3A_515 = arith.addi %add3A_514, %iota3A_512 : vector<16xi32>
      %add3A_516 = arith.constant 320 : i32
      %add3A_517 = arith.addi %mul3A_20, %add3A_516 : i32
      %broadcast_in_dim3A_518 = arith.constant 0 : i32
      %broadcast_in_dim3A_519 = vector.broadcast %broadcast_in_dim3A_518 : i32 to vector<16xi32>
      %get3A_520 = arith.index_cast %add3A_517 : i32 to index
      %get3A_521 = tpu.vector_load %arg12[%get3A_520] {strides = array<i32>} : memref<3200xf32, #tpu.memory_space<vmem>>, vector<16xf32>,
      tpu.vector_store_idx %arg17[%add3A_515, %broadcast_in_dim3A_519], %get3A_521 : memref<640x4xf32, #tpu.memory_space<vmem>>[vector<16xi32>, vector<16xi32>], vector<16xf32>,
      %broadcast_in_dim3A_522 = arith.constant 1 : i32
      %broadcast_in_dim3A_523 = vector.broadcast %broadcast_in_dim3A_522 : i32 to vector<16xi32>
      %get3A_524 = arith.index_cast %add3A_517 : i32 to index
      %get3A_525 = tpu.vector_load %arg13[%get3A_524] {strides = array<i32>} : memref<3200xf32, #tpu.memory_space<vmem>>, vector<16xf32>,
      tpu.vector_store_idx %arg17[%add3A_515, %broadcast_in_dim3A_523], %get3A_525 : memref<640x4xf32, #tpu.memory_space<vmem>>[vector<16xi32>, vector<16xi32>], vector<16xf32>,
      %broadcast_in_dim3A_526 = arith.constant 2 : i32
      %broadcast_in_dim3A_527 = vector.broadcast %broadcast_in_dim3A_526 : i32 to vector<16xi32>
      %get3A_528 = arith.index_cast %add3A_517 : i32 to index
      %get3A_529 = tpu.vector_load %arg11[%get3A_528] {strides = array<i32>} : memref<3200xi32, #tpu.memory_space<vmem>>, vector<16xi32>,
      %convert_element_type3A_530 = arith.sitofp %get3A_529 : vector<16xi32> to vector<16xf32>
      tpu.vector_store_idx %arg17[%add3A_515, %broadcast_in_dim3A_527], %convert_element_type3A_530 : memref<640x4xf32, #tpu.memory_space<vmem>>[vector<16xi32>, vector<16xi32>], vector<16xf32>,
      %iota3A_531 = tpu.iota {dimensions = array<i32: 0>} : vector<16xi32>
      %add3A_532 = arith.constant 336 : i32
      %add3A_533 = vector.broadcast %add3A_532 : i32 to vector<16xi32>
      %add3A_534 = arith.addi %add3A_533, %iota3A_531 : vector<16xi32>
      %add3A_535 = arith.constant 336 : i32
      %add3A_536 = arith.addi %mul3A_20, %add3A_535 : i32
      %broadcast_in_dim3A_537 = arith.constant 0 : i32
      %broadcast_in_dim3A_538 = vector.broadcast %broadcast_in_dim3A_537 : i32 to vector<16xi32>
      %get3A_539 = arith.index_cast %add3A_536 : i32 to index
      %get3A_540 = tpu.vector_load %arg12[%get3A_539] {strides = array<i32>} : memref<3200xf32, #tpu.memory_space<vmem>>, vector<16xf32>,
      tpu.vector_store_idx %arg17[%add3A_534, %broadcast_in_dim3A_538], %get3A_540 : memref<640x4xf32, #tpu.memory_space<vmem>>[vector<16xi32>, vector<16xi32>], vector<16xf32>,
      %broadcast_in_dim3A_541 = arith.constant 1 : i32
      %broadcast_in_dim3A_542 = vector.broadcast %broadcast_in_dim3A_541 : i32 to vector<16xi32>
      %get3A_543 = arith.index_cast %add3A_536 : i32 to index
      %get3A_544 = tpu.vector_load %arg13[%get3A_543] {strides = array<i32>} : memref<3200xf32, #tpu.memory_space<vmem>>, vector<16xf32>,
      tpu.vector_store_idx %arg17[%add3A_534, %broadcast_in_dim3A_542], %get3A_544 : memref<640x4xf32, #tpu.memory_space<vmem>>[vector<16xi32>, vector<16xi32>], vector<16xf32>,
      %broadcast_in_dim3A_545 = arith.constant 2 : i32
      %broadcast_in_dim3A_546 = vector.broadcast %broadcast_in_dim3A_545 : i32 to vector<16xi32>
      %get3A_547 = arith.index_cast %add3A_536 : i32 to index
      %get3A_548 = tpu.vector_load %arg11[%get3A_547] {strides = array<i32>} : memref<3200xi32, #tpu.memory_space<vmem>>, vector<16xi32>,
      %convert_element_type3A_549 = arith.sitofp %get3A_548 : vector<16xi32> to vector<16xf32>
      tpu.vector_store_idx %arg17[%add3A_534, %broadcast_in_dim3A_546], %convert_element_type3A_549 : memref<640x4xf32, #tpu.memory_space<vmem>>[vector<16xi32>, vector<16xi32>], vector<16xf32>,
      %iota3A_550 = tpu.iota {dimensions = array<i32: 0>} : vector<16xi32>
      %add3A_551 = arith.constant 352 : i32
      %add3A_552 = vector.broadcast %add3A_551 : i32 to vector<16xi32>
      %add3A_553 = arith.addi %add3A_552, %iota3A_550 : vector<16xi32>
      %add3A_554 = arith.constant 352 : i32
      %add3A_555 = arith.addi %mul3A_20, %add3A_554 : i32
      %broadcast_in_dim3A_556 = arith.constant 0 : i32
      %broadcast_in_dim3A_557 = vector.broadcast %broadcast_in_dim3A_556 : i32 to vector<16xi32>
      %get3A_558 = arith.index_cast %add3A_555 : i32 to index
      %get3A_559 = tpu.vector_load %arg12[%get3A_558] {strides = array<i32>} : memref<3200xf32, #tpu.memory_space<vmem>>, vector<16xf32>,
      tpu.vector_store_idx %arg17[%add3A_553, %broadcast_in_dim3A_557], %get3A_559 : memref<640x4xf32, #tpu.memory_space<vmem>>[vector<16xi32>, vector<16xi32>], vector<16xf32>,
      %broadcast_in_dim3A_560 = arith.constant 1 : i32
      %broadcast_in_dim3A_561 = vector.broadcast %broadcast_in_dim3A_560 : i32 to vector<16xi32>
      %get3A_562 = arith.index_cast %add3A_555 : i32 to index
      %get3A_563 = tpu.vector_load %arg13[%get3A_562] {strides = array<i32>} : memref<3200xf32, #tpu.memory_space<vmem>>, vector<16xf32>,
      tpu.vector_store_idx %arg17[%add3A_553, %broadcast_in_dim3A_561], %get3A_563 : memref<640x4xf32, #tpu.memory_space<vmem>>[vector<16xi32>, vector<16xi32>], vector<16xf32>,
      %broadcast_in_dim3A_564 = arith.constant 2 : i32
      %broadcast_in_dim3A_565 = vector.broadcast %broadcast_in_dim3A_564 : i32 to vector<16xi32>
      %get3A_566 = arith.index_cast %add3A_555 : i32 to index
      %get3A_567 = tpu.vector_load %arg11[%get3A_566] {strides = array<i32>} : memref<3200xi32, #tpu.memory_space<vmem>>, vector<16xi32>,
      %convert_element_type3A_568 = arith.sitofp %get3A_567 : vector<16xi32> to vector<16xf32>
      tpu.vector_store_idx %arg17[%add3A_553, %broadcast_in_dim3A_565], %convert_element_type3A_568 : memref<640x4xf32, #tpu.memory_space<vmem>>[vector<16xi32>, vector<16xi32>], vector<16xf32>,
      %iota3A_569 = tpu.iota {dimensions = array<i32: 0>} : vector<16xi32>
      %add3A_570 = arith.constant 368 : i32
      %add3A_571 = vector.broadcast %add3A_570 : i32 to vector<16xi32>
      %add3A_572 = arith.addi %add3A_571, %iota3A_569 : vector<16xi32>
      %add3A_573 = arith.constant 368 : i32
      %add3A_574 = arith.addi %mul3A_20, %add3A_573 : i32
      %broadcast_in_dim3A_575 = arith.constant 0 : i32
      %broadcast_in_dim3A_576 = vector.broadcast %broadcast_in_dim3A_575 : i32 to vector<16xi32>
      %get3A_577 = arith.index_cast %add3A_574 : i32 to index
      %get3A_578 = tpu.vector_load %arg12[%get3A_577] {strides = array<i32>} : memref<3200xf32, #tpu.memory_space<vmem>>, vector<16xf32>,
      tpu.vector_store_idx %arg17[%add3A_572, %broadcast_in_dim3A_576], %get3A_578 : memref<640x4xf32, #tpu.memory_space<vmem>>[vector<16xi32>, vector<16xi32>], vector<16xf32>,
      %broadcast_in_dim3A_579 = arith.constant 1 : i32
      %broadcast_in_dim3A_580 = vector.broadcast %broadcast_in_dim3A_579 : i32 to vector<16xi32>
      %get3A_581 = arith.index_cast %add3A_574 : i32 to index
      %get3A_582 = tpu.vector_load %arg13[%get3A_581] {strides = array<i32>} : memref<3200xf32, #tpu.memory_space<vmem>>, vector<16xf32>,
      tpu.vector_store_idx %arg17[%add3A_572, %broadcast_in_dim3A_580], %get3A_582 : memref<640x4xf32, #tpu.memory_space<vmem>>[vector<16xi32>, vector<16xi32>], vector<16xf32>,
      %broadcast_in_dim3A_583 = arith.constant 2 : i32
      %broadcast_in_dim3A_584 = vector.broadcast %broadcast_in_dim3A_583 : i32 to vector<16xi32>
      %get3A_585 = arith.index_cast %add3A_574 : i32 to index
      %get3A_586 = tpu.vector_load %arg11[%get3A_585] {strides = array<i32>} : memref<3200xi32, #tpu.memory_space<vmem>>, vector<16xi32>,
      %convert_element_type3A_587 = arith.sitofp %get3A_586 : vector<16xi32> to vector<16xf32>
      tpu.vector_store_idx %arg17[%add3A_572, %broadcast_in_dim3A_584], %convert_element_type3A_587 : memref<640x4xf32, #tpu.memory_space<vmem>>[vector<16xi32>, vector<16xi32>], vector<16xf32>,
      %iota3A_588 = tpu.iota {dimensions = array<i32: 0>} : vector<16xi32>
      %add3A_589 = arith.constant 384 : i32
      %add3A_590 = vector.broadcast %add3A_589 : i32 to vector<16xi32>
      %add3A_591 = arith.addi %add3A_590, %iota3A_588 : vector<16xi32>
      %add3A_592 = arith.constant 384 : i32
      %add3A_593 = arith.addi %mul3A_20, %add3A_592 : i32
      %broadcast_in_dim3A_594 = arith.constant 0 : i32
      %broadcast_in_dim3A_595 = vector.broadcast %broadcast_in_dim3A_594 : i32 to vector<16xi32>
      %get3A_596 = arith.index_cast %add3A_593 : i32 to index
      %get3A_597 = tpu.vector_load %arg12[%get3A_596] {strides = array<i32>} : memref<3200xf32, #tpu.memory_space<vmem>>, vector<16xf32>,
      tpu.vector_store_idx %arg17[%add3A_591, %broadcast_in_dim3A_595], %get3A_597 : memref<640x4xf32, #tpu.memory_space<vmem>>[vector<16xi32>, vector<16xi32>], vector<16xf32>,
      %broadcast_in_dim3A_598 = arith.constant 1 : i32
      %broadcast_in_dim3A_599 = vector.broadcast %broadcast_in_dim3A_598 : i32 to vector<16xi32>
      %get3A_600 = arith.index_cast %add3A_593 : i32 to index
      %get3A_601 = tpu.vector_load %arg13[%get3A_600] {strides = array<i32>} : memref<3200xf32, #tpu.memory_space<vmem>>, vector<16xf32>,
      tpu.vector_store_idx %arg17[%add3A_591, %broadcast_in_dim3A_599], %get3A_601 : memref<640x4xf32, #tpu.memory_space<vmem>>[vector<16xi32>, vector<16xi32>], vector<16xf32>,
      %broadcast_in_dim3A_602 = arith.constant 2 : i32
      %broadcast_in_dim3A_603 = vector.broadcast %broadcast_in_dim3A_602 : i32 to vector<16xi32>
      %get3A_604 = arith.index_cast %add3A_593 : i32 to index
      %get3A_605 = tpu.vector_load %arg11[%get3A_604] {strides = array<i32>} : memref<3200xi32, #tpu.memory_space<vmem>>, vector<16xi32>,
      %convert_element_type3A_606 = arith.sitofp %get3A_605 : vector<16xi32> to vector<16xf32>
      tpu.vector_store_idx %arg17[%add3A_591, %broadcast_in_dim3A_603], %convert_element_type3A_606 : memref<640x4xf32, #tpu.memory_space<vmem>>[vector<16xi32>, vector<16xi32>], vector<16xf32>,
      %iota3A_607 = tpu.iota {dimensions = array<i32: 0>} : vector<16xi32>
      %add3A_608 = arith.constant 400 : i32
      %add3A_609 = vector.broadcast %add3A_608 : i32 to vector<16xi32>
      %add3A_610 = arith.addi %add3A_609, %iota3A_607 : vector<16xi32>
      %add3A_611 = arith.constant 400 : i32
      %add3A_612 = arith.addi %mul3A_20, %add3A_611 : i32
      %broadcast_in_dim3A_613 = arith.constant 0 : i32
      %broadcast_in_dim3A_614 = vector.broadcast %broadcast_in_dim3A_613 : i32 to vector<16xi32>
      %get3A_615 = arith.index_cast %add3A_612 : i32 to index
      %get3A_616 = tpu.vector_load %arg12[%get3A_615] {strides = array<i32>} : memref<3200xf32, #tpu.memory_space<vmem>>, vector<16xf32>,
      tpu.vector_store_idx %arg17[%add3A_610, %broadcast_in_dim3A_614], %get3A_616 : memref<640x4xf32, #tpu.memory_space<vmem>>[vector<16xi32>, vector<16xi32>], vector<16xf32>,
      %broadcast_in_dim3A_617 = arith.constant 1 : i32
      %broadcast_in_dim3A_618 = vector.broadcast %broadcast_in_dim3A_617 : i32 to vector<16xi32>
      %get3A_619 = arith.index_cast %add3A_612 : i32 to index
      %get3A_620 = tpu.vector_load %arg13[%get3A_619] {strides = array<i32>} : memref<3200xf32, #tpu.memory_space<vmem>>, vector<16xf32>,
      tpu.vector_store_idx %arg17[%add3A_610, %broadcast_in_dim3A_618], %get3A_620 : memref<640x4xf32, #tpu.memory_space<vmem>>[vector<16xi32>, vector<16xi32>], vector<16xf32>,
      %broadcast_in_dim3A_621 = arith.constant 2 : i32
      %broadcast_in_dim3A_622 = vector.broadcast %broadcast_in_dim3A_621 : i32 to vector<16xi32>
      %get3A_623 = arith.index_cast %add3A_612 : i32 to index
      %get3A_624 = tpu.vector_load %arg11[%get3A_623] {strides = array<i32>} : memref<3200xi32, #tpu.memory_space<vmem>>, vector<16xi32>,
      %convert_element_type3A_625 = arith.sitofp %get3A_624 : vector<16xi32> to vector<16xf32>
      tpu.vector_store_idx %arg17[%add3A_610, %broadcast_in_dim3A_622], %convert_element_type3A_625 : memref<640x4xf32, #tpu.memory_space<vmem>>[vector<16xi32>, vector<16xi32>], vector<16xf32>,
      %iota3A_626 = tpu.iota {dimensions = array<i32: 0>} : vector<16xi32>
      %add3A_627 = arith.constant 416 : i32
      %add3A_628 = vector.broadcast %add3A_627 : i32 to vector<16xi32>
      %add3A_629 = arith.addi %add3A_628, %iota3A_626 : vector<16xi32>
      %add3A_630 = arith.constant 416 : i32
      %add3A_631 = arith.addi %mul3A_20, %add3A_630 : i32
      %broadcast_in_dim3A_632 = arith.constant 0 : i32
      %broadcast_in_dim3A_633 = vector.broadcast %broadcast_in_dim3A_632 : i32 to vector<16xi32>
      %get3A_634 = arith.index_cast %add3A_631 : i32 to index
      %get3A_635 = tpu.vector_load %arg12[%get3A_634] {strides = array<i32>} : memref<3200xf32, #tpu.memory_space<vmem>>, vector<16xf32>,
      tpu.vector_store_idx %arg17[%add3A_629, %broadcast_in_dim3A_633], %get3A_635 : memref<640x4xf32, #tpu.memory_space<vmem>>[vector<16xi32>, vector<16xi32>], vector<16xf32>,
      %broadcast_in_dim3A_636 = arith.constant 1 : i32
      %broadcast_in_dim3A_637 = vector.broadcast %broadcast_in_dim3A_636 : i32 to vector<16xi32>
      %get3A_638 = arith.index_cast %add3A_631 : i32 to index
      %get3A_639 = tpu.vector_load %arg13[%get3A_638] {strides = array<i32>} : memref<3200xf32, #tpu.memory_space<vmem>>, vector<16xf32>,
      tpu.vector_store_idx %arg17[%add3A_629, %broadcast_in_dim3A_637], %get3A_639 : memref<640x4xf32, #tpu.memory_space<vmem>>[vector<16xi32>, vector<16xi32>], vector<16xf32>,
      %broadcast_in_dim3A_640 = arith.constant 2 : i32
      %broadcast_in_dim3A_641 = vector.broadcast %broadcast_in_dim3A_640 : i32 to vector<16xi32>
      %get3A_642 = arith.index_cast %add3A_631 : i32 to index
      %get3A_643 = tpu.vector_load %arg11[%get3A_642] {strides = array<i32>} : memref<3200xi32, #tpu.memory_space<vmem>>, vector<16xi32>,
      %convert_element_type3A_644 = arith.sitofp %get3A_643 : vector<16xi32> to vector<16xf32>
      tpu.vector_store_idx %arg17[%add3A_629, %broadcast_in_dim3A_641], %convert_element_type3A_644 : memref<640x4xf32, #tpu.memory_space<vmem>>[vector<16xi32>, vector<16xi32>], vector<16xf32>,
      %iota3A_645 = tpu.iota {dimensions = array<i32: 0>} : vector<16xi32>
      %add3A_646 = arith.constant 432 : i32
      %add3A_647 = vector.broadcast %add3A_646 : i32 to vector<16xi32>
      %add3A_648 = arith.addi %add3A_647, %iota3A_645 : vector<16xi32>
      %add3A_649 = arith.constant 432 : i32
      %add3A_650 = arith.addi %mul3A_20, %add3A_649 : i32
      %broadcast_in_dim3A_651 = arith.constant 0 : i32
      %broadcast_in_dim3A_652 = vector.broadcast %broadcast_in_dim3A_651 : i32 to vector<16xi32>
      %get3A_653 = arith.index_cast %add3A_650 : i32 to index
      %get3A_654 = tpu.vector_load %arg12[%get3A_653] {strides = array<i32>} : memref<3200xf32, #tpu.memory_space<vmem>>, vector<16xf32>,
      tpu.vector_store_idx %arg17[%add3A_648, %broadcast_in_dim3A_652], %get3A_654 : memref<640x4xf32, #tpu.memory_space<vmem>>[vector<16xi32>, vector<16xi32>], vector<16xf32>,
      %broadcast_in_dim3A_655 = arith.constant 1 : i32
      %broadcast_in_dim3A_656 = vector.broadcast %broadcast_in_dim3A_655 : i32 to vector<16xi32>
      %get3A_657 = arith.index_cast %add3A_650 : i32 to index
      %get3A_658 = tpu.vector_load %arg13[%get3A_657] {strides = array<i32>} : memref<3200xf32, #tpu.memory_space<vmem>>, vector<16xf32>,
      tpu.vector_store_idx %arg17[%add3A_648, %broadcast_in_dim3A_656], %get3A_658 : memref<640x4xf32, #tpu.memory_space<vmem>>[vector<16xi32>, vector<16xi32>], vector<16xf32>,
      %broadcast_in_dim3A_659 = arith.constant 2 : i32
      %broadcast_in_dim3A_660 = vector.broadcast %broadcast_in_dim3A_659 : i32 to vector<16xi32>
      %get3A_661 = arith.index_cast %add3A_650 : i32 to index
      %get3A_662 = tpu.vector_load %arg11[%get3A_661] {strides = array<i32>} : memref<3200xi32, #tpu.memory_space<vmem>>, vector<16xi32>,
      %convert_element_type3A_663 = arith.sitofp %get3A_662 : vector<16xi32> to vector<16xf32>
      tpu.vector_store_idx %arg17[%add3A_648, %broadcast_in_dim3A_660], %convert_element_type3A_663 : memref<640x4xf32, #tpu.memory_space<vmem>>[vector<16xi32>, vector<16xi32>], vector<16xf32>,
      %iota3A_664 = tpu.iota {dimensions = array<i32: 0>} : vector<16xi32>
      %add3A_665 = arith.constant 448 : i32
      %add3A_666 = vector.broadcast %add3A_665 : i32 to vector<16xi32>
      %add3A_667 = arith.addi %add3A_666, %iota3A_664 : vector<16xi32>
      %add3A_668 = arith.constant 448 : i32
      %add3A_669 = arith.addi %mul3A_20, %add3A_668 : i32
      %broadcast_in_dim3A_670 = arith.constant 0 : i32
      %broadcast_in_dim3A_671 = vector.broadcast %broadcast_in_dim3A_670 : i32 to vector<16xi32>
      %get3A_672 = arith.index_cast %add3A_669 : i32 to index
      %get3A_673 = tpu.vector_load %arg12[%get3A_672] {strides = array<i32>} : memref<3200xf32, #tpu.memory_space<vmem>>, vector<16xf32>,
      tpu.vector_store_idx %arg17[%add3A_667, %broadcast_in_dim3A_671], %get3A_673 : memref<640x4xf32, #tpu.memory_space<vmem>>[vector<16xi32>, vector<16xi32>], vector<16xf32>,
      %broadcast_in_dim3A_674 = arith.constant 1 : i32
      %broadcast_in_dim3A_675 = vector.broadcast %broadcast_in_dim3A_674 : i32 to vector<16xi32>
      %get3A_676 = arith.index_cast %add3A_669 : i32 to index
      %get3A_677 = tpu.vector_load %arg13[%get3A_676] {strides = array<i32>} : memref<3200xf32, #tpu.memory_space<vmem>>, vector<16xf32>,
      tpu.vector_store_idx %arg17[%add3A_667, %broadcast_in_dim3A_675], %get3A_677 : memref<640x4xf32, #tpu.memory_space<vmem>>[vector<16xi32>, vector<16xi32>], vector<16xf32>,
      %broadcast_in_dim3A_678 = arith.constant 2 : i32
      %broadcast_in_dim3A_679 = vector.broadcast %broadcast_in_dim3A_678 : i32 to vector<16xi32>
      %get3A_680 = arith.index_cast %add3A_669 : i32 to index
      %get3A_681 = tpu.vector_load %arg11[%get3A_680] {strides = array<i32>} : memref<3200xi32, #tpu.memory_space<vmem>>, vector<16xi32>,
      %convert_element_type3A_682 = arith.sitofp %get3A_681 : vector<16xi32> to vector<16xf32>
      tpu.vector_store_idx %arg17[%add3A_667, %broadcast_in_dim3A_679], %convert_element_type3A_682 : memref<640x4xf32, #tpu.memory_space<vmem>>[vector<16xi32>, vector<16xi32>], vector<16xf32>,
      %iota3A_683 = tpu.iota {dimensions = array<i32: 0>} : vector<16xi32>
      %add3A_684 = arith.constant 464 : i32
      %add3A_685 = vector.broadcast %add3A_684 : i32 to vector<16xi32>
      %add3A_686 = arith.addi %add3A_685, %iota3A_683 : vector<16xi32>
      %add3A_687 = arith.constant 464 : i32
      %add3A_688 = arith.addi %mul3A_20, %add3A_687 : i32
      %broadcast_in_dim3A_689 = arith.constant 0 : i32
      %broadcast_in_dim3A_690 = vector.broadcast %broadcast_in_dim3A_689 : i32 to vector<16xi32>
      %get3A_691 = arith.index_cast %add3A_688 : i32 to index
      %get3A_692 = tpu.vector_load %arg12[%get3A_691] {strides = array<i32>} : memref<3200xf32, #tpu.memory_space<vmem>>, vector<16xf32>,
      tpu.vector_store_idx %arg17[%add3A_686, %broadcast_in_dim3A_690], %get3A_692 : memref<640x4xf32, #tpu.memory_space<vmem>>[vector<16xi32>, vector<16xi32>], vector<16xf32>,
      %broadcast_in_dim3A_693 = arith.constant 1 : i32
      %broadcast_in_dim3A_694 = vector.broadcast %broadcast_in_dim3A_693 : i32 to vector<16xi32>
      %get3A_695 = arith.index_cast %add3A_688 : i32 to index
      %get3A_696 = tpu.vector_load %arg13[%get3A_695] {strides = array<i32>} : memref<3200xf32, #tpu.memory_space<vmem>>, vector<16xf32>,
      tpu.vector_store_idx %arg17[%add3A_686, %broadcast_in_dim3A_694], %get3A_696 : memref<640x4xf32, #tpu.memory_space<vmem>>[vector<16xi32>, vector<16xi32>], vector<16xf32>,
      %broadcast_in_dim3A_697 = arith.constant 2 : i32
      %broadcast_in_dim3A_698 = vector.broadcast %broadcast_in_dim3A_697 : i32 to vector<16xi32>
      %get3A_699 = arith.index_cast %add3A_688 : i32 to index
      %get3A_700 = tpu.vector_load %arg11[%get3A_699] {strides = array<i32>} : memref<3200xi32, #tpu.memory_space<vmem>>, vector<16xi32>,
      %convert_element_type3A_701 = arith.sitofp %get3A_700 : vector<16xi32> to vector<16xf32>
      tpu.vector_store_idx %arg17[%add3A_686, %broadcast_in_dim3A_698], %convert_element_type3A_701 : memref<640x4xf32, #tpu.memory_space<vmem>>[vector<16xi32>, vector<16xi32>], vector<16xf32>,
      %iota3A_702 = tpu.iota {dimensions = array<i32: 0>} : vector<16xi32>
      %add3A_703 = arith.constant 480 : i32
      %add3A_704 = vector.broadcast %add3A_703 : i32 to vector<16xi32>
      %add3A_705 = arith.addi %add3A_704, %iota3A_702 : vector<16xi32>
      %add3A_706 = arith.constant 480 : i32
      %add3A_707 = arith.addi %mul3A_20, %add3A_706 : i32
      %broadcast_in_dim3A_708 = arith.constant 0 : i32
      %broadcast_in_dim3A_709 = vector.broadcast %broadcast_in_dim3A_708 : i32 to vector<16xi32>
      %get3A_710 = arith.index_cast %add3A_707 : i32 to index
      %get3A_711 = tpu.vector_load %arg12[%get3A_710] {strides = array<i32>} : memref<3200xf32, #tpu.memory_space<vmem>>, vector<16xf32>,
      tpu.vector_store_idx %arg17[%add3A_705, %broadcast_in_dim3A_709], %get3A_711 : memref<640x4xf32, #tpu.memory_space<vmem>>[vector<16xi32>, vector<16xi32>], vector<16xf32>,
      %broadcast_in_dim3A_712 = arith.constant 1 : i32
      %broadcast_in_dim3A_713 = vector.broadcast %broadcast_in_dim3A_712 : i32 to vector<16xi32>
      %get3A_714 = arith.index_cast %add3A_707 : i32 to index
      %get3A_715 = tpu.vector_load %arg13[%get3A_714] {strides = array<i32>} : memref<3200xf32, #tpu.memory_space<vmem>>, vector<16xf32>,
      tpu.vector_store_idx %arg17[%add3A_705, %broadcast_in_dim3A_713], %get3A_715 : memref<640x4xf32, #tpu.memory_space<vmem>>[vector<16xi32>, vector<16xi32>], vector<16xf32>,
      %broadcast_in_dim3A_716 = arith.constant 2 : i32
      %broadcast_in_dim3A_717 = vector.broadcast %broadcast_in_dim3A_716 : i32 to vector<16xi32>
      %get3A_718 = arith.index_cast %add3A_707 : i32 to index
      %get3A_719 = tpu.vector_load %arg11[%get3A_718] {strides = array<i32>} : memref<3200xi32, #tpu.memory_space<vmem>>, vector<16xi32>,
      %convert_element_type3A_720 = arith.sitofp %get3A_719 : vector<16xi32> to vector<16xf32>
      tpu.vector_store_idx %arg17[%add3A_705, %broadcast_in_dim3A_717], %convert_element_type3A_720 : memref<640x4xf32, #tpu.memory_space<vmem>>[vector<16xi32>, vector<16xi32>], vector<16xf32>,
      %iota3A_721 = tpu.iota {dimensions = array<i32: 0>} : vector<16xi32>
      %add3A_722 = arith.constant 496 : i32
      %add3A_723 = vector.broadcast %add3A_722 : i32 to vector<16xi32>
      %add3A_724 = arith.addi %add3A_723, %iota3A_721 : vector<16xi32>
      %add3A_725 = arith.constant 496 : i32
      %add3A_726 = arith.addi %mul3A_20, %add3A_725 : i32
      %broadcast_in_dim3A_727 = arith.constant 0 : i32
      %broadcast_in_dim3A_728 = vector.broadcast %broadcast_in_dim3A_727 : i32 to vector<16xi32>
      %get3A_729 = arith.index_cast %add3A_726 : i32 to index
      %get3A_730 = tpu.vector_load %arg12[%get3A_729] {strides = array<i32>} : memref<3200xf32, #tpu.memory_space<vmem>>, vector<16xf32>,
      tpu.vector_store_idx %arg17[%add3A_724, %broadcast_in_dim3A_728], %get3A_730 : memref<640x4xf32, #tpu.memory_space<vmem>>[vector<16xi32>, vector<16xi32>], vector<16xf32>,
      %broadcast_in_dim3A_731 = arith.constant 1 : i32
      %broadcast_in_dim3A_732 = vector.broadcast %broadcast_in_dim3A_731 : i32 to vector<16xi32>
      %get3A_733 = arith.index_cast %add3A_726 : i32 to index
      %get3A_734 = tpu.vector_load %arg13[%get3A_733] {strides = array<i32>} : memref<3200xf32, #tpu.memory_space<vmem>>, vector<16xf32>,
      tpu.vector_store_idx %arg17[%add3A_724, %broadcast_in_dim3A_732], %get3A_734 : memref<640x4xf32, #tpu.memory_space<vmem>>[vector<16xi32>, vector<16xi32>], vector<16xf32>,
      %broadcast_in_dim3A_735 = arith.constant 2 : i32
      %broadcast_in_dim3A_736 = vector.broadcast %broadcast_in_dim3A_735 : i32 to vector<16xi32>
      %get3A_737 = arith.index_cast %add3A_726 : i32 to index
      %get3A_738 = tpu.vector_load %arg11[%get3A_737] {strides = array<i32>} : memref<3200xi32, #tpu.memory_space<vmem>>, vector<16xi32>,
      %convert_element_type3A_739 = arith.sitofp %get3A_738 : vector<16xi32> to vector<16xf32>
      tpu.vector_store_idx %arg17[%add3A_724, %broadcast_in_dim3A_736], %convert_element_type3A_739 : memref<640x4xf32, #tpu.memory_space<vmem>>[vector<16xi32>, vector<16xi32>], vector<16xf32>,
      %iota3A_740 = tpu.iota {dimensions = array<i32: 0>} : vector<16xi32>
      %add3A_741 = arith.constant 512 : i32
      %add3A_742 = vector.broadcast %add3A_741 : i32 to vector<16xi32>
      %add3A_743 = arith.addi %add3A_742, %iota3A_740 : vector<16xi32>
      %add3A_744 = arith.constant 512 : i32
      %add3A_745 = arith.addi %mul3A_20, %add3A_744 : i32
      %broadcast_in_dim3A_746 = arith.constant 0 : i32
      %broadcast_in_dim3A_747 = vector.broadcast %broadcast_in_dim3A_746 : i32 to vector<16xi32>
      %get3A_748 = arith.index_cast %add3A_745 : i32 to index
      %get3A_749 = tpu.vector_load %arg12[%get3A_748] {strides = array<i32>} : memref<3200xf32, #tpu.memory_space<vmem>>, vector<16xf32>,
      tpu.vector_store_idx %arg17[%add3A_743, %broadcast_in_dim3A_747], %get3A_749 : memref<640x4xf32, #tpu.memory_space<vmem>>[vector<16xi32>, vector<16xi32>], vector<16xf32>,
      %broadcast_in_dim3A_750 = arith.constant 1 : i32
      %broadcast_in_dim3A_751 = vector.broadcast %broadcast_in_dim3A_750 : i32 to vector<16xi32>
      %get3A_752 = arith.index_cast %add3A_745 : i32 to index
      %get3A_753 = tpu.vector_load %arg13[%get3A_752] {strides = array<i32>} : memref<3200xf32, #tpu.memory_space<vmem>>, vector<16xf32>,
      tpu.vector_store_idx %arg17[%add3A_743, %broadcast_in_dim3A_751], %get3A_753 : memref<640x4xf32, #tpu.memory_space<vmem>>[vector<16xi32>, vector<16xi32>], vector<16xf32>,
      %broadcast_in_dim3A_754 = arith.constant 2 : i32
      %broadcast_in_dim3A_755 = vector.broadcast %broadcast_in_dim3A_754 : i32 to vector<16xi32>
      %get3A_756 = arith.index_cast %add3A_745 : i32 to index
      %get3A_757 = tpu.vector_load %arg11[%get3A_756] {strides = array<i32>} : memref<3200xi32, #tpu.memory_space<vmem>>, vector<16xi32>,
      %convert_element_type3A_758 = arith.sitofp %get3A_757 : vector<16xi32> to vector<16xf32>
      tpu.vector_store_idx %arg17[%add3A_743, %broadcast_in_dim3A_755], %convert_element_type3A_758 : memref<640x4xf32, #tpu.memory_space<vmem>>[vector<16xi32>, vector<16xi32>], vector<16xf32>,
      %iota3A_759 = tpu.iota {dimensions = array<i32: 0>} : vector<16xi32>
      %add3A_760 = arith.constant 528 : i32
      %add3A_761 = vector.broadcast %add3A_760 : i32 to vector<16xi32>
      %add3A_762 = arith.addi %add3A_761, %iota3A_759 : vector<16xi32>
      %add3A_763 = arith.constant 528 : i32
      %add3A_764 = arith.addi %mul3A_20, %add3A_763 : i32
      %broadcast_in_dim3A_765 = arith.constant 0 : i32
      %broadcast_in_dim3A_766 = vector.broadcast %broadcast_in_dim3A_765 : i32 to vector<16xi32>
      %get3A_767 = arith.index_cast %add3A_764 : i32 to index
      %get3A_768 = tpu.vector_load %arg12[%get3A_767] {strides = array<i32>} : memref<3200xf32, #tpu.memory_space<vmem>>, vector<16xf32>,
      tpu.vector_store_idx %arg17[%add3A_762, %broadcast_in_dim3A_766], %get3A_768 : memref<640x4xf32, #tpu.memory_space<vmem>>[vector<16xi32>, vector<16xi32>], vector<16xf32>,
      %broadcast_in_dim3A_769 = arith.constant 1 : i32
      %broadcast_in_dim3A_770 = vector.broadcast %broadcast_in_dim3A_769 : i32 to vector<16xi32>
      %get3A_771 = arith.index_cast %add3A_764 : i32 to index
      %get3A_772 = tpu.vector_load %arg13[%get3A_771] {strides = array<i32>} : memref<3200xf32, #tpu.memory_space<vmem>>, vector<16xf32>,
      tpu.vector_store_idx %arg17[%add3A_762, %broadcast_in_dim3A_770], %get3A_772 : memref<640x4xf32, #tpu.memory_space<vmem>>[vector<16xi32>, vector<16xi32>], vector<16xf32>,
      %broadcast_in_dim3A_773 = arith.constant 2 : i32
      %broadcast_in_dim3A_774 = vector.broadcast %broadcast_in_dim3A_773 : i32 to vector<16xi32>
      %get3A_775 = arith.index_cast %add3A_764 : i32 to index
      %get3A_776 = tpu.vector_load %arg11[%get3A_775] {strides = array<i32>} : memref<3200xi32, #tpu.memory_space<vmem>>, vector<16xi32>,
      %convert_element_type3A_777 = arith.sitofp %get3A_776 : vector<16xi32> to vector<16xf32>
      tpu.vector_store_idx %arg17[%add3A_762, %broadcast_in_dim3A_774], %convert_element_type3A_777 : memref<640x4xf32, #tpu.memory_space<vmem>>[vector<16xi32>, vector<16xi32>], vector<16xf32>,
      %iota3A_778 = tpu.iota {dimensions = array<i32: 0>} : vector<16xi32>
      %add3A_779 = arith.constant 544 : i32
      %add3A_780 = vector.broadcast %add3A_779 : i32 to vector<16xi32>
      %add3A_781 = arith.addi %add3A_780, %iota3A_778 : vector<16xi32>
      %add3A_782 = arith.constant 544 : i32
      %add3A_783 = arith.addi %mul3A_20, %add3A_782 : i32
      %broadcast_in_dim3A_784 = arith.constant 0 : i32
      %broadcast_in_dim3A_785 = vector.broadcast %broadcast_in_dim3A_784 : i32 to vector<16xi32>
      %get3A_786 = arith.index_cast %add3A_783 : i32 to index
      %get3A_787 = tpu.vector_load %arg12[%get3A_786] {strides = array<i32>} : memref<3200xf32, #tpu.memory_space<vmem>>, vector<16xf32>,
      tpu.vector_store_idx %arg17[%add3A_781, %broadcast_in_dim3A_785], %get3A_787 : memref<640x4xf32, #tpu.memory_space<vmem>>[vector<16xi32>, vector<16xi32>], vector<16xf32>,
      %broadcast_in_dim3A_788 = arith.constant 1 : i32
      %broadcast_in_dim3A_789 = vector.broadcast %broadcast_in_dim3A_788 : i32 to vector<16xi32>
      %get3A_790 = arith.index_cast %add3A_783 : i32 to index
      %get3A_791 = tpu.vector_load %arg13[%get3A_790] {strides = array<i32>} : memref<3200xf32, #tpu.memory_space<vmem>>, vector<16xf32>,
      tpu.vector_store_idx %arg17[%add3A_781, %broadcast_in_dim3A_789], %get3A_791 : memref<640x4xf32, #tpu.memory_space<vmem>>[vector<16xi32>, vector<16xi32>], vector<16xf32>,
      %broadcast_in_dim3A_792 = arith.constant 2 : i32
      %broadcast_in_dim3A_793 = vector.broadcast %broadcast_in_dim3A_792 : i32 to vector<16xi32>
      %get3A_794 = arith.index_cast %add3A_783 : i32 to index
      %get3A_795 = tpu.vector_load %arg11[%get3A_794] {strides = array<i32>} : memref<3200xi32, #tpu.memory_space<vmem>>, vector<16xi32>,
      %convert_element_type3A_796 = arith.sitofp %get3A_795 : vector<16xi32> to vector<16xf32>
      tpu.vector_store_idx %arg17[%add3A_781, %broadcast_in_dim3A_793], %convert_element_type3A_796 : memref<640x4xf32, #tpu.memory_space<vmem>>[vector<16xi32>, vector<16xi32>], vector<16xf32>,
      %iota3A_797 = tpu.iota {dimensions = array<i32: 0>} : vector<16xi32>
      %add3A_798 = arith.constant 560 : i32
      %add3A_799 = vector.broadcast %add3A_798 : i32 to vector<16xi32>
      %add3A_800 = arith.addi %add3A_799, %iota3A_797 : vector<16xi32>
      %add3A_801 = arith.constant 560 : i32
      %add3A_802 = arith.addi %mul3A_20, %add3A_801 : i32
      %broadcast_in_dim3A_803 = arith.constant 0 : i32
      %broadcast_in_dim3A_804 = vector.broadcast %broadcast_in_dim3A_803 : i32 to vector<16xi32>
      %get3A_805 = arith.index_cast %add3A_802 : i32 to index
      %get3A_806 = tpu.vector_load %arg12[%get3A_805] {strides = array<i32>} : memref<3200xf32, #tpu.memory_space<vmem>>, vector<16xf32>,
      tpu.vector_store_idx %arg17[%add3A_800, %broadcast_in_dim3A_804], %get3A_806 : memref<640x4xf32, #tpu.memory_space<vmem>>[vector<16xi32>, vector<16xi32>], vector<16xf32>,
      %broadcast_in_dim3A_807 = arith.constant 1 : i32
      %broadcast_in_dim3A_808 = vector.broadcast %broadcast_in_dim3A_807 : i32 to vector<16xi32>
      %get3A_809 = arith.index_cast %add3A_802 : i32 to index
      %get3A_810 = tpu.vector_load %arg13[%get3A_809] {strides = array<i32>} : memref<3200xf32, #tpu.memory_space<vmem>>, vector<16xf32>,
      tpu.vector_store_idx %arg17[%add3A_800, %broadcast_in_dim3A_808], %get3A_810 : memref<640x4xf32, #tpu.memory_space<vmem>>[vector<16xi32>, vector<16xi32>], vector<16xf32>,
      %broadcast_in_dim3A_811 = arith.constant 2 : i32
      %broadcast_in_dim3A_812 = vector.broadcast %broadcast_in_dim3A_811 : i32 to vector<16xi32>
      %get3A_813 = arith.index_cast %add3A_802 : i32 to index
      %get3A_814 = tpu.vector_load %arg11[%get3A_813] {strides = array<i32>} : memref<3200xi32, #tpu.memory_space<vmem>>, vector<16xi32>,
      %convert_element_type3A_815 = arith.sitofp %get3A_814 : vector<16xi32> to vector<16xf32>
      tpu.vector_store_idx %arg17[%add3A_800, %broadcast_in_dim3A_812], %convert_element_type3A_815 : memref<640x4xf32, #tpu.memory_space<vmem>>[vector<16xi32>, vector<16xi32>], vector<16xf32>,
      %iota3A_816 = tpu.iota {dimensions = array<i32: 0>} : vector<16xi32>
      %add3A_817 = arith.constant 576 : i32
      %add3A_818 = vector.broadcast %add3A_817 : i32 to vector<16xi32>
      %add3A_819 = arith.addi %add3A_818, %iota3A_816 : vector<16xi32>
      %add3A_820 = arith.constant 576 : i32
      %add3A_821 = arith.addi %mul3A_20, %add3A_820 : i32
      %broadcast_in_dim3A_822 = arith.constant 0 : i32
      %broadcast_in_dim3A_823 = vector.broadcast %broadcast_in_dim3A_822 : i32 to vector<16xi32>
      %get3A_824 = arith.index_cast %add3A_821 : i32 to index
      %get3A_825 = tpu.vector_load %arg12[%get3A_824] {strides = array<i32>} : memref<3200xf32, #tpu.memory_space<vmem>>, vector<16xf32>,
      tpu.vector_store_idx %arg17[%add3A_819, %broadcast_in_dim3A_823], %get3A_825 : memref<640x4xf32, #tpu.memory_space<vmem>>[vector<16xi32>, vector<16xi32>], vector<16xf32>,
      %broadcast_in_dim3A_826 = arith.constant 1 : i32
      %broadcast_in_dim3A_827 = vector.broadcast %broadcast_in_dim3A_826 : i32 to vector<16xi32>
      %get3A_828 = arith.index_cast %add3A_821 : i32 to index
      %get3A_829 = tpu.vector_load %arg13[%get3A_828] {strides = array<i32>} : memref<3200xf32, #tpu.memory_space<vmem>>, vector<16xf32>,
      tpu.vector_store_idx %arg17[%add3A_819, %broadcast_in_dim3A_827], %get3A_829 : memref<640x4xf32, #tpu.memory_space<vmem>>[vector<16xi32>, vector<16xi32>], vector<16xf32>,
      %broadcast_in_dim3A_830 = arith.constant 2 : i32
      %broadcast_in_dim3A_831 = vector.broadcast %broadcast_in_dim3A_830 : i32 to vector<16xi32>
      %get3A_832 = arith.index_cast %add3A_821 : i32 to index
      %get3A_833 = tpu.vector_load %arg11[%get3A_832] {strides = array<i32>} : memref<3200xi32, #tpu.memory_space<vmem>>, vector<16xi32>,
      %convert_element_type3A_834 = arith.sitofp %get3A_833 : vector<16xi32> to vector<16xf32>
      tpu.vector_store_idx %arg17[%add3A_819, %broadcast_in_dim3A_831], %convert_element_type3A_834 : memref<640x4xf32, #tpu.memory_space<vmem>>[vector<16xi32>, vector<16xi32>], vector<16xf32>,
      %iota3A_835 = tpu.iota {dimensions = array<i32: 0>} : vector<16xi32>
      %add3A_836 = arith.constant 592 : i32
      %add3A_837 = vector.broadcast %add3A_836 : i32 to vector<16xi32>
      %add3A_838 = arith.addi %add3A_837, %iota3A_835 : vector<16xi32>
      %add3A_839 = arith.constant 592 : i32
      %add3A_840 = arith.addi %mul3A_20, %add3A_839 : i32
      %broadcast_in_dim3A_841 = arith.constant 0 : i32
      %broadcast_in_dim3A_842 = vector.broadcast %broadcast_in_dim3A_841 : i32 to vector<16xi32>
      %get3A_843 = arith.index_cast %add3A_840 : i32 to index
      %get3A_844 = tpu.vector_load %arg12[%get3A_843] {strides = array<i32>} : memref<3200xf32, #tpu.memory_space<vmem>>, vector<16xf32>,
      tpu.vector_store_idx %arg17[%add3A_838, %broadcast_in_dim3A_842], %get3A_844 : memref<640x4xf32, #tpu.memory_space<vmem>>[vector<16xi32>, vector<16xi32>], vector<16xf32>,
      %broadcast_in_dim3A_845 = arith.constant 1 : i32
      %broadcast_in_dim3A_846 = vector.broadcast %broadcast_in_dim3A_845 : i32 to vector<16xi32>
      %get3A_847 = arith.index_cast %add3A_840 : i32 to index
      %get3A_848 = tpu.vector_load %arg13[%get3A_847] {strides = array<i32>} : memref<3200xf32, #tpu.memory_space<vmem>>, vector<16xf32>,
      tpu.vector_store_idx %arg17[%add3A_838, %broadcast_in_dim3A_846], %get3A_848 : memref<640x4xf32, #tpu.memory_space<vmem>>[vector<16xi32>, vector<16xi32>], vector<16xf32>,
      %broadcast_in_dim3A_849 = arith.constant 2 : i32
      %broadcast_in_dim3A_850 = vector.broadcast %broadcast_in_dim3A_849 : i32 to vector<16xi32>
      %get3A_851 = arith.index_cast %add3A_840 : i32 to index
      %get3A_852 = tpu.vector_load %arg11[%get3A_851] {strides = array<i32>} : memref<3200xi32, #tpu.memory_space<vmem>>, vector<16xi32>,
      %convert_element_type3A_853 = arith.sitofp %get3A_852 : vector<16xi32> to vector<16xf32>
      tpu.vector_store_idx %arg17[%add3A_838, %broadcast_in_dim3A_850], %convert_element_type3A_853 : memref<640x4xf32, #tpu.memory_space<vmem>>[vector<16xi32>, vector<16xi32>], vector<16xf32>,
      %iota3A_854 = tpu.iota {dimensions = array<i32: 0>} : vector<16xi32>
      %add3A_855 = arith.constant 608 : i32
      %add3A_856 = vector.broadcast %add3A_855 : i32 to vector<16xi32>
      %add3A_857 = arith.addi %add3A_856, %iota3A_854 : vector<16xi32>
      %add3A_858 = arith.constant 608 : i32
      %add3A_859 = arith.addi %mul3A_20, %add3A_858 : i32
      %broadcast_in_dim3A_860 = arith.constant 0 : i32
      %broadcast_in_dim3A_861 = vector.broadcast %broadcast_in_dim3A_860 : i32 to vector<16xi32>
      %get3A_862 = arith.index_cast %add3A_859 : i32 to index
      %get3A_863 = tpu.vector_load %arg12[%get3A_862] {strides = array<i32>} : memref<3200xf32, #tpu.memory_space<vmem>>, vector<16xf32>,
      tpu.vector_store_idx %arg17[%add3A_857, %broadcast_in_dim3A_861], %get3A_863 : memref<640x4xf32, #tpu.memory_space<vmem>>[vector<16xi32>, vector<16xi32>], vector<16xf32>,
      %broadcast_in_dim3A_864 = arith.constant 1 : i32
      %broadcast_in_dim3A_865 = vector.broadcast %broadcast_in_dim3A_864 : i32 to vector<16xi32>
      %get3A_866 = arith.index_cast %add3A_859 : i32 to index
      %get3A_867 = tpu.vector_load %arg13[%get3A_866] {strides = array<i32>} : memref<3200xf32, #tpu.memory_space<vmem>>, vector<16xf32>,
      tpu.vector_store_idx %arg17[%add3A_857, %broadcast_in_dim3A_865], %get3A_867 : memref<640x4xf32, #tpu.memory_space<vmem>>[vector<16xi32>, vector<16xi32>], vector<16xf32>,
      %broadcast_in_dim3A_868 = arith.constant 2 : i32
      %broadcast_in_dim3A_869 = vector.broadcast %broadcast_in_dim3A_868 : i32 to vector<16xi32>
      %get3A_870 = arith.index_cast %add3A_859 : i32 to index
      %get3A_871 = tpu.vector_load %arg11[%get3A_870] {strides = array<i32>} : memref<3200xi32, #tpu.memory_space<vmem>>, vector<16xi32>,
      %convert_element_type3A_872 = arith.sitofp %get3A_871 : vector<16xi32> to vector<16xf32>
      tpu.vector_store_idx %arg17[%add3A_857, %broadcast_in_dim3A_869], %convert_element_type3A_872 : memref<640x4xf32, #tpu.memory_space<vmem>>[vector<16xi32>, vector<16xi32>], vector<16xf32>,
      %iota3A_873 = tpu.iota {dimensions = array<i32: 0>} : vector<16xi32>
      %add3A_874 = arith.constant 624 : i32
      %add3A_875 = vector.broadcast %add3A_874 : i32 to vector<16xi32>
      %add3A_876 = arith.addi %add3A_875, %iota3A_873 : vector<16xi32>
      %add3A_877 = arith.constant 624 : i32
      %add3A_878 = arith.addi %mul3A_20, %add3A_877 : i32
      %broadcast_in_dim3A_879 = arith.constant 0 : i32
      %broadcast_in_dim3A_880 = vector.broadcast %broadcast_in_dim3A_879 : i32 to vector<16xi32>
      %get3A_881 = arith.index_cast %add3A_878 : i32 to index
      %get3A_882 = tpu.vector_load %arg12[%get3A_881] {strides = array<i32>} : memref<3200xf32, #tpu.memory_space<vmem>>, vector<16xf32>,
      tpu.vector_store_idx %arg17[%add3A_876, %broadcast_in_dim3A_880], %get3A_882 : memref<640x4xf32, #tpu.memory_space<vmem>>[vector<16xi32>, vector<16xi32>], vector<16xf32>,
      %broadcast_in_dim3A_883 = arith.constant 1 : i32
      %broadcast_in_dim3A_884 = vector.broadcast %broadcast_in_dim3A_883 : i32 to vector<16xi32>
      %get3A_885 = arith.index_cast %add3A_878 : i32 to index
      %get3A_886 = tpu.vector_load %arg13[%get3A_885] {strides = array<i32>} : memref<3200xf32, #tpu.memory_space<vmem>>, vector<16xf32>,
      tpu.vector_store_idx %arg17[%add3A_876, %broadcast_in_dim3A_884], %get3A_886 : memref<640x4xf32, #tpu.memory_space<vmem>>[vector<16xi32>, vector<16xi32>], vector<16xf32>,
      %broadcast_in_dim3A_887 = arith.constant 2 : i32
      %broadcast_in_dim3A_888 = vector.broadcast %broadcast_in_dim3A_887 : i32 to vector<16xi32>
      %get3A_889 = arith.index_cast %add3A_878 : i32 to index
      %get3A_890 = tpu.vector_load %arg11[%get3A_889] {strides = array<i32>} : memref<3200xi32, #tpu.memory_space<vmem>>, vector<16xi32>,
      %convert_element_type3A_891 = arith.sitofp %get3A_890 : vector<16xi32> to vector<16xf32>
      tpu.vector_store_idx %arg17[%add3A_876, %broadcast_in_dim3A_888], %convert_element_type3A_891 : memref<640x4xf32, #tpu.memory_space<vmem>>[vector<16xi32>, vector<16xi32>], vector<16xf32>,
      %dma_wait3A = arith.constant 0 : i32
      %dma_wait3A_892 = arith.constant 0 : i32
      %dma_wait3A_893 = tpu.memref_slice %arg14[%dma_wait3A, %dma_wait3A_892] : memref<640x32xf32, #tpu.memory_space<vmem>> -> memref<128x32xf32, #tpu.memory_space<vmem>>
      %dma_wait3A_894 = tpu.memref_slice %arg8[%add3A_23] : memref<3200xi32, #tpu.memory_space<vmem>> -> memref<128xi32, #tpu.memory_space<vmem>>
      %dma_wait3A_895 = arith.constant 0 : i32
      %dma_wait3A_896 = arith.constant 0 : i32
      %dma_wait3A_897 = tpu.memref_slice %arg2[%dma_wait3A_895, %dma_wait3A_896] : memref<100001x32xf32, #tpu.memory_space<hbm>> -> memref<100001x32xf32, #tpu.memory_space<hbm>>
      tpu.wait_indirect_dma semaphore(%arg18 : memref<!tpu.dma_semaphore, #tpu.memory_space<semaphore_mem>>) src(%dma_wait3A_897 : memref<100001x32xf32, #tpu.memory_space<hbm>>) dst(%dma_wait3A_893 : memref<128x32xf32, #tpu.memory_space<vmem>>)
      %dma_wait3A_898 = arith.constant 0 : i32
      %dma_wait3A_899 = arith.constant 0 : i32
      %dma_wait3A_900 = tpu.memref_slice %arg15[%dma_wait3A_898, %dma_wait3A_899] : memref<640x32xf32, #tpu.memory_space<vmem>> -> memref<128x32xf32, #tpu.memory_space<vmem>>
      %dma_wait3A_901 = tpu.memref_slice %arg9[%add3A_23] : memref<3200xi32, #tpu.memory_space<vmem>> -> memref<128xi32, #tpu.memory_space<vmem>>
      %dma_wait3A_902 = arith.constant 0 : i32
      %dma_wait3A_903 = arith.constant 0 : i32
      %dma_wait3A_904 = tpu.memref_slice %arg3[%dma_wait3A_902, %dma_wait3A_903] : memref<100001x32xf32, #tpu.memory_space<hbm>> -> memref<100001x32xf32, #tpu.memory_space<hbm>>
      tpu.wait_indirect_dma semaphore(%arg18 : memref<!tpu.dma_semaphore, #tpu.memory_space<semaphore_mem>>) src(%dma_wait3A_904 : memref<100001x32xf32, #tpu.memory_space<hbm>>) dst(%dma_wait3A_900 : memref<128x32xf32, #tpu.memory_space<vmem>>)
      %dma_wait3A_905 = arith.constant 0 : i32
      %dma_wait3A_906 = arith.constant 0 : i32
      %dma_wait3A_907 = tpu.memref_slice %arg16[%dma_wait3A_905, %dma_wait3A_906] : memref<640x32xf32, #tpu.memory_space<vmem>> -> memref<128x32xf32, #tpu.memory_space<vmem>>
      %dma_wait3A_908 = tpu.memref_slice %arg10[%add3A_23] : memref<3200xi32, #tpu.memory_space<vmem>> -> memref<128xi32, #tpu.memory_space<vmem>>
      %dma_wait3A_909 = arith.constant 0 : i32
      %dma_wait3A_910 = arith.constant 0 : i32
      %dma_wait3A_911 = tpu.memref_slice %arg4[%dma_wait3A_909, %dma_wait3A_910] : memref<1001x32xf32, #tpu.memory_space<hbm>> -> memref<1001x32xf32, #tpu.memory_space<hbm>>
      tpu.wait_indirect_dma semaphore(%arg18 : memref<!tpu.dma_semaphore, #tpu.memory_space<semaphore_mem>>) src(%dma_wait3A_911 : memref<1001x32xf32, #tpu.memory_space<hbm>>) dst(%dma_wait3A_907 : memref<128x32xf32, #tpu.memory_space<vmem>>)
      %dma_wait3A_912 = arith.constant 128 : i32
      %dma_wait3A_913 = arith.constant 0 : i32
      %dma_wait3A_914 = tpu.memref_slice %arg14[%dma_wait3A_912, %dma_wait3A_913] : memref<640x32xf32, #tpu.memory_space<vmem>> -> memref<128x32xf32, #tpu.memory_space<vmem>>
      %dma_wait3A_915 = tpu.memref_slice %arg8[%add3A_45] : memref<3200xi32, #tpu.memory_space<vmem>> -> memref<128xi32, #tpu.memory_space<vmem>>
      %dma_wait3A_916 = arith.constant 0 : i32
      %dma_wait3A_917 = arith.constant 0 : i32
      %dma_wait3A_918 = tpu.memref_slice %arg2[%dma_wait3A_916, %dma_wait3A_917] : memref<100001x32xf32, #tpu.memory_space<hbm>> -> memref<100001x32xf32, #tpu.memory_space<hbm>>
      tpu.wait_indirect_dma semaphore(%arg18 : memref<!tpu.dma_semaphore, #tpu.memory_space<semaphore_mem>>) src(%dma_wait3A_918 : memref<100001x32xf32, #tpu.memory_space<hbm>>) dst(%dma_wait3A_914 : memref<128x32xf32, #tpu.memory_space<vmem>>)
      %dma_wait3A_919 = arith.constant 128 : i32
      %dma_wait3A_920 = arith.constant 0 : i32
      %dma_wait3A_921 = tpu.memref_slice %arg15[%dma_wait3A_919, %dma_wait3A_920] : memref<640x32xf32, #tpu.memory_space<vmem>> -> memref<128x32xf32, #tpu.memory_space<vmem>>
      %dma_wait3A_922 = tpu.memref_slice %arg9[%add3A_45] : memref<3200xi32, #tpu.memory_space<vmem>> -> memref<128xi32, #tpu.memory_space<vmem>>
      %dma_wait3A_923 = arith.constant 0 : i32
      %dma_wait3A_924 = arith.constant 0 : i32
      %dma_wait3A_925 = tpu.memref_slice %arg3[%dma_wait3A_923, %dma_wait3A_924] : memref<100001x32xf32, #tpu.memory_space<hbm>> -> memref<100001x32xf32, #tpu.memory_space<hbm>>
      tpu.wait_indirect_dma semaphore(%arg18 : memref<!tpu.dma_semaphore, #tpu.memory_space<semaphore_mem>>) src(%dma_wait3A_925 : memref<100001x32xf32, #tpu.memory_space<hbm>>) dst(%dma_wait3A_921 : memref<128x32xf32, #tpu.memory_space<vmem>>)
      %dma_wait3A_926 = arith.constant 128 : i32
      %dma_wait3A_927 = arith.constant 0 : i32
      %dma_wait3A_928 = tpu.memref_slice %arg16[%dma_wait3A_926, %dma_wait3A_927] : memref<640x32xf32, #tpu.memory_space<vmem>> -> memref<128x32xf32, #tpu.memory_space<vmem>>
      %dma_wait3A_929 = tpu.memref_slice %arg10[%add3A_45] : memref<3200xi32, #tpu.memory_space<vmem>> -> memref<128xi32, #tpu.memory_space<vmem>>
      %dma_wait3A_930 = arith.constant 0 : i32
      %dma_wait3A_931 = arith.constant 0 : i32
      %dma_wait3A_932 = tpu.memref_slice %arg4[%dma_wait3A_930, %dma_wait3A_931] : memref<1001x32xf32, #tpu.memory_space<hbm>> -> memref<1001x32xf32, #tpu.memory_space<hbm>>
      tpu.wait_indirect_dma semaphore(%arg18 : memref<!tpu.dma_semaphore, #tpu.memory_space<semaphore_mem>>) src(%dma_wait3A_932 : memref<1001x32xf32, #tpu.memory_space<hbm>>) dst(%dma_wait3A_928 : memref<128x32xf32, #tpu.memory_space<vmem>>)
      %dma_wait3A_933 = arith.constant 256 : i32
      %dma_wait3A_934 = arith.constant 0 : i32
      %dma_wait3A_935 = tpu.memref_slice %arg14[%dma_wait3A_933, %dma_wait3A_934] : memref<640x32xf32, #tpu.memory_space<vmem>> -> memref<128x32xf32, #tpu.memory_space<vmem>>
      %dma_wait3A_936 = tpu.memref_slice %arg8[%add3A_68] : memref<3200xi32, #tpu.memory_space<vmem>> -> memref<128xi32, #tpu.memory_space<vmem>>
      %dma_wait3A_937 = arith.constant 0 : i32
      %dma_wait3A_938 = arith.constant 0 : i32
      %dma_wait3A_939 = tpu.memref_slice %arg2[%dma_wait3A_937, %dma_wait3A_938] : memref<100001x32xf32, #tpu.memory_space<hbm>> -> memref<100001x32xf32, #tpu.memory_space<hbm>>
      tpu.wait_indirect_dma semaphore(%arg18 : memref<!tpu.dma_semaphore, #tpu.memory_space<semaphore_mem>>) src(%dma_wait3A_939 : memref<100001x32xf32, #tpu.memory_space<hbm>>) dst(%dma_wait3A_935 : memref<128x32xf32, #tpu.memory_space<vmem>>)
      %dma_wait3A_940 = arith.constant 256 : i32
      %dma_wait3A_941 = arith.constant 0 : i32
      %dma_wait3A_942 = tpu.memref_slice %arg15[%dma_wait3A_940, %dma_wait3A_941] : memref<640x32xf32, #tpu.memory_space<vmem>> -> memref<128x32xf32, #tpu.memory_space<vmem>>
      %dma_wait3A_943 = tpu.memref_slice %arg9[%add3A_68] : memref<3200xi32, #tpu.memory_space<vmem>> -> memref<128xi32, #tpu.memory_space<vmem>>
      %dma_wait3A_944 = arith.constant 0 : i32
      %dma_wait3A_945 = arith.constant 0 : i32
      %dma_wait3A_946 = tpu.memref_slice %arg3[%dma_wait3A_944, %dma_wait3A_945] : memref<100001x32xf32, #tpu.memory_space<hbm>> -> memref<100001x32xf32, #tpu.memory_space<hbm>>
      tpu.wait_indirect_dma semaphore(%arg18 : memref<!tpu.dma_semaphore, #tpu.memory_space<semaphore_mem>>) src(%dma_wait3A_946 : memref<100001x32xf32, #tpu.memory_space<hbm>>) dst(%dma_wait3A_942 : memref<128x32xf32, #tpu.memory_space<vmem>>)
      %dma_wait3A_947 = arith.constant 256 : i32
      %dma_wait3A_948 = arith.constant 0 : i32
      %dma_wait3A_949 = tpu.memref_slice %arg16[%dma_wait3A_947, %dma_wait3A_948] : memref<640x32xf32, #tpu.memory_space<vmem>> -> memref<128x32xf32, #tpu.memory_space<vmem>>
      %dma_wait3A_950 = tpu.memref_slice %arg10[%add3A_68] : memref<3200xi32, #tpu.memory_space<vmem>> -> memref<128xi32, #tpu.memory_space<vmem>>
      %dma_wait3A_951 = arith.constant 0 : i32
      %dma_wait3A_952 = arith.constant 0 : i32
      %dma_wait3A_953 = tpu.memref_slice %arg4[%dma_wait3A_951, %dma_wait3A_952] : memref<1001x32xf32, #tpu.memory_space<hbm>> -> memref<1001x32xf32, #tpu.memory_space<hbm>>
      tpu.wait_indirect_dma semaphore(%arg18 : memref<!tpu.dma_semaphore, #tpu.memory_space<semaphore_mem>>) src(%dma_wait3A_953 : memref<1001x32xf32, #tpu.memory_space<hbm>>) dst(%dma_wait3A_949 : memref<128x32xf32, #tpu.memory_space<vmem>>)
      %dma_wait3A_954 = arith.constant 384 : i32
      %dma_wait3A_955 = arith.constant 0 : i32
      %dma_wait3A_956 = tpu.memref_slice %arg14[%dma_wait3A_954, %dma_wait3A_955] : memref<640x32xf32, #tpu.memory_space<vmem>> -> memref<128x32xf32, #tpu.memory_space<vmem>>
      %dma_wait3A_957 = tpu.memref_slice %arg8[%add3A_91] : memref<3200xi32, #tpu.memory_space<vmem>> -> memref<128xi32, #tpu.memory_space<vmem>>
      %dma_wait3A_958 = arith.constant 0 : i32
      %dma_wait3A_959 = arith.constant 0 : i32
      %dma_wait3A_960 = tpu.memref_slice %arg2[%dma_wait3A_958, %dma_wait3A_959] : memref<100001x32xf32, #tpu.memory_space<hbm>> -> memref<100001x32xf32, #tpu.memory_space<hbm>>
      tpu.wait_indirect_dma semaphore(%arg18 : memref<!tpu.dma_semaphore, #tpu.memory_space<semaphore_mem>>) src(%dma_wait3A_960 : memref<100001x32xf32, #tpu.memory_space<hbm>>) dst(%dma_wait3A_956 : memref<128x32xf32, #tpu.memory_space<vmem>>)
      %dma_wait3A_961 = arith.constant 384 : i32
      %dma_wait3A_962 = arith.constant 0 : i32
      %dma_wait3A_963 = tpu.memref_slice %arg15[%dma_wait3A_961, %dma_wait3A_962] : memref<640x32xf32, #tpu.memory_space<vmem>> -> memref<128x32xf32, #tpu.memory_space<vmem>>
      %dma_wait3A_964 = tpu.memref_slice %arg9[%add3A_91] : memref<3200xi32, #tpu.memory_space<vmem>> -> memref<128xi32, #tpu.memory_space<vmem>>
      %dma_wait3A_965 = arith.constant 0 : i32
      %dma_wait3A_966 = arith.constant 0 : i32
      %dma_wait3A_967 = tpu.memref_slice %arg3[%dma_wait3A_965, %dma_wait3A_966] : memref<100001x32xf32, #tpu.memory_space<hbm>> -> memref<100001x32xf32, #tpu.memory_space<hbm>>
      tpu.wait_indirect_dma semaphore(%arg18 : memref<!tpu.dma_semaphore, #tpu.memory_space<semaphore_mem>>) src(%dma_wait3A_967 : memref<100001x32xf32, #tpu.memory_space<hbm>>) dst(%dma_wait3A_963 : memref<128x32xf32, #tpu.memory_space<vmem>>)
      %dma_wait3A_968 = arith.constant 384 : i32
      %dma_wait3A_969 = arith.constant 0 : i32
      %dma_wait3A_970 = tpu.memref_slice %arg16[%dma_wait3A_968, %dma_wait3A_969] : memref<640x32xf32, #tpu.memory_space<vmem>> -> memref<128x32xf32, #tpu.memory_space<vmem>>
      %dma_wait3A_971 = tpu.memref_slice %arg10[%add3A_91] : memref<3200xi32, #tpu.memory_space<vmem>> -> memref<128xi32, #tpu.memory_space<vmem>>
      %dma_wait3A_972 = arith.constant 0 : i32
      %dma_wait3A_973 = arith.constant 0 : i32
      %dma_wait3A_974 = tpu.memref_slice %arg4[%dma_wait3A_972, %dma_wait3A_973] : memref<1001x32xf32, #tpu.memory_space<hbm>> -> memref<1001x32xf32, #tpu.memory_space<hbm>>
      tpu.wait_indirect_dma semaphore(%arg18 : memref<!tpu.dma_semaphore, #tpu.memory_space<semaphore_mem>>) src(%dma_wait3A_974 : memref<1001x32xf32, #tpu.memory_space<hbm>>) dst(%dma_wait3A_970 : memref<128x32xf32, #tpu.memory_space<vmem>>)
      %dma_wait3A_975 = arith.constant 512 : i32
      %dma_wait3A_976 = arith.constant 0 : i32
      %dma_wait3A_977 = tpu.memref_slice %arg14[%dma_wait3A_975, %dma_wait3A_976] : memref<640x32xf32, #tpu.memory_space<vmem>> -> memref<128x32xf32, #tpu.memory_space<vmem>>
      %dma_wait3A_978 = tpu.memref_slice %arg8[%add3A_114] : memref<3200xi32, #tpu.memory_space<vmem>> -> memref<128xi32, #tpu.memory_space<vmem>>
      %dma_wait3A_979 = arith.constant 0 : i32
      %dma_wait3A_980 = arith.constant 0 : i32
      %dma_wait3A_981 = tpu.memref_slice %arg2[%dma_wait3A_979, %dma_wait3A_980] : memref<100001x32xf32, #tpu.memory_space<hbm>> -> memref<100001x32xf32, #tpu.memory_space<hbm>>
      tpu.wait_indirect_dma semaphore(%arg18 : memref<!tpu.dma_semaphore, #tpu.memory_space<semaphore_mem>>) src(%dma_wait3A_981 : memref<100001x32xf32, #tpu.memory_space<hbm>>) dst(%dma_wait3A_977 : memref<128x32xf32, #tpu.memory_space<vmem>>)
      %dma_wait3A_982 = arith.constant 512 : i32
      %dma_wait3A_983 = arith.constant 0 : i32
      %dma_wait3A_984 = tpu.memref_slice %arg15[%dma_wait3A_982, %dma_wait3A_983] : memref<640x32xf32, #tpu.memory_space<vmem>> -> memref<128x32xf32, #tpu.memory_space<vmem>>
      %dma_wait3A_985 = tpu.memref_slice %arg9[%add3A_114] : memref<3200xi32, #tpu.memory_space<vmem>> -> memref<128xi32, #tpu.memory_space<vmem>>
      %dma_wait3A_986 = arith.constant 0 : i32
      %dma_wait3A_987 = arith.constant 0 : i32
      %dma_wait3A_988 = tpu.memref_slice %arg3[%dma_wait3A_986, %dma_wait3A_987] : memref<100001x32xf32, #tpu.memory_space<hbm>> -> memref<100001x32xf32, #tpu.memory_space<hbm>>
      tpu.wait_indirect_dma semaphore(%arg18 : memref<!tpu.dma_semaphore, #tpu.memory_space<semaphore_mem>>) src(%dma_wait3A_988 : memref<100001x32xf32, #tpu.memory_space<hbm>>) dst(%dma_wait3A_984 : memref<128x32xf32, #tpu.memory_space<vmem>>)
      %dma_wait3A_989 = arith.constant 512 : i32
      %dma_wait3A_990 = arith.constant 0 : i32
      %dma_wait3A_991 = tpu.memref_slice %arg16[%dma_wait3A_989, %dma_wait3A_990] : memref<640x32xf32, #tpu.memory_space<vmem>> -> memref<128x32xf32, #tpu.memory_space<vmem>>
      %dma_wait3A_992 = tpu.memref_slice %arg10[%add3A_114] : memref<3200xi32, #tpu.memory_space<vmem>> -> memref<128xi32, #tpu.memory_space<vmem>>
      %dma_wait3A_993 = arith.constant 0 : i32
      %dma_wait3A_994 = arith.constant 0 : i32
      %dma_wait3A_995 = tpu.memref_slice %arg4[%dma_wait3A_993, %dma_wait3A_994] : memref<1001x32xf32, #tpu.memory_space<hbm>> -> memref<1001x32xf32, #tpu.memory_space<hbm>>
      tpu.wait_indirect_dma semaphore(%arg18 : memref<!tpu.dma_semaphore, #tpu.memory_space<semaphore_mem>>) src(%dma_wait3A_995 : memref<1001x32xf32, #tpu.memory_space<hbm>>) dst(%dma_wait3A_991 : memref<128x32xf32, #tpu.memory_space<vmem>>)
      "tpu.region"() ({
        %run_scoped3A = tpu.sem_alloc : memref<!tpu.dma_semaphore, #tpu.memory_space<semaphore_mem>>
        %dma_start3A_996 = arith.constant 0 : i32
        %dma_start3A_997 = tpu.memref_slice %arg7[%add3A_21, %dma_start3A_996] : memref<102400x128xf32, #tpu.memory_space<hbm>> -> memref<640x32xf32, #tpu.memory_space<hbm>>
        %dma_start3A_998 = arith.constant 0 : i32
        %dma_start3A_999 = tpu.memref_slice %arg7[%add3A_21, %dma_start3A_998] : memref<102400x128xf32, #tpu.memory_space<hbm>> -> memref<640x32xf32, #tpu.memory_space<hbm>>
        tpu.enqueue_dma source(%arg14 : memref<640x32xf32, #tpu.memory_space<vmem>>) target(%dma_start3A_999 : memref<640x32xf32, #tpu.memory_space<hbm>>) target_semaphore(%run_scoped3A : memref<!tpu.dma_semaphore, #tpu.memory_space<semaphore_mem>>)
        %dma_wait3A_1000 = arith.constant 0 : i32
        %dma_wait3A_1001 = tpu.memref_slice %arg7[%add3A_21, %dma_wait3A_1000] : memref<102400x128xf32, #tpu.memory_space<hbm>> -> memref<640x32xf32, #tpu.memory_space<hbm>>
        %dma_wait3A_1002 = arith.constant 0 : i32
        %dma_wait3A_1003 = tpu.memref_slice %arg7[%add3A_21, %dma_wait3A_1002] : memref<102400x128xf32, #tpu.memory_space<hbm>> -> memref<640x32xf32, #tpu.memory_space<hbm>>
        tpu.wait_dma2 semaphore(%run_scoped3A : memref<!tpu.dma_semaphore, #tpu.memory_space<semaphore_mem>>) src(%arg14 : memref<640x32xf32, #tpu.memory_space<vmem>>) dst(%dma_wait3A_1003 : memref<640x32xf32, #tpu.memory_space<hbm>>)
        tpu.yield
      }) : () -> ()
      "tpu.region"() ({
        %run_scoped3A = tpu.sem_alloc : memref<!tpu.dma_semaphore, #tpu.memory_space<semaphore_mem>>
        %dma_start3A_996 = arith.constant 32 : i32
        %dma_start3A_997 = tpu.memref_slice %arg7[%add3A_21, %dma_start3A_996] : memref<102400x128xf32, #tpu.memory_space<hbm>> -> memref<640x32xf32, #tpu.memory_space<hbm>>
        %dma_start3A_998 = arith.constant 32 : i32
        %dma_start3A_999 = tpu.memref_slice %arg7[%add3A_21, %dma_start3A_998] : memref<102400x128xf32, #tpu.memory_space<hbm>> -> memref<640x32xf32, #tpu.memory_space<hbm>>
        tpu.enqueue_dma source(%arg15 : memref<640x32xf32, #tpu.memory_space<vmem>>) target(%dma_start3A_999 : memref<640x32xf32, #tpu.memory_space<hbm>>) target_semaphore(%run_scoped3A : memref<!tpu.dma_semaphore, #tpu.memory_space<semaphore_mem>>)
        %dma_wait3A_1000 = arith.constant 32 : i32
        %dma_wait3A_1001 = tpu.memref_slice %arg7[%add3A_21, %dma_wait3A_1000] : memref<102400x128xf32, #tpu.memory_space<hbm>> -> memref<640x32xf32, #tpu.memory_space<hbm>>
        %dma_wait3A_1002 = arith.constant 32 : i32
        %dma_wait3A_1003 = tpu.memref_slice %arg7[%add3A_21, %dma_wait3A_1002] : memref<102400x128xf32, #tpu.memory_space<hbm>> -> memref<640x32xf32, #tpu.memory_space<hbm>>
        tpu.wait_dma2 semaphore(%run_scoped3A : memref<!tpu.dma_semaphore, #tpu.memory_space<semaphore_mem>>) src(%arg15 : memref<640x32xf32, #tpu.memory_space<vmem>>) dst(%dma_wait3A_1003 : memref<640x32xf32, #tpu.memory_space<hbm>>)
        tpu.yield
      }) : () -> ()
      "tpu.region"() ({
        %run_scoped3A = tpu.sem_alloc : memref<!tpu.dma_semaphore, #tpu.memory_space<semaphore_mem>>
        %dma_start3A_996 = arith.constant 64 : i32
        %dma_start3A_997 = tpu.memref_slice %arg7[%add3A_21, %dma_start3A_996] : memref<102400x128xf32, #tpu.memory_space<hbm>> -> memref<640x32xf32, #tpu.memory_space<hbm>>
        %dma_start3A_998 = arith.constant 64 : i32
        %dma_start3A_999 = tpu.memref_slice %arg7[%add3A_21, %dma_start3A_998] : memref<102400x128xf32, #tpu.memory_space<hbm>> -> memref<640x32xf32, #tpu.memory_space<hbm>>
        tpu.enqueue_dma source(%arg16 : memref<640x32xf32, #tpu.memory_space<vmem>>) target(%dma_start3A_999 : memref<640x32xf32, #tpu.memory_space<hbm>>) target_semaphore(%run_scoped3A : memref<!tpu.dma_semaphore, #tpu.memory_space<semaphore_mem>>)
        %dma_wait3A_1000 = arith.constant 64 : i32
        %dma_wait3A_1001 = tpu.memref_slice %arg7[%add3A_21, %dma_wait3A_1000] : memref<102400x128xf32, #tpu.memory_space<hbm>> -> memref<640x32xf32, #tpu.memory_space<hbm>>
        %dma_wait3A_1002 = arith.constant 64 : i32
        %dma_wait3A_1003 = tpu.memref_slice %arg7[%add3A_21, %dma_wait3A_1002] : memref<102400x128xf32, #tpu.memory_space<hbm>> -> memref<640x32xf32, #tpu.memory_space<hbm>>
        tpu.wait_dma2 semaphore(%run_scoped3A : memref<!tpu.dma_semaphore, #tpu.memory_space<semaphore_mem>>) src(%arg16 : memref<640x32xf32, #tpu.memory_space<vmem>>) dst(%dma_wait3A_1003 : memref<640x32xf32, #tpu.memory_space<hbm>>)
        tpu.yield
      }) : () -> ()
      "tpu.region"() ({
        %run_scoped3A = tpu.sem_alloc : memref<!tpu.dma_semaphore, #tpu.memory_space<semaphore_mem>>
        %dma_start3A_996 = arith.constant 96 : i32
        %dma_start3A_997 = tpu.memref_slice %arg7[%add3A_21, %dma_start3A_996] : memref<102400x128xf32, #tpu.memory_space<hbm>> -> memref<640x4xf32, #tpu.memory_space<hbm>>
        %dma_start3A_998 = arith.constant 96 : i32
        %dma_start3A_999 = tpu.memref_slice %arg7[%add3A_21, %dma_start3A_998] : memref<102400x128xf32, #tpu.memory_space<hbm>> -> memref<640x4xf32, #tpu.memory_space<hbm>>
        tpu.enqueue_dma source(%arg17 : memref<640x4xf32, #tpu.memory_space<vmem>>) target(%dma_start3A_999 : memref<640x4xf32, #tpu.memory_space<hbm>>) target_semaphore(%run_scoped3A : memref<!tpu.dma_semaphore, #tpu.memory_space<semaphore_mem>>)
        %dma_wait3A_1000 = arith.constant 96 : i32
        %dma_wait3A_1001 = tpu.memref_slice %arg7[%add3A_21, %dma_wait3A_1000] : memref<102400x128xf32, #tpu.memory_space<hbm>> -> memref<640x4xf32, #tpu.memory_space<hbm>>
        %dma_wait3A_1002 = arith.constant 96 : i32
        %dma_wait3A_1003 = tpu.memref_slice %arg7[%add3A_21, %dma_wait3A_1002] : memref<102400x128xf32, #tpu.memory_space<hbm>> -> memref<640x4xf32, #tpu.memory_space<hbm>>
        tpu.wait_dma2 semaphore(%run_scoped3A : memref<!tpu.dma_semaphore, #tpu.memory_space<semaphore_mem>>) src(%arg17 : memref<640x4xf32, #tpu.memory_space<vmem>>) dst(%dma_wait3A_1003 : memref<640x4xf32, #tpu.memory_space<hbm>>)
        tpu.yield
      }) : () -> ()
    }
    %scan3A_17 = arith.constant 5 : i32
    return
  }
}

module attributes {stable_mosaic.version = 14 : i64} {
  func.func @mm(%arg0: i32, %arg1: memref<3200x128xf32, #tpu.memory_space<vmem>>, %arg2: memref<3x32xf32, #tpu.memory_space<vmem>>, %arg3: memref<130x96xf32, #tpu.memory_space<vmem>>, %arg4: memref<1x96xf32, #tpu.memory_space<vmem>>, %arg5: memref<16x200x96xf32, #tpu.memory_space<vmem>>) attributes {dimension_semantics = [#tpu.dimension_semantics<arbitrary>], iteration_bounds = array<i64: 32>, scalar_prefetch = 0 : i64, scratch_operands = 0 : i64, tpu.core_type = #tpu.core_type<tc>, window_params = [{transform_indices = @transform_0, window_bounds = array<i64: 3200, 128>}, {pipeline_mode = #tpu.pipeline_mode<synchronous>, transform_indices = @transform_1, window_bounds = array<i64: 3, 32>}, {pipeline_mode = #tpu.pipeline_mode<synchronous>, transform_indices = @transform_2, window_bounds = array<i64: 130, 96>}, {pipeline_mode = #tpu.pipeline_mode<synchronous>, transform_indices = @transform_3, window_bounds = array<i64: 1, 96>}, {transform_indices = @transform_4, window_bounds = array<i64: 16, 200, 96>}]} {
    %get3A = arith.constant 0 : index
    %get3A_0 = arith.constant 0 : index
    %get3A_1 = vector.load %arg1[%get3A, %get3A_0] : memref<3200x128xf32, #tpu.memory_space<vmem>>, vector<3200x128xf32>
    %slice3A = vector.extract_strided_slice %get3A_1 {offsets = [0, 98], sizes = [3200, 1], strides = [1, 1]} : vector<3200x128xf32> to vector<3200x1xf32>
    %iota3A = tpu.iota {dimensions = array<i32: 1>} : vector<3200x3xi32>
    %convert_element_type3A = arith.sitofp %iota3A : vector<3200x3xi32> to vector<3200x3xf32>
    %eq3A = vector.broadcast %slice3A : vector<3200x1xf32> to vector<3200x3xf32>
    %eq3A_2 = arith.cmpf oeq, %eq3A, %convert_element_type3A : vector<3200x3xf32>
    %convert_element_type3A_3 = arith.extui %eq3A_2 : vector<3200x3xi1> to vector<3200x3xi32>
    %convert_element_type3A_4 = arith.sitofp %convert_element_type3A_3 : vector<3200x3xi32> to vector<3200x3xf32>
    %get3A_5 = arith.constant 0 : index
    %get3A_6 = arith.constant 0 : index
    %get3A_7 = vector.load %arg2[%get3A_5, %get3A_6] : memref<3x32xf32, #tpu.memory_space<vmem>>, vector<3x32xf32>
    %dot_general3A = arith.constant dense<0.000000e+00> : vector<3200x32xf32>
    %dot_general3A_8 = tpu.matmul %convert_element_type3A_4, %get3A_7, %dot_general3A {dimension_numbers = #tpu.dot_dimension_numbers<[1], [0], [0], [1], [0, 0, 1, 1], [], []>, transpose_lhs_hint = false} : vector<3200x3xf32>, vector<3x32xf32>, vector<3200x32xf32> -> vector<3200x32xf32>
    %get3A_9 = arith.constant 0 : index
    %get3A_10 = arith.constant 0 : index
    %get3A_11 = vector.load %arg3[%get3A_9, %get3A_10] : memref<130x96xf32, #tpu.memory_space<vmem>>, vector<32x96xf32>
    %dot_general3A_12 = arith.constant dense<0.000000e+00> : vector<3200x96xf32>
    %dot_general3A_13 = tpu.matmul %dot_general3A_8, %get3A_11, %dot_general3A_12 {dimension_numbers = #tpu.dot_dimension_numbers<[1], [0], [0], [1], [0, 0, 1, 1], [], []>, transpose_lhs_hint = false} : vector<3200x32xf32>, vector<32x96xf32>, vector<3200x96xf32> -> vector<3200x96xf32>
    %slice3A_14 = vector.extract_strided_slice %get3A_1 {offsets = [0, 0], sizes = [3200, 98], strides = [1, 1]} : vector<3200x128xf32> to vector<3200x98xf32>
    %get3A_15 = arith.constant 32 : index
    %get3A_16 = arith.constant 0 : index
    %get3A_17 = vector.load %arg3[%get3A_15, %get3A_16] : memref<130x96xf32, #tpu.memory_space<vmem>>, vector<98x96xf32>
    %dot_general3A_18 = arith.constant dense<0.000000e+00> : vector<3200x96xf32>
    %dot_general3A_19 = tpu.matmul %slice3A_14, %get3A_17, %dot_general3A_18 {dimension_numbers = #tpu.dot_dimension_numbers<[1], [0], [0], [1], [0, 0, 1, 1], [], []>, transpose_lhs_hint = false} : vector<3200x98xf32>, vector<98x96xf32>, vector<3200x96xf32> -> vector<3200x96xf32>
    %add3A = arith.addf %dot_general3A_13, %dot_general3A_19 : vector<3200x96xf32>
    %get3A_20 = arith.constant 0 : index
    %get3A_21 = arith.constant 0 : index
    %get3A_22 = vector.load %arg4[%get3A_20, %get3A_21] : memref<1x96xf32, #tpu.memory_space<vmem>>, vector<1x96xf32>
    %add3A_23 = vector.broadcast %get3A_22 : vector<1x96xf32> to vector<3200x96xf32>
    %add3A_24 = arith.addf %add3A, %add3A_23 : vector<3200x96xf32>
    %reshape3A = vector.shape_cast %add3A_24 : vector<3200x96xf32> to vector<16x200x96xf32>
    %swap3A = arith.constant 0 : index
    %swap3A_25 = arith.constant 0 : index
    %swap3A_26 = arith.constant 0 : index
    %swap3A_27 = vector.load %arg5[%swap3A, %swap3A_25, %swap3A_26] : memref<16x200x96xf32, #tpu.memory_space<vmem>>, vector<16x200x96xf32>
    tpu.vector_store %arg5[%swap3A, %swap3A_25, %swap3A_26], %reshape3A {strides = array<i32>} : memref<16x200x96xf32, #tpu.memory_space<vmem>>, vector<16x200x96xf32>,
    return
  }
  func.func @transform_0(%arg0: i32) -> (i32, i32) {
    %c0_i32 = arith.constant 0 : i32
    %c0_i32_0 = arith.constant 0 : i32
    return %arg0, %c0_i32 : i32, i32
  }
  func.func @transform_1(%arg0: i32) -> (i32, i32) {
    %c0_i32 = arith.constant 0 : i32
    %c0_i32_0 = arith.constant 0 : i32
    %c0_i32_1 = arith.constant 0 : i32
    return %c0_i32, %c0_i32_0 : i32, i32
  }
  func.func @transform_2(%arg0: i32) -> (i32, i32) {
    %c0_i32 = arith.constant 0 : i32
    %c0_i32_0 = arith.constant 0 : i32
    %c0_i32_1 = arith.constant 0 : i32
    return %c0_i32, %c0_i32_0 : i32, i32
  }
  func.func @transform_3(%arg0: i32) -> (i32, i32) {
    %c0_i32 = arith.constant 0 : i32
    %c0_i32_0 = arith.constant 0 : i32
    %c0_i32_1 = arith.constant 0 : i32
    return %c0_i32, %c0_i32_0 : i32, i32
  }
  func.func @transform_4(%arg0: i32) -> (i32, i32, i32) {
    %add3A = arith.constant 0 : i32
    %add3A_0 = arith.addi %arg0, %add3A : i32
    %c0_i32 = arith.constant 0 : i32
    %c0_i32_1 = arith.constant 0 : i32
    %c0_i32_2 = arith.constant 0 : i32
    return %add3A_0, %c0_i32, %c0_i32_1 : i32, i32, i32
  }
}

module attributes {stable_mosaic.version = 14 : i64} {
  func.func @mm(%arg0: i32, %arg1: memref<3200x128xf32, #tpu.memory_space<vmem>>, %arg2: memref<3x32xf32, #tpu.memory_space<vmem>>, %arg3: memref<130x96xf32, #tpu.memory_space<vmem>>, %arg4: memref<1x96xf32, #tpu.memory_space<vmem>>, %arg5: memref<1024x200x96xf32, #tpu.memory_space<any>>, %arg6: memref<16x200x96xf32, #tpu.memory_space<vmem>>) attributes {dimension_semantics = [#tpu.dimension_semantics<arbitrary>], iteration_bounds = array<i64: 32>, scalar_prefetch = 0 : i64, scratch_operands = 0 : i64, tpu.core_type = #tpu.core_type<tc>, window_params = [{transform_indices = @transform_0, window_bounds = array<i64: 3200, 128>}, {pipeline_mode = #tpu.pipeline_mode<synchronous>, transform_indices = @transform_1, window_bounds = array<i64: 3, 32>}, {pipeline_mode = #tpu.pipeline_mode<synchronous>, transform_indices = @transform_2, window_bounds = array<i64: 130, 96>}, {pipeline_mode = #tpu.pipeline_mode<synchronous>, transform_indices = @transform_3, window_bounds = array<i64: 1, 96>}, {}, {transform_indices = @transform_5, window_bounds = array<i64: 16, 200, 96>}]} {
    %get3A = arith.constant 0 : index
    %get3A_0 = arith.constant 0 : index
    %get3A_1 = vector.load %arg1[%get3A, %get3A_0] : memref<3200x128xf32, #tpu.memory_space<vmem>>, vector<3200x128xf32>
    %slice3A = vector.extract_strided_slice %get3A_1 {offsets = [0, 98], sizes = [3200, 1], strides = [1, 1]} : vector<3200x128xf32> to vector<3200x1xf32>
    %iota3A = tpu.iota {dimensions = array<i32: 1>} : vector<3200x3xi32>
    %convert_element_type3A = arith.sitofp %iota3A : vector<3200x3xi32> to vector<3200x3xf32>
    %eq3A = vector.broadcast %slice3A : vector<3200x1xf32> to vector<3200x3xf32>
    %eq3A_2 = arith.cmpf oeq, %eq3A, %convert_element_type3A : vector<3200x3xf32>
    %convert_element_type3A_3 = arith.extui %eq3A_2 : vector<3200x3xi1> to vector<3200x3xi32>
    %convert_element_type3A_4 = arith.sitofp %convert_element_type3A_3 : vector<3200x3xi32> to vector<3200x3xf32>
    %get3A_5 = arith.constant 0 : index
    %get3A_6 = arith.constant 0 : index
    %get3A_7 = vector.load %arg2[%get3A_5, %get3A_6] : memref<3x32xf32, #tpu.memory_space<vmem>>, vector<3x32xf32>
    %dot_general3A = arith.constant dense<0.000000e+00> : vector<3200x32xf32>
    %dot_general3A_8 = tpu.matmul %convert_element_type3A_4, %get3A_7, %dot_general3A {dimension_numbers = #tpu.dot_dimension_numbers<[1], [0], [0], [1], [0, 0, 1, 1], [], []>, transpose_lhs_hint = false} : vector<3200x3xf32>, vector<3x32xf32>, vector<3200x32xf32> -> vector<3200x32xf32>
    %get3A_9 = arith.constant 0 : index
    %get3A_10 = arith.constant 0 : index
    %get3A_11 = vector.load %arg3[%get3A_9, %get3A_10] : memref<130x96xf32, #tpu.memory_space<vmem>>, vector<32x96xf32>
    %dot_general3A_12 = arith.constant dense<0.000000e+00> : vector<3200x96xf32>
    %dot_general3A_13 = tpu.matmul %dot_general3A_8, %get3A_11, %dot_general3A_12 {dimension_numbers = #tpu.dot_dimension_numbers<[1], [0], [0], [1], [0, 0, 1, 1], [], []>, transpose_lhs_hint = false} : vector<3200x32xf32>, vector<32x96xf32>, vector<3200x96xf32> -> vector<3200x96xf32>
    %slice3A_14 = vector.extract_strided_slice %get3A_1 {offsets = [0, 0], sizes = [3200, 98], strides = [1, 1]} : vector<3200x128xf32> to vector<3200x98xf32>
    %get3A_15 = arith.constant 32 : index
    %get3A_16 = arith.constant 0 : index
    %get3A_17 = vector.load %arg3[%get3A_15, %get3A_16] : memref<130x96xf32, #tpu.memory_space<vmem>>, vector<98x96xf32>
    %dot_general3A_18 = arith.constant dense<0.000000e+00> : vector<3200x96xf32>
    %dot_general3A_19 = tpu.matmul %slice3A_14, %get3A_17, %dot_general3A_18 {dimension_numbers = #tpu.dot_dimension_numbers<[1], [0], [0], [1], [0, 0, 1, 1], [], []>, transpose_lhs_hint = false} : vector<3200x98xf32>, vector<98x96xf32>, vector<3200x96xf32> -> vector<3200x96xf32>
    %add3A = arith.addf %dot_general3A_13, %dot_general3A_19 : vector<3200x96xf32>
    %get3A_20 = arith.constant 0 : index
    %get3A_21 = arith.constant 0 : index
    %get3A_22 = vector.load %arg4[%get3A_20, %get3A_21] : memref<1x96xf32, #tpu.memory_space<vmem>>, vector<1x96xf32>
    %add3A_23 = vector.broadcast %get3A_22 : vector<1x96xf32> to vector<3200x96xf32>
    %add3A_24 = arith.addf %add3A, %add3A_23 : vector<3200x96xf32>
    %reshape3A = vector.shape_cast %add3A_24 : vector<3200x96xf32> to vector<16x200x96xf32>
    %swap3A = arith.constant 0 : index
    %swap3A_25 = arith.constant 0 : index
    %swap3A_26 = arith.constant 0 : index
    %swap3A_27 = vector.load %arg6[%swap3A, %swap3A_25, %swap3A_26] : memref<16x200x96xf32, #tpu.memory_space<vmem>>, vector<16x200x96xf32>
    tpu.vector_store %arg6[%swap3A, %swap3A_25, %swap3A_26], %reshape3A {strides = array<i32>} : memref<16x200x96xf32, #tpu.memory_space<vmem>>, vector<16x200x96xf32>,
    return
  }
  func.func @transform_0(%arg0: i32) -> (i32, i32) {
    %c0_i32 = arith.constant 0 : i32
    %c0_i32_0 = arith.constant 0 : i32
    return %arg0, %c0_i32 : i32, i32
  }
  func.func @transform_1(%arg0: i32) -> (i32, i32) {
    %c0_i32 = arith.constant 0 : i32
    %c0_i32_0 = arith.constant 0 : i32
    %c0_i32_1 = arith.constant 0 : i32
    return %c0_i32, %c0_i32_0 : i32, i32
  }
  func.func @transform_2(%arg0: i32) -> (i32, i32) {
    %c0_i32 = arith.constant 0 : i32
    %c0_i32_0 = arith.constant 0 : i32
    %c0_i32_1 = arith.constant 0 : i32
    return %c0_i32, %c0_i32_0 : i32, i32
  }
  func.func @transform_3(%arg0: i32) -> (i32, i32) {
    %c0_i32 = arith.constant 0 : i32
    %c0_i32_0 = arith.constant 0 : i32
    %c0_i32_1 = arith.constant 0 : i32
    return %c0_i32, %c0_i32_0 : i32, i32
  }
  func.func @transform_5(%arg0: i32) -> (i32, i32, i32) {
    %add3A = arith.constant 32 : i32
    %add3A_0 = arith.addi %arg0, %add3A : i32
    %c0_i32 = arith.constant 0 : i32
    %c0_i32_1 = arith.constant 0 : i32
    %c0_i32_2 = arith.constant 0 : i32
    return %add3A_0, %c0_i32, %c0_i32_1 : i32, i32, i32
  }
}

</mosaic_0001>

<sc_bundles>
// kernel: kernel.6.cloned.1.call-start
scs
__scs_entry_jumppad:
0x0: {  	(pc) =	sbr.rel $0x88, $3  }
0x1: {  	(tag) =	ssettag $0x0;
	lr =	simm.s32 $0x1  }
0x2: {  	[smem:$0x3F95] =	sst lr;
	_ =	strace $0xD0000000  }
0x3: {  	_ = 	snop  }
0x4: {  	_ = 	snop  }
0x5: {  	_ = 	snop  }
0x6: {  	_ = 	snop  }
0x7: {  	_ = 	snop  }
__scs_overlays_trampoline_lowered:
0x8: {  	[smem:$0x3FA4] =	sst s0  }
0x9: {  	[smem:$0x3FA5] =	sst s1  }
0xa: {  	[smem:$0x3FA6] =	sst s2  }
0xb: {  	[smem:$0x3FA7] =	sst s3  }
0xc: {  	[smem:$0x3FA8] =	sst s4  }
0xd: {  	[smem:$0x3FA9] =	sst s5  }
0xe: {  	[smem:$0x3FAA] =	sst s6  }
0xf: {  	[smem:$0x3FAB] =	sst s7  }
0x10: {  	[smem:$0x3FAC] =	sst s8  }
0x11: {  	[smem:$0x3FAD] =	sst s9;
	s0 =	simm.s32 @!p0 $0x0  }
0x12: {  	s1 =	sld [smem:$0x3F93];
	s0 =	simm.s32 @p0 $0x1  }
0x13: {  	[smem:$0x3FAE] =	sst s0;
	s0 =	simm.s32 @!p1 $0x0  }
0x14: {  	s2 =	sld [smem:$0x3F92];
	s0 =	simm.s32 @p1 $0x1  }
0x15: {  	[smem:$0x3FAF] =	sst s0;
	s0 =	simm.s32 @!p2 $0x0  }
0x16: {  	s3 =	sld [smem:$0x3FDB];
	s0 =	simm.s32 @p2 $0x1  }
0x17: {  	s4 =	simm.s32 $0x1BF5;
	[smem:$0x3FB1] =	sst s0  }
0x18: {  	s0 =	sld [smem:$0x3F94];
	_ =	swait.ge [sflag:s4], $0x0  }
0x19: {  	s7 =	sld [smem:$0x3F95]  }
0x1a: {  	s8 =	sadd.s32 $0xFFFFE003, lr  }
0x1b: {  	s9 =	sadd.s32 $0xFFFFFEF7, lr;
	s5 =	simm.s32 $0xFFFFFFFF;
	p2 =	slt.u32 s8, $0xFFFFF086  }
0x1c: {  	p1 =	slt.u32 s9, $0xF7A;
	s5 =	simm.s32 @!p2 $0x0  }
0x1d: {  	s5 =	simm.s32 @p1 $0x1;
	p0 =	seq.s32 s7, s2  }
0x1e: {  	s7 =	smul.u32 @!p0 $0xF7A, s2;
	p2 =	seq.s32 @!p0 s5, $0x0  }
0x1f: {  	s9 =	smul.u32 $0xF7A, s1;
	s8 =	simm.s32 @!p0 $0x1BF5;
	p2 =	por !p2, p0  }
0x20: {  	[sflag:s8] =	ssyncset.s32 @!p0 $0xFFFFF086;
	s6 =	sadd.s32 @!p0 s3, s7;
	s7 =	simm.s32 @!p0 $0x108  }
0x21: {  	s3 =	sadd.s32 s3, s9;
	s6 =	sadd.s32 @!p0 $0x88, s6;
	s7 =	simm.s32 @p2 $0x1082  }
0x22: {  	[simem:s7], [sflag:s8] =	dma.local @!p0 [hbm:s6], $0xF7A  }
0x23: {  	s9 =	sor.u32 $0xD0000000, s2;
	s6 =	simm.s32 $0x108;
	_ =	swait.ge @!p0 [sflag:s8], $0x0  }
0x24: {  	s3 =	sadd.s32 $0x88, s3;
	s6 =	simm.s32 @!p1 $0x1082;
	[sflag:s4] =	ssyncset.s32 $0xFFFFF086  }
0x25: {  	[simem:s6], [sflag:s4] =	dma.local [hbm:s3], $0xF7A  }
0x26: {  	[smem:$0x3F95] =	sst s1;
	(tag) =	ssettag s2;
	_ =	strace s9  }
0x27: {  	s1 =	sld [smem:$0x3FA5]  }
0x28: {  	s2 =	sld [smem:$0x3FA6]  }
0x29: {  	s4 =	sld [smem:$0x3FA8]  }
0x2a: {  	p0 =	seq.s32 s5, $0x0;
	s5 =	sld [smem:$0x3FA9]  }
0x2b: {  	s6 =	sld [smem:$0x3FAA]  }
0x2c: {  	s7 =	sld [smem:$0x3FAB]  }
0x2d: {  	s3 =	simm.s32 $0x108;
	s8 =	sld [smem:$0x3FAC]  }
0x2e: {  	s3 =	simm.s32 @!p0 $0x1082;
	s9 =	sld [smem:$0x3FAD]  }
0x2f: {  	lr =	sadd.s32 s0, s3;
	s0 =	sld [smem:$0x3FA4]  }
0x30: {  	s3 =	sld [smem:$0x3FA7]  }
0x31: {  	[smem:$0x3FB0] =	sst s10  }
0x32: {  	s10 =	sld [smem:$0x3FAE];
	_ =	sdelay $0x3  }
0x33: {  	p0 =	seq.s32 s10, $0x1;
	s10 =	sld [smem:$0x3FB0];
	_ =	sdelay $0x3  }
0x34: {  	[smem:$0x3FB0] =	sst s10  }
0x35: {  	s10 =	sld [smem:$0x3FAF];
	_ =	sdelay $0x3  }
0x36: {  	p1 =	seq.s32 s10, $0x1;
	s10 =	sld [smem:$0x3FB0];
	_ =	sdelay $0x3  }
0x37: {  	[smem:$0x3FB0] =	sst s10  }
0x38: {  	s10 =	sld [smem:$0x3FB1]  }
0x39: {  	_ = 	snop;
	(pc) =	sbr.ind lr, $3  }
0x3a: {  	_ = 	snop  }
0x3b: {  	_ = 	snop  }
0x3c: {  	p2 =	seq.s32 s10, $0x1;
	s10 =	sld [smem:$0x3FB0]  }
0x3d: {  	_ =	shalt  }
0x3e: {  	_ =	shalt  }
0x3f: {  	_ =	shalt  }
0x40: {  	_ =	shalt  }
0x41: {  	_ =	shalt  }
0x42: {  	_ =	shalt  }
0x43: {  	_ =	shalt  }
0x44: {  	_ =	shalt  }
0x45: {  	_ =	shalt  }
0x46: {  	_ =	shalt  }
0x47: {  	_ =	shalt  }
0x48: {  	_ =	shalt  }
0x49: {  	_ =	shalt  }
0x4a: {  	_ =	shalt  }
0x4b: {  	_ =	shalt  }
0x4c: {  	_ =	shalt  }
0x4d: {  	_ =	shalt  }
0x4e: {  	_ =	shalt  }
0x4f: {  	_ =	shalt  }
0x50: {  	_ =	shalt  }
0x51: {  	_ =	shalt  }
0x52: {  	_ =	shalt  }
0x53: {  	_ =	shalt  }
0x54: {  	_ =	shalt  }
0x55: {  	_ =	shalt  }
0x56: {  	_ =	shalt  }
0x57: {  	_ =	shalt  }
0x58: {  	_ =	shalt  }
0x59: {  	_ =	shalt  }
0x5a: {  	_ =	shalt  }
0x5b: {  	_ =	shalt  }
0x5c: {  	_ =	shalt  }
0x5d: {  	_ =	shalt  }
0x5e: {  	_ =	shalt  }
0x5f: {  	_ =	shalt  }
0x60: {  	_ =	shalt  }
0x61: {  	_ =	shalt  }
0x62: {  	_ =	shalt  }
0x63: {  	_ =	shalt  }
0x64: {  	_ =	shalt  }
0x65: {  	_ =	shalt  }
0x66: {  	_ =	shalt  }
0x67: {  	_ =	shalt  }
0x68: {  	_ =	shalt  }
0x69: {  	_ =	shalt  }
0x6a: {  	_ =	shalt  }
0x6b: {  	_ =	shalt  }
0x6c: {  	_ =	shalt  }
0x6d: {  	_ =	shalt  }
0x6e: {  	_ =	shalt  }
0x6f: {  	_ =	shalt  }
0x70: {  	_ =	shalt  }
0x71: {  	_ =	shalt  }
0x72: {  	_ =	shalt  }
0x73: {  	_ =	shalt  }
0x74: {  	_ =	shalt  }
0x75: {  	_ =	shalt  }
0x76: {  	_ =	shalt  }
0x77: {  	_ =	shalt  }
0x78: {  	_ =	shalt  }
0x79: {  	_ =	shalt  }
0x7a: {  	_ =	shalt  }
0x7b: {  	_ =	shalt  }
0x7c: {  	_ =	shalt  }
0x7d: {  	_ =	shalt  }
0x7e: {  	_ =	shalt  }
0x7f: {  	_ =	shalt  }
0x80: {  	_ =	shalt  }
0x81: {  	_ =	shalt  }
0x82: {  	_ =	shalt  }
0x83: {  	_ =	shalt  }
0x84: {  	_ =	shalt  }
0x85: {  	_ =	shalt  }
0x86: {  	_ =	shalt  }
0x87: {  	_ =	shalt  }
.Lfunc_end0:
.L_simem_size_0:
called_computation_lowered:
.L_overlay_start_0:
0x88: {  	s2 =	sld [smem:$0x3FD9]  }
0x89: {  	s3 =	sld [smem:$0x3FFE];
	_ =	sdelay $0x1  }
0x8a: {  	s1 =	srdreg.scid  }
0x8b: {  	s0 =	sand.u32 $0x1, s1  }
0x8c: {  	s16 =	sshll.u32 s0, $0xA;
	s2 =	sadd.s32 s3, s2  }
0x8d: {  	s2 =	sadd.s32 s2, s16  }
0x8e: {  	[smem:$0x3FBC] =	sst s2  }
0x8f: {  	_ = 	snop  }
0x90: {  	(tm) =	ssettm $0x1  }
0x91: {  	s17 =	sld [smem:$0x3FFB];
	_ =	sdelay $0x3  }
0x92: {  	_ =	strace s17  }
0x93: {  	s2 =	sld [smem:$0x3FFC];
	_ =	sdelay $0x3  }
0x94: {  	_ =	strace s2  }
0x95: {  	s2 =	sld [smem:$0x3FFD];
	_ =	sdelay $0x3  }
0x96: {  	_ =	strace s2  }
0x97: {  	_ =	strace $0x8FFFFFFF  }
0x98: {  	s18 =	sld [smem:$0x3FDB];
	_ =	sdelay $0x1  }
0x99: {  	s19 =	simm.s32 $_scs_section_size  }
0x9a: {  	s4 =	simm.s32 $_size__tile_overlayer_lowered;
	s5 =	simm.s32 $_tile_overlayer_lowered  }
0x9b: {  	s22 =	simm.s32 $0x1BFF;
	s21 =	sshll.u32 s5, $0x1;
	s2 =	sadd.s32 s19, s18  }
0x9c: {  	s6 =	simm.s32 $0x0;
	s20 =	sshll.u32 s4, $0x1;
	s4 =	sadd.s32 s21, s2  }
0x9d: {  	[timem:s6], [sflag:s22] =	dma.local [hbm:s4], s20  }
0x9e: {  	_ =	swait.ge [sflag:s22], s20  }
0x9f: {  	s3 =	ssub.s32 $0x0, s20;
	[sflag:s22] =	ssyncset.done $0x0  }
0xa0: {  	[sflag:s22] =	ssyncadd.s32 s3;
	_ =	sdelay $0x1  }
0xa1: {  	s23 =	simm.s32 $0x1B8B  }
0xa2: {  	_ =	swait.ge [sflag:s23], $0x1  }
0xa3: {  	[sflag:s23] =	ssyncset.done $0x0  }
0xa4: {  	s25 =	simm.s32 $0x1B8E;
	s24 =	sld [smem:$0x3FFE];
	[sflag:s23] =	ssyncadd.s32 $0xFFFFFFFF  }
0xa5: {  	s26 =	simm.s32 $execute0_lowered;
	[smem:$0x3FD2] =	sst s25  }
0xa6: {  	s4 =	sshll.u32 s26, $0x1;
	_ =	strace $0x80000046;
	[dreg:$0x1] =	wrdreg $0xFFFFFFFF  }
0xa7: {  	s28 =	simm.s32 $_size_execute0_lowered;
	s2 =	sadd.s32 s2, s4;
	[dreg:$0x0] =	wrdreg $0x0  }
0xa8: {  	s4 =	sshll.u32 s28, $0x1;
	[dreg:$0x2] =	wrdreg s2  }
0xa9: {  	[dreg:$0x3] =	wrdreg s4  }
0xaa: {  	[dreg:$0x4] =	wrdreg $0xC0  }
0xab: {  	_ =	task [dreg:s6], $0x5FFFF  }
0xac: {  	[dreg:$0x1] =	wrdreg $0xFFFFFFFF  }
0xad: {  	[dreg:$0x0] =	wrdreg $0x60  }
0xae: {  	[dreg:$0x2] =	wrdreg s24  }
0xaf: {  	[dreg:$0x3] =	wrdreg $0x9  }
0xb0: {  	_ =	task.clear_ibuf [dreg:s6], $0x4FFFF;
	_ =	strace $0x90000046  }
0xb1: {  	s29 =	simm.s32 $0x9;
	_ =	strace $0x80000048  }
0xb2: {  	_ =	swait.ge [sflag:s29], $0x1  }
0xb3: {  	[sflag:s29] =	ssyncadd.s32 $0xFFFFFFFF  }
0xb4: {  	_ =	strace $0x90000048  }
0xb5: {  	_ =	sfence  }
0xb6: {  	s30 =	sld [smem:$0x0];
	_ =	sdelay $0x2  }
0xb7: {  	s31 =	sshll.u32 s1, $0xD;
	s1 =	sshrl.u32 s1, $0x2  }
0xb8: {  	s3 =	sand.u32 $0x4000, s31;
	s1 =	sadd.s32 s1, s30  }
0xb9: {  	s0 =	sor.u32 s3, s0;
	s1 =	sshll.u32 s1, $0x11  }
0xba: {  	s0 =	sor.u32 s1, s0  }
0xbb: {  	s0 =	sadd.s32 $0x8F2B, s0  }
0xbc: {  	[sflag:s0] =	ssyncadd.remote.s32 $0x1  }
0xbd: {  	_ =	sfence.sel $0xFFFF  }
0xbe: {  	[dreg:$0x0] =	wrdreg $0xFFFFFFFF;
	(pc) =	sbr.abs _section_cstart, $3  }
0xbf: {  	[dreg:$0x1] =	wrdreg $0xFFFFFFFF  }
0xc0: {  	_ =	task.clear_ibuf [dreg:s6], $0x2FFFF;
	_ =	strace $0x9FFFFFFF  }
0xc1: {  	(tm) =	ssettm $0x7FFFFFFF  }
tec
execute0_lowered:
.L_overlay_start_1:
0x0: {  	(tag) =	ssettag $0x1  }
0x1: {  	v0 =	vlaneseq.u32  }
0x2: {  	v0 =	vmul.u32 $0x8, v0;
	_ =	sdelay $0x1  }
0x3: {  	v1 =	vor.u32 $0x1, v0;
	v3 =	vor.u32 $0x80, v0;
	v4 =	vor.u32 $0x81, v0  }
0x4: {  	v5 =	vor.u32 $0x82, v0;
	v6 =	vor.u32 $0x100, v0;
	v7 =	vor.u32 $0x101, v0  }
0x5: {  	s0 =	rddreg [dreg:$0x0];
	v8 =	vor.u32 $0x102, v0;
	v9 =	vor.u32 $0x180, v0;
	v10 =	vor.u32 $0x181, v0  }
0x6: {  	s2 =	simm.s32 $0x0;
	s1 =	srdreg.scid;
	s3 =	stileid.u32;
	v11 =	vor.u32 $0x182, v0;
	v12 =	vor.u32 $0x200, v0;
	v13 =	vor.u32 $0x201, v0  }
0x7: {  	s18 =	simm.s32 $0x2;
	s28 =	simm.s32 $0xEB00;
	s19 =	simm.s32 $0x10B00;
	v14 =	vor.u32 $0x202, v0;
	v15 =	vor.u32 $0x280, v0;
	v16 =	vor.u32 $0x281, v0  }
0x8: {  	s20 =	simm.s32 $0x7B00;
	s21 =	simm.s32 $0xCB00;
	s22 =	simm.s32 $0x11B00;
	v17 =	vor.u32 $0x282, v0;
	v18 =	vor.u32 $0x300, v0;
	v19 =	vor.u32 $0x301, v0  }
0x9: {  	s23 =	simm.s32 $0x8B00;
	s13 =	simm.s32 $0x0;
	[smem:$0x7FF] =	sst s2;
	v20 =	vor.u32 $0x302, v0;
	v21 =	vor.u32 $0x380, v0;
	v22 =	vor.u32 $0x381, v0  }
0xa: {  	s1 =	sand.u32 $0x1, s1;
	s3 =	sshll.u32 s3, $0x1;
	s5 =	sadd.s32 $0x65600, s0;
	v23 =	vor.u32 $0x382, v0;
	v24 =	vor.u32 $0x400, v0;
	v25 =	vor.u32 $0x401, v0  }
0xb: {  	s6 =	sadd.s32 $0x2A00, s0;
	s8 =	sadd.s32 $0xD3A00, s0;
	s9 =	sadd.s32 $0xC7200, s0;
	v26 =	vor.u32 $0x402, v0;
	v27 =	vor.u32 $0x480, v0;
	v28 =	vor.u32 $0x481, v0  }
0xc: {  	s7 =	sadd.s32 $0xECA00, s0;
	s14 =	sadd.s32 $0xECA04, s0;
	s15 =	sadd.s32 $0xECA08, s0;
	v29 =	vor.u32 $0x482, v0;
	v30 =	vor.u32 $0x500, v0;
	v31 =	vor.u32 $0x501, v0  }
0xd: {  	s16 =	sadd.s32 $0xECA0C, s0;
	s4 =	sor.u32 s1, s3;
	s1 =	ssub.s32 $0x2, s1;
	v32 =	vor.u32 $0x502, v0;
	v33 =	vor.u32 $0x580, v0;
	v34 =	vor.u32 $0x581, v0  }
0xe: {  	s3 =	sadd.s32 $0x3A00, s0;
	s4 =	smul.u32 $0xC80, s4;
	s11 =	sshrl.u32 s1, $0x1;
	v35 =	vor.u32 $0x582, v0;
	v36 =	vor.u32 $0x600, v0;
	v37 =	vor.u32 $0x601, v0  }
0xf: {  	s0 =	simm.s32 $0x6B00;
	v38 =	vor.u32 $0x602, v0;
	v39 =	vor.u32 $0x680, v0;
	[tilespmem:$0x1FFE0] =	vst v1;
	v1 =	vor.u32 $0x2, v0;
	s1 =	ssub.s32 s1, s11;
	s11 =	simm.s32 $0x1  }
0x10: {  	v40 =	vor.u32 $0x681, v0;
	v41 =	vor.u32 $0x682, v0;
	v42 =	vor.u32 $0x700, v0;
	[tilespmem:$0x1FFF0] =	vst v1;
	s10 =	sshrl.u32 s4, $0x3;
	s31 =	smax.u32 s1, $0x1;
	s1 =	simm.s32 $0xBB00  }
0x11: {  	v43 =	vor.u32 $0x701, v0;
	v44 =	vor.u32 $0x702, v0;
	v45 =	vor.u32 $0x780, v0;
	_ =	strace $0x80000047;
	s24 =	sadd.s32 s8, s10;
	[dreg:$0x8] =	wrdreg s31  }
0x12: {  	v46 =	vor.u32 $0x781, v0;
	v47 =	vor.u32 $0x782, v0;
	v48 =	vor.u32 $0x800, v0;
	s12 =	sadd.s32 $0x6400, s10;
	s29 =	sadd.s32 s9, s10;
	[dreg:$0x2] =	wrdreg s24  }
0x13: {  	v49 =	vor.u32 $0x801, v0;
	v50 =	vor.u32 $0x802, v0;
	v51 =	vor.u32 $0x880, v0;
	s10 =	simm.s32 $0x12B00;
	s8 =	sadd.s32 s8, s12;
	[dreg:$0x6] =	wrdreg s29  }
0x14: {  	v52 =	vor.u32 $0x881, v0;
	v53 =	vor.u32 $0x882, v0;
	v54 =	vor.u32 $0x900, v0;
	s25 =	sadd.s32 $0xC800, s24;
	s26 =	sadd.s32 $0x12C00, s24;
	[dreg:$0x3] =	wrdreg s8  }
0x15: {  	v55 =	vor.u32 $0x901, v0;
	v56 =	vor.u32 $0x902, v0;
	v57 =	vor.u32 $0x980, v0;
	s30 =	sadd.s32 s9, s12;
	s24 =	simm.s32 $0x80;
	[dreg:$0x4] =	wrdreg s25  }
0x16: {  	v58 =	vor.u32 $0x981, v0;
	v59 =	vor.u32 $0x982, v0;
	v60 =	vor.u32 $0xA00, v0;
	s9 =	simm.s32 $0xDB00;
	s12 =	simm.s32 $0x20;
	[dreg:$0x5] =	wrdreg s26  }
0x17: {  	v61 =	vor.u32 $0xA01, v0;
	v62 =	vor.u32 $0xA02, v0;
	v63 =	vor.u32 $0xA80, v0;
	[dreg:$0x7] =	wrdreg s30;
	s25 =	simm.s32 $0x4B00;
	s26 =	simm.s32 $0x9B00  }
.LBB2_1:
0x18: {  	[dreg:$0x9] =	wrdreg s13  }
0x19: {  	s8 =	rddreg [dreg:$0x2]  }
0x1a: {  	[tilespmem:s2], [sflag:$0x2] =	stream.linear.gather [hbm4b:s8+s2], $0xC80, $0x38;
	[tilespmem:$0x14F00] =	vst v63  }
0x1b: {  	_ =	swait.ge [sflag:s18], $0xC80  }
0x1c: {  	[sflag:s18] =	ssyncset.done $0x0  }
0x1d: {  	s31 =	simm.s32 $0xC80;
	s30 =	rddreg [dreg:$0x3];
	[sflag:s18] =	ssyncadd.s32 $0xFFFFF380  }
0x1e: {  	[tilespmem:s31], [sflag:$0x2] =	stream.linear.gather [hbm4b:s30+s2], $0xC80, $0x38;
	[tilespmem:$0x14F00] =	vst v63  }
0x1f: {  	_ =	swait.ge [sflag:s18], $0xC80  }
0x20: {  	[sflag:s18] =	ssyncset.done $0x0  }
0x21: {  	s29 =	simm.s32 $0x1900;
	s17 =	rddreg [dreg:$0x4];
	[sflag:s18] =	ssyncadd.s32 $0xFFFFF380  }
0x22: {  	[tilespmem:s29], [sflag:$0x2] =	stream.linear.gather [hbm4b:s17+s2], $0xC80, $0x38;
	[tilespmem:$0x14F00] =	vst v63  }
0x23: {  	_ =	swait.ge [sflag:s18], $0xC80  }
0x24: {  	[sflag:s18] =	ssyncset.done $0x0  }
0x25: {  	s31 =	simm.s32 $0x2580;
	s30 =	rddreg [dreg:$0x5];
	[sflag:s18] =	ssyncadd.s32 $0xFFFFF380  }
0x26: {  	[tilespmem:s31], [sflag:$0x2] =	stream.linear.gather [hbm4b:s30+s2], $0xC80, $0x38;
	[tilespmem:$0x14F00] =	vst v63  }
0x27: {  	_ =	swait.ge [sflag:s18], $0xC80  }
0x28: {  	[sflag:s18] =	ssyncset.done $0x0  }
0x29: {  	s29 =	simm.s32 $0x3200;
	s17 =	rddreg [dreg:$0x6];
	[sflag:s18] =	ssyncadd.s32 $0xFFFFF380  }
0x2a: {  	[tilespmem:s29], [sflag:$0x2] =	stream.linear.gather [hbm4b:s17+s2], $0xC80, $0x38;
	[tilespmem:$0x14F00] =	vst v63  }
0x2b: {  	_ =	swait.ge [sflag:s18], $0xC80  }
0x2c: {  	[sflag:s18] =	ssyncset.done $0x0  }
0x2d: {  	s31 =	simm.s32 $0x3E80;
	s30 =	rddreg [dreg:$0x7];
	[sflag:s18] =	ssyncadd.s32 $0xFFFFF380  }
0x2e: {  	[tilespmem:s31], [sflag:$0x2] =	stream.linear.gather [hbm4b:s30+s2], $0xC80, $0x38;
	[tilespmem:$0x14F00] =	vst v63  }
0x2f: {  	_ =	swait.ge [sflag:s18], $0xC80  }
0x30: {  	[sflag:s18] =	ssyncset.done $0x0  }
0x31: {  	s17 =	simm.s32 $0x0;
	[sflag:s18] =	ssyncadd.s32 $0xFFFFF380  }
.LBB2_2:
0x32: {  	s13 =	smul.u32 $0x280, s17;
	_ =	sdelay $0x1  }
0x33: {  	[tilespmem:s25], [sflag:$0x1] =	stream.indirect.gather [hbm4b:s3+s24], $0x20, s13, s24, $0xb8;
	[tilespmem:$0x14F00] =	vst v63  }
0x34: {  	s8 =	sadd.s32 $0xC80, s13  }
0x35: {  	[tilespmem:s26], [sflag:$0x1] =	stream.indirect.gather [hbm4b:s5+s24], $0x20, s8, s24, $0xb8;
	[tilespmem:$0x14F00] =	vst v63  }
0x36: {  	s8 =	sadd.s32 $0x1900, s13  }
0x37: {  	[tilespmem:s28], [sflag:$0x1] =	stream.indirect.gather [hbm4b:s6+s24], $0x20, s8, s24, $0xb8;
	[tilespmem:$0x14F00] =	vst v63  }
0x38: {  	s29 =	simm.s32 $0x5B00;
	s8 =	sadd.s32 $0x80, s13  }
0x39: {  	[tilespmem:s29], [sflag:$0x1] =	stream.indirect.gather [hbm4b:s3+s24], $0x20, s8, s24, $0xb8;
	[tilespmem:$0x14F00] =	vst v63  }
0x3a: {  	s8 =	sadd.s32 $0xD00, s13;
	s29 =	simm.s32 $0xAB00  }
0x3b: {  	[tilespmem:s29], [sflag:$0x1] =	stream.indirect.gather [hbm4b:s5+s24], $0x20, s8, s24, $0xb8;
	[tilespmem:$0x14F00] =	vst v63  }
0x3c: {  	s8 =	sadd.s32 $0x1980, s13;
	s29 =	simm.s32 $0xFB00  }
0x3d: {  	[tilespmem:s29], [sflag:$0x1] =	stream.indirect.gather [hbm4b:s6+s24], $0x20, s8, s24, $0xb8;
	[tilespmem:$0x14F00] =	vst v63  }
0x3e: {  	s8 =	sadd.s32 $0x100, s13  }
0x3f: {  	[tilespmem:s0], [sflag:$0x1] =	stream.indirect.gather [hbm4b:s3+s24], $0x20, s8, s24, $0xb8;
	[tilespmem:$0x14F00] =	vst v63  }
0x40: {  	s8 =	sadd.s32 $0xD80, s13  }
0x41: {  	[tilespmem:s1], [sflag:$0x1] =	stream.indirect.gather [hbm4b:s5+s24], $0x20, s8, s24, $0xb8;
	[tilespmem:$0x14F00] =	vst v63  }
0x42: {  	s8 =	sadd.s32 $0x1A00, s13  }
0x43: {  	[tilespmem:s19], [sflag:$0x1] =	stream.indirect.gather [hbm4b:s6+s24], $0x20, s8, s24, $0xb8;
	[tilespmem:$0x14F00] =	vst v63  }
0x44: {  	s8 =	sadd.s32 $0x180, s13  }
0x45: {  	[tilespmem:s20], [sflag:$0x1] =	stream.indirect.gather [hbm4b:s3+s24], $0x20, s8, s24, $0xb8;
	[tilespmem:$0x14F00] =	vst v63  }
0x46: {  	s8 =	sadd.s32 $0xE00, s13  }
0x47: {  	[tilespmem:s21], [sflag:$0x1] =	stream.indirect.gather [hbm4b:s5+s24], $0x20, s8, s24, $0xb8;
	[tilespmem:$0x14F00] =	vst v63  }
0x48: {  	s8 =	sadd.s32 $0x1A80, s13  }
0x49: {  	[tilespmem:s22], [sflag:$0x1] =	stream.indirect.gather [hbm4b:s6+s24], $0x20, s8, s24, $0xb8;
	[tilespmem:$0x14F00] =	vst v63  }
0x4a: {  	s8 =	sadd.s32 $0x200, s13  }
0x4b: {  	[tilespmem:s23], [sflag:$0x1] =	stream.indirect.gather [hbm4b:s3+s24], $0x20, s8, s24, $0xb8;
	[tilespmem:$0x14F00] =	vst v63  }
0x4c: {  	s8 =	sadd.s32 $0xE80, s13  }
0x4d: {  	[tilespmem:s9], [sflag:$0x1] =	stream.indirect.gather [hbm4b:s5+s24], $0x20, s8, s24, $0xb8;
	[tilespmem:$0x14F00] =	vst v63  }
0x4e: {  	s8 =	sadd.s32 $0x1B00, s13  }
0x4f: {  	[tilespmem:s10], [sflag:$0x1] =	stream.indirect.gather [hbm4b:s6+s24], $0x20, s8, s24, $0xb8;
	[tilespmem:$0x14F00] =	vst v63  }
0x50: {  	v1 =	vld [tilespmem:s13+$0x3200];
	_ =	sdelay $0x2  }
0x51: {  	v2 =	vld [tilespmem:$0x1FFE0]  }
0x52: {  	s8 =	simm.s32 $0x13B00  }
0x53: {  	[tilespmem:v0+s8+$0x0] =	vst.idx.msk $0xffff, v1  }
0x54: {  	v1 =	vld [tilespmem:s13+$0x3E80];
	_ =	sdelay $0x4  }
0x55: {  	[tilespmem:v2+s8+$0x0] =	vst.idx.msk $0xffff, v1;
	v2 =	vld [tilespmem:$0x1FFF0]  }
0x56: {  	v1 =	vld [tilespmem:s13+$0x2580];
	_ =	sdelay $0x4  }
0x57: {  	v1 =	vcvt.s32.f32 v1;
	_ =	sdelay $0x1  }
0x58: {  	[tilespmem:v2+s8+$0x0] =	vst.idx.msk $0xffff, v1  }
0x59: {  	v1 =	vld [tilespmem:s13+$0x3210];
	_ =	sdelay $0x4  }
0x5a: {  	[tilespmem:v3+s8+$0x0] =	vst.idx.msk $0xffff, v1  }
0x5b: {  	v1 =	vld [tilespmem:s13+$0x3E90];
	_ =	sdelay $0x4  }
0x5c: {  	[tilespmem:v4+s8+$0x0] =	vst.idx.msk $0xffff, v1  }
0x5d: {  	v1 =	vld [tilespmem:s13+$0x2590];
	_ =	sdelay $0x4  }
0x5e: {  	v1 =	vcvt.s32.f32 v1;
	_ =	sdelay $0x1  }
0x5f: {  	[tilespmem:v5+s8+$0x0] =	vst.idx.msk $0xffff, v1  }
0x60: {  	v1 =	vld [tilespmem:s13+$0x3220];
	_ =	sdelay $0x4  }
0x61: {  	[tilespmem:v6+s8+$0x0] =	vst.idx.msk $0xffff, v1  }
0x62: {  	v1 =	vld [tilespmem:s13+$0x3EA0];
	_ =	sdelay $0x4  }
0x63: {  	[tilespmem:v7+s8+$0x0] =	vst.idx.msk $0xffff, v1  }
0x64: {  	v1 =	vld [tilespmem:s13+$0x25A0];
	_ =	sdelay $0x4  }
0x65: {  	v1 =	vcvt.s32.f32 v1;
	_ =	sdelay $0x1  }
0x66: {  	[tilespmem:v8+s8+$0x0] =	vst.idx.msk $0xffff, v1  }
0x67: {  	v1 =	vld [tilespmem:s13+$0x3230];
	_ =	sdelay $0x4  }
0x68: {  	[tilespmem:v9+s8+$0x0] =	vst.idx.msk $0xffff, v1  }
0x69: {  	v1 =	vld [tilespmem:s13+$0x3EB0];
	_ =	sdelay $0x4  }
0x6a: {  	[tilespmem:v10+s8+$0x0] =	vst.idx.msk $0xffff, v1  }
0x6b: {  	v1 =	vld [tilespmem:s13+$0x25B0];
	_ =	sdelay $0x4  }
0x6c: {  	v1 =	vcvt.s32.f32 v1;
	_ =	sdelay $0x1  }
0x6d: {  	[tilespmem:v11+s8+$0x0] =	vst.idx.msk $0xffff, v1  }
0x6e: {  	v1 =	vld [tilespmem:s13+$0x3240];
	_ =	sdelay $0x4  }
0x6f: {  	[tilespmem:v12+s8+$0x0] =	vst.idx.msk $0xffff, v1  }
0x70: {  	v1 =	vld [tilespmem:s13+$0x3EC0];
	_ =	sdelay $0x4  }
0x71: {  	[tilespmem:v13+s8+$0x0] =	vst.idx.msk $0xffff, v1  }
0x72: {  	v1 =	vld [tilespmem:s13+$0x25C0];
	_ =	sdelay $0x4  }
0x73: {  	v1 =	vcvt.s32.f32 v1;
	_ =	sdelay $0x1  }
0x74: {  	[tilespmem:v14+s8+$0x0] =	vst.idx.msk $0xffff, v1  }
0x75: {  	v1 =	vld [tilespmem:s13+$0x3250];
	_ =	sdelay $0x4  }
0x76: {  	[tilespmem:v15+s8+$0x0] =	vst.idx.msk $0xffff, v1  }
0x77: {  	v1 =	vld [tilespmem:s13+$0x3ED0];
	_ =	sdelay $0x4  }
0x78: {  	[tilespmem:v16+s8+$0x0] =	vst.idx.msk $0xffff, v1  }
0x79: {  	v1 =	vld [tilespmem:s13+$0x25D0];
	_ =	sdelay $0x4  }
0x7a: {  	v1 =	vcvt.s32.f32 v1;
	_ =	sdelay $0x1  }
0x7b: {  	[tilespmem:v17+s8+$0x0] =	vst.idx.msk $0xffff, v1  }
0x7c: {  	v1 =	vld [tilespmem:s13+$0x3260];
	_ =	sdelay $0x4  }
0x7d: {  	[tilespmem:v18+s8+$0x0] =	vst.idx.msk $0xffff, v1  }
0x7e: {  	v1 =	vld [tilespmem:s13+$0x3EE0];
	_ =	sdelay $0x4  }
0x7f: {  	[tilespmem:v19+s8+$0x0] =	vst.idx.msk $0xffff, v1  }
0x80: {  	v1 =	vld [tilespmem:s13+$0x25E0];
	_ =	sdelay $0x4  }
0x81: {  	v1 =	vcvt.s32.f32 v1;
	_ =	sdelay $0x1  }
0x82: {  	[tilespmem:v20+s8+$0x0] =	vst.idx.msk $0xffff, v1  }
0x83: {  	v1 =	vld [tilespmem:s13+$0x3270];
	_ =	sdelay $0x4  }
0x84: {  	[tilespmem:v21+s8+$0x0] =	vst.idx.msk $0xffff, v1  }
0x85: {  	v1 =	vld [tilespmem:s13+$0x3EF0];
	_ =	sdelay $0x4  }
0x86: {  	[tilespmem:v22+s8+$0x0] =	vst.idx.msk $0xffff, v1  }
0x87: {  	v1 =	vld [tilespmem:s13+$0x25F0];
	_ =	sdelay $0x4  }
0x88: {  	v1 =	vcvt.s32.f32 v1;
	_ =	sdelay $0x1  }
0x89: {  	[tilespmem:v23+s8+$0x0] =	vst.idx.msk $0xffff, v1  }
0x8a: {  	v1 =	vld [tilespmem:s13+$0x3280];
	_ =	sdelay $0x4  }
0x8b: {  	[tilespmem:v24+s8+$0x0] =	vst.idx.msk $0xffff, v1  }
0x8c: {  	v1 =	vld [tilespmem:s13+$0x3F00];
	_ =	sdelay $0x4  }
0x8d: {  	[tilespmem:v25+s8+$0x0] =	vst.idx.msk $0xffff, v1  }
0x8e: {  	v1 =	vld [tilespmem:s13+$0x2600];
	_ =	sdelay $0x4  }
0x8f: {  	v1 =	vcvt.s32.f32 v1;
	_ =	sdelay $0x1  }
0x90: {  	[tilespmem:v26+s8+$0x0] =	vst.idx.msk $0xffff, v1  }
0x91: {  	v1 =	vld [tilespmem:s13+$0x3290];
	_ =	sdelay $0x4  }
0x92: {  	[tilespmem:v27+s8+$0x0] =	vst.idx.msk $0xffff, v1  }
0x93: {  	v1 =	vld [tilespmem:s13+$0x3F10];
	_ =	sdelay $0x4  }
0x94: {  	[tilespmem:v28+s8+$0x0] =	vst.idx.msk $0xffff, v1  }
0x95: {  	v1 =	vld [tilespmem:s13+$0x2610];
	_ =	sdelay $0x4  }
0x96: {  	v1 =	vcvt.s32.f32 v1;
	_ =	sdelay $0x1  }
0x97: {  	[tilespmem:v29+s8+$0x0] =	vst.idx.msk $0xffff, v1  }
0x98: {  	v1 =	vld [tilespmem:s13+$0x32A0];
	_ =	sdelay $0x4  }
0x99: {  	[tilespmem:v30+s8+$0x0] =	vst.idx.msk $0xffff, v1  }
0x9a: {  	v1 =	vld [tilespmem:s13+$0x3F20];
	_ =	sdelay $0x4  }
0x9b: {  	[tilespmem:v31+s8+$0x0] =	vst.idx.msk $0xffff, v1  }
0x9c: {  	v1 =	vld [tilespmem:s13+$0x2620];
	_ =	sdelay $0x4  }
0x9d: {  	v1 =	vcvt.s32.f32 v1;
	_ =	sdelay $0x1  }
0x9e: {  	[tilespmem:v32+s8+$0x0] =	vst.idx.msk $0xffff, v1  }
0x9f: {  	v1 =	vld [tilespmem:s13+$0x32B0];
	_ =	sdelay $0x4  }
0xa0: {  	[tilespmem:v33+s8+$0x0] =	vst.idx.msk $0xffff, v1  }
0xa1: {  	v1 =	vld [tilespmem:s13+$0x3F30];
	_ =	sdelay $0x4  }
0xa2: {  	[tilespmem:v34+s8+$0x0] =	vst.idx.msk $0xffff, v1  }
0xa3: {  	v1 =	vld [tilespmem:s13+$0x2630];
	_ =	sdelay $0x4  }
0xa4: {  	v1 =	vcvt.s32.f32 v1;
	_ =	sdelay $0x1  }
0xa5: {  	[tilespmem:v35+s8+$0x0] =	vst.idx.msk $0xffff, v1  }
0xa6: {  	v1 =	vld [tilespmem:s13+$0x32C0];
	_ =	sdelay $0x4  }
0xa7: {  	[tilespmem:v36+s8+$0x0] =	vst.idx.msk $0xffff, v1  }
0xa8: {  	v1 =	vld [tilespmem:s13+$0x3F40];
	_ =	sdelay $0x4  }
0xa9: {  	[tilespmem:v37+s8+$0x0] =	vst.idx.msk $0xffff, v1  }
0xaa: {  	v1 =	vld [tilespmem:s13+$0x2640];
	_ =	sdelay $0x4  }
0xab: {  	v1 =	vcvt.s32.f32 v1;
	_ =	sdelay $0x1  }
0xac: {  	[tilespmem:v38+s8+$0x0] =	vst.idx.msk $0xffff, v1  }
0xad: {  	v1 =	vld [tilespmem:s13+$0x32D0];
	_ =	sdelay $0x4  }
0xae: {  	[tilespmem:v39+s8+$0x0] =	vst.idx.msk $0xffff, v1  }
0xaf: {  	v1 =	vld [tilespmem:s13+$0x3F50];
	_ =	sdelay $0x4  }
0xb0: {  	[tilespmem:v40+s8+$0x0] =	vst.idx.msk $0xffff, v1  }
0xb1: {  	v1 =	vld [tilespmem:s13+$0x2650];
	_ =	sdelay $0x4  }
0xb2: {  	v1 =	vcvt.s32.f32 v1;
	_ =	sdelay $0x1  }
0xb3: {  	[tilespmem:v41+s8+$0x0] =	vst.idx.msk $0xffff, v1  }
0xb4: {  	v1 =	vld [tilespmem:s13+$0x32E0];
	_ =	sdelay $0x4  }
0xb5: {  	[tilespmem:v42+s8+$0x0] =	vst.idx.msk $0xffff, v1  }
0xb6: {  	v1 =	vld [tilespmem:s13+$0x3F60];
	_ =	sdelay $0x4  }
0xb7: {  	[tilespmem:v43+s8+$0x0] =	vst.idx.msk $0xffff, v1  }
0xb8: {  	v1 =	vld [tilespmem:s13+$0x2660];
	_ =	sdelay $0x4  }
0xb9: {  	v1 =	vcvt.s32.f32 v1;
	_ =	sdelay $0x1  }
0xba: {  	[tilespmem:v44+s8+$0x0] =	vst.idx.msk $0xffff, v1  }
0xbb: {  	v1 =	vld [tilespmem:s13+$0x32F0];
	_ =	sdelay $0x4  }
0xbc: {  	[tilespmem:v45+s8+$0x0] =	vst.idx.msk $0xffff, v1  }
0xbd: {  	v1 =	vld [tilespmem:s13+$0x3F70];
	_ =	sdelay $0x4  }
0xbe: {  	[tilespmem:v46+s8+$0x0] =	vst.idx.msk $0xffff, v1  }
0xbf: {  	v1 =	vld [tilespmem:s13+$0x2670];
	_ =	sdelay $0x4  }
0xc0: {  	v1 =	vcvt.s32.f32 v1;
	_ =	sdelay $0x1  }
0xc1: {  	[tilespmem:v47+s8+$0x0] =	vst.idx.msk $0xffff, v1  }
0xc2: {  	v1 =	vld [tilespmem:s13+$0x3300];
	_ =	sdelay $0x4  }
0xc3: {  	[tilespmem:v48+s8+$0x0] =	vst.idx.msk $0xffff, v1  }
0xc4: {  	v1 =	vld [tilespmem:s13+$0x3F80];
	_ =	sdelay $0x4  }
0xc5: {  	[tilespmem:v49+s8+$0x0] =	vst.idx.msk $0xffff, v1  }
0xc6: {  	v1 =	vld [tilespmem:s13+$0x2680];
	_ =	sdelay $0x4  }
0xc7: {  	v1 =	vcvt.s32.f32 v1;
	_ =	sdelay $0x1  }
0xc8: {  	[tilespmem:v50+s8+$0x0] =	vst.idx.msk $0xffff, v1  }
0xc9: {  	v1 =	vld [tilespmem:s13+$0x3310];
	_ =	sdelay $0x4  }
0xca: {  	[tilespmem:v51+s8+$0x0] =	vst.idx.msk $0xffff, v1  }
0xcb: {  	v1 =	vld [tilespmem:s13+$0x3F90];
	_ =	sdelay $0x4  }
0xcc: {  	[tilespmem:v52+s8+$0x0] =	vst.idx.msk $0xffff, v1  }
0xcd: {  	v1 =	vld [tilespmem:s13+$0x2690];
	_ =	sdelay $0x4  }
0xce: {  	v1 =	vcvt.s32.f32 v1;
	_ =	sdelay $0x1  }
0xcf: {  	[tilespmem:v53+s8+$0x0] =	vst.idx.msk $0xffff, v1  }
0xd0: {  	v1 =	vld [tilespmem:s13+$0x3320];
	_ =	sdelay $0x4  }
0xd1: {  	[tilespmem:v54+s8+$0x0] =	vst.idx.msk $0xffff, v1  }
0xd2: {  	v1 =	vld [tilespmem:s13+$0x3FA0];
	_ =	sdelay $0x4  }
0xd3: {  	[tilespmem:v55+s8+$0x0] =	vst.idx.msk $0xffff, v1  }
0xd4: {  	v1 =	vld [tilespmem:s13+$0x26A0];
	_ =	sdelay $0x4  }
0xd5: {  	v1 =	vcvt.s32.f32 v1;
	_ =	sdelay $0x1  }
0xd6: {  	[tilespmem:v56+s8+$0x0] =	vst.idx.msk $0xffff, v1  }
0xd7: {  	v1 =	vld [tilespmem:s13+$0x3330];
	_ =	sdelay $0x4  }
0xd8: {  	[tilespmem:v57+s8+$0x0] =	vst.idx.msk $0xffff, v1  }
0xd9: {  	v1 =	vld [tilespmem:s13+$0x3FB0];
	_ =	sdelay $0x4  }
0xda: {  	[tilespmem:v58+s8+$0x0] =	vst.idx.msk $0xffff, v1  }
0xdb: {  	v1 =	vld [tilespmem:s13+$0x26B0];
	_ =	sdelay $0x4  }
0xdc: {  	v1 =	vcvt.s32.f32 v1;
	_ =	sdelay $0x1  }
0xdd: {  	[tilespmem:v59+s8+$0x0] =	vst.idx.msk $0xffff, v1  }
0xde: {  	v1 =	vld [tilespmem:s13+$0x3340];
	_ =	sdelay $0x4  }
0xdf: {  	[tilespmem:v60+s8+$0x0] =	vst.idx.msk $0xffff, v1  }
0xe0: {  	v1 =	vld [tilespmem:s13+$0x3FC0];
	_ =	sdelay $0x4  }
0xe1: {  	[tilespmem:v61+s8+$0x0] =	vst.idx.msk $0xffff, v1  }
0xe2: {  	v1 =	vld [tilespmem:s13+$0x26C0];
	_ =	sdelay $0x4  }
0xe3: {  	v1 =	vcvt.s32.f32 v1;
	_ =	sdelay $0x1  }
0xe4: {  	[tilespmem:v62+s8+$0x0] =	vst.idx.msk $0xffff, v1  }
0xe5: {  	v1 =	vld [tilespmem:s13+$0x3350];
	_ =	sdelay $0x4  }
0xe6: {  	[tilespmem:v63+s8+$0x0] =	vst.idx.msk $0xffff, v1  }
0xe7: {  	v2 =	vor.u32 $0xA81, v0;
	v1 =	vld [tilespmem:s13+$0x3FD0];
	_ =	sdelay $0x4  }
0xe8: {  	[tilespmem:v2+s8+$0x0] =	vst.idx.msk $0xffff, v1  }
0xe9: {  	v1 =	vld [tilespmem:s13+$0x26D0];
	_ =	sdelay $0x1  }
0xea: {  	v2 =	vor.u32 $0xA82, v0;
	_ =	sdelay $0x2  }
0xeb: {  	v1 =	vcvt.s32.f32 v1;
	_ =	sdelay $0x1  }
0xec: {  	[tilespmem:v2+s8+$0x0] =	vst.idx.msk $0xffff, v1  }
0xed: {  	v2 =	vor.u32 $0xB00, v0;
	v1 =	vld [tilespmem:s13+$0x3360];
	_ =	sdelay $0x4  }
0xee: {  	[tilespmem:v2+s8+$0x0] =	vst.idx.msk $0xffff, v1  }
0xef: {  	v2 =	vor.u32 $0xB01, v0;
	v1 =	vld [tilespmem:s13+$0x3FE0];
	_ =	sdelay $0x4  }
0xf0: {  	[tilespmem:v2+s8+$0x0] =	vst.idx.msk $0xffff, v1  }
0xf1: {  	v1 =	vld [tilespmem:s13+$0x26E0];
	_ =	sdelay $0x1  }
0xf2: {  	v2 =	vor.u32 $0xB02, v0;
	_ =	sdelay $0x2  }
0xf3: {  	v1 =	vcvt.s32.f32 v1;
	_ =	sdelay $0x1  }
0xf4: {  	[tilespmem:v2+s8+$0x0] =	vst.idx.msk $0xffff, v1  }
0xf5: {  	v2 =	vor.u32 $0xB80, v0;
	v1 =	vld [tilespmem:s13+$0x3370];
	_ =	sdelay $0x4  }
0xf6: {  	[tilespmem:v2+s8+$0x0] =	vst.idx.msk $0xffff, v1  }
0xf7: {  	v2 =	vor.u32 $0xB81, v0;
	v1 =	vld [tilespmem:s13+$0x3FF0];
	_ =	sdelay $0x4  }
0xf8: {  	[tilespmem:v2+s8+$0x0] =	vst.idx.msk $0xffff, v1  }
0xf9: {  	v1 =	vld [tilespmem:s13+$0x26F0];
	_ =	sdelay $0x1  }
0xfa: {  	v2 =	vor.u32 $0xB82, v0;
	_ =	sdelay $0x2  }
0xfb: {  	v1 =	vcvt.s32.f32 v1;
	_ =	sdelay $0x1  }
0xfc: {  	[tilespmem:v2+s8+$0x0] =	vst.idx.msk $0xffff, v1  }
0xfd: {  	v2 =	vor.u32 $0xC00, v0;
	v1 =	vld [tilespmem:s13+$0x3380];
	_ =	sdelay $0x4  }
0xfe: {  	[tilespmem:v2+s8+$0x0] =	vst.idx.msk $0xffff, v1  }
0xff: {  	v2 =	vor.u32 $0xC01, v0;
	v1 =	vld [tilespmem:s13+$0x4000];
	_ =	sdelay $0x4  }
0x100: {  	[tilespmem:v2+s8+$0x0] =	vst.idx.msk $0xffff, v1  }
0x101: {  	v1 =	vld [tilespmem:s13+$0x2700];
	_ =	sdelay $0x1  }
0x102: {  	v2 =	vor.u32 $0xC02, v0;
	_ =	sdelay $0x2  }
0x103: {  	v1 =	vcvt.s32.f32 v1;
	_ =	sdelay $0x1  }
0x104: {  	[tilespmem:v2+s8+$0x0] =	vst.idx.msk $0xffff, v1  }
0x105: {  	v2 =	vor.u32 $0xC80, v0;
	v1 =	vld [tilespmem:s13+$0x3390];
	_ =	sdelay $0x4  }
0x106: {  	[tilespmem:v2+s8+$0x0] =	vst.idx.msk $0xffff, v1  }
0x107: {  	v2 =	vor.u32 $0xC81, v0;
	v1 =	vld [tilespmem:s13+$0x4010];
	_ =	sdelay $0x4  }
0x108: {  	[tilespmem:v2+s8+$0x0] =	vst.idx.msk $0xffff, v1  }
0x109: {  	v1 =	vld [tilespmem:s13+$0x2710];
	_ =	sdelay $0x1  }
0x10a: {  	v2 =	vor.u32 $0xC82, v0;
	_ =	sdelay $0x2  }
0x10b: {  	v1 =	vcvt.s32.f32 v1;
	_ =	sdelay $0x1  }
0x10c: {  	[tilespmem:v2+s8+$0x0] =	vst.idx.msk $0xffff, v1  }
0x10d: {  	v2 =	vor.u32 $0xD00, v0;
	v1 =	vld [tilespmem:s13+$0x33A0];
	_ =	sdelay $0x4  }
0x10e: {  	[tilespmem:v2+s8+$0x0] =	vst.idx.msk $0xffff, v1  }
0x10f: {  	v2 =	vor.u32 $0xD01, v0;
	v1 =	vld [tilespmem:s13+$0x4020];
	_ =	sdelay $0x4  }
0x110: {  	[tilespmem:v2+s8+$0x0] =	vst.idx.msk $0xffff, v1  }
0x111: {  	v1 =	vld [tilespmem:s13+$0x2720];
	_ =	sdelay $0x1  }
0x112: {  	v2 =	vor.u32 $0xD02, v0;
	_ =	sdelay $0x2  }
0x113: {  	v1 =	vcvt.s32.f32 v1;
	_ =	sdelay $0x1  }
0x114: {  	[tilespmem:v2+s8+$0x0] =	vst.idx.msk $0xffff, v1  }
0x115: {  	v2 =	vor.u32 $0xD80, v0;
	v1 =	vld [tilespmem:s13+$0x33B0];
	_ =	sdelay $0x4  }
0x116: {  	[tilespmem:v2+s8+$0x0] =	vst.idx.msk $0xffff, v1  }
0x117: {  	v2 =	vor.u32 $0xD81, v0;
	v1 =	vld [tilespmem:s13+$0x4030];
	_ =	sdelay $0x4  }
0x118: {  	[tilespmem:v2+s8+$0x0] =	vst.idx.msk $0xffff, v1  }
0x119: {  	v1 =	vld [tilespmem:s13+$0x2730];
	_ =	sdelay $0x1  }
0x11a: {  	v2 =	vor.u32 $0xD82, v0;
	_ =	sdelay $0x2  }
0x11b: {  	v1 =	vcvt.s32.f32 v1;
	_ =	sdelay $0x1  }
0x11c: {  	[tilespmem:v2+s8+$0x0] =	vst.idx.msk $0xffff, v1  }
0x11d: {  	v2 =	vor.u32 $0xE00, v0;
	v1 =	vld [tilespmem:s13+$0x33C0];
	_ =	sdelay $0x4  }
0x11e: {  	[tilespmem:v2+s8+$0x0] =	vst.idx.msk $0xffff, v1  }
0x11f: {  	v2 =	vor.u32 $0xE01, v0;
	v1 =	vld [tilespmem:s13+$0x4040];
	_ =	sdelay $0x4  }
0x120: {  	[tilespmem:v2+s8+$0x0] =	vst.idx.msk $0xffff, v1  }
0x121: {  	v1 =	vld [tilespmem:s13+$0x2740];
	_ =	sdelay $0x1  }
0x122: {  	v2 =	vor.u32 $0xE02, v0;
	_ =	sdelay $0x2  }
0x123: {  	v1 =	vcvt.s32.f32 v1;
	_ =	sdelay $0x1  }
0x124: {  	[tilespmem:v2+s8+$0x0] =	vst.idx.msk $0xffff, v1  }
0x125: {  	v2 =	vor.u32 $0xE80, v0;
	v1 =	vld [tilespmem:s13+$0x33D0];
	_ =	sdelay $0x4  }
0x126: {  	[tilespmem:v2+s8+$0x0] =	vst.idx.msk $0xffff, v1  }
0x127: {  	v2 =	vor.u32 $0xE81, v0;
	v1 =	vld [tilespmem:s13+$0x4050];
	_ =	sdelay $0x4  }
0x128: {  	[tilespmem:v2+s8+$0x0] =	vst.idx.msk $0xffff, v1  }
0x129: {  	v1 =	vld [tilespmem:s13+$0x2750];
	_ =	sdelay $0x1  }
0x12a: {  	v2 =	vor.u32 $0xE82, v0;
	_ =	sdelay $0x2  }
0x12b: {  	v1 =	vcvt.s32.f32 v1;
	_ =	sdelay $0x1  }
0x12c: {  	[tilespmem:v2+s8+$0x0] =	vst.idx.msk $0xffff, v1  }
0x12d: {  	v2 =	vor.u32 $0xF00, v0;
	v1 =	vld [tilespmem:s13+$0x33E0];
	_ =	sdelay $0x4  }
0x12e: {  	[tilespmem:v2+s8+$0x0] =	vst.idx.msk $0xffff, v1  }
0x12f: {  	v2 =	vor.u32 $0xF01, v0;
	v1 =	vld [tilespmem:s13+$0x4060];
	_ =	sdelay $0x4  }
0x130: {  	[tilespmem:v2+s8+$0x0] =	vst.idx.msk $0xffff, v1  }
0x131: {  	v1 =	vld [tilespmem:s13+$0x2760];
	_ =	sdelay $0x1  }
0x132: {  	v2 =	vor.u32 $0xF02, v0;
	_ =	sdelay $0x2  }
0x133: {  	v1 =	vcvt.s32.f32 v1;
	_ =	sdelay $0x1  }
0x134: {  	[tilespmem:v2+s8+$0x0] =	vst.idx.msk $0xffff, v1  }
0x135: {  	v2 =	vor.u32 $0xF80, v0;
	v1 =	vld [tilespmem:s13+$0x33F0];
	_ =	sdelay $0x4  }
0x136: {  	[tilespmem:v2+s8+$0x0] =	vst.idx.msk $0xffff, v1  }
0x137: {  	v2 =	vor.u32 $0xF81, v0;
	v1 =	vld [tilespmem:s13+$0x4070];
	_ =	sdelay $0x4  }
0x138: {  	[tilespmem:v2+s8+$0x0] =	vst.idx.msk $0xffff, v1  }
0x139: {  	v1 =	vld [tilespmem:s13+$0x2770];
	_ =	sdelay $0x1  }
0x13a: {  	v2 =	vor.u32 $0xF82, v0;
	_ =	sdelay $0x2  }
0x13b: {  	v1 =	vcvt.s32.f32 v1;
	_ =	sdelay $0x1  }
0x13c: {  	[tilespmem:v2+s8+$0x0] =	vst.idx.msk $0xffff, v1  }
0x13d: {  	v2 =	vor.u32 $0x1000, v0;
	v1 =	vld [tilespmem:s13+$0x3400];
	_ =	sdelay $0x4  }
0x13e: {  	[tilespmem:v2+s8+$0x0] =	vst.idx.msk $0xffff, v1  }
0x13f: {  	v2 =	vor.u32 $0x1001, v0;
	v1 =	vld [tilespmem:s13+$0x4080];
	_ =	sdelay $0x4  }
0x140: {  	[tilespmem:v2+s8+$0x0] =	vst.idx.msk $0xffff, v1  }
0x141: {  	v1 =	vld [tilespmem:s13+$0x2780];
	_ =	sdelay $0x1  }
0x142: {  	v2 =	vor.u32 $0x1002, v0;
	_ =	sdelay $0x2  }
0x143: {  	v1 =	vcvt.s32.f32 v1;
	_ =	sdelay $0x1  }
0x144: {  	[tilespmem:v2+s8+$0x0] =	vst.idx.msk $0xffff, v1  }
0x145: {  	v2 =	vor.u32 $0x1080, v0;
	v1 =	vld [tilespmem:s13+$0x3410];
	_ =	sdelay $0x4  }
0x146: {  	[tilespmem:v2+s8+$0x0] =	vst.idx.msk $0xffff, v1  }
0x147: {  	v2 =	vor.u32 $0x1081, v0;
	v1 =	vld [tilespmem:s13+$0x4090];
	_ =	sdelay $0x4  }
0x148: {  	[tilespmem:v2+s8+$0x0] =	vst.idx.msk $0xffff, v1  }
0x149: {  	v1 =	vld [tilespmem:s13+$0x2790];
	_ =	sdelay $0x1  }
0x14a: {  	v2 =	vor.u32 $0x1082, v0;
	_ =	sdelay $0x2  }
0x14b: {  	v1 =	vcvt.s32.f32 v1;
	_ =	sdelay $0x1  }
0x14c: {  	[tilespmem:v2+s8+$0x0] =	vst.idx.msk $0xffff, v1  }
0x14d: {  	v2 =	vor.u32 $0x1100, v0;
	v1 =	vld [tilespmem:s13+$0x3420];
	_ =	sdelay $0x4  }
0x14e: {  	[tilespmem:v2+s8+$0x0] =	vst.idx.msk $0xffff, v1  }
0x14f: {  	v2 =	vor.u32 $0x1101, v0;
	v1 =	vld [tilespmem:s13+$0x40A0];
	_ =	sdelay $0x4  }
0x150: {  	[tilespmem:v2+s8+$0x0] =	vst.idx.msk $0xffff, v1  }
0x151: {  	v1 =	vld [tilespmem:s13+$0x27A0];
	_ =	sdelay $0x1  }
0x152: {  	v2 =	vor.u32 $0x1102, v0;
	_ =	sdelay $0x2  }
0x153: {  	v1 =	vcvt.s32.f32 v1;
	_ =	sdelay $0x1  }
0x154: {  	[tilespmem:v2+s8+$0x0] =	vst.idx.msk $0xffff, v1  }
0x155: {  	v2 =	vor.u32 $0x1180, v0;
	v1 =	vld [tilespmem:s13+$0x3430];
	_ =	sdelay $0x4  }
0x156: {  	[tilespmem:v2+s8+$0x0] =	vst.idx.msk $0xffff, v1  }
0x157: {  	v2 =	vor.u32 $0x1181, v0;
	v1 =	vld [tilespmem:s13+$0x40B0];
	_ =	sdelay $0x4  }
0x158: {  	[tilespmem:v2+s8+$0x0] =	vst.idx.msk $0xffff, v1  }
0x159: {  	v1 =	vld [tilespmem:s13+$0x27B0];
	_ =	sdelay $0x1  }
0x15a: {  	v2 =	vor.u32 $0x1182, v0;
	_ =	sdelay $0x2  }
0x15b: {  	v1 =	vcvt.s32.f32 v1;
	_ =	sdelay $0x1  }
0x15c: {  	[tilespmem:v2+s8+$0x0] =	vst.idx.msk $0xffff, v1  }
0x15d: {  	v2 =	vor.u32 $0x1200, v0;
	v1 =	vld [tilespmem:s13+$0x3440];
	_ =	sdelay $0x4  }
0x15e: {  	[tilespmem:v2+s8+$0x0] =	vst.idx.msk $0xffff, v1  }
0x15f: {  	v2 =	vor.u32 $0x1201, v0;
	v1 =	vld [tilespmem:s13+$0x40C0];
	_ =	sdelay $0x4  }
0x160: {  	[tilespmem:v2+s8+$0x0] =	vst.idx.msk $0xffff, v1  }
0x161: {  	v1 =	vld [tilespmem:s13+$0x27C0];
	_ =	sdelay $0x1  }
0x162: {  	v2 =	vor.u32 $0x1202, v0;
	_ =	sdelay $0x2  }
0x163: {  	v1 =	vcvt.s32.f32 v1;
	_ =	sdelay $0x1  }
0x164: {  	[tilespmem:v2+s8+$0x0] =	vst.idx.msk $0xffff, v1  }
0x165: {  	v2 =	vor.u32 $0x1280, v0;
	v1 =	vld [tilespmem:s13+$0x3450];
	_ =	sdelay $0x4  }
0x166: {  	[tilespmem:v2+s8+$0x0] =	vst.idx.msk $0xffff, v1  }
0x167: {  	v2 =	vor.u32 $0x1281, v0;
	v1 =	vld [tilespmem:s13+$0x40D0];
	_ =	sdelay $0x4  }
0x168: {  	[tilespmem:v2+s8+$0x0] =	vst.idx.msk $0xffff, v1  }
0x169: {  	v1 =	vld [tilespmem:s13+$0x27D0];
	_ =	sdelay $0x1  }
0x16a: {  	v2 =	vor.u32 $0x1282, v0;
	_ =	sdelay $0x2  }
0x16b: {  	v1 =	vcvt.s32.f32 v1;
	_ =	sdelay $0x1  }
0x16c: {  	[tilespmem:v2+s8+$0x0] =	vst.idx.msk $0xffff, v1  }
0x16d: {  	v2 =	vor.u32 $0x1300, v0;
	v1 =	vld [tilespmem:s13+$0x3460];
	_ =	sdelay $0x4  }
0x16e: {  	[tilespmem:v2+s8+$0x0] =	vst.idx.msk $0xffff, v1  }
0x16f: {  	v2 =	vor.u32 $0x1301, v0;
	v1 =	vld [tilespmem:s13+$0x40E0];
	_ =	sdelay $0x4  }
0x170: {  	[tilespmem:v2+s8+$0x0] =	vst.idx.msk $0xffff, v1  }
0x171: {  	v1 =	vld [tilespmem:s13+$0x27E0];
	_ =	sdelay $0x1  }
0x172: {  	v2 =	vor.u32 $0x1302, v0;
	_ =	sdelay $0x2  }
0x173: {  	v1 =	vcvt.s32.f32 v1;
	_ =	sdelay $0x1  }
0x174: {  	[tilespmem:v2+s8+$0x0] =	vst.idx.msk $0xffff, v1  }
0x175: {  	v2 =	vor.u32 $0x1380, v0;
	v1 =	vld [tilespmem:s13+$0x3470];
	_ =	sdelay $0x4  }
0x176: {  	[tilespmem:v2+s8+$0x0] =	vst.idx.msk $0xffff, v1  }
0x177: {  	v2 =	vor.u32 $0x1381, v0;
	v1 =	vld [tilespmem:s13+$0x40F0];
	_ =	sdelay $0x4  }
0x178: {  	[tilespmem:v2+s8+$0x0] =	vst.idx.msk $0xffff, v1  }
0x179: {  	v1 =	vld [tilespmem:s13+$0x27F0];
	_ =	sdelay $0x1  }
0x17a: {  	v2 =	vor.u32 $0x1382, v0;
	_ =	sdelay $0x2  }
0x17b: {  	v1 =	vcvt.s32.f32 v1;
	_ =	sdelay $0x1  }
0x17c: {  	[tilespmem:v2+s8+$0x0] =	vst.idx.msk $0xffff, v1  }
0x17d: {  	_ =	swait.ge [sflag:s11], $0x1000  }
0x17e: {  	[sflag:s11] =	ssyncset.done $0x0  }
0x17f: {  	[sflag:s11] =	ssyncadd.s32 $0xFFFFF000  }
0x180: {  	_ =	swait.ge [sflag:s11], $0x1000  }
0x181: {  	[sflag:s11] =	ssyncset.done $0x0  }
0x182: {  	[sflag:s11] =	ssyncadd.s32 $0xFFFFF000  }
0x183: {  	_ =	swait.ge [sflag:s11], $0x1000  }
0x184: {  	[sflag:s11] =	ssyncset.done $0x0  }
0x185: {  	[sflag:s11] =	ssyncadd.s32 $0xFFFFF000  }
0x186: {  	_ =	swait.ge [sflag:s11], $0x1000  }
0x187: {  	[sflag:s11] =	ssyncset.done $0x0  }
0x188: {  	[sflag:s11] =	ssyncadd.s32 $0xFFFFF000  }
0x189: {  	_ =	swait.ge [sflag:s11], $0x1000  }
0x18a: {  	[sflag:s11] =	ssyncset.done $0x0  }
0x18b: {  	[sflag:s11] =	ssyncadd.s32 $0xFFFFF000  }
0x18c: {  	_ =	swait.ge [sflag:s11], $0x1000  }
0x18d: {  	[sflag:s11] =	ssyncset.done $0x0  }
0x18e: {  	[sflag:s11] =	ssyncadd.s32 $0xFFFFF000  }
0x18f: {  	_ =	swait.ge [sflag:s11], $0x1000  }
0x190: {  	[sflag:s11] =	ssyncset.done $0x0  }
0x191: {  	[sflag:s11] =	ssyncadd.s32 $0xFFFFF000  }
0x192: {  	_ =	swait.ge [sflag:s11], $0x1000  }
0x193: {  	[sflag:s11] =	ssyncset.done $0x0  }
0x194: {  	[sflag:s11] =	ssyncadd.s32 $0xFFFFF000  }
0x195: {  	_ =	swait.ge [sflag:s11], $0x1000  }
0x196: {  	[sflag:s11] =	ssyncset.done $0x0  }
0x197: {  	[sflag:s11] =	ssyncadd.s32 $0xFFFFF000  }
0x198: {  	_ =	swait.ge [sflag:s11], $0x1000  }
0x199: {  	[sflag:s11] =	ssyncset.done $0x0  }
0x19a: {  	[sflag:s11] =	ssyncadd.s32 $0xFFFFF000  }
0x19b: {  	_ =	swait.ge [sflag:s11], $0x1000  }
0x19c: {  	[sflag:s11] =	ssyncset.done $0x0  }
0x19d: {  	[sflag:s11] =	ssyncadd.s32 $0xFFFFF000  }
0x19e: {  	_ =	swait.ge [sflag:s11], $0x1000  }
0x19f: {  	[sflag:s11] =	ssyncset.done $0x0  }
0x1a0: {  	[sflag:s11] =	ssyncadd.s32 $0xFFFFF000  }
0x1a1: {  	_ =	swait.ge [sflag:s11], $0x1000  }
0x1a2: {  	[sflag:s11] =	ssyncset.done $0x0  }
0x1a3: {  	[sflag:s11] =	ssyncadd.s32 $0xFFFFF000  }
0x1a4: {  	_ =	swait.ge [sflag:s11], $0x1000  }
0x1a5: {  	[sflag:s11] =	ssyncset.done $0x0  }
0x1a6: {  	[sflag:s11] =	ssyncadd.s32 $0xFFFFF000  }
0x1a7: {  	s13 =	sadd.s32 s4, s13;
	_ =	swait.ge [sflag:s11], $0x1000  }
0x1a8: {  	s13 =	sshll.u32 s13, $0x4;
	[sflag:s11] =	ssyncset.done $0x0  }
0x1a9: {  	s29 =	sadd.s32 s7, s13;
	[sflag:s11] =	ssyncadd.s32 $0xFFFFF000  }
0x1aa: {  	[hbm4b:s29+s12] =	stream.strided.scatter [tilespmem:s25], [sflag:$0x2], $0x5000, s24, s12, $0x38;
	[tilespmem:$0x14F00] =	vst v63  }
0x1ab: {  	_ =	swait.ge [sflag:s18], $0x5000  }
0x1ac: {  	[sflag:s18] =	ssyncset.done $0x0  }
0x1ad: {  	s29 =	sadd.s32 s13, s14;
	[sflag:s18] =	ssyncadd.s32 $0xFFFFB000  }
0x1ae: {  	[hbm4b:s29+s12] =	stream.strided.scatter [tilespmem:s26], [sflag:$0x2], $0x5000, s24, s12, $0x38;
	[tilespmem:$0x14F00] =	vst v63  }
0x1af: {  	_ =	swait.ge [sflag:s18], $0x5000  }
0x1b0: {  	[sflag:s18] =	ssyncset.done $0x0  }
0x1b1: {  	s29 =	sadd.s32 s13, s15;
	[sflag:s18] =	ssyncadd.s32 $0xFFFFB000  }
0x1b2: {  	[hbm4b:s29+s12] =	stream.strided.scatter [tilespmem:s28], [sflag:$0x2], $0x5000, s24, s12, $0x38;
	[tilespmem:$0x14F00] =	vst v63  }
0x1b3: {  	_ =	swait.ge [sflag:s18], $0x5000  }
0x1b4: {  	s30 =	simm.s32 $0x13B08;
	s13 =	sadd.s32 s13, s16;
	[sflag:s18] =	ssyncset.done $0x0  }
0x1b5: {  	s31 =	sadd.s32 $0x0, s13;
	s29 =	simm.s32 $0x10;
	[sflag:s18] =	ssyncadd.s32 $0xFFFFB000  }
.LBB2_3:
0x1b6: {  	[hbm4b:s31+s2] =	stream.linear.scatter [tilespmem:s8], [sflag:$0x2], $0x4, $0x38;
	[tilespmem:$0x14F00] =	vst v63  }
0x1b7: {  	s31 =	smov.u32 s29;
	s8 =	smov.u32 s30;
	p0 =	sne.s32 s29, $0x27F0  }
.Ltmp0:
0x1b8: {  	s29 =	sadd.s32 $0x10, s29;
	(pc) =	sbr.rel @p0 .LBB2_3-.Ltmp0, $2  }
0x1b9: {  	_ =	sdelay $0x2  }
0x1ba: {  	s30 =	sadd.s32 $0x8, s30;
	s31 =	sadd.s32 s31, s13  }
0x1bb: {  	s17 =	sadd.s32 $0x1, s17  }
0x1bc: {  	p0 =	sne.s32 s17, $0x5  }
.Ltmp1:
0x1bd: {  	_ = 	snop;
	(pc) =	sbr.rel @p0 .LBB2_2-.Ltmp1, $4  }
0x1be: {  	[hbm4b:s31+s2] =	stream.linear.scatter [tilespmem:s8], [sflag:$0x2], $0x4, $0x38;
	[tilespmem:$0x14F00] =	vst v63  }
0x1bf: {  	_ =	swait.ge [sflag:s18], $0xA00  }
0x1c0: {  	[sflag:s18] =	ssyncset.done $0x0  }
0x1c1: {  	[sflag:s18] =	ssyncadd.s32 $0xFFFFF600  }
0x1c2: {  	s13 =	rddreg [dreg:$0x9]  }
0x1c3: {  	s8 =	rddreg [dreg:$0x8];
	s13 =	sadd.s32 $0x1, s13  }
0x1c4: {  	p0 =	sne.s32 s13, s8  }
.Ltmp2:
0x1c5: {  	_ = 	snop;
	(pc) =	sbr.rel @p0 .LBB2_1-.Ltmp2, $1  }
0x1c6: {  	_ =	sdelay $0x3  }
0x1c7: {  	_ =	sfence.sel $0x180000  }
0x1c8: {  	[bflag:$0x0] =	sbarrier.arrive $0xFFFF  }
0x1c9: {  	_ =	strace $0x90000047  }
0x1ca: {  	s0 =	stileid.u32;
	[bflag:$0x2] =	sbarrier.arrive $0xFFFF  }
0x1cb: {  	p0 =	sne.s32 s0, $0x0;
	s0 =	rddreg [dreg:$0x1]  }
0x1cc: {  	s0 =	sadd.s32 @!p0 $0x100000, s0  }
0x1cd: {  	[sflag:s0] =	ssyncadd.tile.s32 @!p0 $0x1;
	_ =	shalt  }
.Lfunc_end2:
_tile_overlayer_lowered:
.L_overlay_start_2:
0x1ce: {  	(tag) =	ssettag $0x2  }
0x1cf: {  	s0 =	rddreg [dreg:$0x0];
	s2 =	stileid.u32  }
0x1d0: {  	s1 =	rddreg [dreg:$0x1];
	p0 =	sne.s32 s2, $0x0  }
0x1d1: {  	s3 =	rddreg [dreg:$0x2];
	[bflag:$0x3] =	sbarrier.arrive $0xFFFF;
	s2 =	simm.s32 @!p0 $0x1C02  }
0x1d2: {  	[timem:s3], [sflag:s2] =	dma.local @!p0 [hbm:s0], s1  }
0x1d3: {  	s0 =	simm.s32 @!p0 $0x2  }
0x1d4: {  	_ =	swait.ge @!p0 [sflag:s0], s1  }
0x1d5: {  	s1 =	ssub.s32 @!p0 $0x0, s1;
	[sflag:s0] =	ssyncset.done @!p0 $0x0  }
0x1d6: {  	[sflag:s0] =	ssyncadd.s32 @!p0 s1  }
0x1d7: {  	[bflag:$0x3] =	sbarrier.arrive $0xFFFF  }
0x1d8: {  	_ =	shalt  }

// kernel: kernel.9.cloned.1.call-start
scs
__scs_entry_jumppad:
0x0: {  	(pc) =	sbr.rel $0x88, $3  }
0x1: {  	(tag) =	ssettag $0x0;
	lr =	simm.s32 $0x1  }
0x2: {  	[smem:$0x3F95] =	sst lr;
	_ =	strace $0xD0000000  }
0x3: {  	_ = 	snop  }
0x4: {  	_ = 	snop  }
0x5: {  	_ = 	snop  }
0x6: {  	_ = 	snop  }
0x7: {  	_ = 	snop  }
__scs_overlays_trampoline_lowered:
0x8: {  	[smem:$0x3FA4] =	sst s0  }
0x9: {  	[smem:$0x3FA5] =	sst s1  }
0xa: {  	[smem:$0x3FA6] =	sst s2  }
0xb: {  	[smem:$0x3FA7] =	sst s3  }
0xc: {  	[smem:$0x3FA8] =	sst s4  }
0xd: {  	[smem:$0x3FA9] =	sst s5  }
0xe: {  	[smem:$0x3FAA] =	sst s6  }
0xf: {  	[smem:$0x3FAB] =	sst s7  }
0x10: {  	[smem:$0x3FAC] =	sst s8  }
0x11: {  	[smem:$0x3FAD] =	sst s9;
	s0 =	simm.s32 @!p0 $0x0  }
0x12: {  	s1 =	sld [smem:$0x3F93];
	s0 =	simm.s32 @p0 $0x1  }
0x13: {  	[smem:$0x3FAE] =	sst s0;
	s0 =	simm.s32 @!p1 $0x0  }
0x14: {  	s2 =	sld [smem:$0x3F92];
	s0 =	simm.s32 @p1 $0x1  }
0x15: {  	[smem:$0x3FAF] =	sst s0;
	s0 =	simm.s32 @!p2 $0x0  }
0x16: {  	s3 =	sld [smem:$0x3FDB];
	s0 =	simm.s32 @p2 $0x1  }
0x17: {  	s4 =	simm.s32 $0x1BF5;
	[smem:$0x3FB1] =	sst s0  }
0x18: {  	s0 =	sld [smem:$0x3F94];
	_ =	swait.ge [sflag:s4], $0x0  }
0x19: {  	s7 =	sld [smem:$0x3F95]  }
0x1a: {  	s8 =	sadd.s32 $0xFFFFE003, lr  }
0x1b: {  	s9 =	sadd.s32 $0xFFFFFEF7, lr;
	s5 =	simm.s32 $0xFFFFFFFF;
	p2 =	slt.u32 s8, $0xFFFFF086  }
0x1c: {  	p1 =	slt.u32 s9, $0xF7A;
	s5 =	simm.s32 @!p2 $0x0  }
0x1d: {  	s5 =	simm.s32 @p1 $0x1;
	p0 =	seq.s32 s7, s2  }
0x1e: {  	s7 =	smul.u32 @!p0 $0xF7A, s2;
	p2 =	seq.s32 @!p0 s5, $0x0  }
0x1f: {  	s9 =	smul.u32 $0xF7A, s1;
	s8 =	simm.s32 @!p0 $0x1BF5;
	p2 =	por !p2, p0  }
0x20: {  	[sflag:s8] =	ssyncset.s32 @!p0 $0xFFFFF086;
	s6 =	sadd.s32 @!p0 s3, s7;
	s7 =	simm.s32 @!p0 $0x108  }
0x21: {  	s3 =	sadd.s32 s3, s9;
	s6 =	sadd.s32 @!p0 $0x88, s6;
	s7 =	simm.s32 @p2 $0x1082  }
0x22: {  	[simem:s7], [sflag:s8] =	dma.local @!p0 [hbm:s6], $0xF7A  }
0x23: {  	s9 =	sor.u32 $0xD0000000, s2;
	s6 =	simm.s32 $0x108;
	_ =	swait.ge @!p0 [sflag:s8], $0x0  }
0x24: {  	s3 =	sadd.s32 $0x88, s3;
	s6 =	simm.s32 @!p1 $0x1082;
	[sflag:s4] =	ssyncset.s32 $0xFFFFF086  }
0x25: {  	[simem:s6], [sflag:s4] =	dma.local [hbm:s3], $0xF7A  }
0x26: {  	[smem:$0x3F95] =	sst s1;
	(tag) =	ssettag s2;
	_ =	strace s9  }
0x27: {  	s1 =	sld [smem:$0x3FA5]  }
0x28: {  	s2 =	sld [smem:$0x3FA6]  }
0x29: {  	s4 =	sld [smem:$0x3FA8]  }
0x2a: {  	p0 =	seq.s32 s5, $0x0;
	s5 =	sld [smem:$0x3FA9]  }
0x2b: {  	s6 =	sld [smem:$0x3FAA]  }
0x2c: {  	s7 =	sld [smem:$0x3FAB]  }
0x2d: {  	s3 =	simm.s32 $0x108;
	s8 =	sld [smem:$0x3FAC]  }
0x2e: {  	s3 =	simm.s32 @!p0 $0x1082;
	s9 =	sld [smem:$0x3FAD]  }
0x2f: {  	lr =	sadd.s32 s0, s3;
	s0 =	sld [smem:$0x3FA4]  }
0x30: {  	s3 =	sld [smem:$0x3FA7]  }
0x31: {  	[smem:$0x3FB0] =	sst s10  }
0x32: {  	s10 =	sld [smem:$0x3FAE];
	_ =	sdelay $0x3  }
0x33: {  	p0 =	seq.s32 s10, $0x1;
	s10 =	sld [smem:$0x3FB0];
	_ =	sdelay $0x3  }
0x34: {  	[smem:$0x3FB0] =	sst s10  }
0x35: {  	s10 =	sld [smem:$0x3FAF];
	_ =	sdelay $0x3  }
0x36: {  	p1 =	seq.s32 s10, $0x1;
	s10 =	sld [smem:$0x3FB0];
	_ =	sdelay $0x3  }
0x37: {  	[smem:$0x3FB0] =	sst s10  }
0x38: {  	s10 =	sld [smem:$0x3FB1]  }
0x39: {  	_ = 	snop;
	(pc) =	sbr.ind lr, $3  }
0x3a: {  	_ = 	snop  }
0x3b: {  	_ = 	snop  }
0x3c: {  	p2 =	seq.s32 s10, $0x1;
	s10 =	sld [smem:$0x3FB0]  }
0x3d: {  	_ =	shalt  }
0x3e: {  	_ =	shalt  }
0x3f: {  	_ =	shalt  }
0x40: {  	_ =	shalt  }
0x41: {  	_ =	shalt  }
0x42: {  	_ =	shalt  }
0x43: {  	_ =	shalt  }
0x44: {  	_ =	shalt  }
0x45: {  	_ =	shalt  }
0x46: {  	_ =	shalt  }
0x47: {  	_ =	shalt  }
0x48: {  	_ =	shalt  }
0x49: {  	_ =	shalt  }
0x4a: {  	_ =	shalt  }
0x4b: {  	_ =	shalt  }
0x4c: {  	_ =	shalt  }
0x4d: {  	_ =	shalt  }
0x4e: {  	_ =	shalt  }
0x4f: {  	_ =	shalt  }
0x50: {  	_ =	shalt  }
0x51: {  	_ =	shalt  }
0x52: {  	_ =	shalt  }
0x53: {  	_ =	shalt  }
0x54: {  	_ =	shalt  }
0x55: {  	_ =	shalt  }
0x56: {  	_ =	shalt  }
0x57: {  	_ =	shalt  }
0x58: {  	_ =	shalt  }
0x59: {  	_ =	shalt  }
0x5a: {  	_ =	shalt  }
0x5b: {  	_ =	shalt  }
0x5c: {  	_ =	shalt  }
0x5d: {  	_ =	shalt  }
0x5e: {  	_ =	shalt  }
0x5f: {  	_ =	shalt  }
0x60: {  	_ =	shalt  }
0x61: {  	_ =	shalt  }
0x62: {  	_ =	shalt  }
0x63: {  	_ =	shalt  }
0x64: {  	_ =	shalt  }
0x65: {  	_ =	shalt  }
0x66: {  	_ =	shalt  }
0x67: {  	_ =	shalt  }
0x68: {  	_ =	shalt  }
0x69: {  	_ =	shalt  }
0x6a: {  	_ =	shalt  }
0x6b: {  	_ =	shalt  }
0x6c: {  	_ =	shalt  }
0x6d: {  	_ =	shalt  }
0x6e: {  	_ =	shalt  }
0x6f: {  	_ =	shalt  }
0x70: {  	_ =	shalt  }
0x71: {  	_ =	shalt  }
0x72: {  	_ =	shalt  }
0x73: {  	_ =	shalt  }
0x74: {  	_ =	shalt  }
0x75: {  	_ =	shalt  }
0x76: {  	_ =	shalt  }
0x77: {  	_ =	shalt  }
0x78: {  	_ =	shalt  }
0x79: {  	_ =	shalt  }
0x7a: {  	_ =	shalt  }
0x7b: {  	_ =	shalt  }
0x7c: {  	_ =	shalt  }
0x7d: {  	_ =	shalt  }
0x7e: {  	_ =	shalt  }
0x7f: {  	_ =	shalt  }
0x80: {  	_ =	shalt  }
0x81: {  	_ =	shalt  }
0x82: {  	_ =	shalt  }
0x83: {  	_ =	shalt  }
0x84: {  	_ =	shalt  }
0x85: {  	_ =	shalt  }
0x86: {  	_ =	shalt  }
0x87: {  	_ =	shalt  }
.Lfunc_end0:
.L_simem_size_0:
called_computation.1_lowered:
.L_overlay_start_0:
0x88: {  	s2 =	sld [smem:$0x3FD9]  }
0x89: {  	s3 =	sld [smem:$0x3FFE];
	_ =	sdelay $0x1  }
0x8a: {  	s1 =	srdreg.scid  }
0x8b: {  	s0 =	sand.u32 $0x1, s1  }
0x8c: {  	s17 =	sshll.u32 s0, $0xA;
	s2 =	sadd.s32 s3, s2  }
0x8d: {  	s2 =	sadd.s32 s2, s17  }
0x8e: {  	[smem:$0x3FBC] =	sst s2  }
0x8f: {  	_ = 	snop  }
0x90: {  	s18 =	sld [smem:$0x3FD0];
	(tm) =	ssettm $0x1  }
0x91: {  	s19 =	sld [smem:$0x3FFB];
	_ =	sdelay $0x3  }
0x92: {  	_ =	strace s19  }
0x93: {  	s2 =	sld [smem:$0x3FFC];
	_ =	sdelay $0x3  }
0x94: {  	_ =	strace s2  }
0x95: {  	s2 =	sld [smem:$0x3FFD];
	_ =	sdelay $0x3  }
0x96: {  	_ =	strace s2  }
0x97: {  	_ =	strace $0x8FFFFFFF  }
0x98: {  	s20 =	sld [smem:$0x3FDB];
	_ =	sdelay $0x1  }
0x99: {  	s4 =	simm.s32 $_scs_section_size  }
0x9a: {  	s5 =	simm.s32 $_size__tile_overlayer_lowered;
	s6 =	simm.s32 $_tile_overlayer_lowered  }
0x9b: {  	s7 =	simm.s32 $0x1BFF;
	s21 =	sshll.u32 s6, $0x1;
	s4 =	sadd.s32 s4, s20  }
0x9c: {  	s22 =	simm.s32 $0x0;
	s5 =	sshll.u32 s5, $0x1;
	s6 =	sadd.s32 s21, s4  }
0x9d: {  	[timem:s22], [sflag:s7] =	dma.local [hbm:s6], s5  }
0x9e: {  	_ =	swait.ge [sflag:s7], s5  }
0x9f: {  	s5 =	ssub.s32 $0x0, s5;
	[sflag:s7] =	ssyncset.done $0x0  }
0xa0: {  	[sflag:s7] =	ssyncadd.s32 s5;
	_ =	sdelay $0x1  }
0xa1: {  	s23 =	simm.s32 $0x1B8B  }
0xa2: {  	_ =	swait.ge [sflag:s23], $0x1  }
0xa3: {  	[sflag:s23] =	ssyncset.done $0x0  }
0xa4: {  	[sflag:s23] =	ssyncadd.s32 $0xFFFFFFFF  }
0xa5: {  	s5 =	sld [smem:$0x0]  }
0xa6: {  	s6 =	sand.u32 $0xFFFFFFFE, s1  }
0xa7: {  	p0 =	sne.s32 s1, s6  }
0xa8: {  	s6 =	sshll.u32 @p0 s6, $0xE  }
0xa9: {  	s6 =	sadd.s32 @p0 $0x11B8D, s6;
	s7 =	sshll.u32 @p0 s5, $0x11  }
0xaa: {  	s6 =	sor.u32 @p0 s7, s6  }
0xab: {  	[sflag:s6] =	ssyncadd.remote.s32 @p0 $0x1;
	_ =	sdelay $0x1  }
0xac: {  	s6 =	simm.s32 @p0 $0x1B8D  }
0xad: {  	_ =	swait.eq @p0 [sflag:s6], $0x1  }
0xae: {  	[sflag:s6] =	ssyncadd.s32 @p0 $0xFFFFFFFF  }
0xaf: {  	s7 =	sshll.u32 @!p0 s1, $0xE  }
0xb0: {  	s7 =	sor.u32 @!p0 $0x4000, s7;
	s6 =	simm.s32 @!p0 $0x1B8D  }
0xb1: {  	s5 =	sshll.u32 @!p0 s5, $0x11;
	s7 =	sadd.s32 @!p0 $0x11B8D, s7;
	_ =	swait.eq @!p0 [sflag:s6], $0x1  }
0xb2: {  	s5 =	sor.u32 @!p0 s5, s7;
	[sflag:s6] =	ssyncadd.s32 @!p0 $0xFFFFFFFF  }
0xb3: {  	s25 =	simm.s32 $0x1B8E;
	s24 =	sld [smem:$0x3FFE];
	[sflag:s5] =	ssyncadd.remote.s32 @!p0 $0x1  }
0xb4: {  	s26 =	simm.s32 $execute0_lowered;
	[smem:$0x3FD2] =	sst s25  }
0xb5: {  	s6 =	sshll.u32 s26, $0x1;
	_ =	strace $0x80000049;
	[dreg:$0x1] =	wrdreg $0xFFFFFFFF  }
0xb6: {  	s28 =	simm.s32 $_size_execute0_lowered;
	s4 =	sadd.s32 s4, s6;
	[dreg:$0x0] =	wrdreg $0x0  }
0xb7: {  	s6 =	sshll.u32 s28, $0x1;
	[dreg:$0x2] =	wrdreg s4  }
0xb8: {  	[dreg:$0x3] =	wrdreg s6  }
0xb9: {  	[dreg:$0x4] =	wrdreg $0xC0  }
0xba: {  	_ =	task [dreg:s22], $0x5FFFF  }
0xbb: {  	[dreg:$0x1] =	wrdreg $0xFFFFFFFF  }
0xbc: {  	[dreg:$0x0] =	wrdreg $0x60  }
0xbd: {  	[dreg:$0x2] =	wrdreg s24  }
0xbe: {  	[dreg:$0x3] =	wrdreg s18  }
0xbf: {  	[dreg:$0x4] =	wrdreg $0xA  }
0xc0: {  	_ =	task.clear_ibuf [dreg:s22], $0x5FFFF;
	_ =	strace $0x90000049  }
0xc1: {  	s29 =	simm.s32 $0xA;
	_ =	strace $0x8000004B  }
0xc2: {  	_ =	swait.ge [sflag:s29], $0x1  }
0xc3: {  	[sflag:s29] =	ssyncadd.s32 $0xFFFFFFFF  }
0xc4: {  	_ =	strace $0x9000004B  }
0xc5: {  	_ =	sfence  }
0xc6: {  	s30 =	sld [smem:$0x0];
	_ =	sdelay $0x2  }
0xc7: {  	s31 =	sshll.u32 s1, $0xD;
	s1 =	sshrl.u32 s1, $0x2  }
0xc8: {  	s4 =	sand.u32 $0x4000, s31;
	s1 =	sadd.s32 s1, s30  }
0xc9: {  	s0 =	sor.u32 s4, s0;
	s1 =	sshll.u32 s1, $0x11  }
0xca: {  	s0 =	sor.u32 s1, s0  }
0xcb: {  	s0 =	sadd.s32 $0x8F2B, s0  }
0xcc: {  	[sflag:s0] =	ssyncadd.remote.s32 $0x1  }
0xcd: {  	_ =	sfence.sel $0xFFFF  }
0xce: {  	[dreg:$0x0] =	wrdreg $0xFFFFFFFF;
	(pc) =	sbr.abs _section_cstart, $3  }
0xcf: {  	[dreg:$0x1] =	wrdreg $0xFFFFFFFF  }
0xd0: {  	_ =	task.clear_ibuf [dreg:s22], $0x2FFFF;
	_ =	strace $0x9FFFFFFF  }
0xd1: {  	(tm) =	ssettm $0x7FFFFFFF  }
tec
execute0_lowered:
.L_overlay_start_1:
0x0: {  	(tag) =	ssettag $0x1  }
0x1: {  	v0 =	vlaneseq.u32  }
0x2: {  	v0 =	vmul.u32 $0x8, v0;
	_ =	sdelay $0x1  }
0x3: {  	v1 =	vor.u32 $0x1, v0;
	v3 =	vor.u32 $0x80, v0;
	v4 =	vor.u32 $0x81, v0  }
0x4: {  	s0 =	rddreg [dreg:$0x0];
	v5 =	vor.u32 $0x82, v0;
	v6 =	vor.u32 $0x100, v0;
	v7 =	vor.u32 $0x101, v0  }
0x5: {  	s11 =	rddreg [dreg:$0x1];
	s3 =	simm.s32 $0x0;
	s1 =	srdreg.scid;
	v8 =	vor.u32 $0x102, v0;
	v9 =	vor.u32 $0x180, v0;
	v10 =	vor.u32 $0x181, v0  }
0x6: {  	s2 =	stileid.u32;
	s18 =	simm.s32 $0x2;
	s28 =	simm.s32 $0xEB00;
	v11 =	vor.u32 $0x182, v0;
	v12 =	vor.u32 $0x200, v0;
	v13 =	vor.u32 $0x201, v0  }
0x7: {  	s31 =	simm.s32 $0xFB00;
	s19 =	simm.s32 $0x10B00;
	s20 =	simm.s32 $0x7B00;
	v14 =	vor.u32 $0x202, v0;
	v15 =	vor.u32 $0x280, v0;
	v16 =	vor.u32 $0x281, v0  }
0x8: {  	s21 =	simm.s32 $0xCB00;
	s22 =	simm.s32 $0x11B00;
	s23 =	simm.s32 $0x8B00;
	v17 =	vor.u32 $0x282, v0;
	v18 =	vor.u32 $0x300, v0;
	v19 =	vor.u32 $0x301, v0  }
0x9: {  	[smem:$0x7FF] =	sst s3;
	s1 =	sand.u32 $0x1, s1;
	s2 =	sshll.u32 s2, $0x1;
	v20 =	vor.u32 $0x302, v0;
	v21 =	vor.u32 $0x380, v0;
	v22 =	vor.u32 $0x381, v0  }
0xa: {  	s4 =	sadd.s32 $0x3A00, s0;
	s5 =	sadd.s32 $0x65600, s0;
	s7 =	sadd.s32 $0x2A00, s0;
	v23 =	vor.u32 $0x382, v0;
	v24 =	vor.u32 $0x400, v0;
	v25 =	vor.u32 $0x401, v0  }
0xb: {  	s24 =	sadd.s32 $0xD3A00, s0;
	s0 =	sadd.s32 $0xC7200, s0;
	s2 =	sor.u32 s1, s2;
	v26 =	vor.u32 $0x402, v0;
	v27 =	vor.u32 $0x480, v0;
	v28 =	vor.u32 $0x481, v0  }
0xc: {  	s14 =	sadd.s32 $0x4, s11;
	s1 =	ssub.s32 $0x2, s1;
	s6 =	smul.u32 $0xC80, s2;
	v29 =	vor.u32 $0x482, v0;
	v30 =	vor.u32 $0x500, v0;
	v31 =	vor.u32 $0x501, v0  }
0xd: {  	s15 =	sadd.s32 $0x8, s11;
	s16 =	sadd.s32 $0xC, s11;
	s8 =	sshrl.u32 s1, $0x1;
	v32 =	vor.u32 $0x502, v0;
	v33 =	vor.u32 $0x580, v0;
	[tilespmem:$0x1FFE0] =	vst v1;
	v1 =	vor.u32 $0x2, v0  }
0xe: {  	s11 =	simm.s32 $0x20;
	v34 =	vor.u32 $0x581, v0;
	v35 =	vor.u32 $0x582, v0;
	v36 =	vor.u32 $0x600, v0;
	s1 =	ssub.s32 s1, s8;
	[tilespmem:$0x1FFF0] =	vst v1;
	s9 =	sshrl.u32 s6, $0x3  }
0xf: {  	v37 =	vor.u32 $0x601, v0;
	v38 =	vor.u32 $0x602, v0;
	v39 =	vor.u32 $0x680, v0;
	s30 =	smax.u32 s1, $0x1;
	_ =	strace $0x8000004A;
	s25 =	sadd.s32 $0x3200, s9  }
0x10: {  	v40 =	vor.u32 $0x681, v0;
	v41 =	vor.u32 $0x682, v0;
	v42 =	vor.u32 $0x700, v0;
	s10 =	sadd.s32 $0x9600, s9;
	[dreg:$0x9] =	wrdreg s30;
	s12 =	sadd.s32 s24, s25  }
0x11: {  	v43 =	vor.u32 $0x701, v0;
	v44 =	vor.u32 $0x702, v0;
	v45 =	vor.u32 $0x780, v0;
	s2 =	sadd.s32 s24, s9;
	s26 =	sadd.s32 s24, s10;
	[dreg:$0x3] =	wrdreg s12  }
0x12: {  	v46 =	vor.u32 $0x781, v0;
	v47 =	vor.u32 $0x782, v0;
	v48 =	vor.u32 $0x800, v0;
	s8 =	simm.s32 $0xDB00;
	s9 =	sadd.s32 $0xFA00, s2;
	[dreg:$0x4] =	wrdreg s26  }
0x13: {  	v49 =	vor.u32 $0x801, v0;
	v50 =	vor.u32 $0x802, v0;
	v51 =	vor.u32 $0x880, v0;
	s2 =	sadd.s32 $0x15E00, s2;
	s29 =	sadd.s32 s0, s25;
	[dreg:$0x5] =	wrdreg s9  }
0x14: {  	v52 =	vor.u32 $0x881, v0;
	v53 =	vor.u32 $0x882, v0;
	v54 =	vor.u32 $0x900, v0;
	s0 =	sadd.s32 s0, s10;
	s24 =	simm.s32 $0x80;
	[dreg:$0x6] =	wrdreg s2  }
0x15: {  	v55 =	vor.u32 $0x901, v0;
	v56 =	vor.u32 $0x902, v0;
	v57 =	vor.u32 $0x980, v0;
	s25 =	simm.s32 $0x4B00;
	s10 =	simm.s32 $0x1;
	[dreg:$0x7] =	wrdreg s29  }
0x16: {  	v58 =	vor.u32 $0x981, v0;
	v59 =	vor.u32 $0x982, v0;
	v60 =	vor.u32 $0xA00, v0;
	[dreg:$0x8] =	wrdreg s0;
	s26 =	simm.s32 $0x9B00;
	s0 =	simm.s32 $0x6B00  }
0x17: {  	v61 =	vor.u32 $0xA01, v0;
	v62 =	vor.u32 $0xA02, v0;
	v63 =	vor.u32 $0xA80, v0;
	s2 =	simm.s32 $0xBB00;
	s9 =	simm.s32 $0x12B00;
	s12 =	simm.s32 $0x0  }
.LBB2_1:
0x18: {  	[dreg:$0xa] =	wrdreg s12  }
0x19: {  	s1 =	rddreg [dreg:$0x3]  }
0x1a: {  	[tilespmem:s3], [sflag:$0x2] =	stream.linear.gather [hbm4b:s1+s3], $0xC80, $0x38;
	[tilespmem:$0x14F00] =	vst v63  }
0x1b: {  	_ =	swait.ge [sflag:s18], $0xC80  }
0x1c: {  	[sflag:s18] =	ssyncset.done $0x0  }
0x1d: {  	s30 =	simm.s32 $0xC80;
	s29 =	rddreg [dreg:$0x4];
	[sflag:s18] =	ssyncadd.s32 $0xFFFFF380  }
0x1e: {  	[tilespmem:s30], [sflag:$0x2] =	stream.linear.gather [hbm4b:s29+s3], $0xC80, $0x38;
	[tilespmem:$0x14F00] =	vst v63  }
0x1f: {  	_ =	swait.ge [sflag:s18], $0xC80  }
0x20: {  	[sflag:s18] =	ssyncset.done $0x0  }
0x21: {  	s17 =	simm.s32 $0x1900;
	s13 =	rddreg [dreg:$0x5];
	[sflag:s18] =	ssyncadd.s32 $0xFFFFF380  }
0x22: {  	[tilespmem:s17], [sflag:$0x2] =	stream.linear.gather [hbm4b:s13+s3], $0xC80, $0x38;
	[tilespmem:$0x14F00] =	vst v63  }
0x23: {  	_ =	swait.ge [sflag:s18], $0xC80  }
0x24: {  	[sflag:s18] =	ssyncset.done $0x0  }
0x25: {  	s30 =	simm.s32 $0x2580;
	s29 =	rddreg [dreg:$0x6];
	[sflag:s18] =	ssyncadd.s32 $0xFFFFF380  }
0x26: {  	[tilespmem:s30], [sflag:$0x2] =	stream.linear.gather [hbm4b:s29+s3], $0xC80, $0x38;
	[tilespmem:$0x14F00] =	vst v63  }
0x27: {  	_ =	swait.ge [sflag:s18], $0xC80  }
0x28: {  	[sflag:s18] =	ssyncset.done $0x0  }
0x29: {  	s17 =	simm.s32 $0x3200;
	s13 =	rddreg [dreg:$0x7];
	[sflag:s18] =	ssyncadd.s32 $0xFFFFF380  }
0x2a: {  	[tilespmem:s17], [sflag:$0x2] =	stream.linear.gather [hbm4b:s13+s3], $0xC80, $0x38;
	[tilespmem:$0x14F00] =	vst v63  }
0x2b: {  	_ =	swait.ge [sflag:s18], $0xC80  }
0x2c: {  	[sflag:s18] =	ssyncset.done $0x0  }
0x2d: {  	s30 =	simm.s32 $0x3E80;
	s29 =	rddreg [dreg:$0x8];
	[sflag:s18] =	ssyncadd.s32 $0xFFFFF380  }
0x2e: {  	[tilespmem:s30], [sflag:$0x2] =	stream.linear.gather [hbm4b:s29+s3], $0xC80, $0x38;
	[tilespmem:$0x14F00] =	vst v63  }
0x2f: {  	_ =	swait.ge [sflag:s18], $0xC80  }
0x30: {  	[sflag:s18] =	ssyncset.done $0x0  }
0x31: {  	s13 =	simm.s32 $0x0;
	[sflag:s18] =	ssyncadd.s32 $0xFFFFF380  }
.LBB2_2:
0x32: {  	s12 =	smul.u32 $0x280, s13;
	_ =	sdelay $0x1  }
0x33: {  	[tilespmem:s25], [sflag:$0x1] =	stream.indirect.gather [hbm4b:s4+s24], $0x20, s12, s24, $0xb8;
	[tilespmem:$0x14F00] =	vst v63  }
0x34: {  	s1 =	sadd.s32 $0xC80, s12  }
0x35: {  	[tilespmem:s26], [sflag:$0x1] =	stream.indirect.gather [hbm4b:s5+s24], $0x20, s1, s24, $0xb8;
	[tilespmem:$0x14F00] =	vst v63  }
0x36: {  	s17 =	sadd.s32 $0x1900, s12  }
0x37: {  	[tilespmem:s28], [sflag:$0x1] =	stream.indirect.gather [hbm4b:s7+s24], $0x20, s17, s24, $0xb8;
	[tilespmem:$0x14F00] =	vst v63  }
0x38: {  	s1 =	sadd.s32 $0x80, s12;
	s17 =	simm.s32 $0x5B00  }
0x39: {  	[tilespmem:s17], [sflag:$0x1] =	stream.indirect.gather [hbm4b:s4+s24], $0x20, s1, s24, $0xb8;
	[tilespmem:$0x14F00] =	vst v63  }
0x3a: {  	s1 =	sadd.s32 $0xD00, s12;
	s17 =	simm.s32 $0xAB00  }
0x3b: {  	[tilespmem:s17], [sflag:$0x1] =	stream.indirect.gather [hbm4b:s5+s24], $0x20, s1, s24, $0xb8;
	[tilespmem:$0x14F00] =	vst v63  }
0x3c: {  	s17 =	sadd.s32 $0x1980, s12  }
0x3d: {  	[tilespmem:s31], [sflag:$0x1] =	stream.indirect.gather [hbm4b:s7+s24], $0x20, s17, s24, $0xb8;
	[tilespmem:$0x14F00] =	vst v63  }
0x3e: {  	s17 =	sadd.s32 $0x100, s12  }
0x3f: {  	[tilespmem:s0], [sflag:$0x1] =	stream.indirect.gather [hbm4b:s4+s24], $0x20, s17, s24, $0xb8;
	[tilespmem:$0x14F00] =	vst v63  }
0x40: {  	s17 =	sadd.s32 $0xD80, s12  }
0x41: {  	[tilespmem:s2], [sflag:$0x1] =	stream.indirect.gather [hbm4b:s5+s24], $0x20, s17, s24, $0xb8;
	[tilespmem:$0x14F00] =	vst v63  }
0x42: {  	s17 =	sadd.s32 $0x1A00, s12  }
0x43: {  	[tilespmem:s19], [sflag:$0x1] =	stream.indirect.gather [hbm4b:s7+s24], $0x20, s17, s24, $0xb8;
	[tilespmem:$0x14F00] =	vst v63  }
0x44: {  	s17 =	sadd.s32 $0x180, s12  }
0x45: {  	[tilespmem:s20], [sflag:$0x1] =	stream.indirect.gather [hbm4b:s4+s24], $0x20, s17, s24, $0xb8;
	[tilespmem:$0x14F00] =	vst v63  }
0x46: {  	s17 =	sadd.s32 $0xE00, s12  }
0x47: {  	[tilespmem:s21], [sflag:$0x1] =	stream.indirect.gather [hbm4b:s5+s24], $0x20, s17, s24, $0xb8;
	[tilespmem:$0x14F00] =	vst v63  }
0x48: {  	s17 =	sadd.s32 $0x1A80, s12  }
0x49: {  	[tilespmem:s22], [sflag:$0x1] =	stream.indirect.gather [hbm4b:s7+s24], $0x20, s17, s24, $0xb8;
	[tilespmem:$0x14F00] =	vst v63  }
0x4a: {  	s17 =	sadd.s32 $0x200, s12  }
0x4b: {  	[tilespmem:s23], [sflag:$0x1] =	stream.indirect.gather [hbm4b:s4+s24], $0x20, s17, s24, $0xb8;
	[tilespmem:$0x14F00] =	vst v63  }
0x4c: {  	s17 =	sadd.s32 $0xE80, s12  }
0x4d: {  	[tilespmem:s8], [sflag:$0x1] =	stream.indirect.gather [hbm4b:s5+s24], $0x20, s17, s24, $0xb8;
	[tilespmem:$0x14F00] =	vst v63  }
0x4e: {  	s17 =	sadd.s32 $0x1B00, s12  }
0x4f: {  	[tilespmem:s9], [sflag:$0x1] =	stream.indirect.gather [hbm4b:s7+s24], $0x20, s17, s24, $0xb8;
	[tilespmem:$0x14F00] =	vst v63  }
0x50: {  	v1 =	vld [tilespmem:s12+$0x3200];
	_ =	sdelay $0x2  }
0x51: {  	v2 =	vld [tilespmem:$0x1FFE0]  }
0x52: {  	s17 =	simm.s32 $0x13B00  }
0x53: {  	[tilespmem:v0+s17+$0x0] =	vst.idx.msk $0xffff, v1  }
0x54: {  	v1 =	vld [tilespmem:s12+$0x3E80];
	_ =	sdelay $0x4  }
0x55: {  	[tilespmem:v2+s17+$0x0] =	vst.idx.msk $0xffff, v1;
	v2 =	vld [tilespmem:$0x1FFF0]  }
0x56: {  	v1 =	vld [tilespmem:s12+$0x2580];
	_ =	sdelay $0x4  }
0x57: {  	v1 =	vcvt.s32.f32 v1;
	_ =	sdelay $0x1  }
0x58: {  	[tilespmem:v2+s17+$0x0] =	vst.idx.msk $0xffff, v1  }
0x59: {  	v1 =	vld [tilespmem:s12+$0x3210];
	_ =	sdelay $0x4  }
0x5a: {  	[tilespmem:v3+s17+$0x0] =	vst.idx.msk $0xffff, v1  }
0x5b: {  	v1 =	vld [tilespmem:s12+$0x3E90];
	_ =	sdelay $0x4  }
0x5c: {  	[tilespmem:v4+s17+$0x0] =	vst.idx.msk $0xffff, v1  }
0x5d: {  	v1 =	vld [tilespmem:s12+$0x2590];
	_ =	sdelay $0x4  }
0x5e: {  	v1 =	vcvt.s32.f32 v1;
	_ =	sdelay $0x1  }
0x5f: {  	[tilespmem:v5+s17+$0x0] =	vst.idx.msk $0xffff, v1  }
0x60: {  	v1 =	vld [tilespmem:s12+$0x3220];
	_ =	sdelay $0x4  }
0x61: {  	[tilespmem:v6+s17+$0x0] =	vst.idx.msk $0xffff, v1  }
0x62: {  	v1 =	vld [tilespmem:s12+$0x3EA0];
	_ =	sdelay $0x4  }
0x63: {  	[tilespmem:v7+s17+$0x0] =	vst.idx.msk $0xffff, v1  }
0x64: {  	v1 =	vld [tilespmem:s12+$0x25A0];
	_ =	sdelay $0x4  }
0x65: {  	v1 =	vcvt.s32.f32 v1;
	_ =	sdelay $0x1  }
0x66: {  	[tilespmem:v8+s17+$0x0] =	vst.idx.msk $0xffff, v1  }
0x67: {  	v1 =	vld [tilespmem:s12+$0x3230];
	_ =	sdelay $0x4  }
0x68: {  	[tilespmem:v9+s17+$0x0] =	vst.idx.msk $0xffff, v1  }
0x69: {  	v1 =	vld [tilespmem:s12+$0x3EB0];
	_ =	sdelay $0x4  }
0x6a: {  	[tilespmem:v10+s17+$0x0] =	vst.idx.msk $0xffff, v1  }
0x6b: {  	v1 =	vld [tilespmem:s12+$0x25B0];
	_ =	sdelay $0x4  }
0x6c: {  	v1 =	vcvt.s32.f32 v1;
	_ =	sdelay $0x1  }
0x6d: {  	[tilespmem:v11+s17+$0x0] =	vst.idx.msk $0xffff, v1  }
0x6e: {  	v1 =	vld [tilespmem:s12+$0x3240];
	_ =	sdelay $0x4  }
0x6f: {  	[tilespmem:v12+s17+$0x0] =	vst.idx.msk $0xffff, v1  }
0x70: {  	v1 =	vld [tilespmem:s12+$0x3EC0];
	_ =	sdelay $0x4  }
0x71: {  	[tilespmem:v13+s17+$0x0] =	vst.idx.msk $0xffff, v1  }
0x72: {  	v1 =	vld [tilespmem:s12+$0x25C0];
	_ =	sdelay $0x4  }
0x73: {  	v1 =	vcvt.s32.f32 v1;
	_ =	sdelay $0x1  }
0x74: {  	[tilespmem:v14+s17+$0x0] =	vst.idx.msk $0xffff, v1  }
0x75: {  	v1 =	vld [tilespmem:s12+$0x3250];
	_ =	sdelay $0x4  }
0x76: {  	[tilespmem:v15+s17+$0x0] =	vst.idx.msk $0xffff, v1  }
0x77: {  	v1 =	vld [tilespmem:s12+$0x3ED0];
	_ =	sdelay $0x4  }
0x78: {  	[tilespmem:v16+s17+$0x0] =	vst.idx.msk $0xffff, v1  }
0x79: {  	v1 =	vld [tilespmem:s12+$0x25D0];
	_ =	sdelay $0x4  }
0x7a: {  	v1 =	vcvt.s32.f32 v1;
	_ =	sdelay $0x1  }
0x7b: {  	[tilespmem:v17+s17+$0x0] =	vst.idx.msk $0xffff, v1  }
0x7c: {  	v1 =	vld [tilespmem:s12+$0x3260];
	_ =	sdelay $0x4  }
0x7d: {  	[tilespmem:v18+s17+$0x0] =	vst.idx.msk $0xffff, v1  }
0x7e: {  	v1 =	vld [tilespmem:s12+$0x3EE0];
	_ =	sdelay $0x4  }
0x7f: {  	[tilespmem:v19+s17+$0x0] =	vst.idx.msk $0xffff, v1  }
0x80: {  	v1 =	vld [tilespmem:s12+$0x25E0];
	_ =	sdelay $0x4  }
0x81: {  	v1 =	vcvt.s32.f32 v1;
	_ =	sdelay $0x1  }
0x82: {  	[tilespmem:v20+s17+$0x0] =	vst.idx.msk $0xffff, v1  }
0x83: {  	v1 =	vld [tilespmem:s12+$0x3270];
	_ =	sdelay $0x4  }
0x84: {  	[tilespmem:v21+s17+$0x0] =	vst.idx.msk $0xffff, v1  }
0x85: {  	v1 =	vld [tilespmem:s12+$0x3EF0];
	_ =	sdelay $0x4  }
0x86: {  	[tilespmem:v22+s17+$0x0] =	vst.idx.msk $0xffff, v1  }
0x87: {  	v1 =	vld [tilespmem:s12+$0x25F0];
	_ =	sdelay $0x4  }
0x88: {  	v1 =	vcvt.s32.f32 v1;
	_ =	sdelay $0x1  }
0x89: {  	[tilespmem:v23+s17+$0x0] =	vst.idx.msk $0xffff, v1  }
0x8a: {  	v1 =	vld [tilespmem:s12+$0x3280];
	_ =	sdelay $0x4  }
0x8b: {  	[tilespmem:v24+s17+$0x0] =	vst.idx.msk $0xffff, v1  }
0x8c: {  	v1 =	vld [tilespmem:s12+$0x3F00];
	_ =	sdelay $0x4  }
0x8d: {  	[tilespmem:v25+s17+$0x0] =	vst.idx.msk $0xffff, v1  }
0x8e: {  	v1 =	vld [tilespmem:s12+$0x2600];
	_ =	sdelay $0x4  }
0x8f: {  	v1 =	vcvt.s32.f32 v1;
	_ =	sdelay $0x1  }
0x90: {  	[tilespmem:v26+s17+$0x0] =	vst.idx.msk $0xffff, v1  }
0x91: {  	v1 =	vld [tilespmem:s12+$0x3290];
	_ =	sdelay $0x4  }
0x92: {  	[tilespmem:v27+s17+$0x0] =	vst.idx.msk $0xffff, v1  }
0x93: {  	v1 =	vld [tilespmem:s12+$0x3F10];
	_ =	sdelay $0x4  }
0x94: {  	[tilespmem:v28+s17+$0x0] =	vst.idx.msk $0xffff, v1  }
0x95: {  	v1 =	vld [tilespmem:s12+$0x2610];
	_ =	sdelay $0x4  }
0x96: {  	v1 =	vcvt.s32.f32 v1;
	_ =	sdelay $0x1  }
0x97: {  	[tilespmem:v29+s17+$0x0] =	vst.idx.msk $0xffff, v1  }
0x98: {  	v1 =	vld [tilespmem:s12+$0x32A0];
	_ =	sdelay $0x4  }
0x99: {  	[tilespmem:v30+s17+$0x0] =	vst.idx.msk $0xffff, v1  }
0x9a: {  	v1 =	vld [tilespmem:s12+$0x3F20];
	_ =	sdelay $0x4  }
0x9b: {  	[tilespmem:v31+s17+$0x0] =	vst.idx.msk $0xffff, v1  }
0x9c: {  	v1 =	vld [tilespmem:s12+$0x2620];
	_ =	sdelay $0x4  }
0x9d: {  	v1 =	vcvt.s32.f32 v1;
	_ =	sdelay $0x1  }
0x9e: {  	[tilespmem:v32+s17+$0x0] =	vst.idx.msk $0xffff, v1  }
0x9f: {  	v1 =	vld [tilespmem:s12+$0x32B0];
	_ =	sdelay $0x4  }
0xa0: {  	[tilespmem:v33+s17+$0x0] =	vst.idx.msk $0xffff, v1  }
0xa1: {  	v1 =	vld [tilespmem:s12+$0x3F30];
	_ =	sdelay $0x4  }
0xa2: {  	[tilespmem:v34+s17+$0x0] =	vst.idx.msk $0xffff, v1  }
0xa3: {  	v1 =	vld [tilespmem:s12+$0x2630];
	_ =	sdelay $0x4  }
0xa4: {  	v1 =	vcvt.s32.f32 v1;
	_ =	sdelay $0x1  }
0xa5: {  	[tilespmem:v35+s17+$0x0] =	vst.idx.msk $0xffff, v1  }
0xa6: {  	v1 =	vld [tilespmem:s12+$0x32C0];
	_ =	sdelay $0x4  }
0xa7: {  	[tilespmem:v36+s17+$0x0] =	vst.idx.msk $0xffff, v1  }
0xa8: {  	v1 =	vld [tilespmem:s12+$0x3F40];
	_ =	sdelay $0x4  }
0xa9: {  	[tilespmem:v37+s17+$0x0] =	vst.idx.msk $0xffff, v1  }
0xaa: {  	v1 =	vld [tilespmem:s12+$0x2640];
	_ =	sdelay $0x4  }
0xab: {  	v1 =	vcvt.s32.f32 v1;
	_ =	sdelay $0x1  }
0xac: {  	[tilespmem:v38+s17+$0x0] =	vst.idx.msk $0xffff, v1  }
0xad: {  	v1 =	vld [tilespmem:s12+$0x32D0];
	_ =	sdelay $0x4  }
0xae: {  	[tilespmem:v39+s17+$0x0] =	vst.idx.msk $0xffff, v1  }
0xaf: {  	v1 =	vld [tilespmem:s12+$0x3F50];
	_ =	sdelay $0x4  }
0xb0: {  	[tilespmem:v40+s17+$0x0] =	vst.idx.msk $0xffff, v1  }
0xb1: {  	v1 =	vld [tilespmem:s12+$0x2650];
	_ =	sdelay $0x4  }
0xb2: {  	v1 =	vcvt.s32.f32 v1;
	_ =	sdelay $0x1  }
0xb3: {  	[tilespmem:v41+s17+$0x0] =	vst.idx.msk $0xffff, v1  }
0xb4: {  	v1 =	vld [tilespmem:s12+$0x32E0];
	_ =	sdelay $0x4  }
0xb5: {  	[tilespmem:v42+s17+$0x0] =	vst.idx.msk $0xffff, v1  }
0xb6: {  	v1 =	vld [tilespmem:s12+$0x3F60];
	_ =	sdelay $0x4  }
0xb7: {  	[tilespmem:v43+s17+$0x0] =	vst.idx.msk $0xffff, v1  }
0xb8: {  	v1 =	vld [tilespmem:s12+$0x2660];
	_ =	sdelay $0x4  }
0xb9: {  	v1 =	vcvt.s32.f32 v1;
	_ =	sdelay $0x1  }
0xba: {  	[tilespmem:v44+s17+$0x0] =	vst.idx.msk $0xffff, v1  }
0xbb: {  	v1 =	vld [tilespmem:s12+$0x32F0];
	_ =	sdelay $0x4  }
0xbc: {  	[tilespmem:v45+s17+$0x0] =	vst.idx.msk $0xffff, v1  }
0xbd: {  	v1 =	vld [tilespmem:s12+$0x3F70];
	_ =	sdelay $0x4  }
0xbe: {  	[tilespmem:v46+s17+$0x0] =	vst.idx.msk $0xffff, v1  }
0xbf: {  	v1 =	vld [tilespmem:s12+$0x2670];
	_ =	sdelay $0x4  }
0xc0: {  	v1 =	vcvt.s32.f32 v1;
	_ =	sdelay $0x1  }
0xc1: {  	[tilespmem:v47+s17+$0x0] =	vst.idx.msk $0xffff, v1  }
0xc2: {  	v1 =	vld [tilespmem:s12+$0x3300];
	_ =	sdelay $0x4  }
0xc3: {  	[tilespmem:v48+s17+$0x0] =	vst.idx.msk $0xffff, v1  }
0xc4: {  	v1 =	vld [tilespmem:s12+$0x3F80];
	_ =	sdelay $0x4  }
0xc5: {  	[tilespmem:v49+s17+$0x0] =	vst.idx.msk $0xffff, v1  }
0xc6: {  	v1 =	vld [tilespmem:s12+$0x2680];
	_ =	sdelay $0x4  }
0xc7: {  	v1 =	vcvt.s32.f32 v1;
	_ =	sdelay $0x1  }
0xc8: {  	[tilespmem:v50+s17+$0x0] =	vst.idx.msk $0xffff, v1  }
0xc9: {  	v1 =	vld [tilespmem:s12+$0x3310];
	_ =	sdelay $0x4  }
0xca: {  	[tilespmem:v51+s17+$0x0] =	vst.idx.msk $0xffff, v1  }
0xcb: {  	v1 =	vld [tilespmem:s12+$0x3F90];
	_ =	sdelay $0x4  }
0xcc: {  	[tilespmem:v52+s17+$0x0] =	vst.idx.msk $0xffff, v1  }
0xcd: {  	v1 =	vld [tilespmem:s12+$0x2690];
	_ =	sdelay $0x4  }
0xce: {  	v1 =	vcvt.s32.f32 v1;
	_ =	sdelay $0x1  }
0xcf: {  	[tilespmem:v53+s17+$0x0] =	vst.idx.msk $0xffff, v1  }
0xd0: {  	v1 =	vld [tilespmem:s12+$0x3320];
	_ =	sdelay $0x4  }
0xd1: {  	[tilespmem:v54+s17+$0x0] =	vst.idx.msk $0xffff, v1  }
0xd2: {  	v1 =	vld [tilespmem:s12+$0x3FA0];
	_ =	sdelay $0x4  }
0xd3: {  	[tilespmem:v55+s17+$0x0] =	vst.idx.msk $0xffff, v1  }
0xd4: {  	v1 =	vld [tilespmem:s12+$0x26A0];
	_ =	sdelay $0x4  }
0xd5: {  	v1 =	vcvt.s32.f32 v1;
	_ =	sdelay $0x1  }
0xd6: {  	[tilespmem:v56+s17+$0x0] =	vst.idx.msk $0xffff, v1  }
0xd7: {  	v1 =	vld [tilespmem:s12+$0x3330];
	_ =	sdelay $0x4  }
0xd8: {  	[tilespmem:v57+s17+$0x0] =	vst.idx.msk $0xffff, v1  }
0xd9: {  	v1 =	vld [tilespmem:s12+$0x3FB0];
	_ =	sdelay $0x4  }
0xda: {  	[tilespmem:v58+s17+$0x0] =	vst.idx.msk $0xffff, v1  }
0xdb: {  	v1 =	vld [tilespmem:s12+$0x26B0];
	_ =	sdelay $0x4  }
0xdc: {  	v1 =	vcvt.s32.f32 v1;
	_ =	sdelay $0x1  }
0xdd: {  	[tilespmem:v59+s17+$0x0] =	vst.idx.msk $0xffff, v1  }
0xde: {  	v1 =	vld [tilespmem:s12+$0x3340];
	_ =	sdelay $0x4  }
0xdf: {  	[tilespmem:v60+s17+$0x0] =	vst.idx.msk $0xffff, v1  }
0xe0: {  	v1 =	vld [tilespmem:s12+$0x3FC0];
	_ =	sdelay $0x4  }
0xe1: {  	[tilespmem:v61+s17+$0x0] =	vst.idx.msk $0xffff, v1  }
0xe2: {  	v1 =	vld [tilespmem:s12+$0x26C0];
	_ =	sdelay $0x4  }
0xe3: {  	v1 =	vcvt.s32.f32 v1;
	_ =	sdelay $0x1  }
0xe4: {  	[tilespmem:v62+s17+$0x0] =	vst.idx.msk $0xffff, v1  }
0xe5: {  	v1 =	vld [tilespmem:s12+$0x3350];
	_ =	sdelay $0x4  }
0xe6: {  	[tilespmem:v63+s17+$0x0] =	vst.idx.msk $0xffff, v1  }
0xe7: {  	v2 =	vor.u32 $0xA81, v0;
	v1 =	vld [tilespmem:s12+$0x3FD0];
	_ =	sdelay $0x4  }
0xe8: {  	[tilespmem:v2+s17+$0x0] =	vst.idx.msk $0xffff, v1  }
0xe9: {  	v1 =	vld [tilespmem:s12+$0x26D0];
	_ =	sdelay $0x1  }
0xea: {  	v2 =	vor.u32 $0xA82, v0;
	_ =	sdelay $0x2  }
0xeb: {  	v1 =	vcvt.s32.f32 v1;
	_ =	sdelay $0x1  }
0xec: {  	[tilespmem:v2+s17+$0x0] =	vst.idx.msk $0xffff, v1  }
0xed: {  	v2 =	vor.u32 $0xB00, v0;
	v1 =	vld [tilespmem:s12+$0x3360];
	_ =	sdelay $0x4  }
0xee: {  	[tilespmem:v2+s17+$0x0] =	vst.idx.msk $0xffff, v1  }
0xef: {  	v2 =	vor.u32 $0xB01, v0;
	v1 =	vld [tilespmem:s12+$0x3FE0];
	_ =	sdelay $0x4  }
0xf0: {  	[tilespmem:v2+s17+$0x0] =	vst.idx.msk $0xffff, v1  }
0xf1: {  	v1 =	vld [tilespmem:s12+$0x26E0];
	_ =	sdelay $0x1  }
0xf2: {  	v2 =	vor.u32 $0xB02, v0;
	_ =	sdelay $0x2  }
0xf3: {  	v1 =	vcvt.s32.f32 v1;
	_ =	sdelay $0x1  }
0xf4: {  	[tilespmem:v2+s17+$0x0] =	vst.idx.msk $0xffff, v1  }
0xf5: {  	v2 =	vor.u32 $0xB80, v0;
	v1 =	vld [tilespmem:s12+$0x3370];
	_ =	sdelay $0x4  }
0xf6: {  	[tilespmem:v2+s17+$0x0] =	vst.idx.msk $0xffff, v1  }
0xf7: {  	v2 =	vor.u32 $0xB81, v0;
	v1 =	vld [tilespmem:s12+$0x3FF0];
	_ =	sdelay $0x4  }
0xf8: {  	[tilespmem:v2+s17+$0x0] =	vst.idx.msk $0xffff, v1  }
0xf9: {  	v1 =	vld [tilespmem:s12+$0x26F0];
	_ =	sdelay $0x1  }
0xfa: {  	v2 =	vor.u32 $0xB82, v0;
	_ =	sdelay $0x2  }
0xfb: {  	v1 =	vcvt.s32.f32 v1;
	_ =	sdelay $0x1  }
0xfc: {  	[tilespmem:v2+s17+$0x0] =	vst.idx.msk $0xffff, v1  }
0xfd: {  	v2 =	vor.u32 $0xC00, v0;
	v1 =	vld [tilespmem:s12+$0x3380];
	_ =	sdelay $0x4  }
0xfe: {  	[tilespmem:v2+s17+$0x0] =	vst.idx.msk $0xffff, v1  }
0xff: {  	v2 =	vor.u32 $0xC01, v0;
	v1 =	vld [tilespmem:s12+$0x4000];
	_ =	sdelay $0x4  }
0x100: {  	[tilespmem:v2+s17+$0x0] =	vst.idx.msk $0xffff, v1  }
0x101: {  	v1 =	vld [tilespmem:s12+$0x2700];
	_ =	sdelay $0x1  }
0x102: {  	v2 =	vor.u32 $0xC02, v0;
	_ =	sdelay $0x2  }
0x103: {  	v1 =	vcvt.s32.f32 v1;
	_ =	sdelay $0x1  }
0x104: {  	[tilespmem:v2+s17+$0x0] =	vst.idx.msk $0xffff, v1  }
0x105: {  	v2 =	vor.u32 $0xC80, v0;
	v1 =	vld [tilespmem:s12+$0x3390];
	_ =	sdelay $0x4  }
0x106: {  	[tilespmem:v2+s17+$0x0] =	vst.idx.msk $0xffff, v1  }
0x107: {  	v2 =	vor.u32 $0xC81, v0;
	v1 =	vld [tilespmem:s12+$0x4010];
	_ =	sdelay $0x4  }
0x108: {  	[tilespmem:v2+s17+$0x0] =	vst.idx.msk $0xffff, v1  }
0x109: {  	v1 =	vld [tilespmem:s12+$0x2710];
	_ =	sdelay $0x1  }
0x10a: {  	v2 =	vor.u32 $0xC82, v0;
	_ =	sdelay $0x2  }
0x10b: {  	v1 =	vcvt.s32.f32 v1;
	_ =	sdelay $0x1  }
0x10c: {  	[tilespmem:v2+s17+$0x0] =	vst.idx.msk $0xffff, v1  }
0x10d: {  	v2 =	vor.u32 $0xD00, v0;
	v1 =	vld [tilespmem:s12+$0x33A0];
	_ =	sdelay $0x4  }
0x10e: {  	[tilespmem:v2+s17+$0x0] =	vst.idx.msk $0xffff, v1  }
0x10f: {  	v2 =	vor.u32 $0xD01, v0;
	v1 =	vld [tilespmem:s12+$0x4020];
	_ =	sdelay $0x4  }
0x110: {  	[tilespmem:v2+s17+$0x0] =	vst.idx.msk $0xffff, v1  }
0x111: {  	v1 =	vld [tilespmem:s12+$0x2720];
	_ =	sdelay $0x1  }
0x112: {  	v2 =	vor.u32 $0xD02, v0;
	_ =	sdelay $0x2  }
0x113: {  	v1 =	vcvt.s32.f32 v1;
	_ =	sdelay $0x1  }
0x114: {  	[tilespmem:v2+s17+$0x0] =	vst.idx.msk $0xffff, v1  }
0x115: {  	v2 =	vor.u32 $0xD80, v0;
	v1 =	vld [tilespmem:s12+$0x33B0];
	_ =	sdelay $0x4  }
0x116: {  	[tilespmem:v2+s17+$0x0] =	vst.idx.msk $0xffff, v1  }
0x117: {  	v2 =	vor.u32 $0xD81, v0;
	v1 =	vld [tilespmem:s12+$0x4030];
	_ =	sdelay $0x4  }
0x118: {  	[tilespmem:v2+s17+$0x0] =	vst.idx.msk $0xffff, v1  }
0x119: {  	v1 =	vld [tilespmem:s12+$0x2730];
	_ =	sdelay $0x1  }
0x11a: {  	v2 =	vor.u32 $0xD82, v0;
	_ =	sdelay $0x2  }
0x11b: {  	v1 =	vcvt.s32.f32 v1;
	_ =	sdelay $0x1  }
0x11c: {  	[tilespmem:v2+s17+$0x0] =	vst.idx.msk $0xffff, v1  }
0x11d: {  	v2 =	vor.u32 $0xE00, v0;
	v1 =	vld [tilespmem:s12+$0x33C0];
	_ =	sdelay $0x4  }
0x11e: {  	[tilespmem:v2+s17+$0x0] =	vst.idx.msk $0xffff, v1  }
0x11f: {  	v2 =	vor.u32 $0xE01, v0;
	v1 =	vld [tilespmem:s12+$0x4040];
	_ =	sdelay $0x4  }
0x120: {  	[tilespmem:v2+s17+$0x0] =	vst.idx.msk $0xffff, v1  }
0x121: {  	v1 =	vld [tilespmem:s12+$0x2740];
	_ =	sdelay $0x1  }
0x122: {  	v2 =	vor.u32 $0xE02, v0;
	_ =	sdelay $0x2  }
0x123: {  	v1 =	vcvt.s32.f32 v1;
	_ =	sdelay $0x1  }
0x124: {  	[tilespmem:v2+s17+$0x0] =	vst.idx.msk $0xffff, v1  }
0x125: {  	v2 =	vor.u32 $0xE80, v0;
	v1 =	vld [tilespmem:s12+$0x33D0];
	_ =	sdelay $0x4  }
0x126: {  	[tilespmem:v2+s17+$0x0] =	vst.idx.msk $0xffff, v1  }
0x127: {  	v2 =	vor.u32 $0xE81, v0;
	v1 =	vld [tilespmem:s12+$0x4050];
	_ =	sdelay $0x4  }
0x128: {  	[tilespmem:v2+s17+$0x0] =	vst.idx.msk $0xffff, v1  }
0x129: {  	v1 =	vld [tilespmem:s12+$0x2750];
	_ =	sdelay $0x1  }
0x12a: {  	v2 =	vor.u32 $0xE82, v0;
	_ =	sdelay $0x2  }
0x12b: {  	v1 =	vcvt.s32.f32 v1;
	_ =	sdelay $0x1  }
0x12c: {  	[tilespmem:v2+s17+$0x0] =	vst.idx.msk $0xffff, v1  }
0x12d: {  	v2 =	vor.u32 $0xF00, v0;
	v1 =	vld [tilespmem:s12+$0x33E0];
	_ =	sdelay $0x4  }
0x12e: {  	[tilespmem:v2+s17+$0x0] =	vst.idx.msk $0xffff, v1  }
0x12f: {  	v2 =	vor.u32 $0xF01, v0;
	v1 =	vld [tilespmem:s12+$0x4060];
	_ =	sdelay $0x4  }
0x130: {  	[tilespmem:v2+s17+$0x0] =	vst.idx.msk $0xffff, v1  }
0x131: {  	v1 =	vld [tilespmem:s12+$0x2760];
	_ =	sdelay $0x1  }
0x132: {  	v2 =	vor.u32 $0xF02, v0;
	_ =	sdelay $0x2  }
0x133: {  	v1 =	vcvt.s32.f32 v1;
	_ =	sdelay $0x1  }
0x134: {  	[tilespmem:v2+s17+$0x0] =	vst.idx.msk $0xffff, v1  }
0x135: {  	v2 =	vor.u32 $0xF80, v0;
	v1 =	vld [tilespmem:s12+$0x33F0];
	_ =	sdelay $0x4  }
0x136: {  	[tilespmem:v2+s17+$0x0] =	vst.idx.msk $0xffff, v1  }
0x137: {  	v2 =	vor.u32 $0xF81, v0;
	v1 =	vld [tilespmem:s12+$0x4070];
	_ =	sdelay $0x4  }
0x138: {  	[tilespmem:v2+s17+$0x0] =	vst.idx.msk $0xffff, v1  }
0x139: {  	v1 =	vld [tilespmem:s12+$0x2770];
	_ =	sdelay $0x1  }
0x13a: {  	v2 =	vor.u32 $0xF82, v0;
	_ =	sdelay $0x2  }
0x13b: {  	v1 =	vcvt.s32.f32 v1;
	_ =	sdelay $0x1  }
0x13c: {  	[tilespmem:v2+s17+$0x0] =	vst.idx.msk $0xffff, v1  }
0x13d: {  	v2 =	vor.u32 $0x1000, v0;
	v1 =	vld [tilespmem:s12+$0x3400];
	_ =	sdelay $0x4  }
0x13e: {  	[tilespmem:v2+s17+$0x0] =	vst.idx.msk $0xffff, v1  }
0x13f: {  	v2 =	vor.u32 $0x1001, v0;
	v1 =	vld [tilespmem:s12+$0x4080];
	_ =	sdelay $0x4  }
0x140: {  	[tilespmem:v2+s17+$0x0] =	vst.idx.msk $0xffff, v1  }
0x141: {  	v1 =	vld [tilespmem:s12+$0x2780];
	_ =	sdelay $0x1  }
0x142: {  	v2 =	vor.u32 $0x1002, v0;
	_ =	sdelay $0x2  }
0x143: {  	v1 =	vcvt.s32.f32 v1;
	_ =	sdelay $0x1  }
0x144: {  	[tilespmem:v2+s17+$0x0] =	vst.idx.msk $0xffff, v1  }
0x145: {  	v2 =	vor.u32 $0x1080, v0;
	v1 =	vld [tilespmem:s12+$0x3410];
	_ =	sdelay $0x4  }
0x146: {  	[tilespmem:v2+s17+$0x0] =	vst.idx.msk $0xffff, v1  }
0x147: {  	v2 =	vor.u32 $0x1081, v0;
	v1 =	vld [tilespmem:s12+$0x4090];
	_ =	sdelay $0x4  }
0x148: {  	[tilespmem:v2+s17+$0x0] =	vst.idx.msk $0xffff, v1  }
0x149: {  	v1 =	vld [tilespmem:s12+$0x2790];
	_ =	sdelay $0x1  }
0x14a: {  	v2 =	vor.u32 $0x1082, v0;
	_ =	sdelay $0x2  }
0x14b: {  	v1 =	vcvt.s32.f32 v1;
	_ =	sdelay $0x1  }
0x14c: {  	[tilespmem:v2+s17+$0x0] =	vst.idx.msk $0xffff, v1  }
0x14d: {  	v2 =	vor.u32 $0x1100, v0;
	v1 =	vld [tilespmem:s12+$0x3420];
	_ =	sdelay $0x4  }
0x14e: {  	[tilespmem:v2+s17+$0x0] =	vst.idx.msk $0xffff, v1  }
0x14f: {  	v2 =	vor.u32 $0x1101, v0;
	v1 =	vld [tilespmem:s12+$0x40A0];
	_ =	sdelay $0x4  }
0x150: {  	[tilespmem:v2+s17+$0x0] =	vst.idx.msk $0xffff, v1  }
0x151: {  	v1 =	vld [tilespmem:s12+$0x27A0];
	_ =	sdelay $0x1  }
0x152: {  	v2 =	vor.u32 $0x1102, v0;
	_ =	sdelay $0x2  }
0x153: {  	v1 =	vcvt.s32.f32 v1;
	_ =	sdelay $0x1  }
0x154: {  	[tilespmem:v2+s17+$0x0] =	vst.idx.msk $0xffff, v1  }
0x155: {  	v2 =	vor.u32 $0x1180, v0;
	v1 =	vld [tilespmem:s12+$0x3430];
	_ =	sdelay $0x4  }
0x156: {  	[tilespmem:v2+s17+$0x0] =	vst.idx.msk $0xffff, v1  }
0x157: {  	v2 =	vor.u32 $0x1181, v0;
	v1 =	vld [tilespmem:s12+$0x40B0];
	_ =	sdelay $0x4  }
0x158: {  	[tilespmem:v2+s17+$0x0] =	vst.idx.msk $0xffff, v1  }
0x159: {  	v1 =	vld [tilespmem:s12+$0x27B0];
	_ =	sdelay $0x1  }
0x15a: {  	v2 =	vor.u32 $0x1182, v0;
	_ =	sdelay $0x2  }
0x15b: {  	v1 =	vcvt.s32.f32 v1;
	_ =	sdelay $0x1  }
0x15c: {  	[tilespmem:v2+s17+$0x0] =	vst.idx.msk $0xffff, v1  }
0x15d: {  	v2 =	vor.u32 $0x1200, v0;
	v1 =	vld [tilespmem:s12+$0x3440];
	_ =	sdelay $0x4  }
0x15e: {  	[tilespmem:v2+s17+$0x0] =	vst.idx.msk $0xffff, v1  }
0x15f: {  	v2 =	vor.u32 $0x1201, v0;
	v1 =	vld [tilespmem:s12+$0x40C0];
	_ =	sdelay $0x4  }
0x160: {  	[tilespmem:v2+s17+$0x0] =	vst.idx.msk $0xffff, v1  }
0x161: {  	v1 =	vld [tilespmem:s12+$0x27C0];
	_ =	sdelay $0x1  }
0x162: {  	v2 =	vor.u32 $0x1202, v0;
	_ =	sdelay $0x2  }
0x163: {  	v1 =	vcvt.s32.f32 v1;
	_ =	sdelay $0x1  }
0x164: {  	[tilespmem:v2+s17+$0x0] =	vst.idx.msk $0xffff, v1  }
0x165: {  	v2 =	vor.u32 $0x1280, v0;
	v1 =	vld [tilespmem:s12+$0x3450];
	_ =	sdelay $0x4  }
0x166: {  	[tilespmem:v2+s17+$0x0] =	vst.idx.msk $0xffff, v1  }
0x167: {  	v2 =	vor.u32 $0x1281, v0;
	v1 =	vld [tilespmem:s12+$0x40D0];
	_ =	sdelay $0x4  }
0x168: {  	[tilespmem:v2+s17+$0x0] =	vst.idx.msk $0xffff, v1  }
0x169: {  	v1 =	vld [tilespmem:s12+$0x27D0];
	_ =	sdelay $0x1  }
0x16a: {  	v2 =	vor.u32 $0x1282, v0;
	_ =	sdelay $0x2  }
0x16b: {  	v1 =	vcvt.s32.f32 v1;
	_ =	sdelay $0x1  }
0x16c: {  	[tilespmem:v2+s17+$0x0] =	vst.idx.msk $0xffff, v1  }
0x16d: {  	v2 =	vor.u32 $0x1300, v0;
	v1 =	vld [tilespmem:s12+$0x3460];
	_ =	sdelay $0x4  }
0x16e: {  	[tilespmem:v2+s17+$0x0] =	vst.idx.msk $0xffff, v1  }
0x16f: {  	v2 =	vor.u32 $0x1301, v0;
	v1 =	vld [tilespmem:s12+$0x40E0];
	_ =	sdelay $0x4  }
0x170: {  	[tilespmem:v2+s17+$0x0] =	vst.idx.msk $0xffff, v1  }
0x171: {  	v1 =	vld [tilespmem:s12+$0x27E0];
	_ =	sdelay $0x1  }
0x172: {  	v2 =	vor.u32 $0x1302, v0;
	_ =	sdelay $0x2  }
0x173: {  	v1 =	vcvt.s32.f32 v1;
	_ =	sdelay $0x1  }
0x174: {  	[tilespmem:v2+s17+$0x0] =	vst.idx.msk $0xffff, v1  }
0x175: {  	v2 =	vor.u32 $0x1380, v0;
	v1 =	vld [tilespmem:s12+$0x3470];
	_ =	sdelay $0x4  }
0x176: {  	[tilespmem:v2+s17+$0x0] =	vst.idx.msk $0xffff, v1  }
0x177: {  	v2 =	vor.u32 $0x1381, v0;
	v1 =	vld [tilespmem:s12+$0x40F0];
	_ =	sdelay $0x4  }
0x178: {  	[tilespmem:v2+s17+$0x0] =	vst.idx.msk $0xffff, v1  }
0x179: {  	v1 =	vld [tilespmem:s12+$0x27F0];
	_ =	sdelay $0x1  }
0x17a: {  	v2 =	vor.u32 $0x1382, v0;
	_ =	sdelay $0x2  }
0x17b: {  	v1 =	vcvt.s32.f32 v1;
	_ =	sdelay $0x1  }
0x17c: {  	[tilespmem:v2+s17+$0x0] =	vst.idx.msk $0xffff, v1  }
0x17d: {  	_ =	swait.ge [sflag:s10], $0x1000  }
0x17e: {  	[sflag:s10] =	ssyncset.done $0x0  }
0x17f: {  	[sflag:s10] =	ssyncadd.s32 $0xFFFFF000  }
0x180: {  	_ =	swait.ge [sflag:s10], $0x1000  }
0x181: {  	[sflag:s10] =	ssyncset.done $0x0  }
0x182: {  	[sflag:s10] =	ssyncadd.s32 $0xFFFFF000  }
0x183: {  	_ =	swait.ge [sflag:s10], $0x1000  }
0x184: {  	[sflag:s10] =	ssyncset.done $0x0  }
0x185: {  	[sflag:s10] =	ssyncadd.s32 $0xFFFFF000  }
0x186: {  	_ =	swait.ge [sflag:s10], $0x1000  }
0x187: {  	[sflag:s10] =	ssyncset.done $0x0  }
0x188: {  	[sflag:s10] =	ssyncadd.s32 $0xFFFFF000  }
0x189: {  	_ =	swait.ge [sflag:s10], $0x1000  }
0x18a: {  	[sflag:s10] =	ssyncset.done $0x0  }
0x18b: {  	[sflag:s10] =	ssyncadd.s32 $0xFFFFF000  }
0x18c: {  	_ =	swait.ge [sflag:s10], $0x1000  }
0x18d: {  	[sflag:s10] =	ssyncset.done $0x0  }
0x18e: {  	[sflag:s10] =	ssyncadd.s32 $0xFFFFF000  }
0x18f: {  	_ =	swait.ge [sflag:s10], $0x1000  }
0x190: {  	[sflag:s10] =	ssyncset.done $0x0  }
0x191: {  	[sflag:s10] =	ssyncadd.s32 $0xFFFFF000  }
0x192: {  	_ =	swait.ge [sflag:s10], $0x1000  }
0x193: {  	[sflag:s10] =	ssyncset.done $0x0  }
0x194: {  	[sflag:s10] =	ssyncadd.s32 $0xFFFFF000  }
0x195: {  	_ =	swait.ge [sflag:s10], $0x1000  }
0x196: {  	[sflag:s10] =	ssyncset.done $0x0  }
0x197: {  	[sflag:s10] =	ssyncadd.s32 $0xFFFFF000  }
0x198: {  	_ =	swait.ge [sflag:s10], $0x1000  }
0x199: {  	[sflag:s10] =	ssyncset.done $0x0  }
0x19a: {  	[sflag:s10] =	ssyncadd.s32 $0xFFFFF000  }
0x19b: {  	_ =	swait.ge [sflag:s10], $0x1000  }
0x19c: {  	[sflag:s10] =	ssyncset.done $0x0  }
0x19d: {  	[sflag:s10] =	ssyncadd.s32 $0xFFFFF000  }
0x19e: {  	_ =	swait.ge [sflag:s10], $0x1000  }
0x19f: {  	[sflag:s10] =	ssyncset.done $0x0  }
0x1a0: {  	[sflag:s10] =	ssyncadd.s32 $0xFFFFF000  }
0x1a1: {  	_ =	swait.ge [sflag:s10], $0x1000  }
0x1a2: {  	[sflag:s10] =	ssyncset.done $0x0  }
0x1a3: {  	[sflag:s10] =	ssyncadd.s32 $0xFFFFF000  }
0x1a4: {  	_ =	swait.ge [sflag:s10], $0x1000  }
0x1a5: {  	[sflag:s10] =	ssyncset.done $0x0  }
0x1a6: {  	[sflag:s10] =	ssyncadd.s32 $0xFFFFF000  }
0x1a7: {  	_ =	swait.ge [sflag:s10], $0x1000  }
0x1a8: {  	[sflag:s10] =	ssyncset.done $0x0  }
0x1a9: {  	s12 =	sadd.s32 s6, s12;
	[sflag:s10] =	ssyncadd.s32 $0xFFFFF000  }
0x1aa: {  	s1 =	sshll.u32 s12, $0x4;
	s12 =	rddreg [dreg:$0x1]  }
0x1ab: {  	s12 =	sadd.s32 s12, s1  }
0x1ac: {  	[hbm4b:s12+s11] =	stream.strided.scatter [tilespmem:s25], [sflag:$0x2], $0x5000, s24, s11, $0x38;
	[tilespmem:$0x14F00] =	vst v63  }
0x1ad: {  	_ =	swait.ge [sflag:s18], $0x5000  }
0x1ae: {  	[sflag:s18] =	ssyncset.done $0x0  }
0x1af: {  	s12 =	sadd.s32 s1, s14;
	[sflag:s18] =	ssyncadd.s32 $0xFFFFB000  }
0x1b0: {  	[hbm4b:s12+s11] =	stream.strided.scatter [tilespmem:s26], [sflag:$0x2], $0x5000, s24, s11, $0x38;
	[tilespmem:$0x14F00] =	vst v63  }
0x1b1: {  	_ =	swait.ge [sflag:s18], $0x5000  }
0x1b2: {  	[sflag:s18] =	ssyncset.done $0x0  }
0x1b3: {  	s12 =	sadd.s32 s1, s15;
	[sflag:s18] =	ssyncadd.s32 $0xFFFFB000  }
0x1b4: {  	[hbm4b:s12+s11] =	stream.strided.scatter [tilespmem:s28], [sflag:$0x2], $0x5000, s24, s11, $0x38;
	[tilespmem:$0x14F00] =	vst v63  }
0x1b5: {  	_ =	swait.ge [sflag:s18], $0x5000  }
0x1b6: {  	s29 =	simm.s32 $0x13B08;
	s12 =	sadd.s32 s1, s16;
	[sflag:s18] =	ssyncset.done $0x0  }
0x1b7: {  	s1 =	simm.s32 $0x10;
	s30 =	sadd.s32 $0x0, s12;
	[sflag:s18] =	ssyncadd.s32 $0xFFFFB000  }
.LBB2_3:
0x1b8: {  	[hbm4b:s30+s3] =	stream.linear.scatter [tilespmem:s17], [sflag:$0x2], $0x4, $0x38;
	[tilespmem:$0x14F00] =	vst v63  }
0x1b9: {  	s30 =	smov.u32 s1;
	s17 =	smov.u32 s29;
	p0 =	sne.s32 s1, $0x27F0  }
.Ltmp0:
0x1ba: {  	s1 =	sadd.s32 $0x10, s1;
	(pc) =	sbr.rel @p0 .LBB2_3-.Ltmp0, $2  }
0x1bb: {  	_ =	sdelay $0x2  }
0x1bc: {  	s29 =	sadd.s32 $0x8, s29;
	s30 =	sadd.s32 s30, s12  }
0x1bd: {  	s13 =	sadd.s32 $0x1, s13  }
0x1be: {  	p0 =	sne.s32 s13, $0x5  }
.Ltmp1:
0x1bf: {  	_ = 	snop;
	(pc) =	sbr.rel @p0 .LBB2_2-.Ltmp1, $4  }
0x1c0: {  	[hbm4b:s30+s3] =	stream.linear.scatter [tilespmem:s17], [sflag:$0x2], $0x4, $0x38;
	[tilespmem:$0x14F00] =	vst v63  }
0x1c1: {  	_ =	swait.ge [sflag:s18], $0xA00  }
0x1c2: {  	[sflag:s18] =	ssyncset.done $0x0  }
0x1c3: {  	[sflag:s18] =	ssyncadd.s32 $0xFFFFF600  }
0x1c4: {  	s12 =	rddreg [dreg:$0xa]  }
0x1c5: {  	s1 =	rddreg [dreg:$0x9];
	s12 =	sadd.s32 $0x1, s12  }
0x1c6: {  	p0 =	sne.s32 s12, s1  }
.Ltmp2:
0x1c7: {  	_ = 	snop;
	(pc) =	sbr.rel @p0 .LBB2_1-.Ltmp2, $1  }
0x1c8: {  	_ =	sdelay $0x3  }
0x1c9: {  	_ =	sfence.sel $0x180000  }
0x1ca: {  	[bflag:$0x0] =	sbarrier.arrive $0xFFFF  }
0x1cb: {  	_ =	strace $0x9000004A  }
0x1cc: {  	s0 =	stileid.u32;
	[bflag:$0x2] =	sbarrier.arrive $0xFFFF  }
0x1cd: {  	p0 =	sne.s32 s0, $0x0;
	s0 =	rddreg [dreg:$0x2]  }
0x1ce: {  	s0 =	sadd.s32 @!p0 $0x100000, s0  }
0x1cf: {  	[sflag:s0] =	ssyncadd.tile.s32 @!p0 $0x1;
	_ =	shalt  }
.Lfunc_end2:
_tile_overlayer_lowered:
.L_overlay_start_2:
0x1d0: {  	(tag) =	ssettag $0x2  }
0x1d1: {  	s0 =	rddreg [dreg:$0x0];
	s2 =	stileid.u32  }
0x1d2: {  	s1 =	rddreg [dreg:$0x1];
	p0 =	sne.s32 s2, $0x0  }
0x1d3: {  	s3 =	rddreg [dreg:$0x2];
	[bflag:$0x3] =	sbarrier.arrive $0xFFFF;
	s2 =	simm.s32 @!p0 $0x1C02  }
0x1d4: {  	[timem:s3], [sflag:s2] =	dma.local @!p0 [hbm:s0], s1  }
0x1d5: {  	s0 =	simm.s32 @!p0 $0x2  }
0x1d6: {  	_ =	swait.ge @!p0 [sflag:s0], s1  }
0x1d7: {  	s1 =	ssub.s32 @!p0 $0x0, s1;
	[sflag:s0] =	ssyncset.done @!p0 $0x0  }
0x1d8: {  	[sflag:s0] =	ssyncadd.s32 @!p0 s1  }
0x1d9: {  	[bflag:$0x3] =	sbarrier.arrive $0xFFFF  }
0x1da: {  	_ =	shalt  }

</sc_bundles>
